<compile_context>
chip_gen: v7x
topology: tpu7x:2x2x1
jax: 0.10.2.dev20260603
libtpu: 0.0.44.dev20260713+nightly
codegen_flags: <defaults>
</compile_context>

<pallas_src>
import functools

import jax
import jax.numpy as jnp
from jax import lax
from jax.experimental import pallas as pl
from jax.experimental.pallas import tpu as pltpu
from jax.experimental.pallas import tpu_sc as plsc

_B = 128
_V = 100000
_TC_ROWS = 96
_SC_ROWS = _B - _TC_ROWS
_RB = 8
_NBUF = 6
_CHC = 4096
_NCH = 3
_SEG = _CHC * _NCH
_NSEG = 8
_TAIL0 = _NSEG * _SEG
_TAILBLK = 2048
_GROUPS = _CHC // 16
_UNROLL = 8



def _tc_copy(x_hbm, buf_ref, sem_ref, slot, i):
    return pltpu.make_async_copy(
        x_hbm.at[pl.ds(i * _RB, _RB), :],
        buf_ref.at[slot],
        sem_ref.at[slot],
    )


def _tc_body(a_ref, x_hbm, out_ref, buf_ref, sem_ref, *, nstrips):
    for k in range(_NBUF):
        _tc_copy(x_hbm, buf_ref, sem_ref, k, k).start()

    lane = jax.lax.broadcasted_iota(jnp.int32, (1, 128), 1)

    def step(i, carry):
        slot = jax.lax.rem(i, _NBUF)
        _tc_copy(x_hbm, buf_ref, sem_ref, slot, i).wait()
        x = buf_ref[slot]
        r0 = pl.multiple_of(i * _RB, _RB)

        logs = jnp.log(jnp.sum(jnp.exp(x), axis=1, keepdims=True))

        for r in range(_RB):
            ar = a_ref[r0 + r, 0]
            base = (ar // 128) * 128
            xg = buf_ref[slot, r, pl.ds(base, 128)].reshape(1, 128)
            g = jnp.sum(jnp.where(lane == ar - base, xg, 0.0), axis=1,
                        keepdims=True)
            out_ref[pl.ds(r0 + r, 1), :] = g - logs[r:r + 1, :]

        nxt = i + _NBUF

        @pl.when(nxt < nstrips)
        def _():
            _tc_copy(x_hbm, buf_ref, sem_ref, slot, nxt).start()

        return carry

    jax.lax.fori_loop(0, nstrips, step, 0)



def _sc_body(x_hbm, x2, gidx, sums_out, g_out, buf, accv, idxv, rowsv,
             dsem, gsem):
    nc = 2
    wid = lax.axis_index("s") * nc + lax.axis_index("c")
    rg = wid // _NSEG
    seg = wid % _NSEG

    @pl.when(wid < 2)
    def _():
        pltpu.sync_copy(gidx.at[pl.ds(_TC_ROWS + wid * 16, 16)], idxv)
        pltpu.async_copy(x2.at[idxv], rowsv, gsem).wait()
        pltpu.sync_copy(rowsv, g_out.at[pl.ds(wid * 16, 16), :])

    r0 = _TC_ROWS + rg * 8
    c0 = seg * _SEG

    def _chunk_copy(t):
        return pltpu.make_async_copy(
            x_hbm.at[pl.ds(r0, 8), pl.ds(c0 + (t % _NCH) * _CHC, _CHC)],
            buf.at[t % 2],
            dsem.at[t % 2],
        )

    _chunk_copy(0).start()
    zero = jnp.zeros((16,), jnp.float32)
    accs_rows = [zero] * 8

    for t in range(_NCH):
        _chunk_copy(t).wait()
        if t + 1 < _NCH:
            _chunk_copy(t + 1).start()
        p = t % 2

        for r in range(8):
            def body(j, accs, r=r):
                base = j * (16 * _UNROLL)
                return tuple(
                    accs[k] + jnp.exp(buf[p, r, pl.ds(base + 16 * k, 16)])
                    for k in range(_UNROLL)
                )

            accs = lax.fori_loop(0, _GROUPS // _UNROLL, body,
                                 (accs_rows[r],) + (zero,) * (_UNROLL - 1))
            tot = accs[0]
            for k in range(1, _UNROLL):
                tot = tot + accs[k]
            accs_rows[r] = tot

    for r in range(8):
        accv[0, r, :] = accs_rows[r]
    pltpu.sync_copy(
        accv, sums_out.at[pl.ds(seg, 1), pl.ds(rg * 8, 8), :])



def _combine_body(tc_ref, sums_ref, g_ref, tail_ref, a_ref, out_ref, *, v):
    lane = jax.lax.broadcasted_iota(jnp.int32, (_SC_ROWS, 128), 1)
    row = jax.lax.broadcasted_iota(jnp.int32, (_SC_ROWS, 1), 0)
    a = a_ref[...]
    tgt = jax.lax.rem((row + _TC_ROWS) * v + a, 128)
    g = jnp.sum(jnp.where(lane == tgt, g_ref[...], 0.0), axis=1,
                keepdims=True)
    s = sums_ref[0]
    for k in range(1, _NSEG):
        s = s + sums_ref[k]
    s_sc = jnp.sum(s, axis=1, keepdims=True)
    tcol = jax.lax.broadcasted_iota(jnp.int32, (_SC_ROWS, _TAILBLK), 1)
    t = jnp.where(tcol < v - _TAIL0, tail_ref[...], 0.0)
    s_tail = jnp.sum(jnp.where(tcol < v - _TAIL0, jnp.exp(t), 0.0),
                     axis=1, keepdims=True)
    out_ref[pl.ds(0, _TC_ROWS), :] = tc_ref[...]
    out_ref[pl.ds(_TC_ROWS, _SC_ROWS), :] = g - jnp.log(s_sc + s_tail)


def kernel(logits, actions):
    b, v = logits.shape
    a = actions.astype(jnp.int32)
    x2 = logits.reshape(b * v // 128, 128)
    gidx = (jnp.arange(b, dtype=jnp.int32) * v + a[:, 0]) // 128

    tc_out = pl.pallas_call(
        functools.partial(_tc_body, nstrips=_TC_ROWS // _RB),
        in_specs=[
            pl.BlockSpec(memory_space=pltpu.SMEM),
            pl.BlockSpec(memory_space=pl.ANY),
        ],
        out_specs=pl.BlockSpec((_TC_ROWS, 1), lambda: (0, 0)),
        out_shape=jax.ShapeDtypeStruct((_TC_ROWS, 1), jnp.float32),
        scratch_shapes=[
            pltpu.VMEM((_NBUF, _RB, v), jnp.float32),
            pltpu.SemaphoreType.DMA((_NBUF,)),
        ],
    )(a, logits)

    mesh = plsc.VectorSubcoreMesh(core_axis_name="c", subcore_axis_name="s")
    sums, gvec = pl.kernel(
        _sc_body,
        mesh=mesh,
        out_type=(
            jax.ShapeDtypeStruct((_NSEG, _SC_ROWS, 16), jnp.float32),
            jax.ShapeDtypeStruct((_SC_ROWS, 128), jnp.float32),
        ),
        scratch_types=[
            pltpu.VMEM((2, 8, _CHC), jnp.float32),
            pltpu.VMEM((1, 8, 16), jnp.float32),
            pltpu.VMEM((16,), jnp.int32),
            pltpu.VMEM((16, 128), jnp.float32),
            pltpu.SemaphoreType.DMA((2,)),
            pltpu.SemaphoreType.DMA,
        ],
    )(logits, x2, gidx)

    return pl.pallas_call(
        functools.partial(_combine_body, v=v),
        grid=(1,),
        in_specs=[
            pl.BlockSpec((_TC_ROWS, 1), lambda i: (0, 0)),
            pl.BlockSpec((_NSEG, _SC_ROWS, 16), lambda i: (0, 0, 0)),
            pl.BlockSpec((_SC_ROWS, 128), lambda i: (0, 0)),
            pl.BlockSpec((_SC_ROWS, _TAILBLK),
                         lambda i: (_TC_ROWS // _SC_ROWS, _TAIL0 // _TAILBLK)),
            pl.BlockSpec((_SC_ROWS, 1), lambda i: (_TC_ROWS // _SC_ROWS, 0)),
        ],
        out_specs=pl.BlockSpec((b, 1), lambda i: (0, 0)),
        out_shape=jax.ShapeDtypeStruct((b, 1), jnp.float32),
    )(tc_out, sums, gvec, logits, a)

# --- scband reference (transcript-rebuilt; emitter-appended) ---
"""Pipeline reference for scband-fixed-categorical-37546604102349 (READ-ONLY COPY).

The authoritative reference and input builder live on the scoring server;
editing this copy changes nothing except your own understanding.
"""

import jax, jax.numpy as jnp
import numpy as np

B = 128
V = 100000

def setup_inputs(seed: int = 0) -> dict:
    key = jax.random.key(seed)
    k1, k2 = jax.random.split(key)
    logits = jax.random.normal(k1, (B, V), dtype=jnp.float32)
    actions = jax.random.randint(k2, (B, 1), 0, V, dtype=jnp.int64 if jax.config.jax_enable_x64 else jnp.int32)
    return {"logits": logits, "actions": actions}

def reference(logits, actions):
    # FixedCategorical.log_probs(actions):
    #   log_prob = log_softmax(logits) gathered at actions.squeeze(-1)
    #   then .view(B, -1).sum(-1).unsqueeze(-1)
    logp = jax.nn.log_softmax(logits, axis=-1)  # [B, V]
    a = actions.squeeze(-1)  # [B]
    lp = jnp.take_along_axis(logp, a[:, None], axis=-1).squeeze(-1)  # [B]
    out = lp.reshape(lp.shape[0], -1).sum(axis=-1)[:, None]  # [B, 1]
    return out

if __name__ == "__main__":
    import jax
    _d = setup_inputs()
    print(jax.jit(kernel)(*tuple(_d.values())))

</pallas_src>

<mosaic_0001>
#map = affine_map<(d0, d1) -> (0, 0)>
#map1 = affine_map<(d0, d1) -> (0)>
#map2 = affine_map<(d0, d1) -> (0, 0, 0)>
module attributes {stable_mosaic.version = 14 : i64} {
  func.func @_sc_body(%arg0: i32, %arg1: i32, %arg2: memref<128x100000xf32, #tpu.memory_space<hbm>>, %arg3: memref<100000x128xf32, #tpu.memory_space<hbm>>, %arg4: memref<128xi32, #tpu.memory_space<hbm>>, %arg5: memref<8x32x16xf32, #tpu.memory_space<hbm>>, %arg6: memref<32x128xf32, #tpu.memory_space<hbm>>, %arg7: memref<2x8x4096xf32, #tpu.memory_space<vmem>>, %arg8: memref<1x8x16xf32, #tpu.memory_space<vmem>>, %arg9: memref<16xi32, #tpu.memory_space<vmem>>, %arg10: memref<16x128xf32, #tpu.memory_space<vmem>>, %arg11: memref<2x!tpu.dma_semaphore, #tpu.memory_space<semaphore_mem>>, %arg12: memref<!tpu.dma_semaphore, #tpu.memory_space<semaphore_mem>>) attributes {dimension_semantics = [#tpu.dimension_semantics<core_parallel>, #tpu.dimension_semantics<subcore_parallel>], iteration_bounds = array<i64: 2, 16>, scalar_prefetch = 0 : i64, scratch_operands = 6 : i64, tpu.core_type = #tpu.core_type<sc_vector_subcore>, window_params = [{transform_indices = #map}, {transform_indices = #map}, {transform_indices = #map1}, {transform_indices = #map2}, {transform_indices = #map}]} {
    %mul3A = arith.constant 2 : i32
    %mul3A_0 = arith.muli %arg1, %mul3A : i32
    %add3A = arith.addi %mul3A_0, %arg0 : i32
    %jit3A = arith.constant 8 : i32
    %div3A = arith.divsi %add3A, %jit3A : i32
    %sign3A = arith.constant 0 : i32
    %sign3A_1 = arith.cmpi sgt, %add3A, %sign3A : i32
    %sign3A_2 = arith.extui %sign3A_1 : i1 to i32
    %sign3A_3 = arith.constant 0 : i32
    %sign3A_4 = arith.cmpi slt, %add3A, %sign3A_3 : i32
    %sign3A_5 = arith.extui %sign3A_4 : i1 to i32
    %sign3A_6 = arith.subi %sign3A_2, %sign3A_5 : i32
    %sign3A_7 = arith.constant 0 : i32
    %sign3A_8 = arith.cmpi sgt, %jit3A, %sign3A_7 : i32
    %sign3A_9 = arith.extui %sign3A_8 : i1 to i32
    %sign3A_10 = arith.constant 0 : i32
    %sign3A_11 = arith.cmpi slt, %jit3A, %sign3A_10 : i32
    %sign3A_12 = arith.extui %sign3A_11 : i1 to i32
    %sign3A_13 = arith.subi %sign3A_9, %sign3A_12 : i32
    %ne3A = arith.cmpi ne, %sign3A_6, %sign3A_13 : i32
    %rem3A = arith.remsi %add3A, %jit3A : i32
    %ne3A_14 = arith.constant 0 : i32
    %ne3A_15 = arith.cmpi ne, %rem3A, %ne3A_14 : i32
    %and3A = arith.andi %ne3A, %ne3A_15 : i1
    %sub3A = arith.constant 1 : i32
    %sub3A_16 = arith.subi %div3A, %sub3A : i32
    %select_n3A = arith.select %and3A, %sub3A_16, %div3A : i32
    %jit3A_17 = arith.constant 8 : i32
    %eq3A = arith.constant 0 : i32
    %eq3A_18 = arith.cmpi eq, %jit3A_17, %eq3A : i32
    %jit3A_19 = arith.constant 1 : i32
    %select_n3A_20 = arith.select %eq3A_18, %jit3A_19, %jit3A_17 : i32
    %rem3A_21 = arith.remsi %add3A, %select_n3A_20 : i32
    %ne3A_22 = arith.constant 0 : i32
    %ne3A_23 = arith.cmpi ne, %rem3A_21, %ne3A_22 : i32
    %lt3A = arith.constant 0 : i32
    %lt3A_24 = arith.cmpi slt, %rem3A_21, %lt3A : i32
    %lt3A_25 = arith.constant 0 : i32
    %lt3A_26 = arith.cmpi slt, %select_n3A_20, %lt3A_25 : i32
    %ne3A_27 = arith.xori %lt3A_24, %lt3A_26 : i1
    %and3A_28 = arith.andi %ne3A_27, %ne3A_23 : i1
    %add3A_29 = arith.addi %rem3A_21, %select_n3A_20 : i32
    %select_n3A_30 = arith.select %and3A_28, %add3A_29, %rem3A_21 : i32
    %lt3A_31 = arith.constant 2 : i32
    %lt3A_32 = arith.cmpi slt, %add3A, %lt3A_31 : i32
    %convert_element_type3A = arith.extui %lt3A_32 : i1 to i32
    %cond3A = arith.constant 0 : i32
    %cond3A_33 = arith.cmpi ne, %convert_element_type3A, %cond3A : i32
    scf.if %cond3A_33 {
      %mul3A_511 = arith.constant 16 : i32
      %mul3A_512 = arith.muli %add3A, %mul3A_511 : i32
      %add3A_513 = arith.constant 96 : i32
      %add3A_514 = arith.addi %add3A_513, %mul3A_512 : i32
      "tpu.region"() ({
        %run_scoped3A = tpu.sem_alloc : memref<!tpu.dma_semaphore, #tpu.memory_space<semaphore_mem>>
        %dma_start3A_523 = tpu.memref_slice %arg4[%add3A_514] : memref<128xi32, #tpu.memory_space<hbm>> -> memref<16xi32, #tpu.memory_space<hbm>>
        %dma_start3A_524 = tpu.memref_slice %arg4[%add3A_514] : memref<128xi32, #tpu.memory_space<hbm>> -> memref<16xi32, #tpu.memory_space<hbm>>
        tpu.enqueue_dma source(%dma_start3A_524 : memref<16xi32, #tpu.memory_space<hbm>>) target(%arg9 : memref<16xi32, #tpu.memory_space<vmem>>) target_semaphore(%run_scoped3A : memref<!tpu.dma_semaphore, #tpu.memory_space<semaphore_mem>>)
        %dma_wait3A_525 = tpu.memref_slice %arg4[%add3A_514] : memref<128xi32, #tpu.memory_space<hbm>> -> memref<16xi32, #tpu.memory_space<hbm>>
        %dma_wait3A_526 = tpu.memref_slice %arg4[%add3A_514] : memref<128xi32, #tpu.memory_space<hbm>> -> memref<16xi32, #tpu.memory_space<hbm>>
        tpu.wait_dma2 semaphore(%run_scoped3A : memref<!tpu.dma_semaphore, #tpu.memory_space<semaphore_mem>>) src(%dma_wait3A_526 : memref<16xi32, #tpu.memory_space<hbm>>) dst(%arg9 : memref<16xi32, #tpu.memory_space<vmem>>)
        tpu.yield
      }) : () -> ()
      %dma_start3A_515 = arith.constant 0 : i32
      %dma_start3A_516 = arith.constant 0 : i32
      %dma_start3A_517 = tpu.memref_slice %arg3[%dma_start3A_515, %dma_start3A_516] : memref<100000x128xf32, #tpu.memory_space<hbm>> -> memref<100000x128xf32, #tpu.memory_space<hbm>>
      tpu.enqueue_indirect_dma source(%dma_start3A_517 : memref<100000x128xf32, #tpu.memory_space<hbm>>) target(%arg10 : memref<16x128xf32, #tpu.memory_space<vmem>>) offsets(%arg9 : memref<16xi32, #tpu.memory_space<vmem>>) semaphore(%arg12 : memref<!tpu.dma_semaphore, #tpu.memory_space<semaphore_mem>>)
      %dma_wait3A_518 = arith.constant 0 : i32
      %dma_wait3A_519 = arith.constant 0 : i32
      %dma_wait3A_520 = tpu.memref_slice %arg3[%dma_wait3A_518, %dma_wait3A_519] : memref<100000x128xf32, #tpu.memory_space<hbm>> -> memref<100000x128xf32, #tpu.memory_space<hbm>>
      tpu.wait_indirect_dma semaphore(%arg12 : memref<!tpu.dma_semaphore, #tpu.memory_space<semaphore_mem>>) src(%dma_wait3A_520 : memref<100000x128xf32, #tpu.memory_space<hbm>>) dst(%arg10 : memref<16x128xf32, #tpu.memory_space<vmem>>)
      %mul3A_521 = arith.constant 16 : i32
      %mul3A_522 = arith.muli %add3A, %mul3A_521 : i32
      "tpu.region"() ({
        %run_scoped3A = tpu.sem_alloc : memref<!tpu.dma_semaphore, #tpu.memory_space<semaphore_mem>>
        %dma_start3A_523 = arith.constant 0 : i32
        %dma_start3A_524 = tpu.memref_slice %arg6[%mul3A_522, %dma_start3A_523] : memref<32x128xf32, #tpu.memory_space<hbm>> -> memref<16x128xf32, #tpu.memory_space<hbm>>
        %dma_start3A_525 = arith.constant 0 : i32
        %dma_start3A_526 = tpu.memref_slice %arg6[%mul3A_522, %dma_start3A_525] : memref<32x128xf32, #tpu.memory_space<hbm>> -> memref<16x128xf32, #tpu.memory_space<hbm>>
        tpu.enqueue_dma source(%arg10 : memref<16x128xf32, #tpu.memory_space<vmem>>) target(%dma_start3A_526 : memref<16x128xf32, #tpu.memory_space<hbm>>) target_semaphore(%run_scoped3A : memref<!tpu.dma_semaphore, #tpu.memory_space<semaphore_mem>>)
        %dma_wait3A_527 = arith.constant 0 : i32
        %dma_wait3A_528 = tpu.memref_slice %arg6[%mul3A_522, %dma_wait3A_527] : memref<32x128xf32, #tpu.memory_space<hbm>> -> memref<16x128xf32, #tpu.memory_space<hbm>>
        %dma_wait3A_529 = arith.constant 0 : i32
        %dma_wait3A_530 = tpu.memref_slice %arg6[%mul3A_522, %dma_wait3A_529] : memref<32x128xf32, #tpu.memory_space<hbm>> -> memref<16x128xf32, #tpu.memory_space<hbm>>
        tpu.wait_dma2 semaphore(%run_scoped3A : memref<!tpu.dma_semaphore, #tpu.memory_space<semaphore_mem>>) src(%arg10 : memref<16x128xf32, #tpu.memory_space<vmem>>) dst(%dma_wait3A_530 : memref<16x128xf32, #tpu.memory_space<hbm>>)
        tpu.yield
      }) : () -> ()
    } else {
    }
    %mul3A_34 = arith.constant 8 : i32
    %mul3A_35 = arith.muli %select_n3A, %mul3A_34 : i32
    %add3A_36 = arith.constant 96 : i32
    %add3A_37 = arith.addi %add3A_36, %mul3A_35 : i32
    %mul3A_38 = arith.constant 12288 : i32
    %mul3A_39 = arith.muli %select_n3A_30, %mul3A_38 : i32
    %add3A_40 = arith.constant 0 : i32
    %add3A_41 = arith.addi %mul3A_39, %add3A_40 : i32
    %dma_start3A = arith.constant 0 : i32
    %dma_start3A_42 = arith.constant 0 : i32
    %dma_start3A_43 = arith.constant 0 : i32
    %dma_start3A_44 = arith.constant 0 : i32
    %dma_start3A_45 = tpu.memref_slice %arg7[%dma_start3A, %dma_start3A_43, %dma_start3A_44] : memref<2x8x4096xf32, #tpu.memory_space<vmem>> -> memref<1x8x4096xf32, #tpu.memory_space<vmem>>
    %dma_start3A_46 = tpu.memref_squeeze %dma_start3A_45 : memref<1x8x4096xf32, #tpu.memory_space<vmem>> -> memref<8x4096xf32, #tpu.memory_space<vmem>>
    %dma_start3A_47 = tpu.memref_slice %arg2[%add3A_37, %add3A_41] : memref<128x100000xf32, #tpu.memory_space<hbm>> -> memref<8x4096xf32, #tpu.memory_space<hbm>>
    %dma_start3A_48 = tpu.memref_slice %arg11[%dma_start3A_42] : memref<2x!tpu.dma_semaphore, #tpu.memory_space<semaphore_mem>> -> memref<1x!tpu.dma_semaphore, #tpu.memory_space<semaphore_mem>>
    %dma_start3A_49 = tpu.memref_squeeze %dma_start3A_48 : memref<1x!tpu.dma_semaphore, #tpu.memory_space<semaphore_mem>> -> memref<!tpu.dma_semaphore, #tpu.memory_space<semaphore_mem>>
    %dma_start3A_50 = arith.constant 0 : i32
    %dma_start3A_51 = arith.constant 0 : i32
    %dma_start3A_52 = tpu.memref_slice %arg7[%dma_start3A, %dma_start3A_50, %dma_start3A_51] : memref<2x8x4096xf32, #tpu.memory_space<vmem>> -> memref<1x8x4096xf32, #tpu.memory_space<vmem>>
    %dma_start3A_53 = tpu.memref_squeeze %dma_start3A_52 : memref<1x8x4096xf32, #tpu.memory_space<vmem>> -> memref<8x4096xf32, #tpu.memory_space<vmem>>
    %dma_start3A_54 = tpu.memref_slice %arg2[%add3A_37, %add3A_41] : memref<128x100000xf32, #tpu.memory_space<hbm>> -> memref<8x4096xf32, #tpu.memory_space<hbm>>
    tpu.enqueue_dma source(%dma_start3A_54 : memref<8x4096xf32, #tpu.memory_space<hbm>>) target(%dma_start3A_53 : memref<8x4096xf32, #tpu.memory_space<vmem>>) target_semaphore(%dma_start3A_49 : memref<!tpu.dma_semaphore, #tpu.memory_space<semaphore_mem>>)
    %broadcast_in_dim3A = arith.constant 0.000000e+00 : f32
    %broadcast_in_dim3A_55 = vector.broadcast %broadcast_in_dim3A : f32 to vector<16xf32>
    %add3A_56 = arith.constant 0 : i32
    %add3A_57 = arith.addi %mul3A_39, %add3A_56 : i32
    %dma_wait3A = arith.constant 0 : i32
    %dma_wait3A_58 = arith.constant 0 : i32
    %dma_wait3A_59 = arith.constant 0 : i32
    %dma_wait3A_60 = arith.constant 0 : i32
    %dma_wait3A_61 = tpu.memref_slice %arg7[%dma_wait3A, %dma_wait3A_59, %dma_wait3A_60] : memref<2x8x4096xf32, #tpu.memory_space<vmem>> -> memref<1x8x4096xf32, #tpu.memory_space<vmem>>
    %dma_wait3A_62 = tpu.memref_squeeze %dma_wait3A_61 : memref<1x8x4096xf32, #tpu.memory_space<vmem>> -> memref<8x4096xf32, #tpu.memory_space<vmem>>
    %dma_wait3A_63 = tpu.memref_slice %arg2[%add3A_37, %add3A_57] : memref<128x100000xf32, #tpu.memory_space<hbm>> -> memref<8x4096xf32, #tpu.memory_space<hbm>>
    %dma_wait3A_64 = tpu.memref_slice %arg11[%dma_wait3A_58] : memref<2x!tpu.dma_semaphore, #tpu.memory_space<semaphore_mem>> -> memref<1x!tpu.dma_semaphore, #tpu.memory_space<semaphore_mem>>
    %dma_wait3A_65 = tpu.memref_squeeze %dma_wait3A_64 : memref<1x!tpu.dma_semaphore, #tpu.memory_space<semaphore_mem>> -> memref<!tpu.dma_semaphore, #tpu.memory_space<semaphore_mem>>
    %dma_wait3A_66 = arith.constant 0 : i32
    %dma_wait3A_67 = arith.constant 0 : i32
    %dma_wait3A_68 = tpu.memref_slice %arg7[%dma_wait3A, %dma_wait3A_66, %dma_wait3A_67] : memref<2x8x4096xf32, #tpu.memory_space<vmem>> -> memref<1x8x4096xf32, #tpu.memory_space<vmem>>
    %dma_wait3A_69 = tpu.memref_squeeze %dma_wait3A_68 : memref<1x8x4096xf32, #tpu.memory_space<vmem>> -> memref<8x4096xf32, #tpu.memory_space<vmem>>
    %dma_wait3A_70 = tpu.memref_slice %arg2[%add3A_37, %add3A_57] : memref<128x100000xf32, #tpu.memory_space<hbm>> -> memref<8x4096xf32, #tpu.memory_space<hbm>>
    tpu.wait_dma2 semaphore(%dma_wait3A_65 : memref<!tpu.dma_semaphore, #tpu.memory_space<semaphore_mem>>) src(%dma_wait3A_70 : memref<8x4096xf32, #tpu.memory_space<hbm>>) dst(%dma_wait3A_69 : memref<8x4096xf32, #tpu.memory_space<vmem>>)
    %add3A_71 = arith.constant 4096 : i32
    %add3A_72 = arith.addi %mul3A_39, %add3A_71 : i32
    %dma_start3A_73 = arith.constant 1 : i32
    %dma_start3A_74 = arith.constant 1 : i32
    %dma_start3A_75 = arith.constant 0 : i32
    %dma_start3A_76 = arith.constant 0 : i32
    %dma_start3A_77 = tpu.memref_slice %arg7[%dma_start3A_73, %dma_start3A_75, %dma_start3A_76] : memref<2x8x4096xf32, #tpu.memory_space<vmem>> -> memref<1x8x4096xf32, #tpu.memory_space<vmem>>
    %dma_start3A_78 = tpu.memref_squeeze %dma_start3A_77 : memref<1x8x4096xf32, #tpu.memory_space<vmem>> -> memref<8x4096xf32, #tpu.memory_space<vmem>>
    %dma_start3A_79 = tpu.memref_slice %arg2[%add3A_37, %add3A_72] : memref<128x100000xf32, #tpu.memory_space<hbm>> -> memref<8x4096xf32, #tpu.memory_space<hbm>>
    %dma_start3A_80 = tpu.memref_slice %arg11[%dma_start3A_74] : memref<2x!tpu.dma_semaphore, #tpu.memory_space<semaphore_mem>> -> memref<1x!tpu.dma_semaphore, #tpu.memory_space<semaphore_mem>>
    %dma_start3A_81 = tpu.memref_squeeze %dma_start3A_80 : memref<1x!tpu.dma_semaphore, #tpu.memory_space<semaphore_mem>> -> memref<!tpu.dma_semaphore, #tpu.memory_space<semaphore_mem>>
    %dma_start3A_82 = arith.constant 0 : i32
    %dma_start3A_83 = arith.constant 0 : i32
    %dma_start3A_84 = tpu.memref_slice %arg7[%dma_start3A_73, %dma_start3A_82, %dma_start3A_83] : memref<2x8x4096xf32, #tpu.memory_space<vmem>> -> memref<1x8x4096xf32, #tpu.memory_space<vmem>>
    %dma_start3A_85 = tpu.memref_squeeze %dma_start3A_84 : memref<1x8x4096xf32, #tpu.memory_space<vmem>> -> memref<8x4096xf32, #tpu.memory_space<vmem>>
    %dma_start3A_86 = tpu.memref_slice %arg2[%add3A_37, %add3A_72] : memref<128x100000xf32, #tpu.memory_space<hbm>> -> memref<8x4096xf32, #tpu.memory_space<hbm>>
    tpu.enqueue_dma source(%dma_start3A_86 : memref<8x4096xf32, #tpu.memory_space<hbm>>) target(%dma_start3A_85 : memref<8x4096xf32, #tpu.memory_space<vmem>>) target_semaphore(%dma_start3A_81 : memref<!tpu.dma_semaphore, #tpu.memory_space<semaphore_mem>>)
    %scan3A = arith.constant 0 : i32
    %scan3A_87 = arith.constant 32 : i32
    %scan3A_88 = arith.addi %scan3A, %scan3A_87 : i32
    %scan3A_89 = arith.constant 1 : i32
    %scan3A_90:8 = scf.for %scan3A_511 = %scan3A to %scan3A_88 step %scan3A_89 iter_args(%scan3A_512 = %broadcast_in_dim3A_55, %scan3A_513 = %broadcast_in_dim3A_55, %scan3A_514 = %broadcast_in_dim3A_55, %scan3A_515 = %broadcast_in_dim3A_55, %scan3A_516 = %broadcast_in_dim3A_55, %scan3A_517 = %broadcast_in_dim3A_55, %scan3A_518 = %broadcast_in_dim3A_55, %scan3A_519 = %broadcast_in_dim3A_55) -> (vector<16xf32>, vector<16xf32>, vector<16xf32>, vector<16xf32>, vector<16xf32>, vector<16xf32>, vector<16xf32>, vector<16xf32>)  : i32 {
      %mul3A_520 = arith.constant 128 : i32
      %mul3A_521 = arith.muli %scan3A_511, %mul3A_520 : i32
      %add3A_522 = arith.constant 0 : i32
      %add3A_523 = arith.addi %mul3A_521, %add3A_522 : i32
      %get3A = arith.constant 0 : i32
      %get3A_524 = arith.constant 0 : i32
      %get3A_525 = arith.index_cast %get3A : i32 to index
      %get3A_526 = arith.index_cast %get3A_524 : i32 to index
      %get3A_527 = arith.index_cast %add3A_523 : i32 to index
      %get3A_528 = tpu.vector_load %arg7[%get3A_525, %get3A_526, %get3A_527] {strides = array<i32>} : memref<2x8x4096xf32, #tpu.memory_space<vmem>>, vector<1x1x16xf32>,
      %get3A_529 = vector.shape_cast %get3A_528 : vector<1x1x16xf32> to vector<16xf32>
      %exp3A = math.exp %get3A_529 : vector<16xf32>
      %add3A_530 = arith.addf %scan3A_512, %exp3A : vector<16xf32>
      %add3A_531 = arith.constant 16 : i32
      %add3A_532 = arith.addi %mul3A_521, %add3A_531 : i32
      %get3A_533 = arith.constant 0 : i32
      %get3A_534 = arith.constant 0 : i32
      %get3A_535 = arith.index_cast %get3A_533 : i32 to index
      %get3A_536 = arith.index_cast %get3A_534 : i32 to index
      %get3A_537 = arith.index_cast %add3A_532 : i32 to index
      %get3A_538 = tpu.vector_load %arg7[%get3A_535, %get3A_536, %get3A_537] {strides = array<i32>} : memref<2x8x4096xf32, #tpu.memory_space<vmem>>, vector<1x1x16xf32>,
      %get3A_539 = vector.shape_cast %get3A_538 : vector<1x1x16xf32> to vector<16xf32>
      %exp3A_540 = math.exp %get3A_539 : vector<16xf32>
      %add3A_541 = arith.addf %scan3A_513, %exp3A_540 : vector<16xf32>
      %add3A_542 = arith.constant 32 : i32
      %add3A_543 = arith.addi %mul3A_521, %add3A_542 : i32
      %get3A_544 = arith.constant 0 : i32
      %get3A_545 = arith.constant 0 : i32
      %get3A_546 = arith.index_cast %get3A_544 : i32 to index
      %get3A_547 = arith.index_cast %get3A_545 : i32 to index
      %get3A_548 = arith.index_cast %add3A_543 : i32 to index
      %get3A_549 = tpu.vector_load %arg7[%get3A_546, %get3A_547, %get3A_548] {strides = array<i32>} : memref<2x8x4096xf32, #tpu.memory_space<vmem>>, vector<1x1x16xf32>,
      %get3A_550 = vector.shape_cast %get3A_549 : vector<1x1x16xf32> to vector<16xf32>
      %exp3A_551 = math.exp %get3A_550 : vector<16xf32>
      %add3A_552 = arith.addf %scan3A_514, %exp3A_551 : vector<16xf32>
      %add3A_553 = arith.constant 48 : i32
      %add3A_554 = arith.addi %mul3A_521, %add3A_553 : i32
      %get3A_555 = arith.constant 0 : i32
      %get3A_556 = arith.constant 0 : i32
      %get3A_557 = arith.index_cast %get3A_555 : i32 to index
      %get3A_558 = arith.index_cast %get3A_556 : i32 to index
      %get3A_559 = arith.index_cast %add3A_554 : i32 to index
      %get3A_560 = tpu.vector_load %arg7[%get3A_557, %get3A_558, %get3A_559] {strides = array<i32>} : memref<2x8x4096xf32, #tpu.memory_space<vmem>>, vector<1x1x16xf32>,
      %get3A_561 = vector.shape_cast %get3A_560 : vector<1x1x16xf32> to vector<16xf32>
      %exp3A_562 = math.exp %get3A_561 : vector<16xf32>
      %add3A_563 = arith.addf %scan3A_515, %exp3A_562 : vector<16xf32>
      %add3A_564 = arith.constant 64 : i32
      %add3A_565 = arith.addi %mul3A_521, %add3A_564 : i32
      %get3A_566 = arith.constant 0 : i32
      %get3A_567 = arith.constant 0 : i32
      %get3A_568 = arith.index_cast %get3A_566 : i32 to index
      %get3A_569 = arith.index_cast %get3A_567 : i32 to index
      %get3A_570 = arith.index_cast %add3A_565 : i32 to index
      %get3A_571 = tpu.vector_load %arg7[%get3A_568, %get3A_569, %get3A_570] {strides = array<i32>} : memref<2x8x4096xf32, #tpu.memory_space<vmem>>, vector<1x1x16xf32>,
      %get3A_572 = vector.shape_cast %get3A_571 : vector<1x1x16xf32> to vector<16xf32>
      %exp3A_573 = math.exp %get3A_572 : vector<16xf32>
      %add3A_574 = arith.addf %scan3A_516, %exp3A_573 : vector<16xf32>
      %add3A_575 = arith.constant 80 : i32
      %add3A_576 = arith.addi %mul3A_521, %add3A_575 : i32
      %get3A_577 = arith.constant 0 : i32
      %get3A_578 = arith.constant 0 : i32
      %get3A_579 = arith.index_cast %get3A_577 : i32 to index
      %get3A_580 = arith.index_cast %get3A_578 : i32 to index
      %get3A_581 = arith.index_cast %add3A_576 : i32 to index
      %get3A_582 = tpu.vector_load %arg7[%get3A_579, %get3A_580, %get3A_581] {strides = array<i32>} : memref<2x8x4096xf32, #tpu.memory_space<vmem>>, vector<1x1x16xf32>,
      %get3A_583 = vector.shape_cast %get3A_582 : vector<1x1x16xf32> to vector<16xf32>
      %exp3A_584 = math.exp %get3A_583 : vector<16xf32>
      %add3A_585 = arith.addf %scan3A_517, %exp3A_584 : vector<16xf32>
      %add3A_586 = arith.constant 96 : i32
      %add3A_587 = arith.addi %mul3A_521, %add3A_586 : i32
      %get3A_588 = arith.constant 0 : i32
      %get3A_589 = arith.constant 0 : i32
      %get3A_590 = arith.index_cast %get3A_588 : i32 to index
      %get3A_591 = arith.index_cast %get3A_589 : i32 to index
      %get3A_592 = arith.index_cast %add3A_587 : i32 to index
      %get3A_593 = tpu.vector_load %arg7[%get3A_590, %get3A_591, %get3A_592] {strides = array<i32>} : memref<2x8x4096xf32, #tpu.memory_space<vmem>>, vector<1x1x16xf32>,
      %get3A_594 = vector.shape_cast %get3A_593 : vector<1x1x16xf32> to vector<16xf32>
      %exp3A_595 = math.exp %get3A_594 : vector<16xf32>
      %add3A_596 = arith.addf %scan3A_518, %exp3A_595 : vector<16xf32>
      %add3A_597 = arith.constant 112 : i32
      %add3A_598 = arith.addi %mul3A_521, %add3A_597 : i32
      %get3A_599 = arith.constant 0 : i32
      %get3A_600 = arith.constant 0 : i32
      %get3A_601 = arith.index_cast %get3A_599 : i32 to index
      %get3A_602 = arith.index_cast %get3A_600 : i32 to index
      %get3A_603 = arith.index_cast %add3A_598 : i32 to index
      %get3A_604 = tpu.vector_load %arg7[%get3A_601, %get3A_602, %get3A_603] {strides = array<i32>} : memref<2x8x4096xf32, #tpu.memory_space<vmem>>, vector<1x1x16xf32>,
      %get3A_605 = vector.shape_cast %get3A_604 : vector<1x1x16xf32> to vector<16xf32>
      %exp3A_606 = math.exp %get3A_605 : vector<16xf32>
      %add3A_607 = arith.addf %scan3A_519, %exp3A_606 : vector<16xf32>
      scf.yield %add3A_530, %add3A_541, %add3A_552, %add3A_563, %add3A_574, %add3A_585, %add3A_596, %add3A_607 : vector<16xf32>, vector<16xf32>, vector<16xf32>, vector<16xf32>, vector<16xf32>, vector<16xf32>, vector<16xf32>, vector<16xf32>
    }
    %scan3A_91 = arith.constant 32 : i32
    %add3A_92 = arith.addf %scan3A_90#0, %scan3A_90#1 : vector<16xf32>
    %add3A_93 = arith.addf %add3A_92, %scan3A_90#2 : vector<16xf32>
    %add3A_94 = arith.addf %add3A_93, %scan3A_90#3 : vector<16xf32>
    %add3A_95 = arith.addf %add3A_94, %scan3A_90#4 : vector<16xf32>
    %add3A_96 = arith.addf %add3A_95, %scan3A_90#5 : vector<16xf32>
    %add3A_97 = arith.addf %add3A_96, %scan3A_90#6 : vector<16xf32>
    %add3A_98 = arith.addf %add3A_97, %scan3A_90#7 : vector<16xf32>
    %scan3A_99 = arith.constant 0 : i32
    %scan3A_100 = arith.constant 32 : i32
    %scan3A_101 = arith.addi %scan3A_99, %scan3A_100 : i32
    %scan3A_102 = arith.constant 1 : i32
    %scan3A_103:8 = scf.for %scan3A_511 = %scan3A_99 to %scan3A_101 step %scan3A_102 iter_args(%scan3A_512 = %broadcast_in_dim3A_55, %scan3A_513 = %broadcast_in_dim3A_55, %scan3A_514 = %broadcast_in_dim3A_55, %scan3A_515 = %broadcast_in_dim3A_55, %scan3A_516 = %broadcast_in_dim3A_55, %scan3A_517 = %broadcast_in_dim3A_55, %scan3A_518 = %broadcast_in_dim3A_55, %scan3A_519 = %broadcast_in_dim3A_55) -> (vector<16xf32>, vector<16xf32>, vector<16xf32>, vector<16xf32>, vector<16xf32>, vector<16xf32>, vector<16xf32>, vector<16xf32>)  : i32 {
      %mul3A_520 = arith.constant 128 : i32
      %mul3A_521 = arith.muli %scan3A_511, %mul3A_520 : i32
      %add3A_522 = arith.constant 0 : i32
      %add3A_523 = arith.addi %mul3A_521, %add3A_522 : i32
      %get3A = arith.constant 0 : i32
      %get3A_524 = arith.constant 1 : i32
      %get3A_525 = arith.index_cast %get3A : i32 to index
      %get3A_526 = arith.index_cast %get3A_524 : i32 to index
      %get3A_527 = arith.index_cast %add3A_523 : i32 to index
      %get3A_528 = tpu.vector_load %arg7[%get3A_525, %get3A_526, %get3A_527] {strides = array<i32>} : memref<2x8x4096xf32, #tpu.memory_space<vmem>>, vector<1x1x16xf32>,
      %get3A_529 = vector.shape_cast %get3A_528 : vector<1x1x16xf32> to vector<16xf32>
      %exp3A = math.exp %get3A_529 : vector<16xf32>
      %add3A_530 = arith.addf %scan3A_512, %exp3A : vector<16xf32>
      %add3A_531 = arith.constant 16 : i32
      %add3A_532 = arith.addi %mul3A_521, %add3A_531 : i32
      %get3A_533 = arith.constant 0 : i32
      %get3A_534 = arith.constant 1 : i32
      %get3A_535 = arith.index_cast %get3A_533 : i32 to index
      %get3A_536 = arith.index_cast %get3A_534 : i32 to index
      %get3A_537 = arith.index_cast %add3A_532 : i32 to index
      %get3A_538 = tpu.vector_load %arg7[%get3A_535, %get3A_536, %get3A_537] {strides = array<i32>} : memref<2x8x4096xf32, #tpu.memory_space<vmem>>, vector<1x1x16xf32>,
      %get3A_539 = vector.shape_cast %get3A_538 : vector<1x1x16xf32> to vector<16xf32>
      %exp3A_540 = math.exp %get3A_539 : vector<16xf32>
      %add3A_541 = arith.addf %scan3A_513, %exp3A_540 : vector<16xf32>
      %add3A_542 = arith.constant 32 : i32
      %add3A_543 = arith.addi %mul3A_521, %add3A_542 : i32
      %get3A_544 = arith.constant 0 : i32
      %get3A_545 = arith.constant 1 : i32
      %get3A_546 = arith.index_cast %get3A_544 : i32 to index
      %get3A_547 = arith.index_cast %get3A_545 : i32 to index
      %get3A_548 = arith.index_cast %add3A_543 : i32 to index
      %get3A_549 = tpu.vector_load %arg7[%get3A_546, %get3A_547, %get3A_548] {strides = array<i32>} : memref<2x8x4096xf32, #tpu.memory_space<vmem>>, vector<1x1x16xf32>,
      %get3A_550 = vector.shape_cast %get3A_549 : vector<1x1x16xf32> to vector<16xf32>
      %exp3A_551 = math.exp %get3A_550 : vector<16xf32>
      %add3A_552 = arith.addf %scan3A_514, %exp3A_551 : vector<16xf32>
      %add3A_553 = arith.constant 48 : i32
      %add3A_554 = arith.addi %mul3A_521, %add3A_553 : i32
      %get3A_555 = arith.constant 0 : i32
      %get3A_556 = arith.constant 1 : i32
      %get3A_557 = arith.index_cast %get3A_555 : i32 to index
      %get3A_558 = arith.index_cast %get3A_556 : i32 to index
      %get3A_559 = arith.index_cast %add3A_554 : i32 to index
      %get3A_560 = tpu.vector_load %arg7[%get3A_557, %get3A_558, %get3A_559] {strides = array<i32>} : memref<2x8x4096xf32, #tpu.memory_space<vmem>>, vector<1x1x16xf32>,
      %get3A_561 = vector.shape_cast %get3A_560 : vector<1x1x16xf32> to vector<16xf32>
      %exp3A_562 = math.exp %get3A_561 : vector<16xf32>
      %add3A_563 = arith.addf %scan3A_515, %exp3A_562 : vector<16xf32>
      %add3A_564 = arith.constant 64 : i32
      %add3A_565 = arith.addi %mul3A_521, %add3A_564 : i32
      %get3A_566 = arith.constant 0 : i32
      %get3A_567 = arith.constant 1 : i32
      %get3A_568 = arith.index_cast %get3A_566 : i32 to index
      %get3A_569 = arith.index_cast %get3A_567 : i32 to index
      %get3A_570 = arith.index_cast %add3A_565 : i32 to index
      %get3A_571 = tpu.vector_load %arg7[%get3A_568, %get3A_569, %get3A_570] {strides = array<i32>} : memref<2x8x4096xf32, #tpu.memory_space<vmem>>, vector<1x1x16xf32>,
      %get3A_572 = vector.shape_cast %get3A_571 : vector<1x1x16xf32> to vector<16xf32>
      %exp3A_573 = math.exp %get3A_572 : vector<16xf32>
      %add3A_574 = arith.addf %scan3A_516, %exp3A_573 : vector<16xf32>
      %add3A_575 = arith.constant 80 : i32
      %add3A_576 = arith.addi %mul3A_521, %add3A_575 : i32
      %get3A_577 = arith.constant 0 : i32
      %get3A_578 = arith.constant 1 : i32
      %get3A_579 = arith.index_cast %get3A_577 : i32 to index
      %get3A_580 = arith.index_cast %get3A_578 : i32 to index
      %get3A_581 = arith.index_cast %add3A_576 : i32 to index
      %get3A_582 = tpu.vector_load %arg7[%get3A_579, %get3A_580, %get3A_581] {strides = array<i32>} : memref<2x8x4096xf32, #tpu.memory_space<vmem>>, vector<1x1x16xf32>,
      %get3A_583 = vector.shape_cast %get3A_582 : vector<1x1x16xf32> to vector<16xf32>
      %exp3A_584 = math.exp %get3A_583 : vector<16xf32>
      %add3A_585 = arith.addf %scan3A_517, %exp3A_584 : vector<16xf32>
      %add3A_586 = arith.constant 96 : i32
      %add3A_587 = arith.addi %mul3A_521, %add3A_586 : i32
      %get3A_588 = arith.constant 0 : i32
      %get3A_589 = arith.constant 1 : i32
      %get3A_590 = arith.index_cast %get3A_588 : i32 to index
      %get3A_591 = arith.index_cast %get3A_589 : i32 to index
      %get3A_592 = arith.index_cast %add3A_587 : i32 to index
      %get3A_593 = tpu.vector_load %arg7[%get3A_590, %get3A_591, %get3A_592] {strides = array<i32>} : memref<2x8x4096xf32, #tpu.memory_space<vmem>>, vector<1x1x16xf32>,
      %get3A_594 = vector.shape_cast %get3A_593 : vector<1x1x16xf32> to vector<16xf32>
      %exp3A_595 = math.exp %get3A_594 : vector<16xf32>
      %add3A_596 = arith.addf %scan3A_518, %exp3A_595 : vector<16xf32>
      %add3A_597 = arith.constant 112 : i32
      %add3A_598 = arith.addi %mul3A_521, %add3A_597 : i32
      %get3A_599 = arith.constant 0 : i32
      %get3A_600 = arith.constant 1 : i32
      %get3A_601 = arith.index_cast %get3A_599 : i32 to index
      %get3A_602 = arith.index_cast %get3A_600 : i32 to index
      %get3A_603 = arith.index_cast %add3A_598 : i32 to index
      %get3A_604 = tpu.vector_load %arg7[%get3A_601, %get3A_602, %get3A_603] {strides = array<i32>} : memref<2x8x4096xf32, #tpu.memory_space<vmem>>, vector<1x1x16xf32>,
      %get3A_605 = vector.shape_cast %get3A_604 : vector<1x1x16xf32> to vector<16xf32>
      %exp3A_606 = math.exp %get3A_605 : vector<16xf32>
      %add3A_607 = arith.addf %scan3A_519, %exp3A_606 : vector<16xf32>
      scf.yield %add3A_530, %add3A_541, %add3A_552, %add3A_563, %add3A_574, %add3A_585, %add3A_596, %add3A_607 : vector<16xf32>, vector<16xf32>, vector<16xf32>, vector<16xf32>, vector<16xf32>, vector<16xf32>, vector<16xf32>, vector<16xf32>
    }
    %scan3A_104 = arith.constant 32 : i32
    %add3A_105 = arith.addf %scan3A_103#0, %scan3A_103#1 : vector<16xf32>
    %add3A_106 = arith.addf %add3A_105, %scan3A_103#2 : vector<16xf32>
    %add3A_107 = arith.addf %add3A_106, %scan3A_103#3 : vector<16xf32>
    %add3A_108 = arith.addf %add3A_107, %scan3A_103#4 : vector<16xf32>
    %add3A_109 = arith.addf %add3A_108, %scan3A_103#5 : vector<16xf32>
    %add3A_110 = arith.addf %add3A_109, %scan3A_103#6 : vector<16xf32>
    %add3A_111 = arith.addf %add3A_110, %scan3A_103#7 : vector<16xf32>
    %scan3A_112 = arith.constant 0 : i32
    %scan3A_113 = arith.constant 32 : i32
    %scan3A_114 = arith.addi %scan3A_112, %scan3A_113 : i32
    %scan3A_115 = arith.constant 1 : i32
    %scan3A_116:8 = scf.for %scan3A_511 = %scan3A_112 to %scan3A_114 step %scan3A_115 iter_args(%scan3A_512 = %broadcast_in_dim3A_55, %scan3A_513 = %broadcast_in_dim3A_55, %scan3A_514 = %broadcast_in_dim3A_55, %scan3A_515 = %broadcast_in_dim3A_55, %scan3A_516 = %broadcast_in_dim3A_55, %scan3A_517 = %broadcast_in_dim3A_55, %scan3A_518 = %broadcast_in_dim3A_55, %scan3A_519 = %broadcast_in_dim3A_55) -> (vector<16xf32>, vector<16xf32>, vector<16xf32>, vector<16xf32>, vector<16xf32>, vector<16xf32>, vector<16xf32>, vector<16xf32>)  : i32 {
      %mul3A_520 = arith.constant 128 : i32
      %mul3A_521 = arith.muli %scan3A_511, %mul3A_520 : i32
      %add3A_522 = arith.constant 0 : i32
      %add3A_523 = arith.addi %mul3A_521, %add3A_522 : i32
      %get3A = arith.constant 0 : i32
      %get3A_524 = arith.constant 2 : i32
      %get3A_525 = arith.index_cast %get3A : i32 to index
      %get3A_526 = arith.index_cast %get3A_524 : i32 to index
      %get3A_527 = arith.index_cast %add3A_523 : i32 to index
      %get3A_528 = tpu.vector_load %arg7[%get3A_525, %get3A_526, %get3A_527] {strides = array<i32>} : memref<2x8x4096xf32, #tpu.memory_space<vmem>>, vector<1x1x16xf32>,
      %get3A_529 = vector.shape_cast %get3A_528 : vector<1x1x16xf32> to vector<16xf32>
      %exp3A = math.exp %get3A_529 : vector<16xf32>
      %add3A_530 = arith.addf %scan3A_512, %exp3A : vector<16xf32>
      %add3A_531 = arith.constant 16 : i32
      %add3A_532 = arith.addi %mul3A_521, %add3A_531 : i32
      %get3A_533 = arith.constant 0 : i32
      %get3A_534 = arith.constant 2 : i32
      %get3A_535 = arith.index_cast %get3A_533 : i32 to index
      %get3A_536 = arith.index_cast %get3A_534 : i32 to index
      %get3A_537 = arith.index_cast %add3A_532 : i32 to index
      %get3A_538 = tpu.vector_load %arg7[%get3A_535, %get3A_536, %get3A_537] {strides = array<i32>} : memref<2x8x4096xf32, #tpu.memory_space<vmem>>, vector<1x1x16xf32>,
      %get3A_539 = vector.shape_cast %get3A_538 : vector<1x1x16xf32> to vector<16xf32>
      %exp3A_540 = math.exp %get3A_539 : vector<16xf32>
      %add3A_541 = arith.addf %scan3A_513, %exp3A_540 : vector<16xf32>
      %add3A_542 = arith.constant 32 : i32
      %add3A_543 = arith.addi %mul3A_521, %add3A_542 : i32
      %get3A_544 = arith.constant 0 : i32
      %get3A_545 = arith.constant 2 : i32
      %get3A_546 = arith.index_cast %get3A_544 : i32 to index
      %get3A_547 = arith.index_cast %get3A_545 : i32 to index
      %get3A_548 = arith.index_cast %add3A_543 : i32 to index
      %get3A_549 = tpu.vector_load %arg7[%get3A_546, %get3A_547, %get3A_548] {strides = array<i32>} : memref<2x8x4096xf32, #tpu.memory_space<vmem>>, vector<1x1x16xf32>,
      %get3A_550 = vector.shape_cast %get3A_549 : vector<1x1x16xf32> to vector<16xf32>
      %exp3A_551 = math.exp %get3A_550 : vector<16xf32>
      %add3A_552 = arith.addf %scan3A_514, %exp3A_551 : vector<16xf32>
      %add3A_553 = arith.constant 48 : i32
      %add3A_554 = arith.addi %mul3A_521, %add3A_553 : i32
      %get3A_555 = arith.constant 0 : i32
      %get3A_556 = arith.constant 2 : i32
      %get3A_557 = arith.index_cast %get3A_555 : i32 to index
      %get3A_558 = arith.index_cast %get3A_556 : i32 to index
      %get3A_559 = arith.index_cast %add3A_554 : i32 to index
      %get3A_560 = tpu.vector_load %arg7[%get3A_557, %get3A_558, %get3A_559] {strides = array<i32>} : memref<2x8x4096xf32, #tpu.memory_space<vmem>>, vector<1x1x16xf32>,
      %get3A_561 = vector.shape_cast %get3A_560 : vector<1x1x16xf32> to vector<16xf32>
      %exp3A_562 = math.exp %get3A_561 : vector<16xf32>
      %add3A_563 = arith.addf %scan3A_515, %exp3A_562 : vector<16xf32>
      %add3A_564 = arith.constant 64 : i32
      %add3A_565 = arith.addi %mul3A_521, %add3A_564 : i32
      %get3A_566 = arith.constant 0 : i32
      %get3A_567 = arith.constant 2 : i32
      %get3A_568 = arith.index_cast %get3A_566 : i32 to index
      %get3A_569 = arith.index_cast %get3A_567 : i32 to index
      %get3A_570 = arith.index_cast %add3A_565 : i32 to index
      %get3A_571 = tpu.vector_load %arg7[%get3A_568, %get3A_569, %get3A_570] {strides = array<i32>} : memref<2x8x4096xf32, #tpu.memory_space<vmem>>, vector<1x1x16xf32>,
      %get3A_572 = vector.shape_cast %get3A_571 : vector<1x1x16xf32> to vector<16xf32>
      %exp3A_573 = math.exp %get3A_572 : vector<16xf32>
      %add3A_574 = arith.addf %scan3A_516, %exp3A_573 : vector<16xf32>
      %add3A_575 = arith.constant 80 : i32
      %add3A_576 = arith.addi %mul3A_521, %add3A_575 : i32
      %get3A_577 = arith.constant 0 : i32
      %get3A_578 = arith.constant 2 : i32
      %get3A_579 = arith.index_cast %get3A_577 : i32 to index
      %get3A_580 = arith.index_cast %get3A_578 : i32 to index
      %get3A_581 = arith.index_cast %add3A_576 : i32 to index
      %get3A_582 = tpu.vector_load %arg7[%get3A_579, %get3A_580, %get3A_581] {strides = array<i32>} : memref<2x8x4096xf32, #tpu.memory_space<vmem>>, vector<1x1x16xf32>,
      %get3A_583 = vector.shape_cast %get3A_582 : vector<1x1x16xf32> to vector<16xf32>
      %exp3A_584 = math.exp %get3A_583 : vector<16xf32>
      %add3A_585 = arith.addf %scan3A_517, %exp3A_584 : vector<16xf32>
      %add3A_586 = arith.constant 96 : i32
      %add3A_587 = arith.addi %mul3A_521, %add3A_586 : i32
      %get3A_588 = arith.constant 0 : i32
      %get3A_589 = arith.constant 2 : i32
      %get3A_590 = arith.index_cast %get3A_588 : i32 to index
      %get3A_591 = arith.index_cast %get3A_589 : i32 to index
      %get3A_592 = arith.index_cast %add3A_587 : i32 to index
      %get3A_593 = tpu.vector_load %arg7[%get3A_590, %get3A_591, %get3A_592] {strides = array<i32>} : memref<2x8x4096xf32, #tpu.memory_space<vmem>>, vector<1x1x16xf32>,
      %get3A_594 = vector.shape_cast %get3A_593 : vector<1x1x16xf32> to vector<16xf32>
      %exp3A_595 = math.exp %get3A_594 : vector<16xf32>
      %add3A_596 = arith.addf %scan3A_518, %exp3A_595 : vector<16xf32>
      %add3A_597 = arith.constant 112 : i32
      %add3A_598 = arith.addi %mul3A_521, %add3A_597 : i32
      %get3A_599 = arith.constant 0 : i32
      %get3A_600 = arith.constant 2 : i32
      %get3A_601 = arith.index_cast %get3A_599 : i32 to index
      %get3A_602 = arith.index_cast %get3A_600 : i32 to index
      %get3A_603 = arith.index_cast %add3A_598 : i32 to index
      %get3A_604 = tpu.vector_load %arg7[%get3A_601, %get3A_602, %get3A_603] {strides = array<i32>} : memref<2x8x4096xf32, #tpu.memory_space<vmem>>, vector<1x1x16xf32>,
      %get3A_605 = vector.shape_cast %get3A_604 : vector<1x1x16xf32> to vector<16xf32>
      %exp3A_606 = math.exp %get3A_605 : vector<16xf32>
      %add3A_607 = arith.addf %scan3A_519, %exp3A_606 : vector<16xf32>
      scf.yield %add3A_530, %add3A_541, %add3A_552, %add3A_563, %add3A_574, %add3A_585, %add3A_596, %add3A_607 : vector<16xf32>, vector<16xf32>, vector<16xf32>, vector<16xf32>, vector<16xf32>, vector<16xf32>, vector<16xf32>, vector<16xf32>
    }
    %scan3A_117 = arith.constant 32 : i32
    %add3A_118 = arith.addf %scan3A_116#0, %scan3A_116#1 : vector<16xf32>
    %add3A_119 = arith.addf %add3A_118, %scan3A_116#2 : vector<16xf32>
    %add3A_120 = arith.addf %add3A_119, %scan3A_116#3 : vector<16xf32>
    %add3A_121 = arith.addf %add3A_120, %scan3A_116#4 : vector<16xf32>
    %add3A_122 = arith.addf %add3A_121, %scan3A_116#5 : vector<16xf32>
    %add3A_123 = arith.addf %add3A_122, %scan3A_116#6 : vector<16xf32>
    %add3A_124 = arith.addf %add3A_123, %scan3A_116#7 : vector<16xf32>
    %scan3A_125 = arith.constant 0 : i32
    %scan3A_126 = arith.constant 32 : i32
    %scan3A_127 = arith.addi %scan3A_125, %scan3A_126 : i32
    %scan3A_128 = arith.constant 1 : i32
    %scan3A_129:8 = scf.for %scan3A_511 = %scan3A_125 to %scan3A_127 step %scan3A_128 iter_args(%scan3A_512 = %broadcast_in_dim3A_55, %scan3A_513 = %broadcast_in_dim3A_55, %scan3A_514 = %broadcast_in_dim3A_55, %scan3A_515 = %broadcast_in_dim3A_55, %scan3A_516 = %broadcast_in_dim3A_55, %scan3A_517 = %broadcast_in_dim3A_55, %scan3A_518 = %broadcast_in_dim3A_55, %scan3A_519 = %broadcast_in_dim3A_55) -> (vector<16xf32>, vector<16xf32>, vector<16xf32>, vector<16xf32>, vector<16xf32>, vector<16xf32>, vector<16xf32>, vector<16xf32>)  : i32 {
      %mul3A_520 = arith.constant 128 : i32
      %mul3A_521 = arith.muli %scan3A_511, %mul3A_520 : i32
      %add3A_522 = arith.constant 0 : i32
      %add3A_523 = arith.addi %mul3A_521, %add3A_522 : i32
      %get3A = arith.constant 0 : i32
      %get3A_524 = arith.constant 3 : i32
      %get3A_525 = arith.index_cast %get3A : i32 to index
      %get3A_526 = arith.index_cast %get3A_524 : i32 to index
      %get3A_527 = arith.index_cast %add3A_523 : i32 to index
      %get3A_528 = tpu.vector_load %arg7[%get3A_525, %get3A_526, %get3A_527] {strides = array<i32>} : memref<2x8x4096xf32, #tpu.memory_space<vmem>>, vector<1x1x16xf32>,
      %get3A_529 = vector.shape_cast %get3A_528 : vector<1x1x16xf32> to vector<16xf32>
      %exp3A = math.exp %get3A_529 : vector<16xf32>
      %add3A_530 = arith.addf %scan3A_512, %exp3A : vector<16xf32>
      %add3A_531 = arith.constant 16 : i32
      %add3A_532 = arith.addi %mul3A_521, %add3A_531 : i32
      %get3A_533 = arith.constant 0 : i32
      %get3A_534 = arith.constant 3 : i32
      %get3A_535 = arith.index_cast %get3A_533 : i32 to index
      %get3A_536 = arith.index_cast %get3A_534 : i32 to index
      %get3A_537 = arith.index_cast %add3A_532 : i32 to index
      %get3A_538 = tpu.vector_load %arg7[%get3A_535, %get3A_536, %get3A_537] {strides = array<i32>} : memref<2x8x4096xf32, #tpu.memory_space<vmem>>, vector<1x1x16xf32>,
      %get3A_539 = vector.shape_cast %get3A_538 : vector<1x1x16xf32> to vector<16xf32>
      %exp3A_540 = math.exp %get3A_539 : vector<16xf32>
      %add3A_541 = arith.addf %scan3A_513, %exp3A_540 : vector<16xf32>
      %add3A_542 = arith.constant 32 : i32
      %add3A_543 = arith.addi %mul3A_521, %add3A_542 : i32
      %get3A_544 = arith.constant 0 : i32
      %get3A_545 = arith.constant 3 : i32
      %get3A_546 = arith.index_cast %get3A_544 : i32 to index
      %get3A_547 = arith.index_cast %get3A_545 : i32 to index
      %get3A_548 = arith.index_cast %add3A_543 : i32 to index
      %get3A_549 = tpu.vector_load %arg7[%get3A_546, %get3A_547, %get3A_548] {strides = array<i32>} : memref<2x8x4096xf32, #tpu.memory_space<vmem>>, vector<1x1x16xf32>,
      %get3A_550 = vector.shape_cast %get3A_549 : vector<1x1x16xf32> to vector<16xf32>
      %exp3A_551 = math.exp %get3A_550 : vector<16xf32>
      %add3A_552 = arith.addf %scan3A_514, %exp3A_551 : vector<16xf32>
      %add3A_553 = arith.constant 48 : i32
      %add3A_554 = arith.addi %mul3A_521, %add3A_553 : i32
      %get3A_555 = arith.constant 0 : i32
      %get3A_556 = arith.constant 3 : i32
      %get3A_557 = arith.index_cast %get3A_555 : i32 to index
      %get3A_558 = arith.index_cast %get3A_556 : i32 to index
      %get3A_559 = arith.index_cast %add3A_554 : i32 to index
      %get3A_560 = tpu.vector_load %arg7[%get3A_557, %get3A_558, %get3A_559] {strides = array<i32>} : memref<2x8x4096xf32, #tpu.memory_space<vmem>>, vector<1x1x16xf32>,
      %get3A_561 = vector.shape_cast %get3A_560 : vector<1x1x16xf32> to vector<16xf32>
      %exp3A_562 = math.exp %get3A_561 : vector<16xf32>
      %add3A_563 = arith.addf %scan3A_515, %exp3A_562 : vector<16xf32>
      %add3A_564 = arith.constant 64 : i32
      %add3A_565 = arith.addi %mul3A_521, %add3A_564 : i32
      %get3A_566 = arith.constant 0 : i32
      %get3A_567 = arith.constant 3 : i32
      %get3A_568 = arith.index_cast %get3A_566 : i32 to index
      %get3A_569 = arith.index_cast %get3A_567 : i32 to index
      %get3A_570 = arith.index_cast %add3A_565 : i32 to index
      %get3A_571 = tpu.vector_load %arg7[%get3A_568, %get3A_569, %get3A_570] {strides = array<i32>} : memref<2x8x4096xf32, #tpu.memory_space<vmem>>, vector<1x1x16xf32>,
      %get3A_572 = vector.shape_cast %get3A_571 : vector<1x1x16xf32> to vector<16xf32>
      %exp3A_573 = math.exp %get3A_572 : vector<16xf32>
      %add3A_574 = arith.addf %scan3A_516, %exp3A_573 : vector<16xf32>
      %add3A_575 = arith.constant 80 : i32
      %add3A_576 = arith.addi %mul3A_521, %add3A_575 : i32
      %get3A_577 = arith.constant 0 : i32
      %get3A_578 = arith.constant 3 : i32
      %get3A_579 = arith.index_cast %get3A_577 : i32 to index
      %get3A_580 = arith.index_cast %get3A_578 : i32 to index
      %get3A_581 = arith.index_cast %add3A_576 : i32 to index
      %get3A_582 = tpu.vector_load %arg7[%get3A_579, %get3A_580, %get3A_581] {strides = array<i32>} : memref<2x8x4096xf32, #tpu.memory_space<vmem>>, vector<1x1x16xf32>,
      %get3A_583 = vector.shape_cast %get3A_582 : vector<1x1x16xf32> to vector<16xf32>
      %exp3A_584 = math.exp %get3A_583 : vector<16xf32>
      %add3A_585 = arith.addf %scan3A_517, %exp3A_584 : vector<16xf32>
      %add3A_586 = arith.constant 96 : i32
      %add3A_587 = arith.addi %mul3A_521, %add3A_586 : i32
      %get3A_588 = arith.constant 0 : i32
      %get3A_589 = arith.constant 3 : i32
      %get3A_590 = arith.index_cast %get3A_588 : i32 to index
      %get3A_591 = arith.index_cast %get3A_589 : i32 to index
      %get3A_592 = arith.index_cast %add3A_587 : i32 to index
      %get3A_593 = tpu.vector_load %arg7[%get3A_590, %get3A_591, %get3A_592] {strides = array<i32>} : memref<2x8x4096xf32, #tpu.memory_space<vmem>>, vector<1x1x16xf32>,
      %get3A_594 = vector.shape_cast %get3A_593 : vector<1x1x16xf32> to vector<16xf32>
      %exp3A_595 = math.exp %get3A_594 : vector<16xf32>
      %add3A_596 = arith.addf %scan3A_518, %exp3A_595 : vector<16xf32>
      %add3A_597 = arith.constant 112 : i32
      %add3A_598 = arith.addi %mul3A_521, %add3A_597 : i32
      %get3A_599 = arith.constant 0 : i32
      %get3A_600 = arith.constant 3 : i32
      %get3A_601 = arith.index_cast %get3A_599 : i32 to index
      %get3A_602 = arith.index_cast %get3A_600 : i32 to index
      %get3A_603 = arith.index_cast %add3A_598 : i32 to index
      %get3A_604 = tpu.vector_load %arg7[%get3A_601, %get3A_602, %get3A_603] {strides = array<i32>} : memref<2x8x4096xf32, #tpu.memory_space<vmem>>, vector<1x1x16xf32>,
      %get3A_605 = vector.shape_cast %get3A_604 : vector<1x1x16xf32> to vector<16xf32>
      %exp3A_606 = math.exp %get3A_605 : vector<16xf32>
      %add3A_607 = arith.addf %scan3A_519, %exp3A_606 : vector<16xf32>
      scf.yield %add3A_530, %add3A_541, %add3A_552, %add3A_563, %add3A_574, %add3A_585, %add3A_596, %add3A_607 : vector<16xf32>, vector<16xf32>, vector<16xf32>, vector<16xf32>, vector<16xf32>, vector<16xf32>, vector<16xf32>, vector<16xf32>
    }
    %scan3A_130 = arith.constant 32 : i32
    %add3A_131 = arith.addf %scan3A_129#0, %scan3A_129#1 : vector<16xf32>
    %add3A_132 = arith.addf %add3A_131, %scan3A_129#2 : vector<16xf32>
    %add3A_133 = arith.addf %add3A_132, %scan3A_129#3 : vector<16xf32>
    %add3A_134 = arith.addf %add3A_133, %scan3A_129#4 : vector<16xf32>
    %add3A_135 = arith.addf %add3A_134, %scan3A_129#5 : vector<16xf32>
    %add3A_136 = arith.addf %add3A_135, %scan3A_129#6 : vector<16xf32>
    %add3A_137 = arith.addf %add3A_136, %scan3A_129#7 : vector<16xf32>
    %scan3A_138 = arith.constant 0 : i32
    %scan3A_139 = arith.constant 32 : i32
    %scan3A_140 = arith.addi %scan3A_138, %scan3A_139 : i32
    %scan3A_141 = arith.constant 1 : i32
    %scan3A_142:8 = scf.for %scan3A_511 = %scan3A_138 to %scan3A_140 step %scan3A_141 iter_args(%scan3A_512 = %broadcast_in_dim3A_55, %scan3A_513 = %broadcast_in_dim3A_55, %scan3A_514 = %broadcast_in_dim3A_55, %scan3A_515 = %broadcast_in_dim3A_55, %scan3A_516 = %broadcast_in_dim3A_55, %scan3A_517 = %broadcast_in_dim3A_55, %scan3A_518 = %broadcast_in_dim3A_55, %scan3A_519 = %broadcast_in_dim3A_55) -> (vector<16xf32>, vector<16xf32>, vector<16xf32>, vector<16xf32>, vector<16xf32>, vector<16xf32>, vector<16xf32>, vector<16xf32>)  : i32 {
      %mul3A_520 = arith.constant 128 : i32
      %mul3A_521 = arith.muli %scan3A_511, %mul3A_520 : i32
      %add3A_522 = arith.constant 0 : i32
      %add3A_523 = arith.addi %mul3A_521, %add3A_522 : i32
      %get3A = arith.constant 0 : i32
      %get3A_524 = arith.constant 4 : i32
      %get3A_525 = arith.index_cast %get3A : i32 to index
      %get3A_526 = arith.index_cast %get3A_524 : i32 to index
      %get3A_527 = arith.index_cast %add3A_523 : i32 to index
      %get3A_528 = tpu.vector_load %arg7[%get3A_525, %get3A_526, %get3A_527] {strides = array<i32>} : memref<2x8x4096xf32, #tpu.memory_space<vmem>>, vector<1x1x16xf32>,
      %get3A_529 = vector.shape_cast %get3A_528 : vector<1x1x16xf32> to vector<16xf32>
      %exp3A = math.exp %get3A_529 : vector<16xf32>
      %add3A_530 = arith.addf %scan3A_512, %exp3A : vector<16xf32>
      %add3A_531 = arith.constant 16 : i32
      %add3A_532 = arith.addi %mul3A_521, %add3A_531 : i32
      %get3A_533 = arith.constant 0 : i32
      %get3A_534 = arith.constant 4 : i32
      %get3A_535 = arith.index_cast %get3A_533 : i32 to index
      %get3A_536 = arith.index_cast %get3A_534 : i32 to index
      %get3A_537 = arith.index_cast %add3A_532 : i32 to index
      %get3A_538 = tpu.vector_load %arg7[%get3A_535, %get3A_536, %get3A_537] {strides = array<i32>} : memref<2x8x4096xf32, #tpu.memory_space<vmem>>, vector<1x1x16xf32>,
      %get3A_539 = vector.shape_cast %get3A_538 : vector<1x1x16xf32> to vector<16xf32>
      %exp3A_540 = math.exp %get3A_539 : vector<16xf32>
      %add3A_541 = arith.addf %scan3A_513, %exp3A_540 : vector<16xf32>
      %add3A_542 = arith.constant 32 : i32
      %add3A_543 = arith.addi %mul3A_521, %add3A_542 : i32
      %get3A_544 = arith.constant 0 : i32
      %get3A_545 = arith.constant 4 : i32
      %get3A_546 = arith.index_cast %get3A_544 : i32 to index
      %get3A_547 = arith.index_cast %get3A_545 : i32 to index
      %get3A_548 = arith.index_cast %add3A_543 : i32 to index
      %get3A_549 = tpu.vector_load %arg7[%get3A_546, %get3A_547, %get3A_548] {strides = array<i32>} : memref<2x8x4096xf32, #tpu.memory_space<vmem>>, vector<1x1x16xf32>,
      %get3A_550 = vector.shape_cast %get3A_549 : vector<1x1x16xf32> to vector<16xf32>
      %exp3A_551 = math.exp %get3A_550 : vector<16xf32>
      %add3A_552 = arith.addf %scan3A_514, %exp3A_551 : vector<16xf32>
      %add3A_553 = arith.constant 48 : i32
      %add3A_554 = arith.addi %mul3A_521, %add3A_553 : i32
      %get3A_555 = arith.constant 0 : i32
      %get3A_556 = arith.constant 4 : i32
      %get3A_557 = arith.index_cast %get3A_555 : i32 to index
      %get3A_558 = arith.index_cast %get3A_556 : i32 to index
      %get3A_559 = arith.index_cast %add3A_554 : i32 to index
      %get3A_560 = tpu.vector_load %arg7[%get3A_557, %get3A_558, %get3A_559] {strides = array<i32>} : memref<2x8x4096xf32, #tpu.memory_space<vmem>>, vector<1x1x16xf32>,
      %get3A_561 = vector.shape_cast %get3A_560 : vector<1x1x16xf32> to vector<16xf32>
      %exp3A_562 = math.exp %get3A_561 : vector<16xf32>
      %add3A_563 = arith.addf %scan3A_515, %exp3A_562 : vector<16xf32>
      %add3A_564 = arith.constant 64 : i32
      %add3A_565 = arith.addi %mul3A_521, %add3A_564 : i32
      %get3A_566 = arith.constant 0 : i32
      %get3A_567 = arith.constant 4 : i32
      %get3A_568 = arith.index_cast %get3A_566 : i32 to index
      %get3A_569 = arith.index_cast %get3A_567 : i32 to index
      %get3A_570 = arith.index_cast %add3A_565 : i32 to index
      %get3A_571 = tpu.vector_load %arg7[%get3A_568, %get3A_569, %get3A_570] {strides = array<i32>} : memref<2x8x4096xf32, #tpu.memory_space<vmem>>, vector<1x1x16xf32>,
      %get3A_572 = vector.shape_cast %get3A_571 : vector<1x1x16xf32> to vector<16xf32>
      %exp3A_573 = math.exp %get3A_572 : vector<16xf32>
      %add3A_574 = arith.addf %scan3A_516, %exp3A_573 : vector<16xf32>
      %add3A_575 = arith.constant 80 : i32
      %add3A_576 = arith.addi %mul3A_521, %add3A_575 : i32
      %get3A_577 = arith.constant 0 : i32
      %get3A_578 = arith.constant 4 : i32
      %get3A_579 = arith.index_cast %get3A_577 : i32 to index
      %get3A_580 = arith.index_cast %get3A_578 : i32 to index
      %get3A_581 = arith.index_cast %add3A_576 : i32 to index
      %get3A_582 = tpu.vector_load %arg7[%get3A_579, %get3A_580, %get3A_581] {strides = array<i32>} : memref<2x8x4096xf32, #tpu.memory_space<vmem>>, vector<1x1x16xf32>,
      %get3A_583 = vector.shape_cast %get3A_582 : vector<1x1x16xf32> to vector<16xf32>
      %exp3A_584 = math.exp %get3A_583 : vector<16xf32>
      %add3A_585 = arith.addf %scan3A_517, %exp3A_584 : vector<16xf32>
      %add3A_586 = arith.constant 96 : i32
      %add3A_587 = arith.addi %mul3A_521, %add3A_586 : i32
      %get3A_588 = arith.constant 0 : i32
      %get3A_589 = arith.constant 4 : i32
      %get3A_590 = arith.index_cast %get3A_588 : i32 to index
      %get3A_591 = arith.index_cast %get3A_589 : i32 to index
      %get3A_592 = arith.index_cast %add3A_587 : i32 to index
      %get3A_593 = tpu.vector_load %arg7[%get3A_590, %get3A_591, %get3A_592] {strides = array<i32>} : memref<2x8x4096xf32, #tpu.memory_space<vmem>>, vector<1x1x16xf32>,
      %get3A_594 = vector.shape_cast %get3A_593 : vector<1x1x16xf32> to vector<16xf32>
      %exp3A_595 = math.exp %get3A_594 : vector<16xf32>
      %add3A_596 = arith.addf %scan3A_518, %exp3A_595 : vector<16xf32>
      %add3A_597 = arith.constant 112 : i32
      %add3A_598 = arith.addi %mul3A_521, %add3A_597 : i32
      %get3A_599 = arith.constant 0 : i32
      %get3A_600 = arith.constant 4 : i32
      %get3A_601 = arith.index_cast %get3A_599 : i32 to index
      %get3A_602 = arith.index_cast %get3A_600 : i32 to index
      %get3A_603 = arith.index_cast %add3A_598 : i32 to index
      %get3A_604 = tpu.vector_load %arg7[%get3A_601, %get3A_602, %get3A_603] {strides = array<i32>} : memref<2x8x4096xf32, #tpu.memory_space<vmem>>, vector<1x1x16xf32>,
      %get3A_605 = vector.shape_cast %get3A_604 : vector<1x1x16xf32> to vector<16xf32>
      %exp3A_606 = math.exp %get3A_605 : vector<16xf32>
      %add3A_607 = arith.addf %scan3A_519, %exp3A_606 : vector<16xf32>
      scf.yield %add3A_530, %add3A_541, %add3A_552, %add3A_563, %add3A_574, %add3A_585, %add3A_596, %add3A_607 : vector<16xf32>, vector<16xf32>, vector<16xf32>, vector<16xf32>, vector<16xf32>, vector<16xf32>, vector<16xf32>, vector<16xf32>
    }
    %scan3A_143 = arith.constant 32 : i32
    %add3A_144 = arith.addf %scan3A_142#0, %scan3A_142#1 : vector<16xf32>
    %add3A_145 = arith.addf %add3A_144, %scan3A_142#2 : vector<16xf32>
    %add3A_146 = arith.addf %add3A_145, %scan3A_142#3 : vector<16xf32>
    %add3A_147 = arith.addf %add3A_146, %scan3A_142#4 : vector<16xf32>
    %add3A_148 = arith.addf %add3A_147, %scan3A_142#5 : vector<16xf32>
    %add3A_149 = arith.addf %add3A_148, %scan3A_142#6 : vector<16xf32>
    %add3A_150 = arith.addf %add3A_149, %scan3A_142#7 : vector<16xf32>
    %scan3A_151 = arith.constant 0 : i32
    %scan3A_152 = arith.constant 32 : i32
    %scan3A_153 = arith.addi %scan3A_151, %scan3A_152 : i32
    %scan3A_154 = arith.constant 1 : i32
    %scan3A_155:8 = scf.for %scan3A_511 = %scan3A_151 to %scan3A_153 step %scan3A_154 iter_args(%scan3A_512 = %broadcast_in_dim3A_55, %scan3A_513 = %broadcast_in_dim3A_55, %scan3A_514 = %broadcast_in_dim3A_55, %scan3A_515 = %broadcast_in_dim3A_55, %scan3A_516 = %broadcast_in_dim3A_55, %scan3A_517 = %broadcast_in_dim3A_55, %scan3A_518 = %broadcast_in_dim3A_55, %scan3A_519 = %broadcast_in_dim3A_55) -> (vector<16xf32>, vector<16xf32>, vector<16xf32>, vector<16xf32>, vector<16xf32>, vector<16xf32>, vector<16xf32>, vector<16xf32>)  : i32 {
      %mul3A_520 = arith.constant 128 : i32
      %mul3A_521 = arith.muli %scan3A_511, %mul3A_520 : i32
      %add3A_522 = arith.constant 0 : i32
      %add3A_523 = arith.addi %mul3A_521, %add3A_522 : i32
      %get3A = arith.constant 0 : i32
      %get3A_524 = arith.constant 5 : i32
      %get3A_525 = arith.index_cast %get3A : i32 to index
      %get3A_526 = arith.index_cast %get3A_524 : i32 to index
      %get3A_527 = arith.index_cast %add3A_523 : i32 to index
      %get3A_528 = tpu.vector_load %arg7[%get3A_525, %get3A_526, %get3A_527] {strides = array<i32>} : memref<2x8x4096xf32, #tpu.memory_space<vmem>>, vector<1x1x16xf32>,
      %get3A_529 = vector.shape_cast %get3A_528 : vector<1x1x16xf32> to vector<16xf32>
      %exp3A = math.exp %get3A_529 : vector<16xf32>
      %add3A_530 = arith.addf %scan3A_512, %exp3A : vector<16xf32>
      %add3A_531 = arith.constant 16 : i32
      %add3A_532 = arith.addi %mul3A_521, %add3A_531 : i32
      %get3A_533 = arith.constant 0 : i32
      %get3A_534 = arith.constant 5 : i32
      %get3A_535 = arith.index_cast %get3A_533 : i32 to index
      %get3A_536 = arith.index_cast %get3A_534 : i32 to index
      %get3A_537 = arith.index_cast %add3A_532 : i32 to index
      %get3A_538 = tpu.vector_load %arg7[%get3A_535, %get3A_536, %get3A_537] {strides = array<i32>} : memref<2x8x4096xf32, #tpu.memory_space<vmem>>, vector<1x1x16xf32>,
      %get3A_539 = vector.shape_cast %get3A_538 : vector<1x1x16xf32> to vector<16xf32>
      %exp3A_540 = math.exp %get3A_539 : vector<16xf32>
      %add3A_541 = arith.addf %scan3A_513, %exp3A_540 : vector<16xf32>
      %add3A_542 = arith.constant 32 : i32
      %add3A_543 = arith.addi %mul3A_521, %add3A_542 : i32
      %get3A_544 = arith.constant 0 : i32
      %get3A_545 = arith.constant 5 : i32
      %get3A_546 = arith.index_cast %get3A_544 : i32 to index
      %get3A_547 = arith.index_cast %get3A_545 : i32 to index
      %get3A_548 = arith.index_cast %add3A_543 : i32 to index
      %get3A_549 = tpu.vector_load %arg7[%get3A_546, %get3A_547, %get3A_548] {strides = array<i32>} : memref<2x8x4096xf32, #tpu.memory_space<vmem>>, vector<1x1x16xf32>,
      %get3A_550 = vector.shape_cast %get3A_549 : vector<1x1x16xf32> to vector<16xf32>
      %exp3A_551 = math.exp %get3A_550 : vector<16xf32>
      %add3A_552 = arith.addf %scan3A_514, %exp3A_551 : vector<16xf32>
      %add3A_553 = arith.constant 48 : i32
      %add3A_554 = arith.addi %mul3A_521, %add3A_553 : i32
      %get3A_555 = arith.constant 0 : i32
      %get3A_556 = arith.constant 5 : i32
      %get3A_557 = arith.index_cast %get3A_555 : i32 to index
      %get3A_558 = arith.index_cast %get3A_556 : i32 to index
      %get3A_559 = arith.index_cast %add3A_554 : i32 to index
      %get3A_560 = tpu.vector_load %arg7[%get3A_557, %get3A_558, %get3A_559] {strides = array<i32>} : memref<2x8x4096xf32, #tpu.memory_space<vmem>>, vector<1x1x16xf32>,
      %get3A_561 = vector.shape_cast %get3A_560 : vector<1x1x16xf32> to vector<16xf32>
      %exp3A_562 = math.exp %get3A_561 : vector<16xf32>
      %add3A_563 = arith.addf %scan3A_515, %exp3A_562 : vector<16xf32>
      %add3A_564 = arith.constant 64 : i32
      %add3A_565 = arith.addi %mul3A_521, %add3A_564 : i32
      %get3A_566 = arith.constant 0 : i32
      %get3A_567 = arith.constant 5 : i32
      %get3A_568 = arith.index_cast %get3A_566 : i32 to index
      %get3A_569 = arith.index_cast %get3A_567 : i32 to index
      %get3A_570 = arith.index_cast %add3A_565 : i32 to index
      %get3A_571 = tpu.vector_load %arg7[%get3A_568, %get3A_569, %get3A_570] {strides = array<i32>} : memref<2x8x4096xf32, #tpu.memory_space<vmem>>, vector<1x1x16xf32>,
      %get3A_572 = vector.shape_cast %get3A_571 : vector<1x1x16xf32> to vector<16xf32>
      %exp3A_573 = math.exp %get3A_572 : vector<16xf32>
      %add3A_574 = arith.addf %scan3A_516, %exp3A_573 : vector<16xf32>
      %add3A_575 = arith.constant 80 : i32
      %add3A_576 = arith.addi %mul3A_521, %add3A_575 : i32
      %get3A_577 = arith.constant 0 : i32
      %get3A_578 = arith.constant 5 : i32
      %get3A_579 = arith.index_cast %get3A_577 : i32 to index
      %get3A_580 = arith.index_cast %get3A_578 : i32 to index
      %get3A_581 = arith.index_cast %add3A_576 : i32 to index
      %get3A_582 = tpu.vector_load %arg7[%get3A_579, %get3A_580, %get3A_581] {strides = array<i32>} : memref<2x8x4096xf32, #tpu.memory_space<vmem>>, vector<1x1x16xf32>,
      %get3A_583 = vector.shape_cast %get3A_582 : vector<1x1x16xf32> to vector<16xf32>
      %exp3A_584 = math.exp %get3A_583 : vector<16xf32>
      %add3A_585 = arith.addf %scan3A_517, %exp3A_584 : vector<16xf32>
      %add3A_586 = arith.constant 96 : i32
      %add3A_587 = arith.addi %mul3A_521, %add3A_586 : i32
      %get3A_588 = arith.constant 0 : i32
      %get3A_589 = arith.constant 5 : i32
      %get3A_590 = arith.index_cast %get3A_588 : i32 to index
      %get3A_591 = arith.index_cast %get3A_589 : i32 to index
      %get3A_592 = arith.index_cast %add3A_587 : i32 to index
      %get3A_593 = tpu.vector_load %arg7[%get3A_590, %get3A_591, %get3A_592] {strides = array<i32>} : memref<2x8x4096xf32, #tpu.memory_space<vmem>>, vector<1x1x16xf32>,
      %get3A_594 = vector.shape_cast %get3A_593 : vector<1x1x16xf32> to vector<16xf32>
      %exp3A_595 = math.exp %get3A_594 : vector<16xf32>
      %add3A_596 = arith.addf %scan3A_518, %exp3A_595 : vector<16xf32>
      %add3A_597 = arith.constant 112 : i32
      %add3A_598 = arith.addi %mul3A_521, %add3A_597 : i32
      %get3A_599 = arith.constant 0 : i32
      %get3A_600 = arith.constant 5 : i32
      %get3A_601 = arith.index_cast %get3A_599 : i32 to index
      %get3A_602 = arith.index_cast %get3A_600 : i32 to index
      %get3A_603 = arith.index_cast %add3A_598 : i32 to index
      %get3A_604 = tpu.vector_load %arg7[%get3A_601, %get3A_602, %get3A_603] {strides = array<i32>} : memref<2x8x4096xf32, #tpu.memory_space<vmem>>, vector<1x1x16xf32>,
      %get3A_605 = vector.shape_cast %get3A_604 : vector<1x1x16xf32> to vector<16xf32>
      %exp3A_606 = math.exp %get3A_605 : vector<16xf32>
      %add3A_607 = arith.addf %scan3A_519, %exp3A_606 : vector<16xf32>
      scf.yield %add3A_530, %add3A_541, %add3A_552, %add3A_563, %add3A_574, %add3A_585, %add3A_596, %add3A_607 : vector<16xf32>, vector<16xf32>, vector<16xf32>, vector<16xf32>, vector<16xf32>, vector<16xf32>, vector<16xf32>, vector<16xf32>
    }
    %scan3A_156 = arith.constant 32 : i32
    %add3A_157 = arith.addf %scan3A_155#0, %scan3A_155#1 : vector<16xf32>
    %add3A_158 = arith.addf %add3A_157, %scan3A_155#2 : vector<16xf32>
    %add3A_159 = arith.addf %add3A_158, %scan3A_155#3 : vector<16xf32>
    %add3A_160 = arith.addf %add3A_159, %scan3A_155#4 : vector<16xf32>
    %add3A_161 = arith.addf %add3A_160, %scan3A_155#5 : vector<16xf32>
    %add3A_162 = arith.addf %add3A_161, %scan3A_155#6 : vector<16xf32>
    %add3A_163 = arith.addf %add3A_162, %scan3A_155#7 : vector<16xf32>
    %scan3A_164 = arith.constant 0 : i32
    %scan3A_165 = arith.constant 32 : i32
    %scan3A_166 = arith.addi %scan3A_164, %scan3A_165 : i32
    %scan3A_167 = arith.constant 1 : i32
    %scan3A_168:8 = scf.for %scan3A_511 = %scan3A_164 to %scan3A_166 step %scan3A_167 iter_args(%scan3A_512 = %broadcast_in_dim3A_55, %scan3A_513 = %broadcast_in_dim3A_55, %scan3A_514 = %broadcast_in_dim3A_55, %scan3A_515 = %broadcast_in_dim3A_55, %scan3A_516 = %broadcast_in_dim3A_55, %scan3A_517 = %broadcast_in_dim3A_55, %scan3A_518 = %broadcast_in_dim3A_55, %scan3A_519 = %broadcast_in_dim3A_55) -> (vector<16xf32>, vector<16xf32>, vector<16xf32>, vector<16xf32>, vector<16xf32>, vector<16xf32>, vector<16xf32>, vector<16xf32>)  : i32 {
      %mul3A_520 = arith.constant 128 : i32
      %mul3A_521 = arith.muli %scan3A_511, %mul3A_520 : i32
      %add3A_522 = arith.constant 0 : i32
      %add3A_523 = arith.addi %mul3A_521, %add3A_522 : i32
      %get3A = arith.constant 0 : i32
      %get3A_524 = arith.constant 6 : i32
      %get3A_525 = arith.index_cast %get3A : i32 to index
      %get3A_526 = arith.index_cast %get3A_524 : i32 to index
      %get3A_527 = arith.index_cast %add3A_523 : i32 to index
      %get3A_528 = tpu.vector_load %arg7[%get3A_525, %get3A_526, %get3A_527] {strides = array<i32>} : memref<2x8x4096xf32, #tpu.memory_space<vmem>>, vector<1x1x16xf32>,
      %get3A_529 = vector.shape_cast %get3A_528 : vector<1x1x16xf32> to vector<16xf32>
      %exp3A = math.exp %get3A_529 : vector<16xf32>
      %add3A_530 = arith.addf %scan3A_512, %exp3A : vector<16xf32>
      %add3A_531 = arith.constant 16 : i32
      %add3A_532 = arith.addi %mul3A_521, %add3A_531 : i32
      %get3A_533 = arith.constant 0 : i32
      %get3A_534 = arith.constant 6 : i32
      %get3A_535 = arith.index_cast %get3A_533 : i32 to index
      %get3A_536 = arith.index_cast %get3A_534 : i32 to index
      %get3A_537 = arith.index_cast %add3A_532 : i32 to index
      %get3A_538 = tpu.vector_load %arg7[%get3A_535, %get3A_536, %get3A_537] {strides = array<i32>} : memref<2x8x4096xf32, #tpu.memory_space<vmem>>, vector<1x1x16xf32>,
      %get3A_539 = vector.shape_cast %get3A_538 : vector<1x1x16xf32> to vector<16xf32>
      %exp3A_540 = math.exp %get3A_539 : vector<16xf32>
      %add3A_541 = arith.addf %scan3A_513, %exp3A_540 : vector<16xf32>
      %add3A_542 = arith.constant 32 : i32
      %add3A_543 = arith.addi %mul3A_521, %add3A_542 : i32
      %get3A_544 = arith.constant 0 : i32
      %get3A_545 = arith.constant 6 : i32
      %get3A_546 = arith.index_cast %get3A_544 : i32 to index
      %get3A_547 = arith.index_cast %get3A_545 : i32 to index
      %get3A_548 = arith.index_cast %add3A_543 : i32 to index
      %get3A_549 = tpu.vector_load %arg7[%get3A_546, %get3A_547, %get3A_548] {strides = array<i32>} : memref<2x8x4096xf32, #tpu.memory_space<vmem>>, vector<1x1x16xf32>,
      %get3A_550 = vector.shape_cast %get3A_549 : vector<1x1x16xf32> to vector<16xf32>
      %exp3A_551 = math.exp %get3A_550 : vector<16xf32>
      %add3A_552 = arith.addf %scan3A_514, %exp3A_551 : vector<16xf32>
      %add3A_553 = arith.constant 48 : i32
      %add3A_554 = arith.addi %mul3A_521, %add3A_553 : i32
      %get3A_555 = arith.constant 0 : i32
      %get3A_556 = arith.constant 6 : i32
      %get3A_557 = arith.index_cast %get3A_555 : i32 to index
      %get3A_558 = arith.index_cast %get3A_556 : i32 to index
      %get3A_559 = arith.index_cast %add3A_554 : i32 to index
      %get3A_560 = tpu.vector_load %arg7[%get3A_557, %get3A_558, %get3A_559] {strides = array<i32>} : memref<2x8x4096xf32, #tpu.memory_space<vmem>>, vector<1x1x16xf32>,
      %get3A_561 = vector.shape_cast %get3A_560 : vector<1x1x16xf32> to vector<16xf32>
      %exp3A_562 = math.exp %get3A_561 : vector<16xf32>
      %add3A_563 = arith.addf %scan3A_515, %exp3A_562 : vector<16xf32>
      %add3A_564 = arith.constant 64 : i32
      %add3A_565 = arith.addi %mul3A_521, %add3A_564 : i32
      %get3A_566 = arith.constant 0 : i32
      %get3A_567 = arith.constant 6 : i32
      %get3A_568 = arith.index_cast %get3A_566 : i32 to index
      %get3A_569 = arith.index_cast %get3A_567 : i32 to index
      %get3A_570 = arith.index_cast %add3A_565 : i32 to index
      %get3A_571 = tpu.vector_load %arg7[%get3A_568, %get3A_569, %get3A_570] {strides = array<i32>} : memref<2x8x4096xf32, #tpu.memory_space<vmem>>, vector<1x1x16xf32>,
      %get3A_572 = vector.shape_cast %get3A_571 : vector<1x1x16xf32> to vector<16xf32>
      %exp3A_573 = math.exp %get3A_572 : vector<16xf32>
      %add3A_574 = arith.addf %scan3A_516, %exp3A_573 : vector<16xf32>
      %add3A_575 = arith.constant 80 : i32
      %add3A_576 = arith.addi %mul3A_521, %add3A_575 : i32
      %get3A_577 = arith.constant 0 : i32
      %get3A_578 = arith.constant 6 : i32
      %get3A_579 = arith.index_cast %get3A_577 : i32 to index
      %get3A_580 = arith.index_cast %get3A_578 : i32 to index
      %get3A_581 = arith.index_cast %add3A_576 : i32 to index
      %get3A_582 = tpu.vector_load %arg7[%get3A_579, %get3A_580, %get3A_581] {strides = array<i32>} : memref<2x8x4096xf32, #tpu.memory_space<vmem>>, vector<1x1x16xf32>,
      %get3A_583 = vector.shape_cast %get3A_582 : vector<1x1x16xf32> to vector<16xf32>
      %exp3A_584 = math.exp %get3A_583 : vector<16xf32>
      %add3A_585 = arith.addf %scan3A_517, %exp3A_584 : vector<16xf32>
      %add3A_586 = arith.constant 96 : i32
      %add3A_587 = arith.addi %mul3A_521, %add3A_586 : i32
      %get3A_588 = arith.constant 0 : i32
      %get3A_589 = arith.constant 6 : i32
      %get3A_590 = arith.index_cast %get3A_588 : i32 to index
      %get3A_591 = arith.index_cast %get3A_589 : i32 to index
      %get3A_592 = arith.index_cast %add3A_587 : i32 to index
      %get3A_593 = tpu.vector_load %arg7[%get3A_590, %get3A_591, %get3A_592] {strides = array<i32>} : memref<2x8x4096xf32, #tpu.memory_space<vmem>>, vector<1x1x16xf32>,
      %get3A_594 = vector.shape_cast %get3A_593 : vector<1x1x16xf32> to vector<16xf32>
      %exp3A_595 = math.exp %get3A_594 : vector<16xf32>
      %add3A_596 = arith.addf %scan3A_518, %exp3A_595 : vector<16xf32>
      %add3A_597 = arith.constant 112 : i32
      %add3A_598 = arith.addi %mul3A_521, %add3A_597 : i32
      %get3A_599 = arith.constant 0 : i32
      %get3A_600 = arith.constant 6 : i32
      %get3A_601 = arith.index_cast %get3A_599 : i32 to index
      %get3A_602 = arith.index_cast %get3A_600 : i32 to index
      %get3A_603 = arith.index_cast %add3A_598 : i32 to index
      %get3A_604 = tpu.vector_load %arg7[%get3A_601, %get3A_602, %get3A_603] {strides = array<i32>} : memref<2x8x4096xf32, #tpu.memory_space<vmem>>, vector<1x1x16xf32>,
      %get3A_605 = vector.shape_cast %get3A_604 : vector<1x1x16xf32> to vector<16xf32>
      %exp3A_606 = math.exp %get3A_605 : vector<16xf32>
      %add3A_607 = arith.addf %scan3A_519, %exp3A_606 : vector<16xf32>
      scf.yield %add3A_530, %add3A_541, %add3A_552, %add3A_563, %add3A_574, %add3A_585, %add3A_596, %add3A_607 : vector<16xf32>, vector<16xf32>, vector<16xf32>, vector<16xf32>, vector<16xf32>, vector<16xf32>, vector<16xf32>, vector<16xf32>
    }
    %scan3A_169 = arith.constant 32 : i32
    %add3A_170 = arith.addf %scan3A_168#0, %scan3A_168#1 : vector<16xf32>
    %add3A_171 = arith.addf %add3A_170, %scan3A_168#2 : vector<16xf32>
    %add3A_172 = arith.addf %add3A_171, %scan3A_168#3 : vector<16xf32>
    %add3A_173 = arith.addf %add3A_172, %scan3A_168#4 : vector<16xf32>
    %add3A_174 = arith.addf %add3A_173, %scan3A_168#5 : vector<16xf32>
    %add3A_175 = arith.addf %add3A_174, %scan3A_168#6 : vector<16xf32>
    %add3A_176 = arith.addf %add3A_175, %scan3A_168#7 : vector<16xf32>
    %scan3A_177 = arith.constant 0 : i32
    %scan3A_178 = arith.constant 32 : i32
    %scan3A_179 = arith.addi %scan3A_177, %scan3A_178 : i32
    %scan3A_180 = arith.constant 1 : i32
    %scan3A_181:8 = scf.for %scan3A_511 = %scan3A_177 to %scan3A_179 step %scan3A_180 iter_args(%scan3A_512 = %broadcast_in_dim3A_55, %scan3A_513 = %broadcast_in_dim3A_55, %scan3A_514 = %broadcast_in_dim3A_55, %scan3A_515 = %broadcast_in_dim3A_55, %scan3A_516 = %broadcast_in_dim3A_55, %scan3A_517 = %broadcast_in_dim3A_55, %scan3A_518 = %broadcast_in_dim3A_55, %scan3A_519 = %broadcast_in_dim3A_55) -> (vector<16xf32>, vector<16xf32>, vector<16xf32>, vector<16xf32>, vector<16xf32>, vector<16xf32>, vector<16xf32>, vector<16xf32>)  : i32 {
      %mul3A_520 = arith.constant 128 : i32
      %mul3A_521 = arith.muli %scan3A_511, %mul3A_520 : i32
      %add3A_522 = arith.constant 0 : i32
      %add3A_523 = arith.addi %mul3A_521, %add3A_522 : i32
      %get3A = arith.constant 0 : i32
      %get3A_524 = arith.constant 7 : i32
      %get3A_525 = arith.index_cast %get3A : i32 to index
      %get3A_526 = arith.index_cast %get3A_524 : i32 to index
      %get3A_527 = arith.index_cast %add3A_523 : i32 to index
      %get3A_528 = tpu.vector_load %arg7[%get3A_525, %get3A_526, %get3A_527] {strides = array<i32>} : memref<2x8x4096xf32, #tpu.memory_space<vmem>>, vector<1x1x16xf32>,
      %get3A_529 = vector.shape_cast %get3A_528 : vector<1x1x16xf32> to vector<16xf32>
      %exp3A = math.exp %get3A_529 : vector<16xf32>
      %add3A_530 = arith.addf %scan3A_512, %exp3A : vector<16xf32>
      %add3A_531 = arith.constant 16 : i32
      %add3A_532 = arith.addi %mul3A_521, %add3A_531 : i32
      %get3A_533 = arith.constant 0 : i32
      %get3A_534 = arith.constant 7 : i32
      %get3A_535 = arith.index_cast %get3A_533 : i32 to index
      %get3A_536 = arith.index_cast %get3A_534 : i32 to index
      %get3A_537 = arith.index_cast %add3A_532 : i32 to index
      %get3A_538 = tpu.vector_load %arg7[%get3A_535, %get3A_536, %get3A_537] {strides = array<i32>} : memref<2x8x4096xf32, #tpu.memory_space<vmem>>, vector<1x1x16xf32>,
      %get3A_539 = vector.shape_cast %get3A_538 : vector<1x1x16xf32> to vector<16xf32>
      %exp3A_540 = math.exp %get3A_539 : vector<16xf32>
      %add3A_541 = arith.addf %scan3A_513, %exp3A_540 : vector<16xf32>
      %add3A_542 = arith.constant 32 : i32
      %add3A_543 = arith.addi %mul3A_521, %add3A_542 : i32
      %get3A_544 = arith.constant 0 : i32
      %get3A_545 = arith.constant 7 : i32
      %get3A_546 = arith.index_cast %get3A_544 : i32 to index
      %get3A_547 = arith.index_cast %get3A_545 : i32 to index
      %get3A_548 = arith.index_cast %add3A_543 : i32 to index
      %get3A_549 = tpu.vector_load %arg7[%get3A_546, %get3A_547, %get3A_548] {strides = array<i32>} : memref<2x8x4096xf32, #tpu.memory_space<vmem>>, vector<1x1x16xf32>,
      %get3A_550 = vector.shape_cast %get3A_549 : vector<1x1x16xf32> to vector<16xf32>
      %exp3A_551 = math.exp %get3A_550 : vector<16xf32>
      %add3A_552 = arith.addf %scan3A_514, %exp3A_551 : vector<16xf32>
      %add3A_553 = arith.constant 48 : i32
      %add3A_554 = arith.addi %mul3A_521, %add3A_553 : i32
      %get3A_555 = arith.constant 0 : i32
      %get3A_556 = arith.constant 7 : i32
      %get3A_557 = arith.index_cast %get3A_555 : i32 to index
      %get3A_558 = arith.index_cast %get3A_556 : i32 to index
      %get3A_559 = arith.index_cast %add3A_554 : i32 to index
      %get3A_560 = tpu.vector_load %arg7[%get3A_557, %get3A_558, %get3A_559] {strides = array<i32>} : memref<2x8x4096xf32, #tpu.memory_space<vmem>>, vector<1x1x16xf32>,
      %get3A_561 = vector.shape_cast %get3A_560 : vector<1x1x16xf32> to vector<16xf32>
      %exp3A_562 = math.exp %get3A_561 : vector<16xf32>
      %add3A_563 = arith.addf %scan3A_515, %exp3A_562 : vector<16xf32>
      %add3A_564 = arith.constant 64 : i32
      %add3A_565 = arith.addi %mul3A_521, %add3A_564 : i32
      %get3A_566 = arith.constant 0 : i32
      %get3A_567 = arith.constant 7 : i32
      %get3A_568 = arith.index_cast %get3A_566 : i32 to index
      %get3A_569 = arith.index_cast %get3A_567 : i32 to index
      %get3A_570 = arith.index_cast %add3A_565 : i32 to index
      %get3A_571 = tpu.vector_load %arg7[%get3A_568, %get3A_569, %get3A_570] {strides = array<i32>} : memref<2x8x4096xf32, #tpu.memory_space<vmem>>, vector<1x1x16xf32>,
      %get3A_572 = vector.shape_cast %get3A_571 : vector<1x1x16xf32> to vector<16xf32>
      %exp3A_573 = math.exp %get3A_572 : vector<16xf32>
      %add3A_574 = arith.addf %scan3A_516, %exp3A_573 : vector<16xf32>
      %add3A_575 = arith.constant 80 : i32
      %add3A_576 = arith.addi %mul3A_521, %add3A_575 : i32
      %get3A_577 = arith.constant 0 : i32
      %get3A_578 = arith.constant 7 : i32
      %get3A_579 = arith.index_cast %get3A_577 : i32 to index
      %get3A_580 = arith.index_cast %get3A_578 : i32 to index
      %get3A_581 = arith.index_cast %add3A_576 : i32 to index
      %get3A_582 = tpu.vector_load %arg7[%get3A_579, %get3A_580, %get3A_581] {strides = array<i32>} : memref<2x8x4096xf32, #tpu.memory_space<vmem>>, vector<1x1x16xf32>,
      %get3A_583 = vector.shape_cast %get3A_582 : vector<1x1x16xf32> to vector<16xf32>
      %exp3A_584 = math.exp %get3A_583 : vector<16xf32>
      %add3A_585 = arith.addf %scan3A_517, %exp3A_584 : vector<16xf32>
      %add3A_586 = arith.constant 96 : i32
      %add3A_587 = arith.addi %mul3A_521, %add3A_586 : i32
      %get3A_588 = arith.constant 0 : i32
      %get3A_589 = arith.constant 7 : i32
      %get3A_590 = arith.index_cast %get3A_588 : i32 to index
      %get3A_591 = arith.index_cast %get3A_589 : i32 to index
      %get3A_592 = arith.index_cast %add3A_587 : i32 to index
      %get3A_593 = tpu.vector_load %arg7[%get3A_590, %get3A_591, %get3A_592] {strides = array<i32>} : memref<2x8x4096xf32, #tpu.memory_space<vmem>>, vector<1x1x16xf32>,
      %get3A_594 = vector.shape_cast %get3A_593 : vector<1x1x16xf32> to vector<16xf32>
      %exp3A_595 = math.exp %get3A_594 : vector<16xf32>
      %add3A_596 = arith.addf %scan3A_518, %exp3A_595 : vector<16xf32>
      %add3A_597 = arith.constant 112 : i32
      %add3A_598 = arith.addi %mul3A_521, %add3A_597 : i32
      %get3A_599 = arith.constant 0 : i32
      %get3A_600 = arith.constant 7 : i32
      %get3A_601 = arith.index_cast %get3A_599 : i32 to index
      %get3A_602 = arith.index_cast %get3A_600 : i32 to index
      %get3A_603 = arith.index_cast %add3A_598 : i32 to index
      %get3A_604 = tpu.vector_load %arg7[%get3A_601, %get3A_602, %get3A_603] {strides = array<i32>} : memref<2x8x4096xf32, #tpu.memory_space<vmem>>, vector<1x1x16xf32>,
      %get3A_605 = vector.shape_cast %get3A_604 : vector<1x1x16xf32> to vector<16xf32>
      %exp3A_606 = math.exp %get3A_605 : vector<16xf32>
      %add3A_607 = arith.addf %scan3A_519, %exp3A_606 : vector<16xf32>
      scf.yield %add3A_530, %add3A_541, %add3A_552, %add3A_563, %add3A_574, %add3A_585, %add3A_596, %add3A_607 : vector<16xf32>, vector<16xf32>, vector<16xf32>, vector<16xf32>, vector<16xf32>, vector<16xf32>, vector<16xf32>, vector<16xf32>
    }
    %scan3A_182 = arith.constant 32 : i32
    %add3A_183 = arith.addf %scan3A_181#0, %scan3A_181#1 : vector<16xf32>
    %add3A_184 = arith.addf %add3A_183, %scan3A_181#2 : vector<16xf32>
    %add3A_185 = arith.addf %add3A_184, %scan3A_181#3 : vector<16xf32>
    %add3A_186 = arith.addf %add3A_185, %scan3A_181#4 : vector<16xf32>
    %add3A_187 = arith.addf %add3A_186, %scan3A_181#5 : vector<16xf32>
    %add3A_188 = arith.addf %add3A_187, %scan3A_181#6 : vector<16xf32>
    %add3A_189 = arith.addf %add3A_188, %scan3A_181#7 : vector<16xf32>
    %add3A_190 = arith.constant 4096 : i32
    %add3A_191 = arith.addi %mul3A_39, %add3A_190 : i32
    %dma_wait3A_192 = arith.constant 1 : i32
    %dma_wait3A_193 = arith.constant 1 : i32
    %dma_wait3A_194 = arith.constant 0 : i32
    %dma_wait3A_195 = arith.constant 0 : i32
    %dma_wait3A_196 = tpu.memref_slice %arg7[%dma_wait3A_192, %dma_wait3A_194, %dma_wait3A_195] : memref<2x8x4096xf32, #tpu.memory_space<vmem>> -> memref<1x8x4096xf32, #tpu.memory_space<vmem>>
    %dma_wait3A_197 = tpu.memref_squeeze %dma_wait3A_196 : memref<1x8x4096xf32, #tpu.memory_space<vmem>> -> memref<8x4096xf32, #tpu.memory_space<vmem>>
    %dma_wait3A_198 = tpu.memref_slice %arg2[%add3A_37, %add3A_191] : memref<128x100000xf32, #tpu.memory_space<hbm>> -> memref<8x4096xf32, #tpu.memory_space<hbm>>
    %dma_wait3A_199 = tpu.memref_slice %arg11[%dma_wait3A_193] : memref<2x!tpu.dma_semaphore, #tpu.memory_space<semaphore_mem>> -> memref<1x!tpu.dma_semaphore, #tpu.memory_space<semaphore_mem>>
    %dma_wait3A_200 = tpu.memref_squeeze %dma_wait3A_199 : memref<1x!tpu.dma_semaphore, #tpu.memory_space<semaphore_mem>> -> memref<!tpu.dma_semaphore, #tpu.memory_space<semaphore_mem>>
    %dma_wait3A_201 = arith.constant 0 : i32
    %dma_wait3A_202 = arith.constant 0 : i32
    %dma_wait3A_203 = tpu.memref_slice %arg7[%dma_wait3A_192, %dma_wait3A_201, %dma_wait3A_202] : memref<2x8x4096xf32, #tpu.memory_space<vmem>> -> memref<1x8x4096xf32, #tpu.memory_space<vmem>>
    %dma_wait3A_204 = tpu.memref_squeeze %dma_wait3A_203 : memref<1x8x4096xf32, #tpu.memory_space<vmem>> -> memref<8x4096xf32, #tpu.memory_space<vmem>>
    %dma_wait3A_205 = tpu.memref_slice %arg2[%add3A_37, %add3A_191] : memref<128x100000xf32, #tpu.memory_space<hbm>> -> memref<8x4096xf32, #tpu.memory_space<hbm>>
    tpu.wait_dma2 semaphore(%dma_wait3A_200 : memref<!tpu.dma_semaphore, #tpu.memory_space<semaphore_mem>>) src(%dma_wait3A_205 : memref<8x4096xf32, #tpu.memory_space<hbm>>) dst(%dma_wait3A_204 : memref<8x4096xf32, #tpu.memory_space<vmem>>)
    %add3A_206 = arith.constant 8192 : i32
    %add3A_207 = arith.addi %mul3A_39, %add3A_206 : i32
    %dma_start3A_208 = arith.constant 0 : i32
    %dma_start3A_209 = arith.constant 0 : i32
    %dma_start3A_210 = arith.constant 0 : i32
    %dma_start3A_211 = arith.constant 0 : i32
    %dma_start3A_212 = tpu.memref_slice %arg7[%dma_start3A_208, %dma_start3A_210, %dma_start3A_211] : memref<2x8x4096xf32, #tpu.memory_space<vmem>> -> memref<1x8x4096xf32, #tpu.memory_space<vmem>>
    %dma_start3A_213 = tpu.memref_squeeze %dma_start3A_212 : memref<1x8x4096xf32, #tpu.memory_space<vmem>> -> memref<8x4096xf32, #tpu.memory_space<vmem>>
    %dma_start3A_214 = tpu.memref_slice %arg2[%add3A_37, %add3A_207] : memref<128x100000xf32, #tpu.memory_space<hbm>> -> memref<8x4096xf32, #tpu.memory_space<hbm>>
    %dma_start3A_215 = tpu.memref_slice %arg11[%dma_start3A_209] : memref<2x!tpu.dma_semaphore, #tpu.memory_space<semaphore_mem>> -> memref<1x!tpu.dma_semaphore, #tpu.memory_space<semaphore_mem>>
    %dma_start3A_216 = tpu.memref_squeeze %dma_start3A_215 : memref<1x!tpu.dma_semaphore, #tpu.memory_space<semaphore_mem>> -> memref<!tpu.dma_semaphore, #tpu.memory_space<semaphore_mem>>
    %dma_start3A_217 = arith.constant 0 : i32
    %dma_start3A_218 = arith.constant 0 : i32
    %dma_start3A_219 = tpu.memref_slice %arg7[%dma_start3A_208, %dma_start3A_217, %dma_start3A_218] : memref<2x8x4096xf32, #tpu.memory_space<vmem>> -> memref<1x8x4096xf32, #tpu.memory_space<vmem>>
    %dma_start3A_220 = tpu.memref_squeeze %dma_start3A_219 : memref<1x8x4096xf32, #tpu.memory_space<vmem>> -> memref<8x4096xf32, #tpu.memory_space<vmem>>
    %dma_start3A_221 = tpu.memref_slice %arg2[%add3A_37, %add3A_207] : memref<128x100000xf32, #tpu.memory_space<hbm>> -> memref<8x4096xf32, #tpu.memory_space<hbm>>
    tpu.enqueue_dma source(%dma_start3A_221 : memref<8x4096xf32, #tpu.memory_space<hbm>>) target(%dma_start3A_220 : memref<8x4096xf32, #tpu.memory_space<vmem>>) target_semaphore(%dma_start3A_216 : memref<!tpu.dma_semaphore, #tpu.memory_space<semaphore_mem>>)
    %scan3A_222 = arith.constant 0 : i32
    %scan3A_223 = arith.constant 32 : i32
    %scan3A_224 = arith.addi %scan3A_222, %scan3A_223 : i32
    %scan3A_225 = arith.constant 1 : i32
    %scan3A_226:8 = scf.for %scan3A_511 = %scan3A_222 to %scan3A_224 step %scan3A_225 iter_args(%scan3A_512 = %add3A_98, %scan3A_513 = %broadcast_in_dim3A_55, %scan3A_514 = %broadcast_in_dim3A_55, %scan3A_515 = %broadcast_in_dim3A_55, %scan3A_516 = %broadcast_in_dim3A_55, %scan3A_517 = %broadcast_in_dim3A_55, %scan3A_518 = %broadcast_in_dim3A_55, %scan3A_519 = %broadcast_in_dim3A_55) -> (vector<16xf32>, vector<16xf32>, vector<16xf32>, vector<16xf32>, vector<16xf32>, vector<16xf32>, vector<16xf32>, vector<16xf32>)  : i32 {
      %mul3A_520 = arith.constant 128 : i32
      %mul3A_521 = arith.muli %scan3A_511, %mul3A_520 : i32
      %add3A_522 = arith.constant 0 : i32
      %add3A_523 = arith.addi %mul3A_521, %add3A_522 : i32
      %get3A = arith.constant 1 : i32
      %get3A_524 = arith.constant 0 : i32
      %get3A_525 = arith.index_cast %get3A : i32 to index
      %get3A_526 = arith.index_cast %get3A_524 : i32 to index
      %get3A_527 = arith.index_cast %add3A_523 : i32 to index
      %get3A_528 = tpu.vector_load %arg7[%get3A_525, %get3A_526, %get3A_527] {strides = array<i32>} : memref<2x8x4096xf32, #tpu.memory_space<vmem>>, vector<1x1x16xf32>,
      %get3A_529 = vector.shape_cast %get3A_528 : vector<1x1x16xf32> to vector<16xf32>
      %exp3A = math.exp %get3A_529 : vector<16xf32>
      %add3A_530 = arith.addf %scan3A_512, %exp3A : vector<16xf32>
      %add3A_531 = arith.constant 16 : i32
      %add3A_532 = arith.addi %mul3A_521, %add3A_531 : i32
      %get3A_533 = arith.constant 1 : i32
      %get3A_534 = arith.constant 0 : i32
      %get3A_535 = arith.index_cast %get3A_533 : i32 to index
      %get3A_536 = arith.index_cast %get3A_534 : i32 to index
      %get3A_537 = arith.index_cast %add3A_532 : i32 to index
      %get3A_538 = tpu.vector_load %arg7[%get3A_535, %get3A_536, %get3A_537] {strides = array<i32>} : memref<2x8x4096xf32, #tpu.memory_space<vmem>>, vector<1x1x16xf32>,
      %get3A_539 = vector.shape_cast %get3A_538 : vector<1x1x16xf32> to vector<16xf32>
      %exp3A_540 = math.exp %get3A_539 : vector<16xf32>
      %add3A_541 = arith.addf %scan3A_513, %exp3A_540 : vector<16xf32>
      %add3A_542 = arith.constant 32 : i32
      %add3A_543 = arith.addi %mul3A_521, %add3A_542 : i32
      %get3A_544 = arith.constant 1 : i32
      %get3A_545 = arith.constant 0 : i32
      %get3A_546 = arith.index_cast %get3A_544 : i32 to index
      %get3A_547 = arith.index_cast %get3A_545 : i32 to index
      %get3A_548 = arith.index_cast %add3A_543 : i32 to index
      %get3A_549 = tpu.vector_load %arg7[%get3A_546, %get3A_547, %get3A_548] {strides = array<i32>} : memref<2x8x4096xf32, #tpu.memory_space<vmem>>, vector<1x1x16xf32>,
      %get3A_550 = vector.shape_cast %get3A_549 : vector<1x1x16xf32> to vector<16xf32>
      %exp3A_551 = math.exp %get3A_550 : vector<16xf32>
      %add3A_552 = arith.addf %scan3A_514, %exp3A_551 : vector<16xf32>
      %add3A_553 = arith.constant 48 : i32
      %add3A_554 = arith.addi %mul3A_521, %add3A_553 : i32
      %get3A_555 = arith.constant 1 : i32
      %get3A_556 = arith.constant 0 : i32
      %get3A_557 = arith.index_cast %get3A_555 : i32 to index
      %get3A_558 = arith.index_cast %get3A_556 : i32 to index
      %get3A_559 = arith.index_cast %add3A_554 : i32 to index
      %get3A_560 = tpu.vector_load %arg7[%get3A_557, %get3A_558, %get3A_559] {strides = array<i32>} : memref<2x8x4096xf32, #tpu.memory_space<vmem>>, vector<1x1x16xf32>,
      %get3A_561 = vector.shape_cast %get3A_560 : vector<1x1x16xf32> to vector<16xf32>
      %exp3A_562 = math.exp %get3A_561 : vector<16xf32>
      %add3A_563 = arith.addf %scan3A_515, %exp3A_562 : vector<16xf32>
      %add3A_564 = arith.constant 64 : i32
      %add3A_565 = arith.addi %mul3A_521, %add3A_564 : i32
      %get3A_566 = arith.constant 1 : i32
      %get3A_567 = arith.constant 0 : i32
      %get3A_568 = arith.index_cast %get3A_566 : i32 to index
      %get3A_569 = arith.index_cast %get3A_567 : i32 to index
      %get3A_570 = arith.index_cast %add3A_565 : i32 to index
      %get3A_571 = tpu.vector_load %arg7[%get3A_568, %get3A_569, %get3A_570] {strides = array<i32>} : memref<2x8x4096xf32, #tpu.memory_space<vmem>>, vector<1x1x16xf32>,
      %get3A_572 = vector.shape_cast %get3A_571 : vector<1x1x16xf32> to vector<16xf32>
      %exp3A_573 = math.exp %get3A_572 : vector<16xf32>
      %add3A_574 = arith.addf %scan3A_516, %exp3A_573 : vector<16xf32>
      %add3A_575 = arith.constant 80 : i32
      %add3A_576 = arith.addi %mul3A_521, %add3A_575 : i32
      %get3A_577 = arith.constant 1 : i32
      %get3A_578 = arith.constant 0 : i32
      %get3A_579 = arith.index_cast %get3A_577 : i32 to index
      %get3A_580 = arith.index_cast %get3A_578 : i32 to index
      %get3A_581 = arith.index_cast %add3A_576 : i32 to index
      %get3A_582 = tpu.vector_load %arg7[%get3A_579, %get3A_580, %get3A_581] {strides = array<i32>} : memref<2x8x4096xf32, #tpu.memory_space<vmem>>, vector<1x1x16xf32>,
      %get3A_583 = vector.shape_cast %get3A_582 : vector<1x1x16xf32> to vector<16xf32>
      %exp3A_584 = math.exp %get3A_583 : vector<16xf32>
      %add3A_585 = arith.addf %scan3A_517, %exp3A_584 : vector<16xf32>
      %add3A_586 = arith.constant 96 : i32
      %add3A_587 = arith.addi %mul3A_521, %add3A_586 : i32
      %get3A_588 = arith.constant 1 : i32
      %get3A_589 = arith.constant 0 : i32
      %get3A_590 = arith.index_cast %get3A_588 : i32 to index
      %get3A_591 = arith.index_cast %get3A_589 : i32 to index
      %get3A_592 = arith.index_cast %add3A_587 : i32 to index
      %get3A_593 = tpu.vector_load %arg7[%get3A_590, %get3A_591, %get3A_592] {strides = array<i32>} : memref<2x8x4096xf32, #tpu.memory_space<vmem>>, vector<1x1x16xf32>,
      %get3A_594 = vector.shape_cast %get3A_593 : vector<1x1x16xf32> to vector<16xf32>
      %exp3A_595 = math.exp %get3A_594 : vector<16xf32>
      %add3A_596 = arith.addf %scan3A_518, %exp3A_595 : vector<16xf32>
      %add3A_597 = arith.constant 112 : i32
      %add3A_598 = arith.addi %mul3A_521, %add3A_597 : i32
      %get3A_599 = arith.constant 1 : i32
      %get3A_600 = arith.constant 0 : i32
      %get3A_601 = arith.index_cast %get3A_599 : i32 to index
      %get3A_602 = arith.index_cast %get3A_600 : i32 to index
      %get3A_603 = arith.index_cast %add3A_598 : i32 to index
      %get3A_604 = tpu.vector_load %arg7[%get3A_601, %get3A_602, %get3A_603] {strides = array<i32>} : memref<2x8x4096xf32, #tpu.memory_space<vmem>>, vector<1x1x16xf32>,
      %get3A_605 = vector.shape_cast %get3A_604 : vector<1x1x16xf32> to vector<16xf32>
      %exp3A_606 = math.exp %get3A_605 : vector<16xf32>
      %add3A_607 = arith.addf %scan3A_519, %exp3A_606 : vector<16xf32>
      scf.yield %add3A_530, %add3A_541, %add3A_552, %add3A_563, %add3A_574, %add3A_585, %add3A_596, %add3A_607 : vector<16xf32>, vector<16xf32>, vector<16xf32>, vector<16xf32>, vector<16xf32>, vector<16xf32>, vector<16xf32>, vector<16xf32>
    }
    %scan3A_227 = arith.constant 32 : i32
    %add3A_228 = arith.addf %scan3A_226#0, %scan3A_226#1 : vector<16xf32>
    %add3A_229 = arith.addf %add3A_228, %scan3A_226#2 : vector<16xf32>
    %add3A_230 = arith.addf %add3A_229, %scan3A_226#3 : vector<16xf32>
    %add3A_231 = arith.addf %add3A_230, %scan3A_226#4 : vector<16xf32>
    %add3A_232 = arith.addf %add3A_231, %scan3A_226#5 : vector<16xf32>
    %add3A_233 = arith.addf %add3A_232, %scan3A_226#6 : vector<16xf32>
    %add3A_234 = arith.addf %add3A_233, %scan3A_226#7 : vector<16xf32>
    %scan3A_235 = arith.constant 0 : i32
    %scan3A_236 = arith.constant 32 : i32
    %scan3A_237 = arith.addi %scan3A_235, %scan3A_236 : i32
    %scan3A_238 = arith.constant 1 : i32
    %scan3A_239:8 = scf.for %scan3A_511 = %scan3A_235 to %scan3A_237 step %scan3A_238 iter_args(%scan3A_512 = %add3A_111, %scan3A_513 = %broadcast_in_dim3A_55, %scan3A_514 = %broadcast_in_dim3A_55, %scan3A_515 = %broadcast_in_dim3A_55, %scan3A_516 = %broadcast_in_dim3A_55, %scan3A_517 = %broadcast_in_dim3A_55, %scan3A_518 = %broadcast_in_dim3A_55, %scan3A_519 = %broadcast_in_dim3A_55) -> (vector<16xf32>, vector<16xf32>, vector<16xf32>, vector<16xf32>, vector<16xf32>, vector<16xf32>, vector<16xf32>, vector<16xf32>)  : i32 {
      %mul3A_520 = arith.constant 128 : i32
      %mul3A_521 = arith.muli %scan3A_511, %mul3A_520 : i32
      %add3A_522 = arith.constant 0 : i32
      %add3A_523 = arith.addi %mul3A_521, %add3A_522 : i32
      %get3A = arith.constant 1 : i32
      %get3A_524 = arith.constant 1 : i32
      %get3A_525 = arith.index_cast %get3A : i32 to index
      %get3A_526 = arith.index_cast %get3A_524 : i32 to index
      %get3A_527 = arith.index_cast %add3A_523 : i32 to index
      %get3A_528 = tpu.vector_load %arg7[%get3A_525, %get3A_526, %get3A_527] {strides = array<i32>} : memref<2x8x4096xf32, #tpu.memory_space<vmem>>, vector<1x1x16xf32>,
      %get3A_529 = vector.shape_cast %get3A_528 : vector<1x1x16xf32> to vector<16xf32>
      %exp3A = math.exp %get3A_529 : vector<16xf32>
      %add3A_530 = arith.addf %scan3A_512, %exp3A : vector<16xf32>
      %add3A_531 = arith.constant 16 : i32
      %add3A_532 = arith.addi %mul3A_521, %add3A_531 : i32
      %get3A_533 = arith.constant 1 : i32
      %get3A_534 = arith.constant 1 : i32
      %get3A_535 = arith.index_cast %get3A_533 : i32 to index
      %get3A_536 = arith.index_cast %get3A_534 : i32 to index
      %get3A_537 = arith.index_cast %add3A_532 : i32 to index
      %get3A_538 = tpu.vector_load %arg7[%get3A_535, %get3A_536, %get3A_537] {strides = array<i32>} : memref<2x8x4096xf32, #tpu.memory_space<vmem>>, vector<1x1x16xf32>,
      %get3A_539 = vector.shape_cast %get3A_538 : vector<1x1x16xf32> to vector<16xf32>
      %exp3A_540 = math.exp %get3A_539 : vector<16xf32>
      %add3A_541 = arith.addf %scan3A_513, %exp3A_540 : vector<16xf32>
      %add3A_542 = arith.constant 32 : i32
      %add3A_543 = arith.addi %mul3A_521, %add3A_542 : i32
      %get3A_544 = arith.constant 1 : i32
      %get3A_545 = arith.constant 1 : i32
      %get3A_546 = arith.index_cast %get3A_544 : i32 to index
      %get3A_547 = arith.index_cast %get3A_545 : i32 to index
      %get3A_548 = arith.index_cast %add3A_543 : i32 to index
      %get3A_549 = tpu.vector_load %arg7[%get3A_546, %get3A_547, %get3A_548] {strides = array<i32>} : memref<2x8x4096xf32, #tpu.memory_space<vmem>>, vector<1x1x16xf32>,
      %get3A_550 = vector.shape_cast %get3A_549 : vector<1x1x16xf32> to vector<16xf32>
      %exp3A_551 = math.exp %get3A_550 : vector<16xf32>
      %add3A_552 = arith.addf %scan3A_514, %exp3A_551 : vector<16xf32>
      %add3A_553 = arith.constant 48 : i32
      %add3A_554 = arith.addi %mul3A_521, %add3A_553 : i32
      %get3A_555 = arith.constant 1 : i32
      %get3A_556 = arith.constant 1 : i32
      %get3A_557 = arith.index_cast %get3A_555 : i32 to index
      %get3A_558 = arith.index_cast %get3A_556 : i32 to index
      %get3A_559 = arith.index_cast %add3A_554 : i32 to index
      %get3A_560 = tpu.vector_load %arg7[%get3A_557, %get3A_558, %get3A_559] {strides = array<i32>} : memref<2x8x4096xf32, #tpu.memory_space<vmem>>, vector<1x1x16xf32>,
      %get3A_561 = vector.shape_cast %get3A_560 : vector<1x1x16xf32> to vector<16xf32>
      %exp3A_562 = math.exp %get3A_561 : vector<16xf32>
      %add3A_563 = arith.addf %scan3A_515, %exp3A_562 : vector<16xf32>
      %add3A_564 = arith.constant 64 : i32
      %add3A_565 = arith.addi %mul3A_521, %add3A_564 : i32
      %get3A_566 = arith.constant 1 : i32
      %get3A_567 = arith.constant 1 : i32
      %get3A_568 = arith.index_cast %get3A_566 : i32 to index
      %get3A_569 = arith.index_cast %get3A_567 : i32 to index
      %get3A_570 = arith.index_cast %add3A_565 : i32 to index
      %get3A_571 = tpu.vector_load %arg7[%get3A_568, %get3A_569, %get3A_570] {strides = array<i32>} : memref<2x8x4096xf32, #tpu.memory_space<vmem>>, vector<1x1x16xf32>,
      %get3A_572 = vector.shape_cast %get3A_571 : vector<1x1x16xf32> to vector<16xf32>
      %exp3A_573 = math.exp %get3A_572 : vector<16xf32>
      %add3A_574 = arith.addf %scan3A_516, %exp3A_573 : vector<16xf32>
      %add3A_575 = arith.constant 80 : i32
      %add3A_576 = arith.addi %mul3A_521, %add3A_575 : i32
      %get3A_577 = arith.constant 1 : i32
      %get3A_578 = arith.constant 1 : i32
      %get3A_579 = arith.index_cast %get3A_577 : i32 to index
      %get3A_580 = arith.index_cast %get3A_578 : i32 to index
      %get3A_581 = arith.index_cast %add3A_576 : i32 to index
      %get3A_582 = tpu.vector_load %arg7[%get3A_579, %get3A_580, %get3A_581] {strides = array<i32>} : memref<2x8x4096xf32, #tpu.memory_space<vmem>>, vector<1x1x16xf32>,
      %get3A_583 = vector.shape_cast %get3A_582 : vector<1x1x16xf32> to vector<16xf32>
      %exp3A_584 = math.exp %get3A_583 : vector<16xf32>
      %add3A_585 = arith.addf %scan3A_517, %exp3A_584 : vector<16xf32>
      %add3A_586 = arith.constant 96 : i32
      %add3A_587 = arith.addi %mul3A_521, %add3A_586 : i32
      %get3A_588 = arith.constant 1 : i32
      %get3A_589 = arith.constant 1 : i32
      %get3A_590 = arith.index_cast %get3A_588 : i32 to index
      %get3A_591 = arith.index_cast %get3A_589 : i32 to index
      %get3A_592 = arith.index_cast %add3A_587 : i32 to index
      %get3A_593 = tpu.vector_load %arg7[%get3A_590, %get3A_591, %get3A_592] {strides = array<i32>} : memref<2x8x4096xf32, #tpu.memory_space<vmem>>, vector<1x1x16xf32>,
      %get3A_594 = vector.shape_cast %get3A_593 : vector<1x1x16xf32> to vector<16xf32>
      %exp3A_595 = math.exp %get3A_594 : vector<16xf32>
      %add3A_596 = arith.addf %scan3A_518, %exp3A_595 : vector<16xf32>
      %add3A_597 = arith.constant 112 : i32
      %add3A_598 = arith.addi %mul3A_521, %add3A_597 : i32
      %get3A_599 = arith.constant 1 : i32
      %get3A_600 = arith.constant 1 : i32
      %get3A_601 = arith.index_cast %get3A_599 : i32 to index
      %get3A_602 = arith.index_cast %get3A_600 : i32 to index
      %get3A_603 = arith.index_cast %add3A_598 : i32 to index
      %get3A_604 = tpu.vector_load %arg7[%get3A_601, %get3A_602, %get3A_603] {strides = array<i32>} : memref<2x8x4096xf32, #tpu.memory_space<vmem>>, vector<1x1x16xf32>,
      %get3A_605 = vector.shape_cast %get3A_604 : vector<1x1x16xf32> to vector<16xf32>
      %exp3A_606 = math.exp %get3A_605 : vector<16xf32>
      %add3A_607 = arith.addf %scan3A_519, %exp3A_606 : vector<16xf32>
      scf.yield %add3A_530, %add3A_541, %add3A_552, %add3A_563, %add3A_574, %add3A_585, %add3A_596, %add3A_607 : vector<16xf32>, vector<16xf32>, vector<16xf32>, vector<16xf32>, vector<16xf32>, vector<16xf32>, vector<16xf32>, vector<16xf32>
    }
    %scan3A_240 = arith.constant 32 : i32
    %add3A_241 = arith.addf %scan3A_239#0, %scan3A_239#1 : vector<16xf32>
    %add3A_242 = arith.addf %add3A_241, %scan3A_239#2 : vector<16xf32>
    %add3A_243 = arith.addf %add3A_242, %scan3A_239#3 : vector<16xf32>
    %add3A_244 = arith.addf %add3A_243, %scan3A_239#4 : vector<16xf32>
    %add3A_245 = arith.addf %add3A_244, %scan3A_239#5 : vector<16xf32>
    %add3A_246 = arith.addf %add3A_245, %scan3A_239#6 : vector<16xf32>
    %add3A_247 = arith.addf %add3A_246, %scan3A_239#7 : vector<16xf32>
    %scan3A_248 = arith.constant 0 : i32
    %scan3A_249 = arith.constant 32 : i32
    %scan3A_250 = arith.addi %scan3A_248, %scan3A_249 : i32
    %scan3A_251 = arith.constant 1 : i32
    %scan3A_252:8 = scf.for %scan3A_511 = %scan3A_248 to %scan3A_250 step %scan3A_251 iter_args(%scan3A_512 = %add3A_124, %scan3A_513 = %broadcast_in_dim3A_55, %scan3A_514 = %broadcast_in_dim3A_55, %scan3A_515 = %broadcast_in_dim3A_55, %scan3A_516 = %broadcast_in_dim3A_55, %scan3A_517 = %broadcast_in_dim3A_55, %scan3A_518 = %broadcast_in_dim3A_55, %scan3A_519 = %broadcast_in_dim3A_55) -> (vector<16xf32>, vector<16xf32>, vector<16xf32>, vector<16xf32>, vector<16xf32>, vector<16xf32>, vector<16xf32>, vector<16xf32>)  : i32 {
      %mul3A_520 = arith.constant 128 : i32
      %mul3A_521 = arith.muli %scan3A_511, %mul3A_520 : i32
      %add3A_522 = arith.constant 0 : i32
      %add3A_523 = arith.addi %mul3A_521, %add3A_522 : i32
      %get3A = arith.constant 1 : i32
      %get3A_524 = arith.constant 2 : i32
      %get3A_525 = arith.index_cast %get3A : i32 to index
      %get3A_526 = arith.index_cast %get3A_524 : i32 to index
      %get3A_527 = arith.index_cast %add3A_523 : i32 to index
      %get3A_528 = tpu.vector_load %arg7[%get3A_525, %get3A_526, %get3A_527] {strides = array<i32>} : memref<2x8x4096xf32, #tpu.memory_space<vmem>>, vector<1x1x16xf32>,
      %get3A_529 = vector.shape_cast %get3A_528 : vector<1x1x16xf32> to vector<16xf32>
      %exp3A = math.exp %get3A_529 : vector<16xf32>
      %add3A_530 = arith.addf %scan3A_512, %exp3A : vector<16xf32>
      %add3A_531 = arith.constant 16 : i32
      %add3A_532 = arith.addi %mul3A_521, %add3A_531 : i32
      %get3A_533 = arith.constant 1 : i32
      %get3A_534 = arith.constant 2 : i32
      %get3A_535 = arith.index_cast %get3A_533 : i32 to index
      %get3A_536 = arith.index_cast %get3A_534 : i32 to index
      %get3A_537 = arith.index_cast %add3A_532 : i32 to index
      %get3A_538 = tpu.vector_load %arg7[%get3A_535, %get3A_536, %get3A_537] {strides = array<i32>} : memref<2x8x4096xf32, #tpu.memory_space<vmem>>, vector<1x1x16xf32>,
      %get3A_539 = vector.shape_cast %get3A_538 : vector<1x1x16xf32> to vector<16xf32>
      %exp3A_540 = math.exp %get3A_539 : vector<16xf32>
      %add3A_541 = arith.addf %scan3A_513, %exp3A_540 : vector<16xf32>
      %add3A_542 = arith.constant 32 : i32
      %add3A_543 = arith.addi %mul3A_521, %add3A_542 : i32
      %get3A_544 = arith.constant 1 : i32
      %get3A_545 = arith.constant 2 : i32
      %get3A_546 = arith.index_cast %get3A_544 : i32 to index
      %get3A_547 = arith.index_cast %get3A_545 : i32 to index
      %get3A_548 = arith.index_cast %add3A_543 : i32 to index
      %get3A_549 = tpu.vector_load %arg7[%get3A_546, %get3A_547, %get3A_548] {strides = array<i32>} : memref<2x8x4096xf32, #tpu.memory_space<vmem>>, vector<1x1x16xf32>,
      %get3A_550 = vector.shape_cast %get3A_549 : vector<1x1x16xf32> to vector<16xf32>
      %exp3A_551 = math.exp %get3A_550 : vector<16xf32>
      %add3A_552 = arith.addf %scan3A_514, %exp3A_551 : vector<16xf32>
      %add3A_553 = arith.constant 48 : i32
      %add3A_554 = arith.addi %mul3A_521, %add3A_553 : i32
      %get3A_555 = arith.constant 1 : i32
      %get3A_556 = arith.constant 2 : i32
      %get3A_557 = arith.index_cast %get3A_555 : i32 to index
      %get3A_558 = arith.index_cast %get3A_556 : i32 to index
      %get3A_559 = arith.index_cast %add3A_554 : i32 to index
      %get3A_560 = tpu.vector_load %arg7[%get3A_557, %get3A_558, %get3A_559] {strides = array<i32>} : memref<2x8x4096xf32, #tpu.memory_space<vmem>>, vector<1x1x16xf32>,
      %get3A_561 = vector.shape_cast %get3A_560 : vector<1x1x16xf32> to vector<16xf32>
      %exp3A_562 = math.exp %get3A_561 : vector<16xf32>
      %add3A_563 = arith.addf %scan3A_515, %exp3A_562 : vector<16xf32>
      %add3A_564 = arith.constant 64 : i32
      %add3A_565 = arith.addi %mul3A_521, %add3A_564 : i32
      %get3A_566 = arith.constant 1 : i32
      %get3A_567 = arith.constant 2 : i32
      %get3A_568 = arith.index_cast %get3A_566 : i32 to index
      %get3A_569 = arith.index_cast %get3A_567 : i32 to index
      %get3A_570 = arith.index_cast %add3A_565 : i32 to index
      %get3A_571 = tpu.vector_load %arg7[%get3A_568, %get3A_569, %get3A_570] {strides = array<i32>} : memref<2x8x4096xf32, #tpu.memory_space<vmem>>, vector<1x1x16xf32>,
      %get3A_572 = vector.shape_cast %get3A_571 : vector<1x1x16xf32> to vector<16xf32>
      %exp3A_573 = math.exp %get3A_572 : vector<16xf32>
      %add3A_574 = arith.addf %scan3A_516, %exp3A_573 : vector<16xf32>
      %add3A_575 = arith.constant 80 : i32
      %add3A_576 = arith.addi %mul3A_521, %add3A_575 : i32
      %get3A_577 = arith.constant 1 : i32
      %get3A_578 = arith.constant 2 : i32
      %get3A_579 = arith.index_cast %get3A_577 : i32 to index
      %get3A_580 = arith.index_cast %get3A_578 : i32 to index
      %get3A_581 = arith.index_cast %add3A_576 : i32 to index
      %get3A_582 = tpu.vector_load %arg7[%get3A_579, %get3A_580, %get3A_581] {strides = array<i32>} : memref<2x8x4096xf32, #tpu.memory_space<vmem>>, vector<1x1x16xf32>,
      %get3A_583 = vector.shape_cast %get3A_582 : vector<1x1x16xf32> to vector<16xf32>
      %exp3A_584 = math.exp %get3A_583 : vector<16xf32>
      %add3A_585 = arith.addf %scan3A_517, %exp3A_584 : vector<16xf32>
      %add3A_586 = arith.constant 96 : i32
      %add3A_587 = arith.addi %mul3A_521, %add3A_586 : i32
      %get3A_588 = arith.constant 1 : i32
      %get3A_589 = arith.constant 2 : i32
      %get3A_590 = arith.index_cast %get3A_588 : i32 to index
      %get3A_591 = arith.index_cast %get3A_589 : i32 to index
      %get3A_592 = arith.index_cast %add3A_587 : i32 to index
      %get3A_593 = tpu.vector_load %arg7[%get3A_590, %get3A_591, %get3A_592] {strides = array<i32>} : memref<2x8x4096xf32, #tpu.memory_space<vmem>>, vector<1x1x16xf32>,
      %get3A_594 = vector.shape_cast %get3A_593 : vector<1x1x16xf32> to vector<16xf32>
      %exp3A_595 = math.exp %get3A_594 : vector<16xf32>
      %add3A_596 = arith.addf %scan3A_518, %exp3A_595 : vector<16xf32>
      %add3A_597 = arith.constant 112 : i32
      %add3A_598 = arith.addi %mul3A_521, %add3A_597 : i32
      %get3A_599 = arith.constant 1 : i32
      %get3A_600 = arith.constant 2 : i32
      %get3A_601 = arith.index_cast %get3A_599 : i32 to index
      %get3A_602 = arith.index_cast %get3A_600 : i32 to index
      %get3A_603 = arith.index_cast %add3A_598 : i32 to index
      %get3A_604 = tpu.vector_load %arg7[%get3A_601, %get3A_602, %get3A_603] {strides = array<i32>} : memref<2x8x4096xf32, #tpu.memory_space<vmem>>, vector<1x1x16xf32>,
      %get3A_605 = vector.shape_cast %get3A_604 : vector<1x1x16xf32> to vector<16xf32>
      %exp3A_606 = math.exp %get3A_605 : vector<16xf32>
      %add3A_607 = arith.addf %scan3A_519, %exp3A_606 : vector<16xf32>
      scf.yield %add3A_530, %add3A_541, %add3A_552, %add3A_563, %add3A_574, %add3A_585, %add3A_596, %add3A_607 : vector<16xf32>, vector<16xf32>, vector<16xf32>, vector<16xf32>, vector<16xf32>, vector<16xf32>, vector<16xf32>, vector<16xf32>
    }
    %scan3A_253 = arith.constant 32 : i32
    %add3A_254 = arith.addf %scan3A_252#0, %scan3A_252#1 : vector<16xf32>
    %add3A_255 = arith.addf %add3A_254, %scan3A_252#2 : vector<16xf32>
    %add3A_256 = arith.addf %add3A_255, %scan3A_252#3 : vector<16xf32>
    %add3A_257 = arith.addf %add3A_256, %scan3A_252#4 : vector<16xf32>
    %add3A_258 = arith.addf %add3A_257, %scan3A_252#5 : vector<16xf32>
    %add3A_259 = arith.addf %add3A_258, %scan3A_252#6 : vector<16xf32>
    %add3A_260 = arith.addf %add3A_259, %scan3A_252#7 : vector<16xf32>
    %scan3A_261 = arith.constant 0 : i32
    %scan3A_262 = arith.constant 32 : i32
    %scan3A_263 = arith.addi %scan3A_261, %scan3A_262 : i32
    %scan3A_264 = arith.constant 1 : i32
    %scan3A_265:8 = scf.for %scan3A_511 = %scan3A_261 to %scan3A_263 step %scan3A_264 iter_args(%scan3A_512 = %add3A_137, %scan3A_513 = %broadcast_in_dim3A_55, %scan3A_514 = %broadcast_in_dim3A_55, %scan3A_515 = %broadcast_in_dim3A_55, %scan3A_516 = %broadcast_in_dim3A_55, %scan3A_517 = %broadcast_in_dim3A_55, %scan3A_518 = %broadcast_in_dim3A_55, %scan3A_519 = %broadcast_in_dim3A_55) -> (vector<16xf32>, vector<16xf32>, vector<16xf32>, vector<16xf32>, vector<16xf32>, vector<16xf32>, vector<16xf32>, vector<16xf32>)  : i32 {
      %mul3A_520 = arith.constant 128 : i32
      %mul3A_521 = arith.muli %scan3A_511, %mul3A_520 : i32
      %add3A_522 = arith.constant 0 : i32
      %add3A_523 = arith.addi %mul3A_521, %add3A_522 : i32
      %get3A = arith.constant 1 : i32
      %get3A_524 = arith.constant 3 : i32
      %get3A_525 = arith.index_cast %get3A : i32 to index
      %get3A_526 = arith.index_cast %get3A_524 : i32 to index
      %get3A_527 = arith.index_cast %add3A_523 : i32 to index
      %get3A_528 = tpu.vector_load %arg7[%get3A_525, %get3A_526, %get3A_527] {strides = array<i32>} : memref<2x8x4096xf32, #tpu.memory_space<vmem>>, vector<1x1x16xf32>,
      %get3A_529 = vector.shape_cast %get3A_528 : vector<1x1x16xf32> to vector<16xf32>
      %exp3A = math.exp %get3A_529 : vector<16xf32>
      %add3A_530 = arith.addf %scan3A_512, %exp3A : vector<16xf32>
      %add3A_531 = arith.constant 16 : i32
      %add3A_532 = arith.addi %mul3A_521, %add3A_531 : i32
      %get3A_533 = arith.constant 1 : i32
      %get3A_534 = arith.constant 3 : i32
      %get3A_535 = arith.index_cast %get3A_533 : i32 to index
      %get3A_536 = arith.index_cast %get3A_534 : i32 to index
      %get3A_537 = arith.index_cast %add3A_532 : i32 to index
      %get3A_538 = tpu.vector_load %arg7[%get3A_535, %get3A_536, %get3A_537] {strides = array<i32>} : memref<2x8x4096xf32, #tpu.memory_space<vmem>>, vector<1x1x16xf32>,
      %get3A_539 = vector.shape_cast %get3A_538 : vector<1x1x16xf32> to vector<16xf32>
      %exp3A_540 = math.exp %get3A_539 : vector<16xf32>
      %add3A_541 = arith.addf %scan3A_513, %exp3A_540 : vector<16xf32>
      %add3A_542 = arith.constant 32 : i32
      %add3A_543 = arith.addi %mul3A_521, %add3A_542 : i32
      %get3A_544 = arith.constant 1 : i32
      %get3A_545 = arith.constant 3 : i32
      %get3A_546 = arith.index_cast %get3A_544 : i32 to index
      %get3A_547 = arith.index_cast %get3A_545 : i32 to index
      %get3A_548 = arith.index_cast %add3A_543 : i32 to index
      %get3A_549 = tpu.vector_load %arg7[%get3A_546, %get3A_547, %get3A_548] {strides = array<i32>} : memref<2x8x4096xf32, #tpu.memory_space<vmem>>, vector<1x1x16xf32>,
      %get3A_550 = vector.shape_cast %get3A_549 : vector<1x1x16xf32> to vector<16xf32>
      %exp3A_551 = math.exp %get3A_550 : vector<16xf32>
      %add3A_552 = arith.addf %scan3A_514, %exp3A_551 : vector<16xf32>
      %add3A_553 = arith.constant 48 : i32
      %add3A_554 = arith.addi %mul3A_521, %add3A_553 : i32
      %get3A_555 = arith.constant 1 : i32
      %get3A_556 = arith.constant 3 : i32
      %get3A_557 = arith.index_cast %get3A_555 : i32 to index
      %get3A_558 = arith.index_cast %get3A_556 : i32 to index
      %get3A_559 = arith.index_cast %add3A_554 : i32 to index
      %get3A_560 = tpu.vector_load %arg7[%get3A_557, %get3A_558, %get3A_559] {strides = array<i32>} : memref<2x8x4096xf32, #tpu.memory_space<vmem>>, vector<1x1x16xf32>,
      %get3A_561 = vector.shape_cast %get3A_560 : vector<1x1x16xf32> to vector<16xf32>
      %exp3A_562 = math.exp %get3A_561 : vector<16xf32>
      %add3A_563 = arith.addf %scan3A_515, %exp3A_562 : vector<16xf32>
      %add3A_564 = arith.constant 64 : i32
      %add3A_565 = arith.addi %mul3A_521, %add3A_564 : i32
      %get3A_566 = arith.constant 1 : i32
      %get3A_567 = arith.constant 3 : i32
      %get3A_568 = arith.index_cast %get3A_566 : i32 to index
      %get3A_569 = arith.index_cast %get3A_567 : i32 to index
      %get3A_570 = arith.index_cast %add3A_565 : i32 to index
      %get3A_571 = tpu.vector_load %arg7[%get3A_568, %get3A_569, %get3A_570] {strides = array<i32>} : memref<2x8x4096xf32, #tpu.memory_space<vmem>>, vector<1x1x16xf32>,
      %get3A_572 = vector.shape_cast %get3A_571 : vector<1x1x16xf32> to vector<16xf32>
      %exp3A_573 = math.exp %get3A_572 : vector<16xf32>
      %add3A_574 = arith.addf %scan3A_516, %exp3A_573 : vector<16xf32>
      %add3A_575 = arith.constant 80 : i32
      %add3A_576 = arith.addi %mul3A_521, %add3A_575 : i32
      %get3A_577 = arith.constant 1 : i32
      %get3A_578 = arith.constant 3 : i32
      %get3A_579 = arith.index_cast %get3A_577 : i32 to index
      %get3A_580 = arith.index_cast %get3A_578 : i32 to index
      %get3A_581 = arith.index_cast %add3A_576 : i32 to index
      %get3A_582 = tpu.vector_load %arg7[%get3A_579, %get3A_580, %get3A_581] {strides = array<i32>} : memref<2x8x4096xf32, #tpu.memory_space<vmem>>, vector<1x1x16xf32>,
      %get3A_583 = vector.shape_cast %get3A_582 : vector<1x1x16xf32> to vector<16xf32>
      %exp3A_584 = math.exp %get3A_583 : vector<16xf32>
      %add3A_585 = arith.addf %scan3A_517, %exp3A_584 : vector<16xf32>
      %add3A_586 = arith.constant 96 : i32
      %add3A_587 = arith.addi %mul3A_521, %add3A_586 : i32
      %get3A_588 = arith.constant 1 : i32
      %get3A_589 = arith.constant 3 : i32
      %get3A_590 = arith.index_cast %get3A_588 : i32 to index
      %get3A_591 = arith.index_cast %get3A_589 : i32 to index
      %get3A_592 = arith.index_cast %add3A_587 : i32 to index
      %get3A_593 = tpu.vector_load %arg7[%get3A_590, %get3A_591, %get3A_592] {strides = array<i32>} : memref<2x8x4096xf32, #tpu.memory_space<vmem>>, vector<1x1x16xf32>,
      %get3A_594 = vector.shape_cast %get3A_593 : vector<1x1x16xf32> to vector<16xf32>
      %exp3A_595 = math.exp %get3A_594 : vector<16xf32>
      %add3A_596 = arith.addf %scan3A_518, %exp3A_595 : vector<16xf32>
      %add3A_597 = arith.constant 112 : i32
      %add3A_598 = arith.addi %mul3A_521, %add3A_597 : i32
      %get3A_599 = arith.constant 1 : i32
      %get3A_600 = arith.constant 3 : i32
      %get3A_601 = arith.index_cast %get3A_599 : i32 to index
      %get3A_602 = arith.index_cast %get3A_600 : i32 to index
      %get3A_603 = arith.index_cast %add3A_598 : i32 to index
      %get3A_604 = tpu.vector_load %arg7[%get3A_601, %get3A_602, %get3A_603] {strides = array<i32>} : memref<2x8x4096xf32, #tpu.memory_space<vmem>>, vector<1x1x16xf32>,
      %get3A_605 = vector.shape_cast %get3A_604 : vector<1x1x16xf32> to vector<16xf32>
      %exp3A_606 = math.exp %get3A_605 : vector<16xf32>
      %add3A_607 = arith.addf %scan3A_519, %exp3A_606 : vector<16xf32>
      scf.yield %add3A_530, %add3A_541, %add3A_552, %add3A_563, %add3A_574, %add3A_585, %add3A_596, %add3A_607 : vector<16xf32>, vector<16xf32>, vector<16xf32>, vector<16xf32>, vector<16xf32>, vector<16xf32>, vector<16xf32>, vector<16xf32>
    }
    %scan3A_266 = arith.constant 32 : i32
    %add3A_267 = arith.addf %scan3A_265#0, %scan3A_265#1 : vector<16xf32>
    %add3A_268 = arith.addf %add3A_267, %scan3A_265#2 : vector<16xf32>
    %add3A_269 = arith.addf %add3A_268, %scan3A_265#3 : vector<16xf32>
    %add3A_270 = arith.addf %add3A_269, %scan3A_265#4 : vector<16xf32>
    %add3A_271 = arith.addf %add3A_270, %scan3A_265#5 : vector<16xf32>
    %add3A_272 = arith.addf %add3A_271, %scan3A_265#6 : vector<16xf32>
    %add3A_273 = arith.addf %add3A_272, %scan3A_265#7 : vector<16xf32>
    %scan3A_274 = arith.constant 0 : i32
    %scan3A_275 = arith.constant 32 : i32
    %scan3A_276 = arith.addi %scan3A_274, %scan3A_275 : i32
    %scan3A_277 = arith.constant 1 : i32
    %scan3A_278:8 = scf.for %scan3A_511 = %scan3A_274 to %scan3A_276 step %scan3A_277 iter_args(%scan3A_512 = %add3A_150, %scan3A_513 = %broadcast_in_dim3A_55, %scan3A_514 = %broadcast_in_dim3A_55, %scan3A_515 = %broadcast_in_dim3A_55, %scan3A_516 = %broadcast_in_dim3A_55, %scan3A_517 = %broadcast_in_dim3A_55, %scan3A_518 = %broadcast_in_dim3A_55, %scan3A_519 = %broadcast_in_dim3A_55) -> (vector<16xf32>, vector<16xf32>, vector<16xf32>, vector<16xf32>, vector<16xf32>, vector<16xf32>, vector<16xf32>, vector<16xf32>)  : i32 {
      %mul3A_520 = arith.constant 128 : i32
      %mul3A_521 = arith.muli %scan3A_511, %mul3A_520 : i32
      %add3A_522 = arith.constant 0 : i32
      %add3A_523 = arith.addi %mul3A_521, %add3A_522 : i32
      %get3A = arith.constant 1 : i32
      %get3A_524 = arith.constant 4 : i32
      %get3A_525 = arith.index_cast %get3A : i32 to index
      %get3A_526 = arith.index_cast %get3A_524 : i32 to index
      %get3A_527 = arith.index_cast %add3A_523 : i32 to index
      %get3A_528 = tpu.vector_load %arg7[%get3A_525, %get3A_526, %get3A_527] {strides = array<i32>} : memref<2x8x4096xf32, #tpu.memory_space<vmem>>, vector<1x1x16xf32>,
      %get3A_529 = vector.shape_cast %get3A_528 : vector<1x1x16xf32> to vector<16xf32>
      %exp3A = math.exp %get3A_529 : vector<16xf32>
      %add3A_530 = arith.addf %scan3A_512, %exp3A : vector<16xf32>
      %add3A_531 = arith.constant 16 : i32
      %add3A_532 = arith.addi %mul3A_521, %add3A_531 : i32
      %get3A_533 = arith.constant 1 : i32
      %get3A_534 = arith.constant 4 : i32
      %get3A_535 = arith.index_cast %get3A_533 : i32 to index
      %get3A_536 = arith.index_cast %get3A_534 : i32 to index
      %get3A_537 = arith.index_cast %add3A_532 : i32 to index
      %get3A_538 = tpu.vector_load %arg7[%get3A_535, %get3A_536, %get3A_537] {strides = array<i32>} : memref<2x8x4096xf32, #tpu.memory_space<vmem>>, vector<1x1x16xf32>,
      %get3A_539 = vector.shape_cast %get3A_538 : vector<1x1x16xf32> to vector<16xf32>
      %exp3A_540 = math.exp %get3A_539 : vector<16xf32>
      %add3A_541 = arith.addf %scan3A_513, %exp3A_540 : vector<16xf32>
      %add3A_542 = arith.constant 32 : i32
      %add3A_543 = arith.addi %mul3A_521, %add3A_542 : i32
      %get3A_544 = arith.constant 1 : i32
      %get3A_545 = arith.constant 4 : i32
      %get3A_546 = arith.index_cast %get3A_544 : i32 to index
      %get3A_547 = arith.index_cast %get3A_545 : i32 to index
      %get3A_548 = arith.index_cast %add3A_543 : i32 to index
      %get3A_549 = tpu.vector_load %arg7[%get3A_546, %get3A_547, %get3A_548] {strides = array<i32>} : memref<2x8x4096xf32, #tpu.memory_space<vmem>>, vector<1x1x16xf32>,
      %get3A_550 = vector.shape_cast %get3A_549 : vector<1x1x16xf32> to vector<16xf32>
      %exp3A_551 = math.exp %get3A_550 : vector<16xf32>
      %add3A_552 = arith.addf %scan3A_514, %exp3A_551 : vector<16xf32>
      %add3A_553 = arith.constant 48 : i32
      %add3A_554 = arith.addi %mul3A_521, %add3A_553 : i32
      %get3A_555 = arith.constant 1 : i32
      %get3A_556 = arith.constant 4 : i32
      %get3A_557 = arith.index_cast %get3A_555 : i32 to index
      %get3A_558 = arith.index_cast %get3A_556 : i32 to index
      %get3A_559 = arith.index_cast %add3A_554 : i32 to index
      %get3A_560 = tpu.vector_load %arg7[%get3A_557, %get3A_558, %get3A_559] {strides = array<i32>} : memref<2x8x4096xf32, #tpu.memory_space<vmem>>, vector<1x1x16xf32>,
      %get3A_561 = vector.shape_cast %get3A_560 : vector<1x1x16xf32> to vector<16xf32>
      %exp3A_562 = math.exp %get3A_561 : vector<16xf32>
      %add3A_563 = arith.addf %scan3A_515, %exp3A_562 : vector<16xf32>
      %add3A_564 = arith.constant 64 : i32
      %add3A_565 = arith.addi %mul3A_521, %add3A_564 : i32
      %get3A_566 = arith.constant 1 : i32
      %get3A_567 = arith.constant 4 : i32
      %get3A_568 = arith.index_cast %get3A_566 : i32 to index
      %get3A_569 = arith.index_cast %get3A_567 : i32 to index
      %get3A_570 = arith.index_cast %add3A_565 : i32 to index
      %get3A_571 = tpu.vector_load %arg7[%get3A_568, %get3A_569, %get3A_570] {strides = array<i32>} : memref<2x8x4096xf32, #tpu.memory_space<vmem>>, vector<1x1x16xf32>,
      %get3A_572 = vector.shape_cast %get3A_571 : vector<1x1x16xf32> to vector<16xf32>
      %exp3A_573 = math.exp %get3A_572 : vector<16xf32>
      %add3A_574 = arith.addf %scan3A_516, %exp3A_573 : vector<16xf32>
      %add3A_575 = arith.constant 80 : i32
      %add3A_576 = arith.addi %mul3A_521, %add3A_575 : i32
      %get3A_577 = arith.constant 1 : i32
      %get3A_578 = arith.constant 4 : i32
      %get3A_579 = arith.index_cast %get3A_577 : i32 to index
      %get3A_580 = arith.index_cast %get3A_578 : i32 to index
      %get3A_581 = arith.index_cast %add3A_576 : i32 to index
      %get3A_582 = tpu.vector_load %arg7[%get3A_579, %get3A_580, %get3A_581] {strides = array<i32>} : memref<2x8x4096xf32, #tpu.memory_space<vmem>>, vector<1x1x16xf32>,
      %get3A_583 = vector.shape_cast %get3A_582 : vector<1x1x16xf32> to vector<16xf32>
      %exp3A_584 = math.exp %get3A_583 : vector<16xf32>
      %add3A_585 = arith.addf %scan3A_517, %exp3A_584 : vector<16xf32>
      %add3A_586 = arith.constant 96 : i32
      %add3A_587 = arith.addi %mul3A_521, %add3A_586 : i32
      %get3A_588 = arith.constant 1 : i32
      %get3A_589 = arith.constant 4 : i32
      %get3A_590 = arith.index_cast %get3A_588 : i32 to index
      %get3A_591 = arith.index_cast %get3A_589 : i32 to index
      %get3A_592 = arith.index_cast %add3A_587 : i32 to index
      %get3A_593 = tpu.vector_load %arg7[%get3A_590, %get3A_591, %get3A_592] {strides = array<i32>} : memref<2x8x4096xf32, #tpu.memory_space<vmem>>, vector<1x1x16xf32>,
      %get3A_594 = vector.shape_cast %get3A_593 : vector<1x1x16xf32> to vector<16xf32>
      %exp3A_595 = math.exp %get3A_594 : vector<16xf32>
      %add3A_596 = arith.addf %scan3A_518, %exp3A_595 : vector<16xf32>
      %add3A_597 = arith.constant 112 : i32
      %add3A_598 = arith.addi %mul3A_521, %add3A_597 : i32
      %get3A_599 = arith.constant 1 : i32
      %get3A_600 = arith.constant 4 : i32
      %get3A_601 = arith.index_cast %get3A_599 : i32 to index
      %get3A_602 = arith.index_cast %get3A_600 : i32 to index
      %get3A_603 = arith.index_cast %add3A_598 : i32 to index
      %get3A_604 = tpu.vector_load %arg7[%get3A_601, %get3A_602, %get3A_603] {strides = array<i32>} : memref<2x8x4096xf32, #tpu.memory_space<vmem>>, vector<1x1x16xf32>,
      %get3A_605 = vector.shape_cast %get3A_604 : vector<1x1x16xf32> to vector<16xf32>
      %exp3A_606 = math.exp %get3A_605 : vector<16xf32>
      %add3A_607 = arith.addf %scan3A_519, %exp3A_606 : vector<16xf32>
      scf.yield %add3A_530, %add3A_541, %add3A_552, %add3A_563, %add3A_574, %add3A_585, %add3A_596, %add3A_607 : vector<16xf32>, vector<16xf32>, vector<16xf32>, vector<16xf32>, vector<16xf32>, vector<16xf32>, vector<16xf32>, vector<16xf32>
    }
    %scan3A_279 = arith.constant 32 : i32
    %add3A_280 = arith.addf %scan3A_278#0, %scan3A_278#1 : vector<16xf32>
    %add3A_281 = arith.addf %add3A_280, %scan3A_278#2 : vector<16xf32>
    %add3A_282 = arith.addf %add3A_281, %scan3A_278#3 : vector<16xf32>
    %add3A_283 = arith.addf %add3A_282, %scan3A_278#4 : vector<16xf32>
    %add3A_284 = arith.addf %add3A_283, %scan3A_278#5 : vector<16xf32>
    %add3A_285 = arith.addf %add3A_284, %scan3A_278#6 : vector<16xf32>
    %add3A_286 = arith.addf %add3A_285, %scan3A_278#7 : vector<16xf32>
    %scan3A_287 = arith.constant 0 : i32
    %scan3A_288 = arith.constant 32 : i32
    %scan3A_289 = arith.addi %scan3A_287, %scan3A_288 : i32
    %scan3A_290 = arith.constant 1 : i32
    %scan3A_291:8 = scf.for %scan3A_511 = %scan3A_287 to %scan3A_289 step %scan3A_290 iter_args(%scan3A_512 = %add3A_163, %scan3A_513 = %broadcast_in_dim3A_55, %scan3A_514 = %broadcast_in_dim3A_55, %scan3A_515 = %broadcast_in_dim3A_55, %scan3A_516 = %broadcast_in_dim3A_55, %scan3A_517 = %broadcast_in_dim3A_55, %scan3A_518 = %broadcast_in_dim3A_55, %scan3A_519 = %broadcast_in_dim3A_55) -> (vector<16xf32>, vector<16xf32>, vector<16xf32>, vector<16xf32>, vector<16xf32>, vector<16xf32>, vector<16xf32>, vector<16xf32>)  : i32 {
      %mul3A_520 = arith.constant 128 : i32
      %mul3A_521 = arith.muli %scan3A_511, %mul3A_520 : i32
      %add3A_522 = arith.constant 0 : i32
      %add3A_523 = arith.addi %mul3A_521, %add3A_522 : i32
      %get3A = arith.constant 1 : i32
      %get3A_524 = arith.constant 5 : i32
      %get3A_525 = arith.index_cast %get3A : i32 to index
      %get3A_526 = arith.index_cast %get3A_524 : i32 to index
      %get3A_527 = arith.index_cast %add3A_523 : i32 to index
      %get3A_528 = tpu.vector_load %arg7[%get3A_525, %get3A_526, %get3A_527] {strides = array<i32>} : memref<2x8x4096xf32, #tpu.memory_space<vmem>>, vector<1x1x16xf32>,
      %get3A_529 = vector.shape_cast %get3A_528 : vector<1x1x16xf32> to vector<16xf32>
      %exp3A = math.exp %get3A_529 : vector<16xf32>
      %add3A_530 = arith.addf %scan3A_512, %exp3A : vector<16xf32>
      %add3A_531 = arith.constant 16 : i32
      %add3A_532 = arith.addi %mul3A_521, %add3A_531 : i32
      %get3A_533 = arith.constant 1 : i32
      %get3A_534 = arith.constant 5 : i32
      %get3A_535 = arith.index_cast %get3A_533 : i32 to index
      %get3A_536 = arith.index_cast %get3A_534 : i32 to index
      %get3A_537 = arith.index_cast %add3A_532 : i32 to index
      %get3A_538 = tpu.vector_load %arg7[%get3A_535, %get3A_536, %get3A_537] {strides = array<i32>} : memref<2x8x4096xf32, #tpu.memory_space<vmem>>, vector<1x1x16xf32>,
      %get3A_539 = vector.shape_cast %get3A_538 : vector<1x1x16xf32> to vector<16xf32>
      %exp3A_540 = math.exp %get3A_539 : vector<16xf32>
      %add3A_541 = arith.addf %scan3A_513, %exp3A_540 : vector<16xf32>
      %add3A_542 = arith.constant 32 : i32
      %add3A_543 = arith.addi %mul3A_521, %add3A_542 : i32
      %get3A_544 = arith.constant 1 : i32
      %get3A_545 = arith.constant 5 : i32
      %get3A_546 = arith.index_cast %get3A_544 : i32 to index
      %get3A_547 = arith.index_cast %get3A_545 : i32 to index
      %get3A_548 = arith.index_cast %add3A_543 : i32 to index
      %get3A_549 = tpu.vector_load %arg7[%get3A_546, %get3A_547, %get3A_548] {strides = array<i32>} : memref<2x8x4096xf32, #tpu.memory_space<vmem>>, vector<1x1x16xf32>,
      %get3A_550 = vector.shape_cast %get3A_549 : vector<1x1x16xf32> to vector<16xf32>
      %exp3A_551 = math.exp %get3A_550 : vector<16xf32>
      %add3A_552 = arith.addf %scan3A_514, %exp3A_551 : vector<16xf32>
      %add3A_553 = arith.constant 48 : i32
      %add3A_554 = arith.addi %mul3A_521, %add3A_553 : i32
      %get3A_555 = arith.constant 1 : i32
      %get3A_556 = arith.constant 5 : i32
      %get3A_557 = arith.index_cast %get3A_555 : i32 to index
      %get3A_558 = arith.index_cast %get3A_556 : i32 to index
      %get3A_559 = arith.index_cast %add3A_554 : i32 to index
      %get3A_560 = tpu.vector_load %arg7[%get3A_557, %get3A_558, %get3A_559] {strides = array<i32>} : memref<2x8x4096xf32, #tpu.memory_space<vmem>>, vector<1x1x16xf32>,
      %get3A_561 = vector.shape_cast %get3A_560 : vector<1x1x16xf32> to vector<16xf32>
      %exp3A_562 = math.exp %get3A_561 : vector<16xf32>
      %add3A_563 = arith.addf %scan3A_515, %exp3A_562 : vector<16xf32>
      %add3A_564 = arith.constant 64 : i32
      %add3A_565 = arith.addi %mul3A_521, %add3A_564 : i32
      %get3A_566 = arith.constant 1 : i32
      %get3A_567 = arith.constant 5 : i32
      %get3A_568 = arith.index_cast %get3A_566 : i32 to index
      %get3A_569 = arith.index_cast %get3A_567 : i32 to index
      %get3A_570 = arith.index_cast %add3A_565 : i32 to index
      %get3A_571 = tpu.vector_load %arg7[%get3A_568, %get3A_569, %get3A_570] {strides = array<i32>} : memref<2x8x4096xf32, #tpu.memory_space<vmem>>, vector<1x1x16xf32>,
      %get3A_572 = vector.shape_cast %get3A_571 : vector<1x1x16xf32> to vector<16xf32>
      %exp3A_573 = math.exp %get3A_572 : vector<16xf32>
      %add3A_574 = arith.addf %scan3A_516, %exp3A_573 : vector<16xf32>
      %add3A_575 = arith.constant 80 : i32
      %add3A_576 = arith.addi %mul3A_521, %add3A_575 : i32
      %get3A_577 = arith.constant 1 : i32
      %get3A_578 = arith.constant 5 : i32
      %get3A_579 = arith.index_cast %get3A_577 : i32 to index
      %get3A_580 = arith.index_cast %get3A_578 : i32 to index
      %get3A_581 = arith.index_cast %add3A_576 : i32 to index
      %get3A_582 = tpu.vector_load %arg7[%get3A_579, %get3A_580, %get3A_581] {strides = array<i32>} : memref<2x8x4096xf32, #tpu.memory_space<vmem>>, vector<1x1x16xf32>,
      %get3A_583 = vector.shape_cast %get3A_582 : vector<1x1x16xf32> to vector<16xf32>
      %exp3A_584 = math.exp %get3A_583 : vector<16xf32>
      %add3A_585 = arith.addf %scan3A_517, %exp3A_584 : vector<16xf32>
      %add3A_586 = arith.constant 96 : i32
      %add3A_587 = arith.addi %mul3A_521, %add3A_586 : i32
      %get3A_588 = arith.constant 1 : i32
      %get3A_589 = arith.constant 5 : i32
      %get3A_590 = arith.index_cast %get3A_588 : i32 to index
      %get3A_591 = arith.index_cast %get3A_589 : i32 to index
      %get3A_592 = arith.index_cast %add3A_587 : i32 to index
      %get3A_593 = tpu.vector_load %arg7[%get3A_590, %get3A_591, %get3A_592] {strides = array<i32>} : memref<2x8x4096xf32, #tpu.memory_space<vmem>>, vector<1x1x16xf32>,
      %get3A_594 = vector.shape_cast %get3A_593 : vector<1x1x16xf32> to vector<16xf32>
      %exp3A_595 = math.exp %get3A_594 : vector<16xf32>
      %add3A_596 = arith.addf %scan3A_518, %exp3A_595 : vector<16xf32>
      %add3A_597 = arith.constant 112 : i32
      %add3A_598 = arith.addi %mul3A_521, %add3A_597 : i32
      %get3A_599 = arith.constant 1 : i32
      %get3A_600 = arith.constant 5 : i32
      %get3A_601 = arith.index_cast %get3A_599 : i32 to index
      %get3A_602 = arith.index_cast %get3A_600 : i32 to index
      %get3A_603 = arith.index_cast %add3A_598 : i32 to index
      %get3A_604 = tpu.vector_load %arg7[%get3A_601, %get3A_602, %get3A_603] {strides = array<i32>} : memref<2x8x4096xf32, #tpu.memory_space<vmem>>, vector<1x1x16xf32>,
      %get3A_605 = vector.shape_cast %get3A_604 : vector<1x1x16xf32> to vector<16xf32>
      %exp3A_606 = math.exp %get3A_605 : vector<16xf32>
      %add3A_607 = arith.addf %scan3A_519, %exp3A_606 : vector<16xf32>
      scf.yield %add3A_530, %add3A_541, %add3A_552, %add3A_563, %add3A_574, %add3A_585, %add3A_596, %add3A_607 : vector<16xf32>, vector<16xf32>, vector<16xf32>, vector<16xf32>, vector<16xf32>, vector<16xf32>, vector<16xf32>, vector<16xf32>
    }
    %scan3A_292 = arith.constant 32 : i32
    %add3A_293 = arith.addf %scan3A_291#0, %scan3A_291#1 : vector<16xf32>
    %add3A_294 = arith.addf %add3A_293, %scan3A_291#2 : vector<16xf32>
    %add3A_295 = arith.addf %add3A_294, %scan3A_291#3 : vector<16xf32>
    %add3A_296 = arith.addf %add3A_295, %scan3A_291#4 : vector<16xf32>
    %add3A_297 = arith.addf %add3A_296, %scan3A_291#5 : vector<16xf32>
    %add3A_298 = arith.addf %add3A_297, %scan3A_291#6 : vector<16xf32>
    %add3A_299 = arith.addf %add3A_298, %scan3A_291#7 : vector<16xf32>
    %scan3A_300 = arith.constant 0 : i32
    %scan3A_301 = arith.constant 32 : i32
    %scan3A_302 = arith.addi %scan3A_300, %scan3A_301 : i32
    %scan3A_303 = arith.constant 1 : i32
    %scan3A_304:8 = scf.for %scan3A_511 = %scan3A_300 to %scan3A_302 step %scan3A_303 iter_args(%scan3A_512 = %add3A_176, %scan3A_513 = %broadcast_in_dim3A_55, %scan3A_514 = %broadcast_in_dim3A_55, %scan3A_515 = %broadcast_in_dim3A_55, %scan3A_516 = %broadcast_in_dim3A_55, %scan3A_517 = %broadcast_in_dim3A_55, %scan3A_518 = %broadcast_in_dim3A_55, %scan3A_519 = %broadcast_in_dim3A_55) -> (vector<16xf32>, vector<16xf32>, vector<16xf32>, vector<16xf32>, vector<16xf32>, vector<16xf32>, vector<16xf32>, vector<16xf32>)  : i32 {
      %mul3A_520 = arith.constant 128 : i32
      %mul3A_521 = arith.muli %scan3A_511, %mul3A_520 : i32
      %add3A_522 = arith.constant 0 : i32
      %add3A_523 = arith.addi %mul3A_521, %add3A_522 : i32
      %get3A = arith.constant 1 : i32
      %get3A_524 = arith.constant 6 : i32
      %get3A_525 = arith.index_cast %get3A : i32 to index
      %get3A_526 = arith.index_cast %get3A_524 : i32 to index
      %get3A_527 = arith.index_cast %add3A_523 : i32 to index
      %get3A_528 = tpu.vector_load %arg7[%get3A_525, %get3A_526, %get3A_527] {strides = array<i32>} : memref<2x8x4096xf32, #tpu.memory_space<vmem>>, vector<1x1x16xf32>,
      %get3A_529 = vector.shape_cast %get3A_528 : vector<1x1x16xf32> to vector<16xf32>
      %exp3A = math.exp %get3A_529 : vector<16xf32>
      %add3A_530 = arith.addf %scan3A_512, %exp3A : vector<16xf32>
      %add3A_531 = arith.constant 16 : i32
      %add3A_532 = arith.addi %mul3A_521, %add3A_531 : i32
      %get3A_533 = arith.constant 1 : i32
      %get3A_534 = arith.constant 6 : i32
      %get3A_535 = arith.index_cast %get3A_533 : i32 to index
      %get3A_536 = arith.index_cast %get3A_534 : i32 to index
      %get3A_537 = arith.index_cast %add3A_532 : i32 to index
      %get3A_538 = tpu.vector_load %arg7[%get3A_535, %get3A_536, %get3A_537] {strides = array<i32>} : memref<2x8x4096xf32, #tpu.memory_space<vmem>>, vector<1x1x16xf32>,
      %get3A_539 = vector.shape_cast %get3A_538 : vector<1x1x16xf32> to vector<16xf32>
      %exp3A_540 = math.exp %get3A_539 : vector<16xf32>
      %add3A_541 = arith.addf %scan3A_513, %exp3A_540 : vector<16xf32>
      %add3A_542 = arith.constant 32 : i32
      %add3A_543 = arith.addi %mul3A_521, %add3A_542 : i32
      %get3A_544 = arith.constant 1 : i32
      %get3A_545 = arith.constant 6 : i32
      %get3A_546 = arith.index_cast %get3A_544 : i32 to index
      %get3A_547 = arith.index_cast %get3A_545 : i32 to index
      %get3A_548 = arith.index_cast %add3A_543 : i32 to index
      %get3A_549 = tpu.vector_load %arg7[%get3A_546, %get3A_547, %get3A_548] {strides = array<i32>} : memref<2x8x4096xf32, #tpu.memory_space<vmem>>, vector<1x1x16xf32>,
      %get3A_550 = vector.shape_cast %get3A_549 : vector<1x1x16xf32> to vector<16xf32>
      %exp3A_551 = math.exp %get3A_550 : vector<16xf32>
      %add3A_552 = arith.addf %scan3A_514, %exp3A_551 : vector<16xf32>
      %add3A_553 = arith.constant 48 : i32
      %add3A_554 = arith.addi %mul3A_521, %add3A_553 : i32
      %get3A_555 = arith.constant 1 : i32
      %get3A_556 = arith.constant 6 : i32
      %get3A_557 = arith.index_cast %get3A_555 : i32 to index
      %get3A_558 = arith.index_cast %get3A_556 : i32 to index
      %get3A_559 = arith.index_cast %add3A_554 : i32 to index
      %get3A_560 = tpu.vector_load %arg7[%get3A_557, %get3A_558, %get3A_559] {strides = array<i32>} : memref<2x8x4096xf32, #tpu.memory_space<vmem>>, vector<1x1x16xf32>,
      %get3A_561 = vector.shape_cast %get3A_560 : vector<1x1x16xf32> to vector<16xf32>
      %exp3A_562 = math.exp %get3A_561 : vector<16xf32>
      %add3A_563 = arith.addf %scan3A_515, %exp3A_562 : vector<16xf32>
      %add3A_564 = arith.constant 64 : i32
      %add3A_565 = arith.addi %mul3A_521, %add3A_564 : i32
      %get3A_566 = arith.constant 1 : i32
      %get3A_567 = arith.constant 6 : i32
      %get3A_568 = arith.index_cast %get3A_566 : i32 to index
      %get3A_569 = arith.index_cast %get3A_567 : i32 to index
      %get3A_570 = arith.index_cast %add3A_565 : i32 to index
      %get3A_571 = tpu.vector_load %arg7[%get3A_568, %get3A_569, %get3A_570] {strides = array<i32>} : memref<2x8x4096xf32, #tpu.memory_space<vmem>>, vector<1x1x16xf32>,
      %get3A_572 = vector.shape_cast %get3A_571 : vector<1x1x16xf32> to vector<16xf32>
      %exp3A_573 = math.exp %get3A_572 : vector<16xf32>
      %add3A_574 = arith.addf %scan3A_516, %exp3A_573 : vector<16xf32>
      %add3A_575 = arith.constant 80 : i32
      %add3A_576 = arith.addi %mul3A_521, %add3A_575 : i32
      %get3A_577 = arith.constant 1 : i32
      %get3A_578 = arith.constant 6 : i32
      %get3A_579 = arith.index_cast %get3A_577 : i32 to index
      %get3A_580 = arith.index_cast %get3A_578 : i32 to index
      %get3A_581 = arith.index_cast %add3A_576 : i32 to index
      %get3A_582 = tpu.vector_load %arg7[%get3A_579, %get3A_580, %get3A_581] {strides = array<i32>} : memref<2x8x4096xf32, #tpu.memory_space<vmem>>, vector<1x1x16xf32>,
      %get3A_583 = vector.shape_cast %get3A_582 : vector<1x1x16xf32> to vector<16xf32>
      %exp3A_584 = math.exp %get3A_583 : vector<16xf32>
      %add3A_585 = arith.addf %scan3A_517, %exp3A_584 : vector<16xf32>
      %add3A_586 = arith.constant 96 : i32
      %add3A_587 = arith.addi %mul3A_521, %add3A_586 : i32
      %get3A_588 = arith.constant 1 : i32
      %get3A_589 = arith.constant 6 : i32
      %get3A_590 = arith.index_cast %get3A_588 : i32 to index
      %get3A_591 = arith.index_cast %get3A_589 : i32 to index
      %get3A_592 = arith.index_cast %add3A_587 : i32 to index
      %get3A_593 = tpu.vector_load %arg7[%get3A_590, %get3A_591, %get3A_592] {strides = array<i32>} : memref<2x8x4096xf32, #tpu.memory_space<vmem>>, vector<1x1x16xf32>,
      %get3A_594 = vector.shape_cast %get3A_593 : vector<1x1x16xf32> to vector<16xf32>
      %exp3A_595 = math.exp %get3A_594 : vector<16xf32>
      %add3A_596 = arith.addf %scan3A_518, %exp3A_595 : vector<16xf32>
      %add3A_597 = arith.constant 112 : i32
      %add3A_598 = arith.addi %mul3A_521, %add3A_597 : i32
      %get3A_599 = arith.constant 1 : i32
      %get3A_600 = arith.constant 6 : i32
      %get3A_601 = arith.index_cast %get3A_599 : i32 to index
      %get3A_602 = arith.index_cast %get3A_600 : i32 to index
      %get3A_603 = arith.index_cast %add3A_598 : i32 to index
      %get3A_604 = tpu.vector_load %arg7[%get3A_601, %get3A_602, %get3A_603] {strides = array<i32>} : memref<2x8x4096xf32, #tpu.memory_space<vmem>>, vector<1x1x16xf32>,
      %get3A_605 = vector.shape_cast %get3A_604 : vector<1x1x16xf32> to vector<16xf32>
      %exp3A_606 = math.exp %get3A_605 : vector<16xf32>
      %add3A_607 = arith.addf %scan3A_519, %exp3A_606 : vector<16xf32>
      scf.yield %add3A_530, %add3A_541, %add3A_552, %add3A_563, %add3A_574, %add3A_585, %add3A_596, %add3A_607 : vector<16xf32>, vector<16xf32>, vector<16xf32>, vector<16xf32>, vector<16xf32>, vector<16xf32>, vector<16xf32>, vector<16xf32>
    }
    %scan3A_305 = arith.constant 32 : i32
    %add3A_306 = arith.addf %scan3A_304#0, %scan3A_304#1 : vector<16xf32>
    %add3A_307 = arith.addf %add3A_306, %scan3A_304#2 : vector<16xf32>
    %add3A_308 = arith.addf %add3A_307, %scan3A_304#3 : vector<16xf32>
    %add3A_309 = arith.addf %add3A_308, %scan3A_304#4 : vector<16xf32>
    %add3A_310 = arith.addf %add3A_309, %scan3A_304#5 : vector<16xf32>
    %add3A_311 = arith.addf %add3A_310, %scan3A_304#6 : vector<16xf32>
    %add3A_312 = arith.addf %add3A_311, %scan3A_304#7 : vector<16xf32>
    %scan3A_313 = arith.constant 0 : i32
    %scan3A_314 = arith.constant 32 : i32
    %scan3A_315 = arith.addi %scan3A_313, %scan3A_314 : i32
    %scan3A_316 = arith.constant 1 : i32
    %scan3A_317:8 = scf.for %scan3A_511 = %scan3A_313 to %scan3A_315 step %scan3A_316 iter_args(%scan3A_512 = %add3A_189, %scan3A_513 = %broadcast_in_dim3A_55, %scan3A_514 = %broadcast_in_dim3A_55, %scan3A_515 = %broadcast_in_dim3A_55, %scan3A_516 = %broadcast_in_dim3A_55, %scan3A_517 = %broadcast_in_dim3A_55, %scan3A_518 = %broadcast_in_dim3A_55, %scan3A_519 = %broadcast_in_dim3A_55) -> (vector<16xf32>, vector<16xf32>, vector<16xf32>, vector<16xf32>, vector<16xf32>, vector<16xf32>, vector<16xf32>, vector<16xf32>)  : i32 {
      %mul3A_520 = arith.constant 128 : i32
      %mul3A_521 = arith.muli %scan3A_511, %mul3A_520 : i32
      %add3A_522 = arith.constant 0 : i32
      %add3A_523 = arith.addi %mul3A_521, %add3A_522 : i32
      %get3A = arith.constant 1 : i32
      %get3A_524 = arith.constant 7 : i32
      %get3A_525 = arith.index_cast %get3A : i32 to index
      %get3A_526 = arith.index_cast %get3A_524 : i32 to index
      %get3A_527 = arith.index_cast %add3A_523 : i32 to index
      %get3A_528 = tpu.vector_load %arg7[%get3A_525, %get3A_526, %get3A_527] {strides = array<i32>} : memref<2x8x4096xf32, #tpu.memory_space<vmem>>, vector<1x1x16xf32>,
      %get3A_529 = vector.shape_cast %get3A_528 : vector<1x1x16xf32> to vector<16xf32>
      %exp3A = math.exp %get3A_529 : vector<16xf32>
      %add3A_530 = arith.addf %scan3A_512, %exp3A : vector<16xf32>
      %add3A_531 = arith.constant 16 : i32
      %add3A_532 = arith.addi %mul3A_521, %add3A_531 : i32
      %get3A_533 = arith.constant 1 : i32
      %get3A_534 = arith.constant 7 : i32
      %get3A_535 = arith.index_cast %get3A_533 : i32 to index
      %get3A_536 = arith.index_cast %get3A_534 : i32 to index
      %get3A_537 = arith.index_cast %add3A_532 : i32 to index
      %get3A_538 = tpu.vector_load %arg7[%get3A_535, %get3A_536, %get3A_537] {strides = array<i32>} : memref<2x8x4096xf32, #tpu.memory_space<vmem>>, vector<1x1x16xf32>,
      %get3A_539 = vector.shape_cast %get3A_538 : vector<1x1x16xf32> to vector<16xf32>
      %exp3A_540 = math.exp %get3A_539 : vector<16xf32>
      %add3A_541 = arith.addf %scan3A_513, %exp3A_540 : vector<16xf32>
      %add3A_542 = arith.constant 32 : i32
      %add3A_543 = arith.addi %mul3A_521, %add3A_542 : i32
      %get3A_544 = arith.constant 1 : i32
      %get3A_545 = arith.constant 7 : i32
      %get3A_546 = arith.index_cast %get3A_544 : i32 to index
      %get3A_547 = arith.index_cast %get3A_545 : i32 to index
      %get3A_548 = arith.index_cast %add3A_543 : i32 to index
      %get3A_549 = tpu.vector_load %arg7[%get3A_546, %get3A_547, %get3A_548] {strides = array<i32>} : memref<2x8x4096xf32, #tpu.memory_space<vmem>>, vector<1x1x16xf32>,
      %get3A_550 = vector.shape_cast %get3A_549 : vector<1x1x16xf32> to vector<16xf32>
      %exp3A_551 = math.exp %get3A_550 : vector<16xf32>
      %add3A_552 = arith.addf %scan3A_514, %exp3A_551 : vector<16xf32>
      %add3A_553 = arith.constant 48 : i32
      %add3A_554 = arith.addi %mul3A_521, %add3A_553 : i32
      %get3A_555 = arith.constant 1 : i32
      %get3A_556 = arith.constant 7 : i32
      %get3A_557 = arith.index_cast %get3A_555 : i32 to index
      %get3A_558 = arith.index_cast %get3A_556 : i32 to index
      %get3A_559 = arith.index_cast %add3A_554 : i32 to index
      %get3A_560 = tpu.vector_load %arg7[%get3A_557, %get3A_558, %get3A_559] {strides = array<i32>} : memref<2x8x4096xf32, #tpu.memory_space<vmem>>, vector<1x1x16xf32>,
      %get3A_561 = vector.shape_cast %get3A_560 : vector<1x1x16xf32> to vector<16xf32>
      %exp3A_562 = math.exp %get3A_561 : vector<16xf32>
      %add3A_563 = arith.addf %scan3A_515, %exp3A_562 : vector<16xf32>
      %add3A_564 = arith.constant 64 : i32
      %add3A_565 = arith.addi %mul3A_521, %add3A_564 : i32
      %get3A_566 = arith.constant 1 : i32
      %get3A_567 = arith.constant 7 : i32
      %get3A_568 = arith.index_cast %get3A_566 : i32 to index
      %get3A_569 = arith.index_cast %get3A_567 : i32 to index
      %get3A_570 = arith.index_cast %add3A_565 : i32 to index
      %get3A_571 = tpu.vector_load %arg7[%get3A_568, %get3A_569, %get3A_570] {strides = array<i32>} : memref<2x8x4096xf32, #tpu.memory_space<vmem>>, vector<1x1x16xf32>,
      %get3A_572 = vector.shape_cast %get3A_571 : vector<1x1x16xf32> to vector<16xf32>
      %exp3A_573 = math.exp %get3A_572 : vector<16xf32>
      %add3A_574 = arith.addf %scan3A_516, %exp3A_573 : vector<16xf32>
      %add3A_575 = arith.constant 80 : i32
      %add3A_576 = arith.addi %mul3A_521, %add3A_575 : i32
      %get3A_577 = arith.constant 1 : i32
      %get3A_578 = arith.constant 7 : i32
      %get3A_579 = arith.index_cast %get3A_577 : i32 to index
      %get3A_580 = arith.index_cast %get3A_578 : i32 to index
      %get3A_581 = arith.index_cast %add3A_576 : i32 to index
      %get3A_582 = tpu.vector_load %arg7[%get3A_579, %get3A_580, %get3A_581] {strides = array<i32>} : memref<2x8x4096xf32, #tpu.memory_space<vmem>>, vector<1x1x16xf32>,
      %get3A_583 = vector.shape_cast %get3A_582 : vector<1x1x16xf32> to vector<16xf32>
      %exp3A_584 = math.exp %get3A_583 : vector<16xf32>
      %add3A_585 = arith.addf %scan3A_517, %exp3A_584 : vector<16xf32>
      %add3A_586 = arith.constant 96 : i32
      %add3A_587 = arith.addi %mul3A_521, %add3A_586 : i32
      %get3A_588 = arith.constant 1 : i32
      %get3A_589 = arith.constant 7 : i32
      %get3A_590 = arith.index_cast %get3A_588 : i32 to index
      %get3A_591 = arith.index_cast %get3A_589 : i32 to index
      %get3A_592 = arith.index_cast %add3A_587 : i32 to index
      %get3A_593 = tpu.vector_load %arg7[%get3A_590, %get3A_591, %get3A_592] {strides = array<i32>} : memref<2x8x4096xf32, #tpu.memory_space<vmem>>, vector<1x1x16xf32>,
      %get3A_594 = vector.shape_cast %get3A_593 : vector<1x1x16xf32> to vector<16xf32>
      %exp3A_595 = math.exp %get3A_594 : vector<16xf32>
      %add3A_596 = arith.addf %scan3A_518, %exp3A_595 : vector<16xf32>
      %add3A_597 = arith.constant 112 : i32
      %add3A_598 = arith.addi %mul3A_521, %add3A_597 : i32
      %get3A_599 = arith.constant 1 : i32
      %get3A_600 = arith.constant 7 : i32
      %get3A_601 = arith.index_cast %get3A_599 : i32 to index
      %get3A_602 = arith.index_cast %get3A_600 : i32 to index
      %get3A_603 = arith.index_cast %add3A_598 : i32 to index
      %get3A_604 = tpu.vector_load %arg7[%get3A_601, %get3A_602, %get3A_603] {strides = array<i32>} : memref<2x8x4096xf32, #tpu.memory_space<vmem>>, vector<1x1x16xf32>,
      %get3A_605 = vector.shape_cast %get3A_604 : vector<1x1x16xf32> to vector<16xf32>
      %exp3A_606 = math.exp %get3A_605 : vector<16xf32>
      %add3A_607 = arith.addf %scan3A_519, %exp3A_606 : vector<16xf32>
      scf.yield %add3A_530, %add3A_541, %add3A_552, %add3A_563, %add3A_574, %add3A_585, %add3A_596, %add3A_607 : vector<16xf32>, vector<16xf32>, vector<16xf32>, vector<16xf32>, vector<16xf32>, vector<16xf32>, vector<16xf32>, vector<16xf32>
    }
    %scan3A_318 = arith.constant 32 : i32
    %add3A_319 = arith.addf %scan3A_317#0, %scan3A_317#1 : vector<16xf32>
    %add3A_320 = arith.addf %add3A_319, %scan3A_317#2 : vector<16xf32>
    %add3A_321 = arith.addf %add3A_320, %scan3A_317#3 : vector<16xf32>
    %add3A_322 = arith.addf %add3A_321, %scan3A_317#4 : vector<16xf32>
    %add3A_323 = arith.addf %add3A_322, %scan3A_317#5 : vector<16xf32>
    %add3A_324 = arith.addf %add3A_323, %scan3A_317#6 : vector<16xf32>
    %add3A_325 = arith.addf %add3A_324, %scan3A_317#7 : vector<16xf32>
    %add3A_326 = arith.constant 8192 : i32
    %add3A_327 = arith.addi %mul3A_39, %add3A_326 : i32
    %dma_wait3A_328 = arith.constant 0 : i32
    %dma_wait3A_329 = arith.constant 0 : i32
    %dma_wait3A_330 = arith.constant 0 : i32
    %dma_wait3A_331 = arith.constant 0 : i32
    %dma_wait3A_332 = tpu.memref_slice %arg7[%dma_wait3A_328, %dma_wait3A_330, %dma_wait3A_331] : memref<2x8x4096xf32, #tpu.memory_space<vmem>> -> memref<1x8x4096xf32, #tpu.memory_space<vmem>>
    %dma_wait3A_333 = tpu.memref_squeeze %dma_wait3A_332 : memref<1x8x4096xf32, #tpu.memory_space<vmem>> -> memref<8x4096xf32, #tpu.memory_space<vmem>>
    %dma_wait3A_334 = tpu.memref_slice %arg2[%add3A_37, %add3A_327] : memref<128x100000xf32, #tpu.memory_space<hbm>> -> memref<8x4096xf32, #tpu.memory_space<hbm>>
    %dma_wait3A_335 = tpu.memref_slice %arg11[%dma_wait3A_329] : memref<2x!tpu.dma_semaphore, #tpu.memory_space<semaphore_mem>> -> memref<1x!tpu.dma_semaphore, #tpu.memory_space<semaphore_mem>>
    %dma_wait3A_336 = tpu.memref_squeeze %dma_wait3A_335 : memref<1x!tpu.dma_semaphore, #tpu.memory_space<semaphore_mem>> -> memref<!tpu.dma_semaphore, #tpu.memory_space<semaphore_mem>>
    %dma_wait3A_337 = arith.constant 0 : i32
    %dma_wait3A_338 = arith.constant 0 : i32
    %dma_wait3A_339 = tpu.memref_slice %arg7[%dma_wait3A_328, %dma_wait3A_337, %dma_wait3A_338] : memref<2x8x4096xf32, #tpu.memory_space<vmem>> -> memref<1x8x4096xf32, #tpu.memory_space<vmem>>
    %dma_wait3A_340 = tpu.memref_squeeze %dma_wait3A_339 : memref<1x8x4096xf32, #tpu.memory_space<vmem>> -> memref<8x4096xf32, #tpu.memory_space<vmem>>
    %dma_wait3A_341 = tpu.memref_slice %arg2[%add3A_37, %add3A_327] : memref<128x100000xf32, #tpu.memory_space<hbm>> -> memref<8x4096xf32, #tpu.memory_space<hbm>>
    tpu.wait_dma2 semaphore(%dma_wait3A_336 : memref<!tpu.dma_semaphore, #tpu.memory_space<semaphore_mem>>) src(%dma_wait3A_341 : memref<8x4096xf32, #tpu.memory_space<hbm>>) dst(%dma_wait3A_340 : memref<8x4096xf32, #tpu.memory_space<vmem>>)
    %scan3A_342 = arith.constant 0 : i32
    %scan3A_343 = arith.constant 32 : i32
    %scan3A_344 = arith.addi %scan3A_342, %scan3A_343 : i32
    %scan3A_345 = arith.constant 1 : i32
    %scan3A_346:8 = scf.for %scan3A_511 = %scan3A_342 to %scan3A_344 step %scan3A_345 iter_args(%scan3A_512 = %add3A_234, %scan3A_513 = %broadcast_in_dim3A_55, %scan3A_514 = %broadcast_in_dim3A_55, %scan3A_515 = %broadcast_in_dim3A_55, %scan3A_516 = %broadcast_in_dim3A_55, %scan3A_517 = %broadcast_in_dim3A_55, %scan3A_518 = %broadcast_in_dim3A_55, %scan3A_519 = %broadcast_in_dim3A_55) -> (vector<16xf32>, vector<16xf32>, vector<16xf32>, vector<16xf32>, vector<16xf32>, vector<16xf32>, vector<16xf32>, vector<16xf32>)  : i32 {
      %mul3A_520 = arith.constant 128 : i32
      %mul3A_521 = arith.muli %scan3A_511, %mul3A_520 : i32
      %add3A_522 = arith.constant 0 : i32
      %add3A_523 = arith.addi %mul3A_521, %add3A_522 : i32
      %get3A = arith.constant 0 : i32
      %get3A_524 = arith.constant 0 : i32
      %get3A_525 = arith.index_cast %get3A : i32 to index
      %get3A_526 = arith.index_cast %get3A_524 : i32 to index
      %get3A_527 = arith.index_cast %add3A_523 : i32 to index
      %get3A_528 = tpu.vector_load %arg7[%get3A_525, %get3A_526, %get3A_527] {strides = array<i32>} : memref<2x8x4096xf32, #tpu.memory_space<vmem>>, vector<1x1x16xf32>,
      %get3A_529 = vector.shape_cast %get3A_528 : vector<1x1x16xf32> to vector<16xf32>
      %exp3A = math.exp %get3A_529 : vector<16xf32>
      %add3A_530 = arith.addf %scan3A_512, %exp3A : vector<16xf32>
      %add3A_531 = arith.constant 16 : i32
      %add3A_532 = arith.addi %mul3A_521, %add3A_531 : i32
      %get3A_533 = arith.constant 0 : i32
      %get3A_534 = arith.constant 0 : i32
      %get3A_535 = arith.index_cast %get3A_533 : i32 to index
      %get3A_536 = arith.index_cast %get3A_534 : i32 to index
      %get3A_537 = arith.index_cast %add3A_532 : i32 to index
      %get3A_538 = tpu.vector_load %arg7[%get3A_535, %get3A_536, %get3A_537] {strides = array<i32>} : memref<2x8x4096xf32, #tpu.memory_space<vmem>>, vector<1x1x16xf32>,
      %get3A_539 = vector.shape_cast %get3A_538 : vector<1x1x16xf32> to vector<16xf32>
      %exp3A_540 = math.exp %get3A_539 : vector<16xf32>
      %add3A_541 = arith.addf %scan3A_513, %exp3A_540 : vector<16xf32>
      %add3A_542 = arith.constant 32 : i32
      %add3A_543 = arith.addi %mul3A_521, %add3A_542 : i32
      %get3A_544 = arith.constant 0 : i32
      %get3A_545 = arith.constant 0 : i32
      %get3A_546 = arith.index_cast %get3A_544 : i32 to index
      %get3A_547 = arith.index_cast %get3A_545 : i32 to index
      %get3A_548 = arith.index_cast %add3A_543 : i32 to index
      %get3A_549 = tpu.vector_load %arg7[%get3A_546, %get3A_547, %get3A_548] {strides = array<i32>} : memref<2x8x4096xf32, #tpu.memory_space<vmem>>, vector<1x1x16xf32>,
      %get3A_550 = vector.shape_cast %get3A_549 : vector<1x1x16xf32> to vector<16xf32>
      %exp3A_551 = math.exp %get3A_550 : vector<16xf32>
      %add3A_552 = arith.addf %scan3A_514, %exp3A_551 : vector<16xf32>
      %add3A_553 = arith.constant 48 : i32
      %add3A_554 = arith.addi %mul3A_521, %add3A_553 : i32
      %get3A_555 = arith.constant 0 : i32
      %get3A_556 = arith.constant 0 : i32
      %get3A_557 = arith.index_cast %get3A_555 : i32 to index
      %get3A_558 = arith.index_cast %get3A_556 : i32 to index
      %get3A_559 = arith.index_cast %add3A_554 : i32 to index
      %get3A_560 = tpu.vector_load %arg7[%get3A_557, %get3A_558, %get3A_559] {strides = array<i32>} : memref<2x8x4096xf32, #tpu.memory_space<vmem>>, vector<1x1x16xf32>,
      %get3A_561 = vector.shape_cast %get3A_560 : vector<1x1x16xf32> to vector<16xf32>
      %exp3A_562 = math.exp %get3A_561 : vector<16xf32>
      %add3A_563 = arith.addf %scan3A_515, %exp3A_562 : vector<16xf32>
      %add3A_564 = arith.constant 64 : i32
      %add3A_565 = arith.addi %mul3A_521, %add3A_564 : i32
      %get3A_566 = arith.constant 0 : i32
      %get3A_567 = arith.constant 0 : i32
      %get3A_568 = arith.index_cast %get3A_566 : i32 to index
      %get3A_569 = arith.index_cast %get3A_567 : i32 to index
      %get3A_570 = arith.index_cast %add3A_565 : i32 to index
      %get3A_571 = tpu.vector_load %arg7[%get3A_568, %get3A_569, %get3A_570] {strides = array<i32>} : memref<2x8x4096xf32, #tpu.memory_space<vmem>>, vector<1x1x16xf32>,
      %get3A_572 = vector.shape_cast %get3A_571 : vector<1x1x16xf32> to vector<16xf32>
      %exp3A_573 = math.exp %get3A_572 : vector<16xf32>
      %add3A_574 = arith.addf %scan3A_516, %exp3A_573 : vector<16xf32>
      %add3A_575 = arith.constant 80 : i32
      %add3A_576 = arith.addi %mul3A_521, %add3A_575 : i32
      %get3A_577 = arith.constant 0 : i32
      %get3A_578 = arith.constant 0 : i32
      %get3A_579 = arith.index_cast %get3A_577 : i32 to index
      %get3A_580 = arith.index_cast %get3A_578 : i32 to index
      %get3A_581 = arith.index_cast %add3A_576 : i32 to index
      %get3A_582 = tpu.vector_load %arg7[%get3A_579, %get3A_580, %get3A_581] {strides = array<i32>} : memref<2x8x4096xf32, #tpu.memory_space<vmem>>, vector<1x1x16xf32>,
      %get3A_583 = vector.shape_cast %get3A_582 : vector<1x1x16xf32> to vector<16xf32>
      %exp3A_584 = math.exp %get3A_583 : vector<16xf32>
      %add3A_585 = arith.addf %scan3A_517, %exp3A_584 : vector<16xf32>
      %add3A_586 = arith.constant 96 : i32
      %add3A_587 = arith.addi %mul3A_521, %add3A_586 : i32
      %get3A_588 = arith.constant 0 : i32
      %get3A_589 = arith.constant 0 : i32
      %get3A_590 = arith.index_cast %get3A_588 : i32 to index
      %get3A_591 = arith.index_cast %get3A_589 : i32 to index
      %get3A_592 = arith.index_cast %add3A_587 : i32 to index
      %get3A_593 = tpu.vector_load %arg7[%get3A_590, %get3A_591, %get3A_592] {strides = array<i32>} : memref<2x8x4096xf32, #tpu.memory_space<vmem>>, vector<1x1x16xf32>,
      %get3A_594 = vector.shape_cast %get3A_593 : vector<1x1x16xf32> to vector<16xf32>
      %exp3A_595 = math.exp %get3A_594 : vector<16xf32>
      %add3A_596 = arith.addf %scan3A_518, %exp3A_595 : vector<16xf32>
      %add3A_597 = arith.constant 112 : i32
      %add3A_598 = arith.addi %mul3A_521, %add3A_597 : i32
      %get3A_599 = arith.constant 0 : i32
      %get3A_600 = arith.constant 0 : i32
      %get3A_601 = arith.index_cast %get3A_599 : i32 to index
      %get3A_602 = arith.index_cast %get3A_600 : i32 to index
      %get3A_603 = arith.index_cast %add3A_598 : i32 to index
      %get3A_604 = tpu.vector_load %arg7[%get3A_601, %get3A_602, %get3A_603] {strides = array<i32>} : memref<2x8x4096xf32, #tpu.memory_space<vmem>>, vector<1x1x16xf32>,
      %get3A_605 = vector.shape_cast %get3A_604 : vector<1x1x16xf32> to vector<16xf32>
      %exp3A_606 = math.exp %get3A_605 : vector<16xf32>
      %add3A_607 = arith.addf %scan3A_519, %exp3A_606 : vector<16xf32>
      scf.yield %add3A_530, %add3A_541, %add3A_552, %add3A_563, %add3A_574, %add3A_585, %add3A_596, %add3A_607 : vector<16xf32>, vector<16xf32>, vector<16xf32>, vector<16xf32>, vector<16xf32>, vector<16xf32>, vector<16xf32>, vector<16xf32>
    }
    %scan3A_347 = arith.constant 32 : i32
    %add3A_348 = arith.addf %scan3A_346#0, %scan3A_346#1 : vector<16xf32>
    %add3A_349 = arith.addf %add3A_348, %scan3A_346#2 : vector<16xf32>
    %add3A_350 = arith.addf %add3A_349, %scan3A_346#3 : vector<16xf32>
    %add3A_351 = arith.addf %add3A_350, %scan3A_346#4 : vector<16xf32>
    %add3A_352 = arith.addf %add3A_351, %scan3A_346#5 : vector<16xf32>
    %add3A_353 = arith.addf %add3A_352, %scan3A_346#6 : vector<16xf32>
    %add3A_354 = arith.addf %add3A_353, %scan3A_346#7 : vector<16xf32>
    %scan3A_355 = arith.constant 0 : i32
    %scan3A_356 = arith.constant 32 : i32
    %scan3A_357 = arith.addi %scan3A_355, %scan3A_356 : i32
    %scan3A_358 = arith.constant 1 : i32
    %scan3A_359:8 = scf.for %scan3A_511 = %scan3A_355 to %scan3A_357 step %scan3A_358 iter_args(%scan3A_512 = %add3A_247, %scan3A_513 = %broadcast_in_dim3A_55, %scan3A_514 = %broadcast_in_dim3A_55, %scan3A_515 = %broadcast_in_dim3A_55, %scan3A_516 = %broadcast_in_dim3A_55, %scan3A_517 = %broadcast_in_dim3A_55, %scan3A_518 = %broadcast_in_dim3A_55, %scan3A_519 = %broadcast_in_dim3A_55) -> (vector<16xf32>, vector<16xf32>, vector<16xf32>, vector<16xf32>, vector<16xf32>, vector<16xf32>, vector<16xf32>, vector<16xf32>)  : i32 {
      %mul3A_520 = arith.constant 128 : i32
      %mul3A_521 = arith.muli %scan3A_511, %mul3A_520 : i32
      %add3A_522 = arith.constant 0 : i32
      %add3A_523 = arith.addi %mul3A_521, %add3A_522 : i32
      %get3A = arith.constant 0 : i32
      %get3A_524 = arith.constant 1 : i32
      %get3A_525 = arith.index_cast %get3A : i32 to index
      %get3A_526 = arith.index_cast %get3A_524 : i32 to index
      %get3A_527 = arith.index_cast %add3A_523 : i32 to index
      %get3A_528 = tpu.vector_load %arg7[%get3A_525, %get3A_526, %get3A_527] {strides = array<i32>} : memref<2x8x4096xf32, #tpu.memory_space<vmem>>, vector<1x1x16xf32>,
      %get3A_529 = vector.shape_cast %get3A_528 : vector<1x1x16xf32> to vector<16xf32>
      %exp3A = math.exp %get3A_529 : vector<16xf32>
      %add3A_530 = arith.addf %scan3A_512, %exp3A : vector<16xf32>
      %add3A_531 = arith.constant 16 : i32
      %add3A_532 = arith.addi %mul3A_521, %add3A_531 : i32
      %get3A_533 = arith.constant 0 : i32
      %get3A_534 = arith.constant 1 : i32
      %get3A_535 = arith.index_cast %get3A_533 : i32 to index
      %get3A_536 = arith.index_cast %get3A_534 : i32 to index
      %get3A_537 = arith.index_cast %add3A_532 : i32 to index
      %get3A_538 = tpu.vector_load %arg7[%get3A_535, %get3A_536, %get3A_537] {strides = array<i32>} : memref<2x8x4096xf32, #tpu.memory_space<vmem>>, vector<1x1x16xf32>,
      %get3A_539 = vector.shape_cast %get3A_538 : vector<1x1x16xf32> to vector<16xf32>
      %exp3A_540 = math.exp %get3A_539 : vector<16xf32>
      %add3A_541 = arith.addf %scan3A_513, %exp3A_540 : vector<16xf32>
      %add3A_542 = arith.constant 32 : i32
      %add3A_543 = arith.addi %mul3A_521, %add3A_542 : i32
      %get3A_544 = arith.constant 0 : i32
      %get3A_545 = arith.constant 1 : i32
      %get3A_546 = arith.index_cast %get3A_544 : i32 to index
      %get3A_547 = arith.index_cast %get3A_545 : i32 to index
      %get3A_548 = arith.index_cast %add3A_543 : i32 to index
      %get3A_549 = tpu.vector_load %arg7[%get3A_546, %get3A_547, %get3A_548] {strides = array<i32>} : memref<2x8x4096xf32, #tpu.memory_space<vmem>>, vector<1x1x16xf32>,
      %get3A_550 = vector.shape_cast %get3A_549 : vector<1x1x16xf32> to vector<16xf32>
      %exp3A_551 = math.exp %get3A_550 : vector<16xf32>
      %add3A_552 = arith.addf %scan3A_514, %exp3A_551 : vector<16xf32>
      %add3A_553 = arith.constant 48 : i32
      %add3A_554 = arith.addi %mul3A_521, %add3A_553 : i32
      %get3A_555 = arith.constant 0 : i32
      %get3A_556 = arith.constant 1 : i32
      %get3A_557 = arith.index_cast %get3A_555 : i32 to index
      %get3A_558 = arith.index_cast %get3A_556 : i32 to index
      %get3A_559 = arith.index_cast %add3A_554 : i32 to index
      %get3A_560 = tpu.vector_load %arg7[%get3A_557, %get3A_558, %get3A_559] {strides = array<i32>} : memref<2x8x4096xf32, #tpu.memory_space<vmem>>, vector<1x1x16xf32>,
      %get3A_561 = vector.shape_cast %get3A_560 : vector<1x1x16xf32> to vector<16xf32>
      %exp3A_562 = math.exp %get3A_561 : vector<16xf32>
      %add3A_563 = arith.addf %scan3A_515, %exp3A_562 : vector<16xf32>
      %add3A_564 = arith.constant 64 : i32
      %add3A_565 = arith.addi %mul3A_521, %add3A_564 : i32
      %get3A_566 = arith.constant 0 : i32
      %get3A_567 = arith.constant 1 : i32
      %get3A_568 = arith.index_cast %get3A_566 : i32 to index
      %get3A_569 = arith.index_cast %get3A_567 : i32 to index
      %get3A_570 = arith.index_cast %add3A_565 : i32 to index
      %get3A_571 = tpu.vector_load %arg7[%get3A_568, %get3A_569, %get3A_570] {strides = array<i32>} : memref<2x8x4096xf32, #tpu.memory_space<vmem>>, vector<1x1x16xf32>,
      %get3A_572 = vector.shape_cast %get3A_571 : vector<1x1x16xf32> to vector<16xf32>
      %exp3A_573 = math.exp %get3A_572 : vector<16xf32>
      %add3A_574 = arith.addf %scan3A_516, %exp3A_573 : vector<16xf32>
      %add3A_575 = arith.constant 80 : i32
      %add3A_576 = arith.addi %mul3A_521, %add3A_575 : i32
      %get3A_577 = arith.constant 0 : i32
      %get3A_578 = arith.constant 1 : i32
      %get3A_579 = arith.index_cast %get3A_577 : i32 to index
      %get3A_580 = arith.index_cast %get3A_578 : i32 to index
      %get3A_581 = arith.index_cast %add3A_576 : i32 to index
      %get3A_582 = tpu.vector_load %arg7[%get3A_579, %get3A_580, %get3A_581] {strides = array<i32>} : memref<2x8x4096xf32, #tpu.memory_space<vmem>>, vector<1x1x16xf32>,
      %get3A_583 = vector.shape_cast %get3A_582 : vector<1x1x16xf32> to vector<16xf32>
      %exp3A_584 = math.exp %get3A_583 : vector<16xf32>
      %add3A_585 = arith.addf %scan3A_517, %exp3A_584 : vector<16xf32>
      %add3A_586 = arith.constant 96 : i32
      %add3A_587 = arith.addi %mul3A_521, %add3A_586 : i32
      %get3A_588 = arith.constant 0 : i32
      %get3A_589 = arith.constant 1 : i32
      %get3A_590 = arith.index_cast %get3A_588 : i32 to index
      %get3A_591 = arith.index_cast %get3A_589 : i32 to index
      %get3A_592 = arith.index_cast %add3A_587 : i32 to index
      %get3A_593 = tpu.vector_load %arg7[%get3A_590, %get3A_591, %get3A_592] {strides = array<i32>} : memref<2x8x4096xf32, #tpu.memory_space<vmem>>, vector<1x1x16xf32>,
      %get3A_594 = vector.shape_cast %get3A_593 : vector<1x1x16xf32> to vector<16xf32>
      %exp3A_595 = math.exp %get3A_594 : vector<16xf32>
      %add3A_596 = arith.addf %scan3A_518, %exp3A_595 : vector<16xf32>
      %add3A_597 = arith.constant 112 : i32
      %add3A_598 = arith.addi %mul3A_521, %add3A_597 : i32
      %get3A_599 = arith.constant 0 : i32
      %get3A_600 = arith.constant 1 : i32
      %get3A_601 = arith.index_cast %get3A_599 : i32 to index
      %get3A_602 = arith.index_cast %get3A_600 : i32 to index
      %get3A_603 = arith.index_cast %add3A_598 : i32 to index
      %get3A_604 = tpu.vector_load %arg7[%get3A_601, %get3A_602, %get3A_603] {strides = array<i32>} : memref<2x8x4096xf32, #tpu.memory_space<vmem>>, vector<1x1x16xf32>,
      %get3A_605 = vector.shape_cast %get3A_604 : vector<1x1x16xf32> to vector<16xf32>
      %exp3A_606 = math.exp %get3A_605 : vector<16xf32>
      %add3A_607 = arith.addf %scan3A_519, %exp3A_606 : vector<16xf32>
      scf.yield %add3A_530, %add3A_541, %add3A_552, %add3A_563, %add3A_574, %add3A_585, %add3A_596, %add3A_607 : vector<16xf32>, vector<16xf32>, vector<16xf32>, vector<16xf32>, vector<16xf32>, vector<16xf32>, vector<16xf32>, vector<16xf32>
    }
    %scan3A_360 = arith.constant 32 : i32
    %add3A_361 = arith.addf %scan3A_359#0, %scan3A_359#1 : vector<16xf32>
    %add3A_362 = arith.addf %add3A_361, %scan3A_359#2 : vector<16xf32>
    %add3A_363 = arith.addf %add3A_362, %scan3A_359#3 : vector<16xf32>
    %add3A_364 = arith.addf %add3A_363, %scan3A_359#4 : vector<16xf32>
    %add3A_365 = arith.addf %add3A_364, %scan3A_359#5 : vector<16xf32>
    %add3A_366 = arith.addf %add3A_365, %scan3A_359#6 : vector<16xf32>
    %add3A_367 = arith.addf %add3A_366, %scan3A_359#7 : vector<16xf32>
    %scan3A_368 = arith.constant 0 : i32
    %scan3A_369 = arith.constant 32 : i32
    %scan3A_370 = arith.addi %scan3A_368, %scan3A_369 : i32
    %scan3A_371 = arith.constant 1 : i32
    %scan3A_372:8 = scf.for %scan3A_511 = %scan3A_368 to %scan3A_370 step %scan3A_371 iter_args(%scan3A_512 = %add3A_260, %scan3A_513 = %broadcast_in_dim3A_55, %scan3A_514 = %broadcast_in_dim3A_55, %scan3A_515 = %broadcast_in_dim3A_55, %scan3A_516 = %broadcast_in_dim3A_55, %scan3A_517 = %broadcast_in_dim3A_55, %scan3A_518 = %broadcast_in_dim3A_55, %scan3A_519 = %broadcast_in_dim3A_55) -> (vector<16xf32>, vector<16xf32>, vector<16xf32>, vector<16xf32>, vector<16xf32>, vector<16xf32>, vector<16xf32>, vector<16xf32>)  : i32 {
      %mul3A_520 = arith.constant 128 : i32
      %mul3A_521 = arith.muli %scan3A_511, %mul3A_520 : i32
      %add3A_522 = arith.constant 0 : i32
      %add3A_523 = arith.addi %mul3A_521, %add3A_522 : i32
      %get3A = arith.constant 0 : i32
      %get3A_524 = arith.constant 2 : i32
      %get3A_525 = arith.index_cast %get3A : i32 to index
      %get3A_526 = arith.index_cast %get3A_524 : i32 to index
      %get3A_527 = arith.index_cast %add3A_523 : i32 to index
      %get3A_528 = tpu.vector_load %arg7[%get3A_525, %get3A_526, %get3A_527] {strides = array<i32>} : memref<2x8x4096xf32, #tpu.memory_space<vmem>>, vector<1x1x16xf32>,
      %get3A_529 = vector.shape_cast %get3A_528 : vector<1x1x16xf32> to vector<16xf32>
      %exp3A = math.exp %get3A_529 : vector<16xf32>
      %add3A_530 = arith.addf %scan3A_512, %exp3A : vector<16xf32>
      %add3A_531 = arith.constant 16 : i32
      %add3A_532 = arith.addi %mul3A_521, %add3A_531 : i32
      %get3A_533 = arith.constant 0 : i32
      %get3A_534 = arith.constant 2 : i32
      %get3A_535 = arith.index_cast %get3A_533 : i32 to index
      %get3A_536 = arith.index_cast %get3A_534 : i32 to index
      %get3A_537 = arith.index_cast %add3A_532 : i32 to index
      %get3A_538 = tpu.vector_load %arg7[%get3A_535, %get3A_536, %get3A_537] {strides = array<i32>} : memref<2x8x4096xf32, #tpu.memory_space<vmem>>, vector<1x1x16xf32>,
      %get3A_539 = vector.shape_cast %get3A_538 : vector<1x1x16xf32> to vector<16xf32>
      %exp3A_540 = math.exp %get3A_539 : vector<16xf32>
      %add3A_541 = arith.addf %scan3A_513, %exp3A_540 : vector<16xf32>
      %add3A_542 = arith.constant 32 : i32
      %add3A_543 = arith.addi %mul3A_521, %add3A_542 : i32
      %get3A_544 = arith.constant 0 : i32
      %get3A_545 = arith.constant 2 : i32
      %get3A_546 = arith.index_cast %get3A_544 : i32 to index
      %get3A_547 = arith.index_cast %get3A_545 : i32 to index
      %get3A_548 = arith.index_cast %add3A_543 : i32 to index
      %get3A_549 = tpu.vector_load %arg7[%get3A_546, %get3A_547, %get3A_548] {strides = array<i32>} : memref<2x8x4096xf32, #tpu.memory_space<vmem>>, vector<1x1x16xf32>,
      %get3A_550 = vector.shape_cast %get3A_549 : vector<1x1x16xf32> to vector<16xf32>
      %exp3A_551 = math.exp %get3A_550 : vector<16xf32>
      %add3A_552 = arith.addf %scan3A_514, %exp3A_551 : vector<16xf32>
      %add3A_553 = arith.constant 48 : i32
      %add3A_554 = arith.addi %mul3A_521, %add3A_553 : i32
      %get3A_555 = arith.constant 0 : i32
      %get3A_556 = arith.constant 2 : i32
      %get3A_557 = arith.index_cast %get3A_555 : i32 to index
      %get3A_558 = arith.index_cast %get3A_556 : i32 to index
      %get3A_559 = arith.index_cast %add3A_554 : i32 to index
      %get3A_560 = tpu.vector_load %arg7[%get3A_557, %get3A_558, %get3A_559] {strides = array<i32>} : memref<2x8x4096xf32, #tpu.memory_space<vmem>>, vector<1x1x16xf32>,
      %get3A_561 = vector.shape_cast %get3A_560 : vector<1x1x16xf32> to vector<16xf32>
      %exp3A_562 = math.exp %get3A_561 : vector<16xf32>
      %add3A_563 = arith.addf %scan3A_515, %exp3A_562 : vector<16xf32>
      %add3A_564 = arith.constant 64 : i32
      %add3A_565 = arith.addi %mul3A_521, %add3A_564 : i32
      %get3A_566 = arith.constant 0 : i32
      %get3A_567 = arith.constant 2 : i32
      %get3A_568 = arith.index_cast %get3A_566 : i32 to index
      %get3A_569 = arith.index_cast %get3A_567 : i32 to index
      %get3A_570 = arith.index_cast %add3A_565 : i32 to index
      %get3A_571 = tpu.vector_load %arg7[%get3A_568, %get3A_569, %get3A_570] {strides = array<i32>} : memref<2x8x4096xf32, #tpu.memory_space<vmem>>, vector<1x1x16xf32>,
      %get3A_572 = vector.shape_cast %get3A_571 : vector<1x1x16xf32> to vector<16xf32>
      %exp3A_573 = math.exp %get3A_572 : vector<16xf32>
      %add3A_574 = arith.addf %scan3A_516, %exp3A_573 : vector<16xf32>
      %add3A_575 = arith.constant 80 : i32
      %add3A_576 = arith.addi %mul3A_521, %add3A_575 : i32
      %get3A_577 = arith.constant 0 : i32
      %get3A_578 = arith.constant 2 : i32
      %get3A_579 = arith.index_cast %get3A_577 : i32 to index
      %get3A_580 = arith.index_cast %get3A_578 : i32 to index
      %get3A_581 = arith.index_cast %add3A_576 : i32 to index
      %get3A_582 = tpu.vector_load %arg7[%get3A_579, %get3A_580, %get3A_581] {strides = array<i32>} : memref<2x8x4096xf32, #tpu.memory_space<vmem>>, vector<1x1x16xf32>,
      %get3A_583 = vector.shape_cast %get3A_582 : vector<1x1x16xf32> to vector<16xf32>
      %exp3A_584 = math.exp %get3A_583 : vector<16xf32>
      %add3A_585 = arith.addf %scan3A_517, %exp3A_584 : vector<16xf32>
      %add3A_586 = arith.constant 96 : i32
      %add3A_587 = arith.addi %mul3A_521, %add3A_586 : i32
      %get3A_588 = arith.constant 0 : i32
      %get3A_589 = arith.constant 2 : i32
      %get3A_590 = arith.index_cast %get3A_588 : i32 to index
      %get3A_591 = arith.index_cast %get3A_589 : i32 to index
      %get3A_592 = arith.index_cast %add3A_587 : i32 to index
      %get3A_593 = tpu.vector_load %arg7[%get3A_590, %get3A_591, %get3A_592] {strides = array<i32>} : memref<2x8x4096xf32, #tpu.memory_space<vmem>>, vector<1x1x16xf32>,
      %get3A_594 = vector.shape_cast %get3A_593 : vector<1x1x16xf32> to vector<16xf32>
      %exp3A_595 = math.exp %get3A_594 : vector<16xf32>
      %add3A_596 = arith.addf %scan3A_518, %exp3A_595 : vector<16xf32>
      %add3A_597 = arith.constant 112 : i32
      %add3A_598 = arith.addi %mul3A_521, %add3A_597 : i32
      %get3A_599 = arith.constant 0 : i32
      %get3A_600 = arith.constant 2 : i32
      %get3A_601 = arith.index_cast %get3A_599 : i32 to index
      %get3A_602 = arith.index_cast %get3A_600 : i32 to index
      %get3A_603 = arith.index_cast %add3A_598 : i32 to index
      %get3A_604 = tpu.vector_load %arg7[%get3A_601, %get3A_602, %get3A_603] {strides = array<i32>} : memref<2x8x4096xf32, #tpu.memory_space<vmem>>, vector<1x1x16xf32>,
      %get3A_605 = vector.shape_cast %get3A_604 : vector<1x1x16xf32> to vector<16xf32>
      %exp3A_606 = math.exp %get3A_605 : vector<16xf32>
      %add3A_607 = arith.addf %scan3A_519, %exp3A_606 : vector<16xf32>
      scf.yield %add3A_530, %add3A_541, %add3A_552, %add3A_563, %add3A_574, %add3A_585, %add3A_596, %add3A_607 : vector<16xf32>, vector<16xf32>, vector<16xf32>, vector<16xf32>, vector<16xf32>, vector<16xf32>, vector<16xf32>, vector<16xf32>
    }
    %scan3A_373 = arith.constant 32 : i32
    %add3A_374 = arith.addf %scan3A_372#0, %scan3A_372#1 : vector<16xf32>
    %add3A_375 = arith.addf %add3A_374, %scan3A_372#2 : vector<16xf32>
    %add3A_376 = arith.addf %add3A_375, %scan3A_372#3 : vector<16xf32>
    %add3A_377 = arith.addf %add3A_376, %scan3A_372#4 : vector<16xf32>
    %add3A_378 = arith.addf %add3A_377, %scan3A_372#5 : vector<16xf32>
    %add3A_379 = arith.addf %add3A_378, %scan3A_372#6 : vector<16xf32>
    %add3A_380 = arith.addf %add3A_379, %scan3A_372#7 : vector<16xf32>
    %scan3A_381 = arith.constant 0 : i32
    %scan3A_382 = arith.constant 32 : i32
    %scan3A_383 = arith.addi %scan3A_381, %scan3A_382 : i32
    %scan3A_384 = arith.constant 1 : i32
    %scan3A_385:8 = scf.for %scan3A_511 = %scan3A_381 to %scan3A_383 step %scan3A_384 iter_args(%scan3A_512 = %add3A_273, %scan3A_513 = %broadcast_in_dim3A_55, %scan3A_514 = %broadcast_in_dim3A_55, %scan3A_515 = %broadcast_in_dim3A_55, %scan3A_516 = %broadcast_in_dim3A_55, %scan3A_517 = %broadcast_in_dim3A_55, %scan3A_518 = %broadcast_in_dim3A_55, %scan3A_519 = %broadcast_in_dim3A_55) -> (vector<16xf32>, vector<16xf32>, vector<16xf32>, vector<16xf32>, vector<16xf32>, vector<16xf32>, vector<16xf32>, vector<16xf32>)  : i32 {
      %mul3A_520 = arith.constant 128 : i32
      %mul3A_521 = arith.muli %scan3A_511, %mul3A_520 : i32
      %add3A_522 = arith.constant 0 : i32
      %add3A_523 = arith.addi %mul3A_521, %add3A_522 : i32
      %get3A = arith.constant 0 : i32
      %get3A_524 = arith.constant 3 : i32
      %get3A_525 = arith.index_cast %get3A : i32 to index
      %get3A_526 = arith.index_cast %get3A_524 : i32 to index
      %get3A_527 = arith.index_cast %add3A_523 : i32 to index
      %get3A_528 = tpu.vector_load %arg7[%get3A_525, %get3A_526, %get3A_527] {strides = array<i32>} : memref<2x8x4096xf32, #tpu.memory_space<vmem>>, vector<1x1x16xf32>,
      %get3A_529 = vector.shape_cast %get3A_528 : vector<1x1x16xf32> to vector<16xf32>
      %exp3A = math.exp %get3A_529 : vector<16xf32>
      %add3A_530 = arith.addf %scan3A_512, %exp3A : vector<16xf32>
      %add3A_531 = arith.constant 16 : i32
      %add3A_532 = arith.addi %mul3A_521, %add3A_531 : i32
      %get3A_533 = arith.constant 0 : i32
      %get3A_534 = arith.constant 3 : i32
      %get3A_535 = arith.index_cast %get3A_533 : i32 to index
      %get3A_536 = arith.index_cast %get3A_534 : i32 to index
      %get3A_537 = arith.index_cast %add3A_532 : i32 to index
      %get3A_538 = tpu.vector_load %arg7[%get3A_535, %get3A_536, %get3A_537] {strides = array<i32>} : memref<2x8x4096xf32, #tpu.memory_space<vmem>>, vector<1x1x16xf32>,
      %get3A_539 = vector.shape_cast %get3A_538 : vector<1x1x16xf32> to vector<16xf32>
      %exp3A_540 = math.exp %get3A_539 : vector<16xf32>
      %add3A_541 = arith.addf %scan3A_513, %exp3A_540 : vector<16xf32>
      %add3A_542 = arith.constant 32 : i32
      %add3A_543 = arith.addi %mul3A_521, %add3A_542 : i32
      %get3A_544 = arith.constant 0 : i32
      %get3A_545 = arith.constant 3 : i32
      %get3A_546 = arith.index_cast %get3A_544 : i32 to index
      %get3A_547 = arith.index_cast %get3A_545 : i32 to index
      %get3A_548 = arith.index_cast %add3A_543 : i32 to index
      %get3A_549 = tpu.vector_load %arg7[%get3A_546, %get3A_547, %get3A_548] {strides = array<i32>} : memref<2x8x4096xf32, #tpu.memory_space<vmem>>, vector<1x1x16xf32>,
      %get3A_550 = vector.shape_cast %get3A_549 : vector<1x1x16xf32> to vector<16xf32>
      %exp3A_551 = math.exp %get3A_550 : vector<16xf32>
      %add3A_552 = arith.addf %scan3A_514, %exp3A_551 : vector<16xf32>
      %add3A_553 = arith.constant 48 : i32
      %add3A_554 = arith.addi %mul3A_521, %add3A_553 : i32
      %get3A_555 = arith.constant 0 : i32
      %get3A_556 = arith.constant 3 : i32
      %get3A_557 = arith.index_cast %get3A_555 : i32 to index
      %get3A_558 = arith.index_cast %get3A_556 : i32 to index
      %get3A_559 = arith.index_cast %add3A_554 : i32 to index
      %get3A_560 = tpu.vector_load %arg7[%get3A_557, %get3A_558, %get3A_559] {strides = array<i32>} : memref<2x8x4096xf32, #tpu.memory_space<vmem>>, vector<1x1x16xf32>,
      %get3A_561 = vector.shape_cast %get3A_560 : vector<1x1x16xf32> to vector<16xf32>
      %exp3A_562 = math.exp %get3A_561 : vector<16xf32>
      %add3A_563 = arith.addf %scan3A_515, %exp3A_562 : vector<16xf32>
      %add3A_564 = arith.constant 64 : i32
      %add3A_565 = arith.addi %mul3A_521, %add3A_564 : i32
      %get3A_566 = arith.constant 0 : i32
      %get3A_567 = arith.constant 3 : i32
      %get3A_568 = arith.index_cast %get3A_566 : i32 to index
      %get3A_569 = arith.index_cast %get3A_567 : i32 to index
      %get3A_570 = arith.index_cast %add3A_565 : i32 to index
      %get3A_571 = tpu.vector_load %arg7[%get3A_568, %get3A_569, %get3A_570] {strides = array<i32>} : memref<2x8x4096xf32, #tpu.memory_space<vmem>>, vector<1x1x16xf32>,
      %get3A_572 = vector.shape_cast %get3A_571 : vector<1x1x16xf32> to vector<16xf32>
      %exp3A_573 = math.exp %get3A_572 : vector<16xf32>
      %add3A_574 = arith.addf %scan3A_516, %exp3A_573 : vector<16xf32>
      %add3A_575 = arith.constant 80 : i32
      %add3A_576 = arith.addi %mul3A_521, %add3A_575 : i32
      %get3A_577 = arith.constant 0 : i32
      %get3A_578 = arith.constant 3 : i32
      %get3A_579 = arith.index_cast %get3A_577 : i32 to index
      %get3A_580 = arith.index_cast %get3A_578 : i32 to index
      %get3A_581 = arith.index_cast %add3A_576 : i32 to index
      %get3A_582 = tpu.vector_load %arg7[%get3A_579, %get3A_580, %get3A_581] {strides = array<i32>} : memref<2x8x4096xf32, #tpu.memory_space<vmem>>, vector<1x1x16xf32>,
      %get3A_583 = vector.shape_cast %get3A_582 : vector<1x1x16xf32> to vector<16xf32>
      %exp3A_584 = math.exp %get3A_583 : vector<16xf32>
      %add3A_585 = arith.addf %scan3A_517, %exp3A_584 : vector<16xf32>
      %add3A_586 = arith.constant 96 : i32
      %add3A_587 = arith.addi %mul3A_521, %add3A_586 : i32
      %get3A_588 = arith.constant 0 : i32
      %get3A_589 = arith.constant 3 : i32
      %get3A_590 = arith.index_cast %get3A_588 : i32 to index
      %get3A_591 = arith.index_cast %get3A_589 : i32 to index
      %get3A_592 = arith.index_cast %add3A_587 : i32 to index
      %get3A_593 = tpu.vector_load %arg7[%get3A_590, %get3A_591, %get3A_592] {strides = array<i32>} : memref<2x8x4096xf32, #tpu.memory_space<vmem>>, vector<1x1x16xf32>,
      %get3A_594 = vector.shape_cast %get3A_593 : vector<1x1x16xf32> to vector<16xf32>
      %exp3A_595 = math.exp %get3A_594 : vector<16xf32>
      %add3A_596 = arith.addf %scan3A_518, %exp3A_595 : vector<16xf32>
      %add3A_597 = arith.constant 112 : i32
      %add3A_598 = arith.addi %mul3A_521, %add3A_597 : i32
      %get3A_599 = arith.constant 0 : i32
      %get3A_600 = arith.constant 3 : i32
      %get3A_601 = arith.index_cast %get3A_599 : i32 to index
      %get3A_602 = arith.index_cast %get3A_600 : i32 to index
      %get3A_603 = arith.index_cast %add3A_598 : i32 to index
      %get3A_604 = tpu.vector_load %arg7[%get3A_601, %get3A_602, %get3A_603] {strides = array<i32>} : memref<2x8x4096xf32, #tpu.memory_space<vmem>>, vector<1x1x16xf32>,
      %get3A_605 = vector.shape_cast %get3A_604 : vector<1x1x16xf32> to vector<16xf32>
      %exp3A_606 = math.exp %get3A_605 : vector<16xf32>
      %add3A_607 = arith.addf %scan3A_519, %exp3A_606 : vector<16xf32>
      scf.yield %add3A_530, %add3A_541, %add3A_552, %add3A_563, %add3A_574, %add3A_585, %add3A_596, %add3A_607 : vector<16xf32>, vector<16xf32>, vector<16xf32>, vector<16xf32>, vector<16xf32>, vector<16xf32>, vector<16xf32>, vector<16xf32>
    }
    %scan3A_386 = arith.constant 32 : i32
    %add3A_387 = arith.addf %scan3A_385#0, %scan3A_385#1 : vector<16xf32>
    %add3A_388 = arith.addf %add3A_387, %scan3A_385#2 : vector<16xf32>
    %add3A_389 = arith.addf %add3A_388, %scan3A_385#3 : vector<16xf32>
    %add3A_390 = arith.addf %add3A_389, %scan3A_385#4 : vector<16xf32>
    %add3A_391 = arith.addf %add3A_390, %scan3A_385#5 : vector<16xf32>
    %add3A_392 = arith.addf %add3A_391, %scan3A_385#6 : vector<16xf32>
    %add3A_393 = arith.addf %add3A_392, %scan3A_385#7 : vector<16xf32>
    %scan3A_394 = arith.constant 0 : i32
    %scan3A_395 = arith.constant 32 : i32
    %scan3A_396 = arith.addi %scan3A_394, %scan3A_395 : i32
    %scan3A_397 = arith.constant 1 : i32
    %scan3A_398:8 = scf.for %scan3A_511 = %scan3A_394 to %scan3A_396 step %scan3A_397 iter_args(%scan3A_512 = %add3A_286, %scan3A_513 = %broadcast_in_dim3A_55, %scan3A_514 = %broadcast_in_dim3A_55, %scan3A_515 = %broadcast_in_dim3A_55, %scan3A_516 = %broadcast_in_dim3A_55, %scan3A_517 = %broadcast_in_dim3A_55, %scan3A_518 = %broadcast_in_dim3A_55, %scan3A_519 = %broadcast_in_dim3A_55) -> (vector<16xf32>, vector<16xf32>, vector<16xf32>, vector<16xf32>, vector<16xf32>, vector<16xf32>, vector<16xf32>, vector<16xf32>)  : i32 {
      %mul3A_520 = arith.constant 128 : i32
      %mul3A_521 = arith.muli %scan3A_511, %mul3A_520 : i32
      %add3A_522 = arith.constant 0 : i32
      %add3A_523 = arith.addi %mul3A_521, %add3A_522 : i32
      %get3A = arith.constant 0 : i32
      %get3A_524 = arith.constant 4 : i32
      %get3A_525 = arith.index_cast %get3A : i32 to index
      %get3A_526 = arith.index_cast %get3A_524 : i32 to index
      %get3A_527 = arith.index_cast %add3A_523 : i32 to index
      %get3A_528 = tpu.vector_load %arg7[%get3A_525, %get3A_526, %get3A_527] {strides = array<i32>} : memref<2x8x4096xf32, #tpu.memory_space<vmem>>, vector<1x1x16xf32>,
      %get3A_529 = vector.shape_cast %get3A_528 : vector<1x1x16xf32> to vector<16xf32>
      %exp3A = math.exp %get3A_529 : vector<16xf32>
      %add3A_530 = arith.addf %scan3A_512, %exp3A : vector<16xf32>
      %add3A_531 = arith.constant 16 : i32
      %add3A_532 = arith.addi %mul3A_521, %add3A_531 : i32
      %get3A_533 = arith.constant 0 : i32
      %get3A_534 = arith.constant 4 : i32
      %get3A_535 = arith.index_cast %get3A_533 : i32 to index
      %get3A_536 = arith.index_cast %get3A_534 : i32 to index
      %get3A_537 = arith.index_cast %add3A_532 : i32 to index
      %get3A_538 = tpu.vector_load %arg7[%get3A_535, %get3A_536, %get3A_537] {strides = array<i32>} : memref<2x8x4096xf32, #tpu.memory_space<vmem>>, vector<1x1x16xf32>,
      %get3A_539 = vector.shape_cast %get3A_538 : vector<1x1x16xf32> to vector<16xf32>
      %exp3A_540 = math.exp %get3A_539 : vector<16xf32>
      %add3A_541 = arith.addf %scan3A_513, %exp3A_540 : vector<16xf32>
      %add3A_542 = arith.constant 32 : i32
      %add3A_543 = arith.addi %mul3A_521, %add3A_542 : i32
      %get3A_544 = arith.constant 0 : i32
      %get3A_545 = arith.constant 4 : i32
      %get3A_546 = arith.index_cast %get3A_544 : i32 to index
      %get3A_547 = arith.index_cast %get3A_545 : i32 to index
      %get3A_548 = arith.index_cast %add3A_543 : i32 to index
      %get3A_549 = tpu.vector_load %arg7[%get3A_546, %get3A_547, %get3A_548] {strides = array<i32>} : memref<2x8x4096xf32, #tpu.memory_space<vmem>>, vector<1x1x16xf32>,
      %get3A_550 = vector.shape_cast %get3A_549 : vector<1x1x16xf32> to vector<16xf32>
      %exp3A_551 = math.exp %get3A_550 : vector<16xf32>
      %add3A_552 = arith.addf %scan3A_514, %exp3A_551 : vector<16xf32>
      %add3A_553 = arith.constant 48 : i32
      %add3A_554 = arith.addi %mul3A_521, %add3A_553 : i32
      %get3A_555 = arith.constant 0 : i32
      %get3A_556 = arith.constant 4 : i32
      %get3A_557 = arith.index_cast %get3A_555 : i32 to index
      %get3A_558 = arith.index_cast %get3A_556 : i32 to index
      %get3A_559 = arith.index_cast %add3A_554 : i32 to index
      %get3A_560 = tpu.vector_load %arg7[%get3A_557, %get3A_558, %get3A_559] {strides = array<i32>} : memref<2x8x4096xf32, #tpu.memory_space<vmem>>, vector<1x1x16xf32>,
      %get3A_561 = vector.shape_cast %get3A_560 : vector<1x1x16xf32> to vector<16xf32>
      %exp3A_562 = math.exp %get3A_561 : vector<16xf32>
      %add3A_563 = arith.addf %scan3A_515, %exp3A_562 : vector<16xf32>
      %add3A_564 = arith.constant 64 : i32
      %add3A_565 = arith.addi %mul3A_521, %add3A_564 : i32
      %get3A_566 = arith.constant 0 : i32
      %get3A_567 = arith.constant 4 : i32
      %get3A_568 = arith.index_cast %get3A_566 : i32 to index
      %get3A_569 = arith.index_cast %get3A_567 : i32 to index
      %get3A_570 = arith.index_cast %add3A_565 : i32 to index
      %get3A_571 = tpu.vector_load %arg7[%get3A_568, %get3A_569, %get3A_570] {strides = array<i32>} : memref<2x8x4096xf32, #tpu.memory_space<vmem>>, vector<1x1x16xf32>,
      %get3A_572 = vector.shape_cast %get3A_571 : vector<1x1x16xf32> to vector<16xf32>
      %exp3A_573 = math.exp %get3A_572 : vector<16xf32>
      %add3A_574 = arith.addf %scan3A_516, %exp3A_573 : vector<16xf32>
      %add3A_575 = arith.constant 80 : i32
      %add3A_576 = arith.addi %mul3A_521, %add3A_575 : i32
      %get3A_577 = arith.constant 0 : i32
      %get3A_578 = arith.constant 4 : i32
      %get3A_579 = arith.index_cast %get3A_577 : i32 to index
      %get3A_580 = arith.index_cast %get3A_578 : i32 to index
      %get3A_581 = arith.index_cast %add3A_576 : i32 to index
      %get3A_582 = tpu.vector_load %arg7[%get3A_579, %get3A_580, %get3A_581] {strides = array<i32>} : memref<2x8x4096xf32, #tpu.memory_space<vmem>>, vector<1x1x16xf32>,
      %get3A_583 = vector.shape_cast %get3A_582 : vector<1x1x16xf32> to vector<16xf32>
      %exp3A_584 = math.exp %get3A_583 : vector<16xf32>
      %add3A_585 = arith.addf %scan3A_517, %exp3A_584 : vector<16xf32>
      %add3A_586 = arith.constant 96 : i32
      %add3A_587 = arith.addi %mul3A_521, %add3A_586 : i32
      %get3A_588 = arith.constant 0 : i32
      %get3A_589 = arith.constant 4 : i32
      %get3A_590 = arith.index_cast %get3A_588 : i32 to index
      %get3A_591 = arith.index_cast %get3A_589 : i32 to index
      %get3A_592 = arith.index_cast %add3A_587 : i32 to index
      %get3A_593 = tpu.vector_load %arg7[%get3A_590, %get3A_591, %get3A_592] {strides = array<i32>} : memref<2x8x4096xf32, #tpu.memory_space<vmem>>, vector<1x1x16xf32>,
      %get3A_594 = vector.shape_cast %get3A_593 : vector<1x1x16xf32> to vector<16xf32>
      %exp3A_595 = math.exp %get3A_594 : vector<16xf32>
      %add3A_596 = arith.addf %scan3A_518, %exp3A_595 : vector<16xf32>
      %add3A_597 = arith.constant 112 : i32
      %add3A_598 = arith.addi %mul3A_521, %add3A_597 : i32
      %get3A_599 = arith.constant 0 : i32
      %get3A_600 = arith.constant 4 : i32
      %get3A_601 = arith.index_cast %get3A_599 : i32 to index
      %get3A_602 = arith.index_cast %get3A_600 : i32 to index
      %get3A_603 = arith.index_cast %add3A_598 : i32 to index
      %get3A_604 = tpu.vector_load %arg7[%get3A_601, %get3A_602, %get3A_603] {strides = array<i32>} : memref<2x8x4096xf32, #tpu.memory_space<vmem>>, vector<1x1x16xf32>,
      %get3A_605 = vector.shape_cast %get3A_604 : vector<1x1x16xf32> to vector<16xf32>
      %exp3A_606 = math.exp %get3A_605 : vector<16xf32>
      %add3A_607 = arith.addf %scan3A_519, %exp3A_606 : vector<16xf32>
      scf.yield %add3A_530, %add3A_541, %add3A_552, %add3A_563, %add3A_574, %add3A_585, %add3A_596, %add3A_607 : vector<16xf32>, vector<16xf32>, vector<16xf32>, vector<16xf32>, vector<16xf32>, vector<16xf32>, vector<16xf32>, vector<16xf32>
    }
    %scan3A_399 = arith.constant 32 : i32
    %add3A_400 = arith.addf %scan3A_398#0, %scan3A_398#1 : vector<16xf32>
    %add3A_401 = arith.addf %add3A_400, %scan3A_398#2 : vector<16xf32>
    %add3A_402 = arith.addf %add3A_401, %scan3A_398#3 : vector<16xf32>
    %add3A_403 = arith.addf %add3A_402, %scan3A_398#4 : vector<16xf32>
    %add3A_404 = arith.addf %add3A_403, %scan3A_398#5 : vector<16xf32>
    %add3A_405 = arith.addf %add3A_404, %scan3A_398#6 : vector<16xf32>
    %add3A_406 = arith.addf %add3A_405, %scan3A_398#7 : vector<16xf32>
    %scan3A_407 = arith.constant 0 : i32
    %scan3A_408 = arith.constant 32 : i32
    %scan3A_409 = arith.addi %scan3A_407, %scan3A_408 : i32
    %scan3A_410 = arith.constant 1 : i32
    %scan3A_411:8 = scf.for %scan3A_511 = %scan3A_407 to %scan3A_409 step %scan3A_410 iter_args(%scan3A_512 = %add3A_299, %scan3A_513 = %broadcast_in_dim3A_55, %scan3A_514 = %broadcast_in_dim3A_55, %scan3A_515 = %broadcast_in_dim3A_55, %scan3A_516 = %broadcast_in_dim3A_55, %scan3A_517 = %broadcast_in_dim3A_55, %scan3A_518 = %broadcast_in_dim3A_55, %scan3A_519 = %broadcast_in_dim3A_55) -> (vector<16xf32>, vector<16xf32>, vector<16xf32>, vector<16xf32>, vector<16xf32>, vector<16xf32>, vector<16xf32>, vector<16xf32>)  : i32 {
      %mul3A_520 = arith.constant 128 : i32
      %mul3A_521 = arith.muli %scan3A_511, %mul3A_520 : i32
      %add3A_522 = arith.constant 0 : i32
      %add3A_523 = arith.addi %mul3A_521, %add3A_522 : i32
      %get3A = arith.constant 0 : i32
      %get3A_524 = arith.constant 5 : i32
      %get3A_525 = arith.index_cast %get3A : i32 to index
      %get3A_526 = arith.index_cast %get3A_524 : i32 to index
      %get3A_527 = arith.index_cast %add3A_523 : i32 to index
      %get3A_528 = tpu.vector_load %arg7[%get3A_525, %get3A_526, %get3A_527] {strides = array<i32>} : memref<2x8x4096xf32, #tpu.memory_space<vmem>>, vector<1x1x16xf32>,
      %get3A_529 = vector.shape_cast %get3A_528 : vector<1x1x16xf32> to vector<16xf32>
      %exp3A = math.exp %get3A_529 : vector<16xf32>
      %add3A_530 = arith.addf %scan3A_512, %exp3A : vector<16xf32>
      %add3A_531 = arith.constant 16 : i32
      %add3A_532 = arith.addi %mul3A_521, %add3A_531 : i32
      %get3A_533 = arith.constant 0 : i32
      %get3A_534 = arith.constant 5 : i32
      %get3A_535 = arith.index_cast %get3A_533 : i32 to index
      %get3A_536 = arith.index_cast %get3A_534 : i32 to index
      %get3A_537 = arith.index_cast %add3A_532 : i32 to index
      %get3A_538 = tpu.vector_load %arg7[%get3A_535, %get3A_536, %get3A_537] {strides = array<i32>} : memref<2x8x4096xf32, #tpu.memory_space<vmem>>, vector<1x1x16xf32>,
      %get3A_539 = vector.shape_cast %get3A_538 : vector<1x1x16xf32> to vector<16xf32>
      %exp3A_540 = math.exp %get3A_539 : vector<16xf32>
      %add3A_541 = arith.addf %scan3A_513, %exp3A_540 : vector<16xf32>
      %add3A_542 = arith.constant 32 : i32
      %add3A_543 = arith.addi %mul3A_521, %add3A_542 : i32
      %get3A_544 = arith.constant 0 : i32
      %get3A_545 = arith.constant 5 : i32
      %get3A_546 = arith.index_cast %get3A_544 : i32 to index
      %get3A_547 = arith.index_cast %get3A_545 : i32 to index
      %get3A_548 = arith.index_cast %add3A_543 : i32 to index
      %get3A_549 = tpu.vector_load %arg7[%get3A_546, %get3A_547, %get3A_548] {strides = array<i32>} : memref<2x8x4096xf32, #tpu.memory_space<vmem>>, vector<1x1x16xf32>,
      %get3A_550 = vector.shape_cast %get3A_549 : vector<1x1x16xf32> to vector<16xf32>
      %exp3A_551 = math.exp %get3A_550 : vector<16xf32>
      %add3A_552 = arith.addf %scan3A_514, %exp3A_551 : vector<16xf32>
      %add3A_553 = arith.constant 48 : i32
      %add3A_554 = arith.addi %mul3A_521, %add3A_553 : i32
      %get3A_555 = arith.constant 0 : i32
      %get3A_556 = arith.constant 5 : i32
      %get3A_557 = arith.index_cast %get3A_555 : i32 to index
      %get3A_558 = arith.index_cast %get3A_556 : i32 to index
      %get3A_559 = arith.index_cast %add3A_554 : i32 to index
      %get3A_560 = tpu.vector_load %arg7[%get3A_557, %get3A_558, %get3A_559] {strides = array<i32>} : memref<2x8x4096xf32, #tpu.memory_space<vmem>>, vector<1x1x16xf32>,
      %get3A_561 = vector.shape_cast %get3A_560 : vector<1x1x16xf32> to vector<16xf32>
      %exp3A_562 = math.exp %get3A_561 : vector<16xf32>
      %add3A_563 = arith.addf %scan3A_515, %exp3A_562 : vector<16xf32>
      %add3A_564 = arith.constant 64 : i32
      %add3A_565 = arith.addi %mul3A_521, %add3A_564 : i32
      %get3A_566 = arith.constant 0 : i32
      %get3A_567 = arith.constant 5 : i32
      %get3A_568 = arith.index_cast %get3A_566 : i32 to index
      %get3A_569 = arith.index_cast %get3A_567 : i32 to index
      %get3A_570 = arith.index_cast %add3A_565 : i32 to index
      %get3A_571 = tpu.vector_load %arg7[%get3A_568, %get3A_569, %get3A_570] {strides = array<i32>} : memref<2x8x4096xf32, #tpu.memory_space<vmem>>, vector<1x1x16xf32>,
      %get3A_572 = vector.shape_cast %get3A_571 : vector<1x1x16xf32> to vector<16xf32>
      %exp3A_573 = math.exp %get3A_572 : vector<16xf32>
      %add3A_574 = arith.addf %scan3A_516, %exp3A_573 : vector<16xf32>
      %add3A_575 = arith.constant 80 : i32
      %add3A_576 = arith.addi %mul3A_521, %add3A_575 : i32
      %get3A_577 = arith.constant 0 : i32
      %get3A_578 = arith.constant 5 : i32
      %get3A_579 = arith.index_cast %get3A_577 : i32 to index
      %get3A_580 = arith.index_cast %get3A_578 : i32 to index
      %get3A_581 = arith.index_cast %add3A_576 : i32 to index
      %get3A_582 = tpu.vector_load %arg7[%get3A_579, %get3A_580, %get3A_581] {strides = array<i32>} : memref<2x8x4096xf32, #tpu.memory_space<vmem>>, vector<1x1x16xf32>,
      %get3A_583 = vector.shape_cast %get3A_582 : vector<1x1x16xf32> to vector<16xf32>
      %exp3A_584 = math.exp %get3A_583 : vector<16xf32>
      %add3A_585 = arith.addf %scan3A_517, %exp3A_584 : vector<16xf32>
      %add3A_586 = arith.constant 96 : i32
      %add3A_587 = arith.addi %mul3A_521, %add3A_586 : i32
      %get3A_588 = arith.constant 0 : i32
      %get3A_589 = arith.constant 5 : i32
      %get3A_590 = arith.index_cast %get3A_588 : i32 to index
      %get3A_591 = arith.index_cast %get3A_589 : i32 to index
      %get3A_592 = arith.index_cast %add3A_587 : i32 to index
      %get3A_593 = tpu.vector_load %arg7[%get3A_590, %get3A_591, %get3A_592] {strides = array<i32>} : memref<2x8x4096xf32, #tpu.memory_space<vmem>>, vector<1x1x16xf32>,
      %get3A_594 = vector.shape_cast %get3A_593 : vector<1x1x16xf32> to vector<16xf32>
      %exp3A_595 = math.exp %get3A_594 : vector<16xf32>
      %add3A_596 = arith.addf %scan3A_518, %exp3A_595 : vector<16xf32>
      %add3A_597 = arith.constant 112 : i32
      %add3A_598 = arith.addi %mul3A_521, %add3A_597 : i32
      %get3A_599 = arith.constant 0 : i32
      %get3A_600 = arith.constant 5 : i32
      %get3A_601 = arith.index_cast %get3A_599 : i32 to index
      %get3A_602 = arith.index_cast %get3A_600 : i32 to index
      %get3A_603 = arith.index_cast %add3A_598 : i32 to index
      %get3A_604 = tpu.vector_load %arg7[%get3A_601, %get3A_602, %get3A_603] {strides = array<i32>} : memref<2x8x4096xf32, #tpu.memory_space<vmem>>, vector<1x1x16xf32>,
      %get3A_605 = vector.shape_cast %get3A_604 : vector<1x1x16xf32> to vector<16xf32>
      %exp3A_606 = math.exp %get3A_605 : vector<16xf32>
      %add3A_607 = arith.addf %scan3A_519, %exp3A_606 : vector<16xf32>
      scf.yield %add3A_530, %add3A_541, %add3A_552, %add3A_563, %add3A_574, %add3A_585, %add3A_596, %add3A_607 : vector<16xf32>, vector<16xf32>, vector<16xf32>, vector<16xf32>, vector<16xf32>, vector<16xf32>, vector<16xf32>, vector<16xf32>
    }
    %scan3A_412 = arith.constant 32 : i32
    %add3A_413 = arith.addf %scan3A_411#0, %scan3A_411#1 : vector<16xf32>
    %add3A_414 = arith.addf %add3A_413, %scan3A_411#2 : vector<16xf32>
    %add3A_415 = arith.addf %add3A_414, %scan3A_411#3 : vector<16xf32>
    %add3A_416 = arith.addf %add3A_415, %scan3A_411#4 : vector<16xf32>
    %add3A_417 = arith.addf %add3A_416, %scan3A_411#5 : vector<16xf32>
    %add3A_418 = arith.addf %add3A_417, %scan3A_411#6 : vector<16xf32>
    %add3A_419 = arith.addf %add3A_418, %scan3A_411#7 : vector<16xf32>
    %scan3A_420 = arith.constant 0 : i32
    %scan3A_421 = arith.constant 32 : i32
    %scan3A_422 = arith.addi %scan3A_420, %scan3A_421 : i32
    %scan3A_423 = arith.constant 1 : i32
    %scan3A_424:8 = scf.for %scan3A_511 = %scan3A_420 to %scan3A_422 step %scan3A_423 iter_args(%scan3A_512 = %add3A_312, %scan3A_513 = %broadcast_in_dim3A_55, %scan3A_514 = %broadcast_in_dim3A_55, %scan3A_515 = %broadcast_in_dim3A_55, %scan3A_516 = %broadcast_in_dim3A_55, %scan3A_517 = %broadcast_in_dim3A_55, %scan3A_518 = %broadcast_in_dim3A_55, %scan3A_519 = %broadcast_in_dim3A_55) -> (vector<16xf32>, vector<16xf32>, vector<16xf32>, vector<16xf32>, vector<16xf32>, vector<16xf32>, vector<16xf32>, vector<16xf32>)  : i32 {
      %mul3A_520 = arith.constant 128 : i32
      %mul3A_521 = arith.muli %scan3A_511, %mul3A_520 : i32
      %add3A_522 = arith.constant 0 : i32
      %add3A_523 = arith.addi %mul3A_521, %add3A_522 : i32
      %get3A = arith.constant 0 : i32
      %get3A_524 = arith.constant 6 : i32
      %get3A_525 = arith.index_cast %get3A : i32 to index
      %get3A_526 = arith.index_cast %get3A_524 : i32 to index
      %get3A_527 = arith.index_cast %add3A_523 : i32 to index
      %get3A_528 = tpu.vector_load %arg7[%get3A_525, %get3A_526, %get3A_527] {strides = array<i32>} : memref<2x8x4096xf32, #tpu.memory_space<vmem>>, vector<1x1x16xf32>,
      %get3A_529 = vector.shape_cast %get3A_528 : vector<1x1x16xf32> to vector<16xf32>
      %exp3A = math.exp %get3A_529 : vector<16xf32>
      %add3A_530 = arith.addf %scan3A_512, %exp3A : vector<16xf32>
      %add3A_531 = arith.constant 16 : i32
      %add3A_532 = arith.addi %mul3A_521, %add3A_531 : i32
      %get3A_533 = arith.constant 0 : i32
      %get3A_534 = arith.constant 6 : i32
      %get3A_535 = arith.index_cast %get3A_533 : i32 to index
      %get3A_536 = arith.index_cast %get3A_534 : i32 to index
      %get3A_537 = arith.index_cast %add3A_532 : i32 to index
      %get3A_538 = tpu.vector_load %arg7[%get3A_535, %get3A_536, %get3A_537] {strides = array<i32>} : memref<2x8x4096xf32, #tpu.memory_space<vmem>>, vector<1x1x16xf32>,
      %get3A_539 = vector.shape_cast %get3A_538 : vector<1x1x16xf32> to vector<16xf32>
      %exp3A_540 = math.exp %get3A_539 : vector<16xf32>
      %add3A_541 = arith.addf %scan3A_513, %exp3A_540 : vector<16xf32>
      %add3A_542 = arith.constant 32 : i32
      %add3A_543 = arith.addi %mul3A_521, %add3A_542 : i32
      %get3A_544 = arith.constant 0 : i32
      %get3A_545 = arith.constant 6 : i32
      %get3A_546 = arith.index_cast %get3A_544 : i32 to index
      %get3A_547 = arith.index_cast %get3A_545 : i32 to index
      %get3A_548 = arith.index_cast %add3A_543 : i32 to index
      %get3A_549 = tpu.vector_load %arg7[%get3A_546, %get3A_547, %get3A_548] {strides = array<i32>} : memref<2x8x4096xf32, #tpu.memory_space<vmem>>, vector<1x1x16xf32>,
      %get3A_550 = vector.shape_cast %get3A_549 : vector<1x1x16xf32> to vector<16xf32>
      %exp3A_551 = math.exp %get3A_550 : vector<16xf32>
      %add3A_552 = arith.addf %scan3A_514, %exp3A_551 : vector<16xf32>
      %add3A_553 = arith.constant 48 : i32
      %add3A_554 = arith.addi %mul3A_521, %add3A_553 : i32
      %get3A_555 = arith.constant 0 : i32
      %get3A_556 = arith.constant 6 : i32
      %get3A_557 = arith.index_cast %get3A_555 : i32 to index
      %get3A_558 = arith.index_cast %get3A_556 : i32 to index
      %get3A_559 = arith.index_cast %add3A_554 : i32 to index
      %get3A_560 = tpu.vector_load %arg7[%get3A_557, %get3A_558, %get3A_559] {strides = array<i32>} : memref<2x8x4096xf32, #tpu.memory_space<vmem>>, vector<1x1x16xf32>,
      %get3A_561 = vector.shape_cast %get3A_560 : vector<1x1x16xf32> to vector<16xf32>
      %exp3A_562 = math.exp %get3A_561 : vector<16xf32>
      %add3A_563 = arith.addf %scan3A_515, %exp3A_562 : vector<16xf32>
      %add3A_564 = arith.constant 64 : i32
      %add3A_565 = arith.addi %mul3A_521, %add3A_564 : i32
      %get3A_566 = arith.constant 0 : i32
      %get3A_567 = arith.constant 6 : i32
      %get3A_568 = arith.index_cast %get3A_566 : i32 to index
      %get3A_569 = arith.index_cast %get3A_567 : i32 to index
      %get3A_570 = arith.index_cast %add3A_565 : i32 to index
      %get3A_571 = tpu.vector_load %arg7[%get3A_568, %get3A_569, %get3A_570] {strides = array<i32>} : memref<2x8x4096xf32, #tpu.memory_space<vmem>>, vector<1x1x16xf32>,
      %get3A_572 = vector.shape_cast %get3A_571 : vector<1x1x16xf32> to vector<16xf32>
      %exp3A_573 = math.exp %get3A_572 : vector<16xf32>
      %add3A_574 = arith.addf %scan3A_516, %exp3A_573 : vector<16xf32>
      %add3A_575 = arith.constant 80 : i32
      %add3A_576 = arith.addi %mul3A_521, %add3A_575 : i32
      %get3A_577 = arith.constant 0 : i32
      %get3A_578 = arith.constant 6 : i32
      %get3A_579 = arith.index_cast %get3A_577 : i32 to index
      %get3A_580 = arith.index_cast %get3A_578 : i32 to index
      %get3A_581 = arith.index_cast %add3A_576 : i32 to index
      %get3A_582 = tpu.vector_load %arg7[%get3A_579, %get3A_580, %get3A_581] {strides = array<i32>} : memref<2x8x4096xf32, #tpu.memory_space<vmem>>, vector<1x1x16xf32>,
      %get3A_583 = vector.shape_cast %get3A_582 : vector<1x1x16xf32> to vector<16xf32>
      %exp3A_584 = math.exp %get3A_583 : vector<16xf32>
      %add3A_585 = arith.addf %scan3A_517, %exp3A_584 : vector<16xf32>
      %add3A_586 = arith.constant 96 : i32
      %add3A_587 = arith.addi %mul3A_521, %add3A_586 : i32
      %get3A_588 = arith.constant 0 : i32
      %get3A_589 = arith.constant 6 : i32
      %get3A_590 = arith.index_cast %get3A_588 : i32 to index
      %get3A_591 = arith.index_cast %get3A_589 : i32 to index
      %get3A_592 = arith.index_cast %add3A_587 : i32 to index
      %get3A_593 = tpu.vector_load %arg7[%get3A_590, %get3A_591, %get3A_592] {strides = array<i32>} : memref<2x8x4096xf32, #tpu.memory_space<vmem>>, vector<1x1x16xf32>,
      %get3A_594 = vector.shape_cast %get3A_593 : vector<1x1x16xf32> to vector<16xf32>
      %exp3A_595 = math.exp %get3A_594 : vector<16xf32>
      %add3A_596 = arith.addf %scan3A_518, %exp3A_595 : vector<16xf32>
      %add3A_597 = arith.constant 112 : i32
      %add3A_598 = arith.addi %mul3A_521, %add3A_597 : i32
      %get3A_599 = arith.constant 0 : i32
      %get3A_600 = arith.constant 6 : i32
      %get3A_601 = arith.index_cast %get3A_599 : i32 to index
      %get3A_602 = arith.index_cast %get3A_600 : i32 to index
      %get3A_603 = arith.index_cast %add3A_598 : i32 to index
      %get3A_604 = tpu.vector_load %arg7[%get3A_601, %get3A_602, %get3A_603] {strides = array<i32>} : memref<2x8x4096xf32, #tpu.memory_space<vmem>>, vector<1x1x16xf32>,
      %get3A_605 = vector.shape_cast %get3A_604 : vector<1x1x16xf32> to vector<16xf32>
      %exp3A_606 = math.exp %get3A_605 : vector<16xf32>
      %add3A_607 = arith.addf %scan3A_519, %exp3A_606 : vector<16xf32>
      scf.yield %add3A_530, %add3A_541, %add3A_552, %add3A_563, %add3A_574, %add3A_585, %add3A_596, %add3A_607 : vector<16xf32>, vector<16xf32>, vector<16xf32>, vector<16xf32>, vector<16xf32>, vector<16xf32>, vector<16xf32>, vector<16xf32>
    }
    %scan3A_425 = arith.constant 32 : i32
    %add3A_426 = arith.addf %scan3A_424#0, %scan3A_424#1 : vector<16xf32>
    %add3A_427 = arith.addf %add3A_426, %scan3A_424#2 : vector<16xf32>
    %add3A_428 = arith.addf %add3A_427, %scan3A_424#3 : vector<16xf32>
    %add3A_429 = arith.addf %add3A_428, %scan3A_424#4 : vector<16xf32>
    %add3A_430 = arith.addf %add3A_429, %scan3A_424#5 : vector<16xf32>
    %add3A_431 = arith.addf %add3A_430, %scan3A_424#6 : vector<16xf32>
    %add3A_432 = arith.addf %add3A_431, %scan3A_424#7 : vector<16xf32>
    %scan3A_433 = arith.constant 0 : i32
    %scan3A_434 = arith.constant 32 : i32
    %scan3A_435 = arith.addi %scan3A_433, %scan3A_434 : i32
    %scan3A_436 = arith.constant 1 : i32
    %scan3A_437:8 = scf.for %scan3A_511 = %scan3A_433 to %scan3A_435 step %scan3A_436 iter_args(%scan3A_512 = %add3A_325, %scan3A_513 = %broadcast_in_dim3A_55, %scan3A_514 = %broadcast_in_dim3A_55, %scan3A_515 = %broadcast_in_dim3A_55, %scan3A_516 = %broadcast_in_dim3A_55, %scan3A_517 = %broadcast_in_dim3A_55, %scan3A_518 = %broadcast_in_dim3A_55, %scan3A_519 = %broadcast_in_dim3A_55) -> (vector<16xf32>, vector<16xf32>, vector<16xf32>, vector<16xf32>, vector<16xf32>, vector<16xf32>, vector<16xf32>, vector<16xf32>)  : i32 {
      %mul3A_520 = arith.constant 128 : i32
      %mul3A_521 = arith.muli %scan3A_511, %mul3A_520 : i32
      %add3A_522 = arith.constant 0 : i32
      %add3A_523 = arith.addi %mul3A_521, %add3A_522 : i32
      %get3A = arith.constant 0 : i32
      %get3A_524 = arith.constant 7 : i32
      %get3A_525 = arith.index_cast %get3A : i32 to index
      %get3A_526 = arith.index_cast %get3A_524 : i32 to index
      %get3A_527 = arith.index_cast %add3A_523 : i32 to index
      %get3A_528 = tpu.vector_load %arg7[%get3A_525, %get3A_526, %get3A_527] {strides = array<i32>} : memref<2x8x4096xf32, #tpu.memory_space<vmem>>, vector<1x1x16xf32>,
      %get3A_529 = vector.shape_cast %get3A_528 : vector<1x1x16xf32> to vector<16xf32>
      %exp3A = math.exp %get3A_529 : vector<16xf32>
      %add3A_530 = arith.addf %scan3A_512, %exp3A : vector<16xf32>
      %add3A_531 = arith.constant 16 : i32
      %add3A_532 = arith.addi %mul3A_521, %add3A_531 : i32
      %get3A_533 = arith.constant 0 : i32
      %get3A_534 = arith.constant 7 : i32
      %get3A_535 = arith.index_cast %get3A_533 : i32 to index
      %get3A_536 = arith.index_cast %get3A_534 : i32 to index
      %get3A_537 = arith.index_cast %add3A_532 : i32 to index
      %get3A_538 = tpu.vector_load %arg7[%get3A_535, %get3A_536, %get3A_537] {strides = array<i32>} : memref<2x8x4096xf32, #tpu.memory_space<vmem>>, vector<1x1x16xf32>,
      %get3A_539 = vector.shape_cast %get3A_538 : vector<1x1x16xf32> to vector<16xf32>
      %exp3A_540 = math.exp %get3A_539 : vector<16xf32>
      %add3A_541 = arith.addf %scan3A_513, %exp3A_540 : vector<16xf32>
      %add3A_542 = arith.constant 32 : i32
      %add3A_543 = arith.addi %mul3A_521, %add3A_542 : i32
      %get3A_544 = arith.constant 0 : i32
      %get3A_545 = arith.constant 7 : i32
      %get3A_546 = arith.index_cast %get3A_544 : i32 to index
      %get3A_547 = arith.index_cast %get3A_545 : i32 to index
      %get3A_548 = arith.index_cast %add3A_543 : i32 to index
      %get3A_549 = tpu.vector_load %arg7[%get3A_546, %get3A_547, %get3A_548] {strides = array<i32>} : memref<2x8x4096xf32, #tpu.memory_space<vmem>>, vector<1x1x16xf32>,
      %get3A_550 = vector.shape_cast %get3A_549 : vector<1x1x16xf32> to vector<16xf32>
      %exp3A_551 = math.exp %get3A_550 : vector<16xf32>
      %add3A_552 = arith.addf %scan3A_514, %exp3A_551 : vector<16xf32>
      %add3A_553 = arith.constant 48 : i32
      %add3A_554 = arith.addi %mul3A_521, %add3A_553 : i32
      %get3A_555 = arith.constant 0 : i32
      %get3A_556 = arith.constant 7 : i32
      %get3A_557 = arith.index_cast %get3A_555 : i32 to index
      %get3A_558 = arith.index_cast %get3A_556 : i32 to index
      %get3A_559 = arith.index_cast %add3A_554 : i32 to index
      %get3A_560 = tpu.vector_load %arg7[%get3A_557, %get3A_558, %get3A_559] {strides = array<i32>} : memref<2x8x4096xf32, #tpu.memory_space<vmem>>, vector<1x1x16xf32>,
      %get3A_561 = vector.shape_cast %get3A_560 : vector<1x1x16xf32> to vector<16xf32>
      %exp3A_562 = math.exp %get3A_561 : vector<16xf32>
      %add3A_563 = arith.addf %scan3A_515, %exp3A_562 : vector<16xf32>
      %add3A_564 = arith.constant 64 : i32
      %add3A_565 = arith.addi %mul3A_521, %add3A_564 : i32
      %get3A_566 = arith.constant 0 : i32
      %get3A_567 = arith.constant 7 : i32
      %get3A_568 = arith.index_cast %get3A_566 : i32 to index
      %get3A_569 = arith.index_cast %get3A_567 : i32 to index
      %get3A_570 = arith.index_cast %add3A_565 : i32 to index
      %get3A_571 = tpu.vector_load %arg7[%get3A_568, %get3A_569, %get3A_570] {strides = array<i32>} : memref<2x8x4096xf32, #tpu.memory_space<vmem>>, vector<1x1x16xf32>,
      %get3A_572 = vector.shape_cast %get3A_571 : vector<1x1x16xf32> to vector<16xf32>
      %exp3A_573 = math.exp %get3A_572 : vector<16xf32>
      %add3A_574 = arith.addf %scan3A_516, %exp3A_573 : vector<16xf32>
      %add3A_575 = arith.constant 80 : i32
      %add3A_576 = arith.addi %mul3A_521, %add3A_575 : i32
      %get3A_577 = arith.constant 0 : i32
      %get3A_578 = arith.constant 7 : i32
      %get3A_579 = arith.index_cast %get3A_577 : i32 to index
      %get3A_580 = arith.index_cast %get3A_578 : i32 to index
      %get3A_581 = arith.index_cast %add3A_576 : i32 to index
      %get3A_582 = tpu.vector_load %arg7[%get3A_579, %get3A_580, %get3A_581] {strides = array<i32>} : memref<2x8x4096xf32, #tpu.memory_space<vmem>>, vector<1x1x16xf32>,
      %get3A_583 = vector.shape_cast %get3A_582 : vector<1x1x16xf32> to vector<16xf32>
      %exp3A_584 = math.exp %get3A_583 : vector<16xf32>
      %add3A_585 = arith.addf %scan3A_517, %exp3A_584 : vector<16xf32>
      %add3A_586 = arith.constant 96 : i32
      %add3A_587 = arith.addi %mul3A_521, %add3A_586 : i32
      %get3A_588 = arith.constant 0 : i32
      %get3A_589 = arith.constant 7 : i32
      %get3A_590 = arith.index_cast %get3A_588 : i32 to index
      %get3A_591 = arith.index_cast %get3A_589 : i32 to index
      %get3A_592 = arith.index_cast %add3A_587 : i32 to index
      %get3A_593 = tpu.vector_load %arg7[%get3A_590, %get3A_591, %get3A_592] {strides = array<i32>} : memref<2x8x4096xf32, #tpu.memory_space<vmem>>, vector<1x1x16xf32>,
      %get3A_594 = vector.shape_cast %get3A_593 : vector<1x1x16xf32> to vector<16xf32>
      %exp3A_595 = math.exp %get3A_594 : vector<16xf32>
      %add3A_596 = arith.addf %scan3A_518, %exp3A_595 : vector<16xf32>
      %add3A_597 = arith.constant 112 : i32
      %add3A_598 = arith.addi %mul3A_521, %add3A_597 : i32
      %get3A_599 = arith.constant 0 : i32
      %get3A_600 = arith.constant 7 : i32
      %get3A_601 = arith.index_cast %get3A_599 : i32 to index
      %get3A_602 = arith.index_cast %get3A_600 : i32 to index
      %get3A_603 = arith.index_cast %add3A_598 : i32 to index
      %get3A_604 = tpu.vector_load %arg7[%get3A_601, %get3A_602, %get3A_603] {strides = array<i32>} : memref<2x8x4096xf32, #tpu.memory_space<vmem>>, vector<1x1x16xf32>,
      %get3A_605 = vector.shape_cast %get3A_604 : vector<1x1x16xf32> to vector<16xf32>
      %exp3A_606 = math.exp %get3A_605 : vector<16xf32>
      %add3A_607 = arith.addf %scan3A_519, %exp3A_606 : vector<16xf32>
      scf.yield %add3A_530, %add3A_541, %add3A_552, %add3A_563, %add3A_574, %add3A_585, %add3A_596, %add3A_607 : vector<16xf32>, vector<16xf32>, vector<16xf32>, vector<16xf32>, vector<16xf32>, vector<16xf32>, vector<16xf32>, vector<16xf32>
    }
    %scan3A_438 = arith.constant 32 : i32
    %add3A_439 = arith.addf %scan3A_437#0, %scan3A_437#1 : vector<16xf32>
    %add3A_440 = arith.addf %add3A_439, %scan3A_437#2 : vector<16xf32>
    %add3A_441 = arith.addf %add3A_440, %scan3A_437#3 : vector<16xf32>
    %add3A_442 = arith.addf %add3A_441, %scan3A_437#4 : vector<16xf32>
    %add3A_443 = arith.addf %add3A_442, %scan3A_437#5 : vector<16xf32>
    %add3A_444 = arith.addf %add3A_443, %scan3A_437#6 : vector<16xf32>
    %add3A_445 = arith.addf %add3A_444, %scan3A_437#7 : vector<16xf32>
    %swap3A = arith.constant 0 : i32
    %swap3A_446 = arith.constant 0 : i32
    %swap3A_447 = arith.index_cast %swap3A : i32 to index
    %swap3A_448 = arith.index_cast %swap3A_446 : i32 to index
    %swap3A_449 = arith.constant 0 : index
    %swap3A_450 = tpu.vector_load %arg8[%swap3A_447, %swap3A_448, %swap3A_449] {strides = array<i32>} : memref<1x8x16xf32, #tpu.memory_space<vmem>>, vector<1x1x16xf32>,
    %swap3A_451 = vector.shape_cast %swap3A_450 : vector<1x1x16xf32> to vector<16xf32>
    %swap3A_452 = vector.shape_cast %add3A_354 : vector<16xf32> to vector<1x1x16xf32>
    tpu.vector_store %arg8[%swap3A_447, %swap3A_448, %swap3A_449], %swap3A_452 {strides = array<i32>} : memref<1x8x16xf32, #tpu.memory_space<vmem>>, vector<1x1x16xf32>,
    %swap3A_453 = arith.constant 0 : i32
    %swap3A_454 = arith.constant 1 : i32
    %swap3A_455 = arith.index_cast %swap3A_453 : i32 to index
    %swap3A_456 = arith.index_cast %swap3A_454 : i32 to index
    %swap3A_457 = arith.constant 0 : index
    %swap3A_458 = tpu.vector_load %arg8[%swap3A_455, %swap3A_456, %swap3A_457] {strides = array<i32>} : memref<1x8x16xf32, #tpu.memory_space<vmem>>, vector<1x1x16xf32>,
    %swap3A_459 = vector.shape_cast %swap3A_458 : vector<1x1x16xf32> to vector<16xf32>
    %swap3A_460 = vector.shape_cast %add3A_367 : vector<16xf32> to vector<1x1x16xf32>
    tpu.vector_store %arg8[%swap3A_455, %swap3A_456, %swap3A_457], %swap3A_460 {strides = array<i32>} : memref<1x8x16xf32, #tpu.memory_space<vmem>>, vector<1x1x16xf32>,
    %swap3A_461 = arith.constant 0 : i32
    %swap3A_462 = arith.constant 2 : i32
    %swap3A_463 = arith.index_cast %swap3A_461 : i32 to index
    %swap3A_464 = arith.index_cast %swap3A_462 : i32 to index
    %swap3A_465 = arith.constant 0 : index
    %swap3A_466 = tpu.vector_load %arg8[%swap3A_463, %swap3A_464, %swap3A_465] {strides = array<i32>} : memref<1x8x16xf32, #tpu.memory_space<vmem>>, vector<1x1x16xf32>,
    %swap3A_467 = vector.shape_cast %swap3A_466 : vector<1x1x16xf32> to vector<16xf32>
    %swap3A_468 = vector.shape_cast %add3A_380 : vector<16xf32> to vector<1x1x16xf32>
    tpu.vector_store %arg8[%swap3A_463, %swap3A_464, %swap3A_465], %swap3A_468 {strides = array<i32>} : memref<1x8x16xf32, #tpu.memory_space<vmem>>, vector<1x1x16xf32>,
    %swap3A_469 = arith.constant 0 : i32
    %swap3A_470 = arith.constant 3 : i32
    %swap3A_471 = arith.index_cast %swap3A_469 : i32 to index
    %swap3A_472 = arith.index_cast %swap3A_470 : i32 to index
    %swap3A_473 = arith.constant 0 : index
    %swap3A_474 = tpu.vector_load %arg8[%swap3A_471, %swap3A_472, %swap3A_473] {strides = array<i32>} : memref<1x8x16xf32, #tpu.memory_space<vmem>>, vector<1x1x16xf32>,
    %swap3A_475 = vector.shape_cast %swap3A_474 : vector<1x1x16xf32> to vector<16xf32>
    %swap3A_476 = vector.shape_cast %add3A_393 : vector<16xf32> to vector<1x1x16xf32>
    tpu.vector_store %arg8[%swap3A_471, %swap3A_472, %swap3A_473], %swap3A_476 {strides = array<i32>} : memref<1x8x16xf32, #tpu.memory_space<vmem>>, vector<1x1x16xf32>,
    %swap3A_477 = arith.constant 0 : i32
    %swap3A_478 = arith.constant 4 : i32
    %swap3A_479 = arith.index_cast %swap3A_477 : i32 to index
    %swap3A_480 = arith.index_cast %swap3A_478 : i32 to index
    %swap3A_481 = arith.constant 0 : index
    %swap3A_482 = tpu.vector_load %arg8[%swap3A_479, %swap3A_480, %swap3A_481] {strides = array<i32>} : memref<1x8x16xf32, #tpu.memory_space<vmem>>, vector<1x1x16xf32>,
    %swap3A_483 = vector.shape_cast %swap3A_482 : vector<1x1x16xf32> to vector<16xf32>
    %swap3A_484 = vector.shape_cast %add3A_406 : vector<16xf32> to vector<1x1x16xf32>
    tpu.vector_store %arg8[%swap3A_479, %swap3A_480, %swap3A_481], %swap3A_484 {strides = array<i32>} : memref<1x8x16xf32, #tpu.memory_space<vmem>>, vector<1x1x16xf32>,
    %swap3A_485 = arith.constant 0 : i32
    %swap3A_486 = arith.constant 5 : i32
    %swap3A_487 = arith.index_cast %swap3A_485 : i32 to index
    %swap3A_488 = arith.index_cast %swap3A_486 : i32 to index
    %swap3A_489 = arith.constant 0 : index
    %swap3A_490 = tpu.vector_load %arg8[%swap3A_487, %swap3A_488, %swap3A_489] {strides = array<i32>} : memref<1x8x16xf32, #tpu.memory_space<vmem>>, vector<1x1x16xf32>,
    %swap3A_491 = vector.shape_cast %swap3A_490 : vector<1x1x16xf32> to vector<16xf32>
    %swap3A_492 = vector.shape_cast %add3A_419 : vector<16xf32> to vector<1x1x16xf32>
    tpu.vector_store %arg8[%swap3A_487, %swap3A_488, %swap3A_489], %swap3A_492 {strides = array<i32>} : memref<1x8x16xf32, #tpu.memory_space<vmem>>, vector<1x1x16xf32>,
    %swap3A_493 = arith.constant 0 : i32
    %swap3A_494 = arith.constant 6 : i32
    %swap3A_495 = arith.index_cast %swap3A_493 : i32 to index
    %swap3A_496 = arith.index_cast %swap3A_494 : i32 to index
    %swap3A_497 = arith.constant 0 : index
    %swap3A_498 = tpu.vector_load %arg8[%swap3A_495, %swap3A_496, %swap3A_497] {strides = array<i32>} : memref<1x8x16xf32, #tpu.memory_space<vmem>>, vector<1x1x16xf32>,
    %swap3A_499 = vector.shape_cast %swap3A_498 : vector<1x1x16xf32> to vector<16xf32>
    %swap3A_500 = vector.shape_cast %add3A_432 : vector<16xf32> to vector<1x1x16xf32>
    tpu.vector_store %arg8[%swap3A_495, %swap3A_496, %swap3A_497], %swap3A_500 {strides = array<i32>} : memref<1x8x16xf32, #tpu.memory_space<vmem>>, vector<1x1x16xf32>,
    %swap3A_501 = arith.constant 0 : i32
    %swap3A_502 = arith.constant 7 : i32
    %swap3A_503 = arith.index_cast %swap3A_501 : i32 to index
    %swap3A_504 = arith.index_cast %swap3A_502 : i32 to index
    %swap3A_505 = arith.constant 0 : index
    %swap3A_506 = tpu.vector_load %arg8[%swap3A_503, %swap3A_504, %swap3A_505] {strides = array<i32>} : memref<1x8x16xf32, #tpu.memory_space<vmem>>, vector<1x1x16xf32>,
    %swap3A_507 = vector.shape_cast %swap3A_506 : vector<1x1x16xf32> to vector<16xf32>
    %swap3A_508 = vector.shape_cast %add3A_445 : vector<16xf32> to vector<1x1x16xf32>
    tpu.vector_store %arg8[%swap3A_503, %swap3A_504, %swap3A_505], %swap3A_508 {strides = array<i32>} : memref<1x8x16xf32, #tpu.memory_space<vmem>>, vector<1x1x16xf32>,
    %mul3A_509 = arith.constant 8 : i32
    %mul3A_510 = arith.muli %select_n3A, %mul3A_509 : i32
    "tpu.region"() ({
      %run_scoped3A = tpu.sem_alloc : memref<!tpu.dma_semaphore, #tpu.memory_space<semaphore_mem>>
      %dma_start3A_511 = arith.constant 0 : i32
      %dma_start3A_512 = tpu.memref_slice %arg5[%select_n3A_30, %mul3A_510, %dma_start3A_511] : memref<8x32x16xf32, #tpu.memory_space<hbm>> -> memref<1x8x16xf32, #tpu.memory_space<hbm>>
      %dma_start3A_513 = arith.constant 0 : i32
      %dma_start3A_514 = tpu.memref_slice %arg5[%select_n3A_30, %mul3A_510, %dma_start3A_513] : memref<8x32x16xf32, #tpu.memory_space<hbm>> -> memref<1x8x16xf32, #tpu.memory_space<hbm>>
      tpu.enqueue_dma source(%arg8 : memref<1x8x16xf32, #tpu.memory_space<vmem>>) target(%dma_start3A_514 : memref<1x8x16xf32, #tpu.memory_space<hbm>>) target_semaphore(%run_scoped3A : memref<!tpu.dma_semaphore, #tpu.memory_space<semaphore_mem>>)
      %dma_wait3A_515 = arith.constant 0 : i32
      %dma_wait3A_516 = tpu.memref_slice %arg5[%select_n3A_30, %mul3A_510, %dma_wait3A_515] : memref<8x32x16xf32, #tpu.memory_space<hbm>> -> memref<1x8x16xf32, #tpu.memory_space<hbm>>
      %dma_wait3A_517 = arith.constant 0 : i32
      %dma_wait3A_518 = tpu.memref_slice %arg5[%select_n3A_30, %mul3A_510, %dma_wait3A_517] : memref<8x32x16xf32, #tpu.memory_space<hbm>> -> memref<1x8x16xf32, #tpu.memory_space<hbm>>
      tpu.wait_dma2 semaphore(%run_scoped3A : memref<!tpu.dma_semaphore, #tpu.memory_space<semaphore_mem>>) src(%arg8 : memref<1x8x16xf32, #tpu.memory_space<vmem>>) dst(%dma_wait3A_518 : memref<1x8x16xf32, #tpu.memory_space<hbm>>)
      tpu.yield
    }) : () -> ()
    return
  }
}

module attributes {stable_mosaic.version = 14 : i64} {
  func.func @_tc_body(%arg0: memref<128x1xi32, #tpu.memory_space<smem>>, %arg1: memref<128x100000xf32, #tpu.memory_space<any>>, %arg2: memref<96x1xf32, #tpu.memory_space<vmem>>, %arg3: memref<6x8x100000xf32, #tpu.memory_space<vmem>>, %arg4: memref<6x!tpu.dma_semaphore, #tpu.memory_space<semaphore_mem>>) attributes {dimension_semantics = [], scalar_prefetch = 0 : i64, scratch_operands = 2 : i64, tpu.core_type = #tpu.core_type<tc>} {
    %dma_start3A = arith.constant 0 : i32
    %dma_start3A_0 = arith.constant 0 : i32
    %dma_start3A_1 = tpu.memref_slice %arg4[%dma_start3A_0] : memref<6x!tpu.dma_semaphore, #tpu.memory_space<semaphore_mem>> -> memref<1x!tpu.dma_semaphore, #tpu.memory_space<semaphore_mem>>
    %dma_start3A_2 = tpu.memref_squeeze %dma_start3A_1 : memref<1x!tpu.dma_semaphore, #tpu.memory_space<semaphore_mem>> -> memref<!tpu.dma_semaphore, #tpu.memory_space<semaphore_mem>>
    %dma_start3A_3 = arith.constant 0 : i32
    %dma_start3A_4 = arith.constant 0 : i32
    %dma_start3A_5 = tpu.memref_slice %arg3[%dma_start3A, %dma_start3A_3, %dma_start3A_4] : memref<6x8x100000xf32, #tpu.memory_space<vmem>> -> memref<1x8x100000xf32, #tpu.memory_space<vmem>>
    %dma_start3A_6 = tpu.memref_squeeze %dma_start3A_5 : memref<1x8x100000xf32, #tpu.memory_space<vmem>> -> memref<8x100000xf32, #tpu.memory_space<vmem>>
    %dma_start3A_7 = arith.constant 0 : i32
    %dma_start3A_8 = arith.constant 0 : i32
    %dma_start3A_9 = tpu.memref_slice %arg1[%dma_start3A_7, %dma_start3A_8] : memref<128x100000xf32, #tpu.memory_space<any>> -> memref<8x100000xf32, #tpu.memory_space<any>>
    tpu.enqueue_dma source(%dma_start3A_9 : memref<8x100000xf32, #tpu.memory_space<any>>) target(%dma_start3A_6 : memref<8x100000xf32, #tpu.memory_space<vmem>>) target_semaphore(%dma_start3A_2 : memref<!tpu.dma_semaphore, #tpu.memory_space<semaphore_mem>>)
    %dma_start3A_10 = arith.constant 1 : i32
    %dma_start3A_11 = arith.constant 1 : i32
    %dma_start3A_12 = tpu.memref_slice %arg4[%dma_start3A_11] : memref<6x!tpu.dma_semaphore, #tpu.memory_space<semaphore_mem>> -> memref<1x!tpu.dma_semaphore, #tpu.memory_space<semaphore_mem>>
    %dma_start3A_13 = tpu.memref_squeeze %dma_start3A_12 : memref<1x!tpu.dma_semaphore, #tpu.memory_space<semaphore_mem>> -> memref<!tpu.dma_semaphore, #tpu.memory_space<semaphore_mem>>
    %dma_start3A_14 = arith.constant 0 : i32
    %dma_start3A_15 = arith.constant 0 : i32
    %dma_start3A_16 = tpu.memref_slice %arg3[%dma_start3A_10, %dma_start3A_14, %dma_start3A_15] : memref<6x8x100000xf32, #tpu.memory_space<vmem>> -> memref<1x8x100000xf32, #tpu.memory_space<vmem>>
    %dma_start3A_17 = tpu.memref_squeeze %dma_start3A_16 : memref<1x8x100000xf32, #tpu.memory_space<vmem>> -> memref<8x100000xf32, #tpu.memory_space<vmem>>
    %dma_start3A_18 = arith.constant 8 : i32
    %dma_start3A_19 = arith.constant 0 : i32
    %dma_start3A_20 = tpu.memref_slice %arg1[%dma_start3A_18, %dma_start3A_19] : memref<128x100000xf32, #tpu.memory_space<any>> -> memref<8x100000xf32, #tpu.memory_space<any>>
    tpu.enqueue_dma source(%dma_start3A_20 : memref<8x100000xf32, #tpu.memory_space<any>>) target(%dma_start3A_17 : memref<8x100000xf32, #tpu.memory_space<vmem>>) target_semaphore(%dma_start3A_13 : memref<!tpu.dma_semaphore, #tpu.memory_space<semaphore_mem>>)
    %dma_start3A_21 = arith.constant 2 : i32
    %dma_start3A_22 = arith.constant 2 : i32
    %dma_start3A_23 = tpu.memref_slice %arg4[%dma_start3A_22] : memref<6x!tpu.dma_semaphore, #tpu.memory_space<semaphore_mem>> -> memref<1x!tpu.dma_semaphore, #tpu.memory_space<semaphore_mem>>
    %dma_start3A_24 = tpu.memref_squeeze %dma_start3A_23 : memref<1x!tpu.dma_semaphore, #tpu.memory_space<semaphore_mem>> -> memref<!tpu.dma_semaphore, #tpu.memory_space<semaphore_mem>>
    %dma_start3A_25 = arith.constant 0 : i32
    %dma_start3A_26 = arith.constant 0 : i32
    %dma_start3A_27 = tpu.memref_slice %arg3[%dma_start3A_21, %dma_start3A_25, %dma_start3A_26] : memref<6x8x100000xf32, #tpu.memory_space<vmem>> -> memref<1x8x100000xf32, #tpu.memory_space<vmem>>
    %dma_start3A_28 = tpu.memref_squeeze %dma_start3A_27 : memref<1x8x100000xf32, #tpu.memory_space<vmem>> -> memref<8x100000xf32, #tpu.memory_space<vmem>>
    %dma_start3A_29 = arith.constant 16 : i32
    %dma_start3A_30 = arith.constant 0 : i32
    %dma_start3A_31 = tpu.memref_slice %arg1[%dma_start3A_29, %dma_start3A_30] : memref<128x100000xf32, #tpu.memory_space<any>> -> memref<8x100000xf32, #tpu.memory_space<any>>
    tpu.enqueue_dma source(%dma_start3A_31 : memref<8x100000xf32, #tpu.memory_space<any>>) target(%dma_start3A_28 : memref<8x100000xf32, #tpu.memory_space<vmem>>) target_semaphore(%dma_start3A_24 : memref<!tpu.dma_semaphore, #tpu.memory_space<semaphore_mem>>)
    %dma_start3A_32 = arith.constant 3 : i32
    %dma_start3A_33 = arith.constant 3 : i32
    %dma_start3A_34 = tpu.memref_slice %arg4[%dma_start3A_33] : memref<6x!tpu.dma_semaphore, #tpu.memory_space<semaphore_mem>> -> memref<1x!tpu.dma_semaphore, #tpu.memory_space<semaphore_mem>>
    %dma_start3A_35 = tpu.memref_squeeze %dma_start3A_34 : memref<1x!tpu.dma_semaphore, #tpu.memory_space<semaphore_mem>> -> memref<!tpu.dma_semaphore, #tpu.memory_space<semaphore_mem>>
    %dma_start3A_36 = arith.constant 0 : i32
    %dma_start3A_37 = arith.constant 0 : i32
    %dma_start3A_38 = tpu.memref_slice %arg3[%dma_start3A_32, %dma_start3A_36, %dma_start3A_37] : memref<6x8x100000xf32, #tpu.memory_space<vmem>> -> memref<1x8x100000xf32, #tpu.memory_space<vmem>>
    %dma_start3A_39 = tpu.memref_squeeze %dma_start3A_38 : memref<1x8x100000xf32, #tpu.memory_space<vmem>> -> memref<8x100000xf32, #tpu.memory_space<vmem>>
    %dma_start3A_40 = arith.constant 24 : i32
    %dma_start3A_41 = arith.constant 0 : i32
    %dma_start3A_42 = tpu.memref_slice %arg1[%dma_start3A_40, %dma_start3A_41] : memref<128x100000xf32, #tpu.memory_space<any>> -> memref<8x100000xf32, #tpu.memory_space<any>>
    tpu.enqueue_dma source(%dma_start3A_42 : memref<8x100000xf32, #tpu.memory_space<any>>) target(%dma_start3A_39 : memref<8x100000xf32, #tpu.memory_space<vmem>>) target_semaphore(%dma_start3A_35 : memref<!tpu.dma_semaphore, #tpu.memory_space<semaphore_mem>>)
    %dma_start3A_43 = arith.constant 4 : i32
    %dma_start3A_44 = arith.constant 4 : i32
    %dma_start3A_45 = tpu.memref_slice %arg4[%dma_start3A_44] : memref<6x!tpu.dma_semaphore, #tpu.memory_space<semaphore_mem>> -> memref<1x!tpu.dma_semaphore, #tpu.memory_space<semaphore_mem>>
    %dma_start3A_46 = tpu.memref_squeeze %dma_start3A_45 : memref<1x!tpu.dma_semaphore, #tpu.memory_space<semaphore_mem>> -> memref<!tpu.dma_semaphore, #tpu.memory_space<semaphore_mem>>
    %dma_start3A_47 = arith.constant 0 : i32
    %dma_start3A_48 = arith.constant 0 : i32
    %dma_start3A_49 = tpu.memref_slice %arg3[%dma_start3A_43, %dma_start3A_47, %dma_start3A_48] : memref<6x8x100000xf32, #tpu.memory_space<vmem>> -> memref<1x8x100000xf32, #tpu.memory_space<vmem>>
    %dma_start3A_50 = tpu.memref_squeeze %dma_start3A_49 : memref<1x8x100000xf32, #tpu.memory_space<vmem>> -> memref<8x100000xf32, #tpu.memory_space<vmem>>
    %dma_start3A_51 = arith.constant 32 : i32
    %dma_start3A_52 = arith.constant 0 : i32
    %dma_start3A_53 = tpu.memref_slice %arg1[%dma_start3A_51, %dma_start3A_52] : memref<128x100000xf32, #tpu.memory_space<any>> -> memref<8x100000xf32, #tpu.memory_space<any>>
    tpu.enqueue_dma source(%dma_start3A_53 : memref<8x100000xf32, #tpu.memory_space<any>>) target(%dma_start3A_50 : memref<8x100000xf32, #tpu.memory_space<vmem>>) target_semaphore(%dma_start3A_46 : memref<!tpu.dma_semaphore, #tpu.memory_space<semaphore_mem>>)
    %dma_start3A_54 = arith.constant 5 : i32
    %dma_start3A_55 = arith.constant 5 : i32
    %dma_start3A_56 = tpu.memref_slice %arg4[%dma_start3A_55] : memref<6x!tpu.dma_semaphore, #tpu.memory_space<semaphore_mem>> -> memref<1x!tpu.dma_semaphore, #tpu.memory_space<semaphore_mem>>
    %dma_start3A_57 = tpu.memref_squeeze %dma_start3A_56 : memref<1x!tpu.dma_semaphore, #tpu.memory_space<semaphore_mem>> -> memref<!tpu.dma_semaphore, #tpu.memory_space<semaphore_mem>>
    %dma_start3A_58 = arith.constant 0 : i32
    %dma_start3A_59 = arith.constant 0 : i32
    %dma_start3A_60 = tpu.memref_slice %arg3[%dma_start3A_54, %dma_start3A_58, %dma_start3A_59] : memref<6x8x100000xf32, #tpu.memory_space<vmem>> -> memref<1x8x100000xf32, #tpu.memory_space<vmem>>
    %dma_start3A_61 = tpu.memref_squeeze %dma_start3A_60 : memref<1x8x100000xf32, #tpu.memory_space<vmem>> -> memref<8x100000xf32, #tpu.memory_space<vmem>>
    %dma_start3A_62 = arith.constant 40 : i32
    %dma_start3A_63 = arith.constant 0 : i32
    %dma_start3A_64 = tpu.memref_slice %arg1[%dma_start3A_62, %dma_start3A_63] : memref<128x100000xf32, #tpu.memory_space<any>> -> memref<8x100000xf32, #tpu.memory_space<any>>
    tpu.enqueue_dma source(%dma_start3A_64 : memref<8x100000xf32, #tpu.memory_space<any>>) target(%dma_start3A_61 : memref<8x100000xf32, #tpu.memory_space<vmem>>) target_semaphore(%dma_start3A_57 : memref<!tpu.dma_semaphore, #tpu.memory_space<semaphore_mem>>)
    %iota3A = tpu.iota {dimensions = array<i32: 1>} : vector<1x128xi32>
    %scan3A = arith.constant 0 : i32
    %scan3A_65 = arith.constant 12 : i32
    %scan3A_66 = arith.addi %scan3A, %scan3A_65 : i32
    %scan3A_67 = arith.constant 1 : i32
    scf.for %scan3A_69 = %scan3A to %scan3A_66 step %scan3A_67  : i32 {
      %rem3A = arith.constant 6 : i32
      %rem3A_70 = arith.remsi %scan3A_69, %rem3A : i32
      %mul3A = arith.constant 8 : i32
      %mul3A_71 = arith.muli %scan3A_69, %mul3A : i32
      %dma_wait3A = tpu.memref_slice %arg4[%rem3A_70] : memref<6x!tpu.dma_semaphore, #tpu.memory_space<semaphore_mem>> -> memref<1x!tpu.dma_semaphore, #tpu.memory_space<semaphore_mem>>
      %dma_wait3A_72 = tpu.memref_squeeze %dma_wait3A : memref<1x!tpu.dma_semaphore, #tpu.memory_space<semaphore_mem>> -> memref<!tpu.dma_semaphore, #tpu.memory_space<semaphore_mem>>
      %dma_wait3A_73 = arith.constant 0 : i32
      %dma_wait3A_74 = arith.constant 0 : i32
      %dma_wait3A_75 = tpu.memref_slice %arg3[%rem3A_70, %dma_wait3A_73, %dma_wait3A_74] : memref<6x8x100000xf32, #tpu.memory_space<vmem>> -> memref<1x8x100000xf32, #tpu.memory_space<vmem>>
      %dma_wait3A_76 = tpu.memref_squeeze %dma_wait3A_75 : memref<1x8x100000xf32, #tpu.memory_space<vmem>> -> memref<8x100000xf32, #tpu.memory_space<vmem>>
      %dma_wait3A_77 = arith.constant 0 : i32
      %dma_wait3A_78 = tpu.memref_slice %arg1[%mul3A_71, %dma_wait3A_77] : memref<128x100000xf32, #tpu.memory_space<any>> -> memref<8x100000xf32, #tpu.memory_space<any>>
      tpu.wait_dma2 semaphore(%dma_wait3A_72 : memref<!tpu.dma_semaphore, #tpu.memory_space<semaphore_mem>>) src(%dma_wait3A_78 : memref<8x100000xf32, #tpu.memory_space<any>>) dst(%dma_wait3A_76 : memref<8x100000xf32, #tpu.memory_space<vmem>>)
      %get3A = arith.index_cast %rem3A_70 : i32 to index
      %get3A_79 = arith.constant 0 : index
      %get3A_80 = arith.constant 0 : index
      %get3A_81 = vector.load %arg3[%get3A, %get3A_79, %get3A_80] : memref<6x8x100000xf32, #tpu.memory_space<vmem>>, vector<1x8x100000xf32>
      %get3A_82 = vector.shape_cast %get3A_81 : vector<1x8x100000xf32> to vector<8x100000xf32>
      %mul3A_83 = arith.constant 8 : i32
      %mul3A_84 = arith.muli %scan3A_69, %mul3A_83 : i32
      %multiple_of3A = tpu.assume_multiple %mul3A_84, 8 : i32
      %exp3A = math.exp %get3A_82 : vector<8x100000xf32>
      %reduce_sum3A = arith.constant dense<0.000000e+00> : vector<8xf32>
      %reduce_sum3A_85 = vector.multi_reduction <add>, %exp3A, %reduce_sum3A [1] : vector<8x100000xf32> to vector<8xf32>
      %broadcast_in_dim3A = vector.shape_cast %reduce_sum3A_85 : vector<8xf32> to vector<8x1xf32>
      %log3A = math.log %broadcast_in_dim3A : vector<8x1xf32>
      %add3A = arith.constant 0 : i32
      %add3A_86 = arith.addi %multiple_of3A, %add3A : i32
      %get3A_87 = arith.index_cast %add3A_86 : i32 to index
      %get3A_88 = arith.constant 0 : index
      %get3A_89 = memref.load %arg0[%get3A_87, %get3A_88] : memref<128x1xi32, #tpu.memory_space<smem>>
      %jit3A = arith.constant 128 : i32
      %div3A = arith.divsi %get3A_89, %jit3A : i32
      %sign3A = arith.constant 0 : i32
      %sign3A_90 = arith.cmpi sgt, %get3A_89, %sign3A : i32
      %sign3A_91 = arith.extui %sign3A_90 : i1 to i32
      %sign3A_92 = arith.constant 0 : i32
      %sign3A_93 = arith.cmpi slt, %get3A_89, %sign3A_92 : i32
      %sign3A_94 = arith.extui %sign3A_93 : i1 to i32
      %sign3A_95 = arith.subi %sign3A_91, %sign3A_94 : i32
      %sign3A_96 = arith.constant 0 : i32
      %sign3A_97 = arith.cmpi sgt, %jit3A, %sign3A_96 : i32
      %sign3A_98 = arith.extui %sign3A_97 : i1 to i32
      %sign3A_99 = arith.constant 0 : i32
      %sign3A_100 = arith.cmpi slt, %jit3A, %sign3A_99 : i32
      %sign3A_101 = arith.extui %sign3A_100 : i1 to i32
      %sign3A_102 = arith.subi %sign3A_98, %sign3A_101 : i32
      %ne3A = arith.cmpi ne, %sign3A_95, %sign3A_102 : i32
      %rem3A_103 = arith.remsi %get3A_89, %jit3A : i32
      %ne3A_104 = arith.constant 0 : i32
      %ne3A_105 = arith.cmpi ne, %rem3A_103, %ne3A_104 : i32
      %and3A = arith.andi %ne3A, %ne3A_105 : i1
      %sub3A = arith.constant 1 : i32
      %sub3A_106 = arith.subi %div3A, %sub3A : i32
      %select_n3A = arith.select %and3A, %sub3A_106, %div3A : i32
      %mul3A_107 = arith.constant 128 : i32
      %mul3A_108 = arith.muli %select_n3A, %mul3A_107 : i32
      %get3A_109 = arith.index_cast %rem3A_70 : i32 to index
      %get3A_110 = arith.constant 0 : index
      %get3A_111 = arith.index_cast %mul3A_108 : i32 to index
      %get3A_112 = vector.load %arg3[%get3A_109, %get3A_110, %get3A_111] : memref<6x8x100000xf32, #tpu.memory_space<vmem>>, vector<1x1x128xf32>
      %get3A_113 = vector.shape_cast %get3A_112 : vector<1x1x128xf32> to vector<128xf32>
      %reshape3A = vector.shape_cast %get3A_113 : vector<128xf32> to vector<1x128xf32>
      %sub3A_114 = arith.subi %get3A_89, %mul3A_108 : i32
      %eq3A = vector.broadcast %sub3A_114 : i32 to vector<1x128xi32>
      %eq3A_115 = arith.cmpi eq, %iota3A, %eq3A : vector<1x128xi32>
      %jit3A_116 = arith.constant 0.000000e+00 : f32
      %broadcast_in_dim3A_117 = vector.broadcast %jit3A_116 : f32 to vector<1x128xf32>
      %select_n3A_118 = arith.select %eq3A_115, %reshape3A, %broadcast_in_dim3A_117 : vector<1x128xi1>, vector<1x128xf32>
      %reduce_sum3A_119 = arith.constant dense<0.000000e+00> : vector<1xf32>
      %reduce_sum3A_120 = vector.multi_reduction <add>, %select_n3A_118, %reduce_sum3A_119 [1] : vector<1x128xf32> to vector<1xf32>
      %broadcast_in_dim3A_121 = vector.shape_cast %reduce_sum3A_120 : vector<1xf32> to vector<1x1xf32>
      %slice3A = vector.extract_strided_slice %log3A {offsets = [0, 0], sizes = [1, 1], strides = [1, 1]} : vector<8x1xf32> to vector<1x1xf32>
      %sub3A_122 = arith.subf %broadcast_in_dim3A_121, %slice3A : vector<1x1xf32>
      %add3A_123 = arith.constant 0 : i32
      %add3A_124 = arith.addi %multiple_of3A, %add3A_123 : i32
      %swap3A = arith.index_cast %add3A_124 : i32 to index
      %swap3A_125 = arith.constant 0 : index
      %swap3A_126 = vector.load %arg2[%swap3A, %swap3A_125] : memref<96x1xf32, #tpu.memory_space<vmem>>, vector<1x1xf32>
      tpu.vector_store %arg2[%swap3A, %swap3A_125], %sub3A_122 {strides = array<i32>} : memref<96x1xf32, #tpu.memory_space<vmem>>, vector<1x1xf32>,
      %add3A_127 = arith.constant 1 : i32
      %add3A_128 = arith.addi %multiple_of3A, %add3A_127 : i32
      %get3A_129 = arith.index_cast %add3A_128 : i32 to index
      %get3A_130 = arith.constant 0 : index
      %get3A_131 = memref.load %arg0[%get3A_129, %get3A_130] : memref<128x1xi32, #tpu.memory_space<smem>>
      %jit3A_132 = arith.constant 128 : i32
      %div3A_133 = arith.divsi %get3A_131, %jit3A_132 : i32
      %sign3A_134 = arith.constant 0 : i32
      %sign3A_135 = arith.cmpi sgt, %get3A_131, %sign3A_134 : i32
      %sign3A_136 = arith.extui %sign3A_135 : i1 to i32
      %sign3A_137 = arith.constant 0 : i32
      %sign3A_138 = arith.cmpi slt, %get3A_131, %sign3A_137 : i32
      %sign3A_139 = arith.extui %sign3A_138 : i1 to i32
      %sign3A_140 = arith.subi %sign3A_136, %sign3A_139 : i32
      %sign3A_141 = arith.constant 0 : i32
      %sign3A_142 = arith.cmpi sgt, %jit3A_132, %sign3A_141 : i32
      %sign3A_143 = arith.extui %sign3A_142 : i1 to i32
      %sign3A_144 = arith.constant 0 : i32
      %sign3A_145 = arith.cmpi slt, %jit3A_132, %sign3A_144 : i32
      %sign3A_146 = arith.extui %sign3A_145 : i1 to i32
      %sign3A_147 = arith.subi %sign3A_143, %sign3A_146 : i32
      %ne3A_148 = arith.cmpi ne, %sign3A_140, %sign3A_147 : i32
      %rem3A_149 = arith.remsi %get3A_131, %jit3A_132 : i32
      %ne3A_150 = arith.constant 0 : i32
      %ne3A_151 = arith.cmpi ne, %rem3A_149, %ne3A_150 : i32
      %and3A_152 = arith.andi %ne3A_148, %ne3A_151 : i1
      %sub3A_153 = arith.constant 1 : i32
      %sub3A_154 = arith.subi %div3A_133, %sub3A_153 : i32
      %select_n3A_155 = arith.select %and3A_152, %sub3A_154, %div3A_133 : i32
      %mul3A_156 = arith.constant 128 : i32
      %mul3A_157 = arith.muli %select_n3A_155, %mul3A_156 : i32
      %get3A_158 = arith.index_cast %rem3A_70 : i32 to index
      %get3A_159 = arith.constant 1 : index
      %get3A_160 = arith.index_cast %mul3A_157 : i32 to index
      %get3A_161 = vector.load %arg3[%get3A_158, %get3A_159, %get3A_160] : memref<6x8x100000xf32, #tpu.memory_space<vmem>>, vector<1x1x128xf32>
      %get3A_162 = vector.shape_cast %get3A_161 : vector<1x1x128xf32> to vector<128xf32>
      %reshape3A_163 = vector.shape_cast %get3A_162 : vector<128xf32> to vector<1x128xf32>
      %sub3A_164 = arith.subi %get3A_131, %mul3A_157 : i32
      %eq3A_165 = vector.broadcast %sub3A_164 : i32 to vector<1x128xi32>
      %eq3A_166 = arith.cmpi eq, %iota3A, %eq3A_165 : vector<1x128xi32>
      %jit3A_167 = arith.constant 0.000000e+00 : f32
      %broadcast_in_dim3A_168 = vector.broadcast %jit3A_167 : f32 to vector<1x128xf32>
      %select_n3A_169 = arith.select %eq3A_166, %reshape3A_163, %broadcast_in_dim3A_168 : vector<1x128xi1>, vector<1x128xf32>
      %reduce_sum3A_170 = arith.constant dense<0.000000e+00> : vector<1xf32>
      %reduce_sum3A_171 = vector.multi_reduction <add>, %select_n3A_169, %reduce_sum3A_170 [1] : vector<1x128xf32> to vector<1xf32>
      %broadcast_in_dim3A_172 = vector.shape_cast %reduce_sum3A_171 : vector<1xf32> to vector<1x1xf32>
      %slice3A_173 = vector.extract_strided_slice %log3A {offsets = [1, 0], sizes = [1, 1], strides = [1, 1]} : vector<8x1xf32> to vector<1x1xf32>
      %sub3A_174 = arith.subf %broadcast_in_dim3A_172, %slice3A_173 : vector<1x1xf32>
      %add3A_175 = arith.constant 1 : i32
      %add3A_176 = arith.addi %multiple_of3A, %add3A_175 : i32
      %swap3A_177 = arith.index_cast %add3A_176 : i32 to index
      %swap3A_178 = arith.constant 0 : index
      %swap3A_179 = vector.load %arg2[%swap3A_177, %swap3A_178] : memref<96x1xf32, #tpu.memory_space<vmem>>, vector<1x1xf32>
      tpu.vector_store %arg2[%swap3A_177, %swap3A_178], %sub3A_174 {strides = array<i32>} : memref<96x1xf32, #tpu.memory_space<vmem>>, vector<1x1xf32>,
      %add3A_180 = arith.constant 2 : i32
      %add3A_181 = arith.addi %multiple_of3A, %add3A_180 : i32
      %get3A_182 = arith.index_cast %add3A_181 : i32 to index
      %get3A_183 = arith.constant 0 : index
      %get3A_184 = memref.load %arg0[%get3A_182, %get3A_183] : memref<128x1xi32, #tpu.memory_space<smem>>
      %jit3A_185 = arith.constant 128 : i32
      %div3A_186 = arith.divsi %get3A_184, %jit3A_185 : i32
      %sign3A_187 = arith.constant 0 : i32
      %sign3A_188 = arith.cmpi sgt, %get3A_184, %sign3A_187 : i32
      %sign3A_189 = arith.extui %sign3A_188 : i1 to i32
      %sign3A_190 = arith.constant 0 : i32
      %sign3A_191 = arith.cmpi slt, %get3A_184, %sign3A_190 : i32
      %sign3A_192 = arith.extui %sign3A_191 : i1 to i32
      %sign3A_193 = arith.subi %sign3A_189, %sign3A_192 : i32
      %sign3A_194 = arith.constant 0 : i32
      %sign3A_195 = arith.cmpi sgt, %jit3A_185, %sign3A_194 : i32
      %sign3A_196 = arith.extui %sign3A_195 : i1 to i32
      %sign3A_197 = arith.constant 0 : i32
      %sign3A_198 = arith.cmpi slt, %jit3A_185, %sign3A_197 : i32
      %sign3A_199 = arith.extui %sign3A_198 : i1 to i32
      %sign3A_200 = arith.subi %sign3A_196, %sign3A_199 : i32
      %ne3A_201 = arith.cmpi ne, %sign3A_193, %sign3A_200 : i32
      %rem3A_202 = arith.remsi %get3A_184, %jit3A_185 : i32
      %ne3A_203 = arith.constant 0 : i32
      %ne3A_204 = arith.cmpi ne, %rem3A_202, %ne3A_203 : i32
      %and3A_205 = arith.andi %ne3A_201, %ne3A_204 : i1
      %sub3A_206 = arith.constant 1 : i32
      %sub3A_207 = arith.subi %div3A_186, %sub3A_206 : i32
      %select_n3A_208 = arith.select %and3A_205, %sub3A_207, %div3A_186 : i32
      %mul3A_209 = arith.constant 128 : i32
      %mul3A_210 = arith.muli %select_n3A_208, %mul3A_209 : i32
      %get3A_211 = arith.index_cast %rem3A_70 : i32 to index
      %get3A_212 = arith.constant 2 : index
      %get3A_213 = arith.index_cast %mul3A_210 : i32 to index
      %get3A_214 = vector.load %arg3[%get3A_211, %get3A_212, %get3A_213] : memref<6x8x100000xf32, #tpu.memory_space<vmem>>, vector<1x1x128xf32>
      %get3A_215 = vector.shape_cast %get3A_214 : vector<1x1x128xf32> to vector<128xf32>
      %reshape3A_216 = vector.shape_cast %get3A_215 : vector<128xf32> to vector<1x128xf32>
      %sub3A_217 = arith.subi %get3A_184, %mul3A_210 : i32
      %eq3A_218 = vector.broadcast %sub3A_217 : i32 to vector<1x128xi32>
      %eq3A_219 = arith.cmpi eq, %iota3A, %eq3A_218 : vector<1x128xi32>
      %jit3A_220 = arith.constant 0.000000e+00 : f32
      %broadcast_in_dim3A_221 = vector.broadcast %jit3A_220 : f32 to vector<1x128xf32>
      %select_n3A_222 = arith.select %eq3A_219, %reshape3A_216, %broadcast_in_dim3A_221 : vector<1x128xi1>, vector<1x128xf32>
      %reduce_sum3A_223 = arith.constant dense<0.000000e+00> : vector<1xf32>
      %reduce_sum3A_224 = vector.multi_reduction <add>, %select_n3A_222, %reduce_sum3A_223 [1] : vector<1x128xf32> to vector<1xf32>
      %broadcast_in_dim3A_225 = vector.shape_cast %reduce_sum3A_224 : vector<1xf32> to vector<1x1xf32>
      %slice3A_226 = vector.extract_strided_slice %log3A {offsets = [2, 0], sizes = [1, 1], strides = [1, 1]} : vector<8x1xf32> to vector<1x1xf32>
      %sub3A_227 = arith.subf %broadcast_in_dim3A_225, %slice3A_226 : vector<1x1xf32>
      %add3A_228 = arith.constant 2 : i32
      %add3A_229 = arith.addi %multiple_of3A, %add3A_228 : i32
      %swap3A_230 = arith.index_cast %add3A_229 : i32 to index
      %swap3A_231 = arith.constant 0 : index
      %swap3A_232 = vector.load %arg2[%swap3A_230, %swap3A_231] : memref<96x1xf32, #tpu.memory_space<vmem>>, vector<1x1xf32>
      tpu.vector_store %arg2[%swap3A_230, %swap3A_231], %sub3A_227 {strides = array<i32>} : memref<96x1xf32, #tpu.memory_space<vmem>>, vector<1x1xf32>,
      %add3A_233 = arith.constant 3 : i32
      %add3A_234 = arith.addi %multiple_of3A, %add3A_233 : i32
      %get3A_235 = arith.index_cast %add3A_234 : i32 to index
      %get3A_236 = arith.constant 0 : index
      %get3A_237 = memref.load %arg0[%get3A_235, %get3A_236] : memref<128x1xi32, #tpu.memory_space<smem>>
      %jit3A_238 = arith.constant 128 : i32
      %div3A_239 = arith.divsi %get3A_237, %jit3A_238 : i32
      %sign3A_240 = arith.constant 0 : i32
      %sign3A_241 = arith.cmpi sgt, %get3A_237, %sign3A_240 : i32
      %sign3A_242 = arith.extui %sign3A_241 : i1 to i32
      %sign3A_243 = arith.constant 0 : i32
      %sign3A_244 = arith.cmpi slt, %get3A_237, %sign3A_243 : i32
      %sign3A_245 = arith.extui %sign3A_244 : i1 to i32
      %sign3A_246 = arith.subi %sign3A_242, %sign3A_245 : i32
      %sign3A_247 = arith.constant 0 : i32
      %sign3A_248 = arith.cmpi sgt, %jit3A_238, %sign3A_247 : i32
      %sign3A_249 = arith.extui %sign3A_248 : i1 to i32
      %sign3A_250 = arith.constant 0 : i32
      %sign3A_251 = arith.cmpi slt, %jit3A_238, %sign3A_250 : i32
      %sign3A_252 = arith.extui %sign3A_251 : i1 to i32
      %sign3A_253 = arith.subi %sign3A_249, %sign3A_252 : i32
      %ne3A_254 = arith.cmpi ne, %sign3A_246, %sign3A_253 : i32
      %rem3A_255 = arith.remsi %get3A_237, %jit3A_238 : i32
      %ne3A_256 = arith.constant 0 : i32
      %ne3A_257 = arith.cmpi ne, %rem3A_255, %ne3A_256 : i32
      %and3A_258 = arith.andi %ne3A_254, %ne3A_257 : i1
      %sub3A_259 = arith.constant 1 : i32
      %sub3A_260 = arith.subi %div3A_239, %sub3A_259 : i32
      %select_n3A_261 = arith.select %and3A_258, %sub3A_260, %div3A_239 : i32
      %mul3A_262 = arith.constant 128 : i32
      %mul3A_263 = arith.muli %select_n3A_261, %mul3A_262 : i32
      %get3A_264 = arith.index_cast %rem3A_70 : i32 to index
      %get3A_265 = arith.constant 3 : index
      %get3A_266 = arith.index_cast %mul3A_263 : i32 to index
      %get3A_267 = vector.load %arg3[%get3A_264, %get3A_265, %get3A_266] : memref<6x8x100000xf32, #tpu.memory_space<vmem>>, vector<1x1x128xf32>
      %get3A_268 = vector.shape_cast %get3A_267 : vector<1x1x128xf32> to vector<128xf32>
      %reshape3A_269 = vector.shape_cast %get3A_268 : vector<128xf32> to vector<1x128xf32>
      %sub3A_270 = arith.subi %get3A_237, %mul3A_263 : i32
      %eq3A_271 = vector.broadcast %sub3A_270 : i32 to vector<1x128xi32>
      %eq3A_272 = arith.cmpi eq, %iota3A, %eq3A_271 : vector<1x128xi32>
      %jit3A_273 = arith.constant 0.000000e+00 : f32
      %broadcast_in_dim3A_274 = vector.broadcast %jit3A_273 : f32 to vector<1x128xf32>
      %select_n3A_275 = arith.select %eq3A_272, %reshape3A_269, %broadcast_in_dim3A_274 : vector<1x128xi1>, vector<1x128xf32>
      %reduce_sum3A_276 = arith.constant dense<0.000000e+00> : vector<1xf32>
      %reduce_sum3A_277 = vector.multi_reduction <add>, %select_n3A_275, %reduce_sum3A_276 [1] : vector<1x128xf32> to vector<1xf32>
      %broadcast_in_dim3A_278 = vector.shape_cast %reduce_sum3A_277 : vector<1xf32> to vector<1x1xf32>
      %slice3A_279 = vector.extract_strided_slice %log3A {offsets = [3, 0], sizes = [1, 1], strides = [1, 1]} : vector<8x1xf32> to vector<1x1xf32>
      %sub3A_280 = arith.subf %broadcast_in_dim3A_278, %slice3A_279 : vector<1x1xf32>
      %add3A_281 = arith.constant 3 : i32
      %add3A_282 = arith.addi %multiple_of3A, %add3A_281 : i32
      %swap3A_283 = arith.index_cast %add3A_282 : i32 to index
      %swap3A_284 = arith.constant 0 : index
      %swap3A_285 = vector.load %arg2[%swap3A_283, %swap3A_284] : memref<96x1xf32, #tpu.memory_space<vmem>>, vector<1x1xf32>
      tpu.vector_store %arg2[%swap3A_283, %swap3A_284], %sub3A_280 {strides = array<i32>} : memref<96x1xf32, #tpu.memory_space<vmem>>, vector<1x1xf32>,
      %add3A_286 = arith.constant 4 : i32
      %add3A_287 = arith.addi %multiple_of3A, %add3A_286 : i32
      %get3A_288 = arith.index_cast %add3A_287 : i32 to index
      %get3A_289 = arith.constant 0 : index
      %get3A_290 = memref.load %arg0[%get3A_288, %get3A_289] : memref<128x1xi32, #tpu.memory_space<smem>>
      %jit3A_291 = arith.constant 128 : i32
      %div3A_292 = arith.divsi %get3A_290, %jit3A_291 : i32
      %sign3A_293 = arith.constant 0 : i32
      %sign3A_294 = arith.cmpi sgt, %get3A_290, %sign3A_293 : i32
      %sign3A_295 = arith.extui %sign3A_294 : i1 to i32
      %sign3A_296 = arith.constant 0 : i32
      %sign3A_297 = arith.cmpi slt, %get3A_290, %sign3A_296 : i32
      %sign3A_298 = arith.extui %sign3A_297 : i1 to i32
      %sign3A_299 = arith.subi %sign3A_295, %sign3A_298 : i32
      %sign3A_300 = arith.constant 0 : i32
      %sign3A_301 = arith.cmpi sgt, %jit3A_291, %sign3A_300 : i32
      %sign3A_302 = arith.extui %sign3A_301 : i1 to i32
      %sign3A_303 = arith.constant 0 : i32
      %sign3A_304 = arith.cmpi slt, %jit3A_291, %sign3A_303 : i32
      %sign3A_305 = arith.extui %sign3A_304 : i1 to i32
      %sign3A_306 = arith.subi %sign3A_302, %sign3A_305 : i32
      %ne3A_307 = arith.cmpi ne, %sign3A_299, %sign3A_306 : i32
      %rem3A_308 = arith.remsi %get3A_290, %jit3A_291 : i32
      %ne3A_309 = arith.constant 0 : i32
      %ne3A_310 = arith.cmpi ne, %rem3A_308, %ne3A_309 : i32
      %and3A_311 = arith.andi %ne3A_307, %ne3A_310 : i1
      %sub3A_312 = arith.constant 1 : i32
      %sub3A_313 = arith.subi %div3A_292, %sub3A_312 : i32
      %select_n3A_314 = arith.select %and3A_311, %sub3A_313, %div3A_292 : i32
      %mul3A_315 = arith.constant 128 : i32
      %mul3A_316 = arith.muli %select_n3A_314, %mul3A_315 : i32
      %get3A_317 = arith.index_cast %rem3A_70 : i32 to index
      %get3A_318 = arith.constant 4 : index
      %get3A_319 = arith.index_cast %mul3A_316 : i32 to index
      %get3A_320 = vector.load %arg3[%get3A_317, %get3A_318, %get3A_319] : memref<6x8x100000xf32, #tpu.memory_space<vmem>>, vector<1x1x128xf32>
      %get3A_321 = vector.shape_cast %get3A_320 : vector<1x1x128xf32> to vector<128xf32>
      %reshape3A_322 = vector.shape_cast %get3A_321 : vector<128xf32> to vector<1x128xf32>
      %sub3A_323 = arith.subi %get3A_290, %mul3A_316 : i32
      %eq3A_324 = vector.broadcast %sub3A_323 : i32 to vector<1x128xi32>
      %eq3A_325 = arith.cmpi eq, %iota3A, %eq3A_324 : vector<1x128xi32>
      %jit3A_326 = arith.constant 0.000000e+00 : f32
      %broadcast_in_dim3A_327 = vector.broadcast %jit3A_326 : f32 to vector<1x128xf32>
      %select_n3A_328 = arith.select %eq3A_325, %reshape3A_322, %broadcast_in_dim3A_327 : vector<1x128xi1>, vector<1x128xf32>
      %reduce_sum3A_329 = arith.constant dense<0.000000e+00> : vector<1xf32>
      %reduce_sum3A_330 = vector.multi_reduction <add>, %select_n3A_328, %reduce_sum3A_329 [1] : vector<1x128xf32> to vector<1xf32>
      %broadcast_in_dim3A_331 = vector.shape_cast %reduce_sum3A_330 : vector<1xf32> to vector<1x1xf32>
      %slice3A_332 = vector.extract_strided_slice %log3A {offsets = [4, 0], sizes = [1, 1], strides = [1, 1]} : vector<8x1xf32> to vector<1x1xf32>
      %sub3A_333 = arith.subf %broadcast_in_dim3A_331, %slice3A_332 : vector<1x1xf32>
      %add3A_334 = arith.constant 4 : i32
      %add3A_335 = arith.addi %multiple_of3A, %add3A_334 : i32
      %swap3A_336 = arith.index_cast %add3A_335 : i32 to index
      %swap3A_337 = arith.constant 0 : index
      %swap3A_338 = vector.load %arg2[%swap3A_336, %swap3A_337] : memref<96x1xf32, #tpu.memory_space<vmem>>, vector<1x1xf32>
      tpu.vector_store %arg2[%swap3A_336, %swap3A_337], %sub3A_333 {strides = array<i32>} : memref<96x1xf32, #tpu.memory_space<vmem>>, vector<1x1xf32>,
      %add3A_339 = arith.constant 5 : i32
      %add3A_340 = arith.addi %multiple_of3A, %add3A_339 : i32
      %get3A_341 = arith.index_cast %add3A_340 : i32 to index
      %get3A_342 = arith.constant 0 : index
      %get3A_343 = memref.load %arg0[%get3A_341, %get3A_342] : memref<128x1xi32, #tpu.memory_space<smem>>
      %jit3A_344 = arith.constant 128 : i32
      %div3A_345 = arith.divsi %get3A_343, %jit3A_344 : i32
      %sign3A_346 = arith.constant 0 : i32
      %sign3A_347 = arith.cmpi sgt, %get3A_343, %sign3A_346 : i32
      %sign3A_348 = arith.extui %sign3A_347 : i1 to i32
      %sign3A_349 = arith.constant 0 : i32
      %sign3A_350 = arith.cmpi slt, %get3A_343, %sign3A_349 : i32
      %sign3A_351 = arith.extui %sign3A_350 : i1 to i32
      %sign3A_352 = arith.subi %sign3A_348, %sign3A_351 : i32
      %sign3A_353 = arith.constant 0 : i32
      %sign3A_354 = arith.cmpi sgt, %jit3A_344, %sign3A_353 : i32
      %sign3A_355 = arith.extui %sign3A_354 : i1 to i32
      %sign3A_356 = arith.constant 0 : i32
      %sign3A_357 = arith.cmpi slt, %jit3A_344, %sign3A_356 : i32
      %sign3A_358 = arith.extui %sign3A_357 : i1 to i32
      %sign3A_359 = arith.subi %sign3A_355, %sign3A_358 : i32
      %ne3A_360 = arith.cmpi ne, %sign3A_352, %sign3A_359 : i32
      %rem3A_361 = arith.remsi %get3A_343, %jit3A_344 : i32
      %ne3A_362 = arith.constant 0 : i32
      %ne3A_363 = arith.cmpi ne, %rem3A_361, %ne3A_362 : i32
      %and3A_364 = arith.andi %ne3A_360, %ne3A_363 : i1
      %sub3A_365 = arith.constant 1 : i32
      %sub3A_366 = arith.subi %div3A_345, %sub3A_365 : i32
      %select_n3A_367 = arith.select %and3A_364, %sub3A_366, %div3A_345 : i32
      %mul3A_368 = arith.constant 128 : i32
      %mul3A_369 = arith.muli %select_n3A_367, %mul3A_368 : i32
      %get3A_370 = arith.index_cast %rem3A_70 : i32 to index
      %get3A_371 = arith.constant 5 : index
      %get3A_372 = arith.index_cast %mul3A_369 : i32 to index
      %get3A_373 = vector.load %arg3[%get3A_370, %get3A_371, %get3A_372] : memref<6x8x100000xf32, #tpu.memory_space<vmem>>, vector<1x1x128xf32>
      %get3A_374 = vector.shape_cast %get3A_373 : vector<1x1x128xf32> to vector<128xf32>
      %reshape3A_375 = vector.shape_cast %get3A_374 : vector<128xf32> to vector<1x128xf32>
      %sub3A_376 = arith.subi %get3A_343, %mul3A_369 : i32
      %eq3A_377 = vector.broadcast %sub3A_376 : i32 to vector<1x128xi32>
      %eq3A_378 = arith.cmpi eq, %iota3A, %eq3A_377 : vector<1x128xi32>
      %jit3A_379 = arith.constant 0.000000e+00 : f32
      %broadcast_in_dim3A_380 = vector.broadcast %jit3A_379 : f32 to vector<1x128xf32>
      %select_n3A_381 = arith.select %eq3A_378, %reshape3A_375, %broadcast_in_dim3A_380 : vector<1x128xi1>, vector<1x128xf32>
      %reduce_sum3A_382 = arith.constant dense<0.000000e+00> : vector<1xf32>
      %reduce_sum3A_383 = vector.multi_reduction <add>, %select_n3A_381, %reduce_sum3A_382 [1] : vector<1x128xf32> to vector<1xf32>
      %broadcast_in_dim3A_384 = vector.shape_cast %reduce_sum3A_383 : vector<1xf32> to vector<1x1xf32>
      %slice3A_385 = vector.extract_strided_slice %log3A {offsets = [5, 0], sizes = [1, 1], strides = [1, 1]} : vector<8x1xf32> to vector<1x1xf32>
      %sub3A_386 = arith.subf %broadcast_in_dim3A_384, %slice3A_385 : vector<1x1xf32>
      %add3A_387 = arith.constant 5 : i32
      %add3A_388 = arith.addi %multiple_of3A, %add3A_387 : i32
      %swap3A_389 = arith.index_cast %add3A_388 : i32 to index
      %swap3A_390 = arith.constant 0 : index
      %swap3A_391 = vector.load %arg2[%swap3A_389, %swap3A_390] : memref<96x1xf32, #tpu.memory_space<vmem>>, vector<1x1xf32>
      tpu.vector_store %arg2[%swap3A_389, %swap3A_390], %sub3A_386 {strides = array<i32>} : memref<96x1xf32, #tpu.memory_space<vmem>>, vector<1x1xf32>,
      %add3A_392 = arith.constant 6 : i32
      %add3A_393 = arith.addi %multiple_of3A, %add3A_392 : i32
      %get3A_394 = arith.index_cast %add3A_393 : i32 to index
      %get3A_395 = arith.constant 0 : index
      %get3A_396 = memref.load %arg0[%get3A_394, %get3A_395] : memref<128x1xi32, #tpu.memory_space<smem>>
      %jit3A_397 = arith.constant 128 : i32
      %div3A_398 = arith.divsi %get3A_396, %jit3A_397 : i32
      %sign3A_399 = arith.constant 0 : i32
      %sign3A_400 = arith.cmpi sgt, %get3A_396, %sign3A_399 : i32
      %sign3A_401 = arith.extui %sign3A_400 : i1 to i32
      %sign3A_402 = arith.constant 0 : i32
      %sign3A_403 = arith.cmpi slt, %get3A_396, %sign3A_402 : i32
      %sign3A_404 = arith.extui %sign3A_403 : i1 to i32
      %sign3A_405 = arith.subi %sign3A_401, %sign3A_404 : i32
      %sign3A_406 = arith.constant 0 : i32
      %sign3A_407 = arith.cmpi sgt, %jit3A_397, %sign3A_406 : i32
      %sign3A_408 = arith.extui %sign3A_407 : i1 to i32
      %sign3A_409 = arith.constant 0 : i32
      %sign3A_410 = arith.cmpi slt, %jit3A_397, %sign3A_409 : i32
      %sign3A_411 = arith.extui %sign3A_410 : i1 to i32
      %sign3A_412 = arith.subi %sign3A_408, %sign3A_411 : i32
      %ne3A_413 = arith.cmpi ne, %sign3A_405, %sign3A_412 : i32
      %rem3A_414 = arith.remsi %get3A_396, %jit3A_397 : i32
      %ne3A_415 = arith.constant 0 : i32
      %ne3A_416 = arith.cmpi ne, %rem3A_414, %ne3A_415 : i32
      %and3A_417 = arith.andi %ne3A_413, %ne3A_416 : i1
      %sub3A_418 = arith.constant 1 : i32
      %sub3A_419 = arith.subi %div3A_398, %sub3A_418 : i32
      %select_n3A_420 = arith.select %and3A_417, %sub3A_419, %div3A_398 : i32
      %mul3A_421 = arith.constant 128 : i32
      %mul3A_422 = arith.muli %select_n3A_420, %mul3A_421 : i32
      %get3A_423 = arith.index_cast %rem3A_70 : i32 to index
      %get3A_424 = arith.constant 6 : index
      %get3A_425 = arith.index_cast %mul3A_422 : i32 to index
      %get3A_426 = vector.load %arg3[%get3A_423, %get3A_424, %get3A_425] : memref<6x8x100000xf32, #tpu.memory_space<vmem>>, vector<1x1x128xf32>
      %get3A_427 = vector.shape_cast %get3A_426 : vector<1x1x128xf32> to vector<128xf32>
      %reshape3A_428 = vector.shape_cast %get3A_427 : vector<128xf32> to vector<1x128xf32>
      %sub3A_429 = arith.subi %get3A_396, %mul3A_422 : i32
      %eq3A_430 = vector.broadcast %sub3A_429 : i32 to vector<1x128xi32>
      %eq3A_431 = arith.cmpi eq, %iota3A, %eq3A_430 : vector<1x128xi32>
      %jit3A_432 = arith.constant 0.000000e+00 : f32
      %broadcast_in_dim3A_433 = vector.broadcast %jit3A_432 : f32 to vector<1x128xf32>
      %select_n3A_434 = arith.select %eq3A_431, %reshape3A_428, %broadcast_in_dim3A_433 : vector<1x128xi1>, vector<1x128xf32>
      %reduce_sum3A_435 = arith.constant dense<0.000000e+00> : vector<1xf32>
      %reduce_sum3A_436 = vector.multi_reduction <add>, %select_n3A_434, %reduce_sum3A_435 [1] : vector<1x128xf32> to vector<1xf32>
      %broadcast_in_dim3A_437 = vector.shape_cast %reduce_sum3A_436 : vector<1xf32> to vector<1x1xf32>
      %slice3A_438 = vector.extract_strided_slice %log3A {offsets = [6, 0], sizes = [1, 1], strides = [1, 1]} : vector<8x1xf32> to vector<1x1xf32>
      %sub3A_439 = arith.subf %broadcast_in_dim3A_437, %slice3A_438 : vector<1x1xf32>
      %add3A_440 = arith.constant 6 : i32
      %add3A_441 = arith.addi %multiple_of3A, %add3A_440 : i32
      %swap3A_442 = arith.index_cast %add3A_441 : i32 to index
      %swap3A_443 = arith.constant 0 : index
      %swap3A_444 = vector.load %arg2[%swap3A_442, %swap3A_443] : memref<96x1xf32, #tpu.memory_space<vmem>>, vector<1x1xf32>
      tpu.vector_store %arg2[%swap3A_442, %swap3A_443], %sub3A_439 {strides = array<i32>} : memref<96x1xf32, #tpu.memory_space<vmem>>, vector<1x1xf32>,
      %add3A_445 = arith.constant 7 : i32
      %add3A_446 = arith.addi %multiple_of3A, %add3A_445 : i32
      %get3A_447 = arith.index_cast %add3A_446 : i32 to index
      %get3A_448 = arith.constant 0 : index
      %get3A_449 = memref.load %arg0[%get3A_447, %get3A_448] : memref<128x1xi32, #tpu.memory_space<smem>>
      %jit3A_450 = arith.constant 128 : i32
      %div3A_451 = arith.divsi %get3A_449, %jit3A_450 : i32
      %sign3A_452 = arith.constant 0 : i32
      %sign3A_453 = arith.cmpi sgt, %get3A_449, %sign3A_452 : i32
      %sign3A_454 = arith.extui %sign3A_453 : i1 to i32
      %sign3A_455 = arith.constant 0 : i32
      %sign3A_456 = arith.cmpi slt, %get3A_449, %sign3A_455 : i32
      %sign3A_457 = arith.extui %sign3A_456 : i1 to i32
      %sign3A_458 = arith.subi %sign3A_454, %sign3A_457 : i32
      %sign3A_459 = arith.constant 0 : i32
      %sign3A_460 = arith.cmpi sgt, %jit3A_450, %sign3A_459 : i32
      %sign3A_461 = arith.extui %sign3A_460 : i1 to i32
      %sign3A_462 = arith.constant 0 : i32
      %sign3A_463 = arith.cmpi slt, %jit3A_450, %sign3A_462 : i32
      %sign3A_464 = arith.extui %sign3A_463 : i1 to i32
      %sign3A_465 = arith.subi %sign3A_461, %sign3A_464 : i32
      %ne3A_466 = arith.cmpi ne, %sign3A_458, %sign3A_465 : i32
      %rem3A_467 = arith.remsi %get3A_449, %jit3A_450 : i32
      %ne3A_468 = arith.constant 0 : i32
      %ne3A_469 = arith.cmpi ne, %rem3A_467, %ne3A_468 : i32
      %and3A_470 = arith.andi %ne3A_466, %ne3A_469 : i1
      %sub3A_471 = arith.constant 1 : i32
      %sub3A_472 = arith.subi %div3A_451, %sub3A_471 : i32
      %select_n3A_473 = arith.select %and3A_470, %sub3A_472, %div3A_451 : i32
      %mul3A_474 = arith.constant 128 : i32
      %mul3A_475 = arith.muli %select_n3A_473, %mul3A_474 : i32
      %get3A_476 = arith.index_cast %rem3A_70 : i32 to index
      %get3A_477 = arith.constant 7 : index
      %get3A_478 = arith.index_cast %mul3A_475 : i32 to index
      %get3A_479 = vector.load %arg3[%get3A_476, %get3A_477, %get3A_478] : memref<6x8x100000xf32, #tpu.memory_space<vmem>>, vector<1x1x128xf32>
      %get3A_480 = vector.shape_cast %get3A_479 : vector<1x1x128xf32> to vector<128xf32>
      %reshape3A_481 = vector.shape_cast %get3A_480 : vector<128xf32> to vector<1x128xf32>
      %sub3A_482 = arith.subi %get3A_449, %mul3A_475 : i32
      %eq3A_483 = vector.broadcast %sub3A_482 : i32 to vector<1x128xi32>
      %eq3A_484 = arith.cmpi eq, %iota3A, %eq3A_483 : vector<1x128xi32>
      %jit3A_485 = arith.constant 0.000000e+00 : f32
      %broadcast_in_dim3A_486 = vector.broadcast %jit3A_485 : f32 to vector<1x128xf32>
      %select_n3A_487 = arith.select %eq3A_484, %reshape3A_481, %broadcast_in_dim3A_486 : vector<1x128xi1>, vector<1x128xf32>
      %reduce_sum3A_488 = arith.constant dense<0.000000e+00> : vector<1xf32>
      %reduce_sum3A_489 = vector.multi_reduction <add>, %select_n3A_487, %reduce_sum3A_488 [1] : vector<1x128xf32> to vector<1xf32>
      %broadcast_in_dim3A_490 = vector.shape_cast %reduce_sum3A_489 : vector<1xf32> to vector<1x1xf32>
      %slice3A_491 = vector.extract_strided_slice %log3A {offsets = [7, 0], sizes = [1, 1], strides = [1, 1]} : vector<8x1xf32> to vector<1x1xf32>
      %sub3A_492 = arith.subf %broadcast_in_dim3A_490, %slice3A_491 : vector<1x1xf32>
      %add3A_493 = arith.constant 7 : i32
      %add3A_494 = arith.addi %multiple_of3A, %add3A_493 : i32
      %swap3A_495 = arith.index_cast %add3A_494 : i32 to index
      %swap3A_496 = arith.constant 0 : index
      %swap3A_497 = vector.load %arg2[%swap3A_495, %swap3A_496] : memref<96x1xf32, #tpu.memory_space<vmem>>, vector<1x1xf32>
      tpu.vector_store %arg2[%swap3A_495, %swap3A_496], %sub3A_492 {strides = array<i32>} : memref<96x1xf32, #tpu.memory_space<vmem>>, vector<1x1xf32>,
      %add3A_498 = arith.constant 6 : i32
      %add3A_499 = arith.addi %scan3A_69, %add3A_498 : i32
      %lt3A = arith.constant 12 : i32
      %lt3A_500 = arith.cmpi slt, %add3A_499, %lt3A : i32
      %convert_element_type3A = arith.extui %lt3A_500 : i1 to i32
      %cond3A = arith.constant 0 : i32
      %cond3A_501 = arith.cmpi ne, %convert_element_type3A, %cond3A : i32
      scf.if %cond3A_501 {
        %mul3A_502 = arith.constant 8 : i32
        %mul3A_503 = arith.muli %add3A_499, %mul3A_502 : i32
        %dma_start3A_504 = tpu.memref_slice %arg4[%rem3A_70] : memref<6x!tpu.dma_semaphore, #tpu.memory_space<semaphore_mem>> -> memref<1x!tpu.dma_semaphore, #tpu.memory_space<semaphore_mem>>
        %dma_start3A_505 = tpu.memref_squeeze %dma_start3A_504 : memref<1x!tpu.dma_semaphore, #tpu.memory_space<semaphore_mem>> -> memref<!tpu.dma_semaphore, #tpu.memory_space<semaphore_mem>>
        %dma_start3A_506 = arith.constant 0 : i32
        %dma_start3A_507 = arith.constant 0 : i32
        %dma_start3A_508 = tpu.memref_slice %arg3[%rem3A_70, %dma_start3A_506, %dma_start3A_507] : memref<6x8x100000xf32, #tpu.memory_space<vmem>> -> memref<1x8x100000xf32, #tpu.memory_space<vmem>>
        %dma_start3A_509 = tpu.memref_squeeze %dma_start3A_508 : memref<1x8x100000xf32, #tpu.memory_space<vmem>> -> memref<8x100000xf32, #tpu.memory_space<vmem>>
        %dma_start3A_510 = arith.constant 0 : i32
        %dma_start3A_511 = tpu.memref_slice %arg1[%mul3A_503, %dma_start3A_510] : memref<128x100000xf32, #tpu.memory_space<any>> -> memref<8x100000xf32, #tpu.memory_space<any>>
        tpu.enqueue_dma source(%dma_start3A_511 : memref<8x100000xf32, #tpu.memory_space<any>>) target(%dma_start3A_509 : memref<8x100000xf32, #tpu.memory_space<vmem>>) target_semaphore(%dma_start3A_505 : memref<!tpu.dma_semaphore, #tpu.memory_space<semaphore_mem>>)
      } else {
      }
    }
    %scan3A_68 = arith.constant 12 : i32
    return
  }
}

module attributes {stable_mosaic.version = 14 : i64} {
  func.func @_combine_body(%arg0: i32, %arg1: memref<96x1xf32, #tpu.memory_space<vmem>>, %arg2: memref<8x32x16xf32, #tpu.memory_space<vmem>>, %arg3: memref<32x128xf32, #tpu.memory_space<vmem>>, %arg4: memref<32x2048xf32, #tpu.memory_space<vmem>>, %arg5: memref<32x1xi32, #tpu.memory_space<vmem>>, %arg6: memref<128x1xf32, #tpu.memory_space<vmem>>) attributes {dimension_semantics = [#tpu.dimension_semantics<arbitrary>], iteration_bounds = array<i64: 1>, scalar_prefetch = 0 : i64, scratch_operands = 0 : i64, tpu.core_type = #tpu.core_type<tc>, window_params = [{pipeline_mode = #tpu.pipeline_mode<synchronous>, transform_indices = @transform_0, window_bounds = array<i64: 96, 1>}, {pipeline_mode = #tpu.pipeline_mode<synchronous>, transform_indices = @transform_1, window_bounds = array<i64: 8, 32, 16>}, {pipeline_mode = #tpu.pipeline_mode<synchronous>, transform_indices = @transform_2, window_bounds = array<i64: 32, 128>}, {transform_indices = @transform_3, window_bounds = array<i64: 32, 2048>}, {transform_indices = @transform_4, window_bounds = array<i64: 32, 1>}, {pipeline_mode = #tpu.pipeline_mode<synchronous>, transform_indices = @transform_5, window_bounds = array<i64: 128, 1>}]} {
    %iota3A = tpu.iota {dimensions = array<i32: 1>} : vector<32x128xi32>
    %iota3A_0 = tpu.iota {dimensions = array<i32: 0>} : vector<32x1xi32>
    %get3A = arith.constant 0 : index
    %get3A_1 = arith.constant 0 : index
    %get3A_2 = vector.load %arg5[%get3A, %get3A_1] : memref<32x1xi32, #tpu.memory_space<vmem>>, vector<32x1xi32>
    %add3A = arith.constant 96 : i32
    %add3A_3 = vector.broadcast %add3A : i32 to vector<32x1xi32>
    %add3A_4 = arith.addi %iota3A_0, %add3A_3 : vector<32x1xi32>
    %mul3A = arith.constant 100000 : i32
    %mul3A_5 = vector.broadcast %mul3A : i32 to vector<32x1xi32>
    %mul3A_6 = arith.muli %add3A_4, %mul3A_5 : vector<32x1xi32>
    %add3A_7 = arith.addi %mul3A_6, %get3A_2 : vector<32x1xi32>
    %rem3A = arith.constant 128 : i32
    %rem3A_8 = vector.broadcast %rem3A : i32 to vector<32x1xi32>
    %rem3A_9 = arith.remsi %add3A_7, %rem3A_8 : vector<32x1xi32>
    %eq3A = vector.broadcast %rem3A_9 : vector<32x1xi32> to vector<32x128xi32>
    %eq3A_10 = arith.cmpi eq, %iota3A, %eq3A : vector<32x128xi32>
    %get3A_11 = arith.constant 0 : index
    %get3A_12 = arith.constant 0 : index
    %get3A_13 = vector.load %arg3[%get3A_11, %get3A_12] : memref<32x128xf32, #tpu.memory_space<vmem>>, vector<32x128xf32>
    %jit3A = arith.constant 0.000000e+00 : f32
    %broadcast_in_dim3A = vector.broadcast %jit3A : f32 to vector<32x128xf32>
    %select_n3A = arith.select %eq3A_10, %get3A_13, %broadcast_in_dim3A : vector<32x128xi1>, vector<32x128xf32>
    %reduce_sum3A = arith.constant dense<0.000000e+00> : vector<32xf32>
    %reduce_sum3A_14 = vector.multi_reduction <add>, %select_n3A, %reduce_sum3A [1] : vector<32x128xf32> to vector<32xf32>
    %broadcast_in_dim3A_15 = vector.shape_cast %reduce_sum3A_14 : vector<32xf32> to vector<32x1xf32>
    %get3A_16 = arith.constant 0 : index
    %get3A_17 = arith.constant 0 : index
    %get3A_18 = arith.constant 0 : index
    %get3A_19 = vector.load %arg2[%get3A_16, %get3A_17, %get3A_18] : memref<8x32x16xf32, #tpu.memory_space<vmem>>, vector<1x32x16xf32>
    %get3A_20 = vector.shape_cast %get3A_19 : vector<1x32x16xf32> to vector<32x16xf32>
    %get3A_21 = arith.constant 1 : index
    %get3A_22 = arith.constant 0 : index
    %get3A_23 = arith.constant 0 : index
    %get3A_24 = vector.load %arg2[%get3A_21, %get3A_22, %get3A_23] : memref<8x32x16xf32, #tpu.memory_space<vmem>>, vector<1x32x16xf32>
    %get3A_25 = vector.shape_cast %get3A_24 : vector<1x32x16xf32> to vector<32x16xf32>
    %add3A_26 = arith.addf %get3A_20, %get3A_25 : vector<32x16xf32>
    %get3A_27 = arith.constant 2 : index
    %get3A_28 = arith.constant 0 : index
    %get3A_29 = arith.constant 0 : index
    %get3A_30 = vector.load %arg2[%get3A_27, %get3A_28, %get3A_29] : memref<8x32x16xf32, #tpu.memory_space<vmem>>, vector<1x32x16xf32>
    %get3A_31 = vector.shape_cast %get3A_30 : vector<1x32x16xf32> to vector<32x16xf32>
    %add3A_32 = arith.addf %add3A_26, %get3A_31 : vector<32x16xf32>
    %get3A_33 = arith.constant 3 : index
    %get3A_34 = arith.constant 0 : index
    %get3A_35 = arith.constant 0 : index
    %get3A_36 = vector.load %arg2[%get3A_33, %get3A_34, %get3A_35] : memref<8x32x16xf32, #tpu.memory_space<vmem>>, vector<1x32x16xf32>
    %get3A_37 = vector.shape_cast %get3A_36 : vector<1x32x16xf32> to vector<32x16xf32>
    %add3A_38 = arith.addf %add3A_32, %get3A_37 : vector<32x16xf32>
    %get3A_39 = arith.constant 4 : index
    %get3A_40 = arith.constant 0 : index
    %get3A_41 = arith.constant 0 : index
    %get3A_42 = vector.load %arg2[%get3A_39, %get3A_40, %get3A_41] : memref<8x32x16xf32, #tpu.memory_space<vmem>>, vector<1x32x16xf32>
    %get3A_43 = vector.shape_cast %get3A_42 : vector<1x32x16xf32> to vector<32x16xf32>
    %add3A_44 = arith.addf %add3A_38, %get3A_43 : vector<32x16xf32>
    %get3A_45 = arith.constant 5 : index
    %get3A_46 = arith.constant 0 : index
    %get3A_47 = arith.constant 0 : index
    %get3A_48 = vector.load %arg2[%get3A_45, %get3A_46, %get3A_47] : memref<8x32x16xf32, #tpu.memory_space<vmem>>, vector<1x32x16xf32>
    %get3A_49 = vector.shape_cast %get3A_48 : vector<1x32x16xf32> to vector<32x16xf32>
    %add3A_50 = arith.addf %add3A_44, %get3A_49 : vector<32x16xf32>
    %get3A_51 = arith.constant 6 : index
    %get3A_52 = arith.constant 0 : index
    %get3A_53 = arith.constant 0 : index
    %get3A_54 = vector.load %arg2[%get3A_51, %get3A_52, %get3A_53] : memref<8x32x16xf32, #tpu.memory_space<vmem>>, vector<1x32x16xf32>
    %get3A_55 = vector.shape_cast %get3A_54 : vector<1x32x16xf32> to vector<32x16xf32>
    %add3A_56 = arith.addf %add3A_50, %get3A_55 : vector<32x16xf32>
    %get3A_57 = arith.constant 7 : index
    %get3A_58 = arith.constant 0 : index
    %get3A_59 = arith.constant 0 : index
    %get3A_60 = vector.load %arg2[%get3A_57, %get3A_58, %get3A_59] : memref<8x32x16xf32, #tpu.memory_space<vmem>>, vector<1x32x16xf32>
    %get3A_61 = vector.shape_cast %get3A_60 : vector<1x32x16xf32> to vector<32x16xf32>
    %add3A_62 = arith.addf %add3A_56, %get3A_61 : vector<32x16xf32>
    %reduce_sum3A_63 = arith.constant dense<0.000000e+00> : vector<32xf32>
    %reduce_sum3A_64 = vector.multi_reduction <add>, %add3A_62, %reduce_sum3A_63 [1] : vector<32x16xf32> to vector<32xf32>
    %broadcast_in_dim3A_65 = vector.shape_cast %reduce_sum3A_64 : vector<32xf32> to vector<32x1xf32>
    %iota3A_66 = tpu.iota {dimensions = array<i32: 1>} : vector<32x2048xi32>
    %lt3A = arith.constant 1696 : i32
    %lt3A_67 = vector.broadcast %lt3A : i32 to vector<32x2048xi32>
    %lt3A_68 = arith.cmpi slt, %iota3A_66, %lt3A_67 : vector<32x2048xi32>
    %get3A_69 = arith.constant 0 : index
    %get3A_70 = arith.constant 0 : index
    %get3A_71 = vector.load %arg4[%get3A_69, %get3A_70] : memref<32x2048xf32, #tpu.memory_space<vmem>>, vector<32x2048xf32>
    %jit3A_72 = arith.constant 0.000000e+00 : f32
    %broadcast_in_dim3A_73 = vector.broadcast %jit3A_72 : f32 to vector<32x2048xf32>
    %select_n3A_74 = arith.select %lt3A_68, %get3A_71, %broadcast_in_dim3A_73 : vector<32x2048xi1>, vector<32x2048xf32>
    %lt3A_75 = arith.constant 1696 : i32
    %lt3A_76 = vector.broadcast %lt3A_75 : i32 to vector<32x2048xi32>
    %lt3A_77 = arith.cmpi slt, %iota3A_66, %lt3A_76 : vector<32x2048xi32>
    %exp3A = math.exp %select_n3A_74 : vector<32x2048xf32>
    %jit3A_78 = arith.constant 0.000000e+00 : f32
    %broadcast_in_dim3A_79 = vector.broadcast %jit3A_78 : f32 to vector<32x2048xf32>
    %select_n3A_80 = arith.select %lt3A_77, %exp3A, %broadcast_in_dim3A_79 : vector<32x2048xi1>, vector<32x2048xf32>
    %reduce_sum3A_81 = arith.constant dense<0.000000e+00> : vector<32xf32>
    %reduce_sum3A_82 = vector.multi_reduction <add>, %select_n3A_80, %reduce_sum3A_81 [1] : vector<32x2048xf32> to vector<32xf32>
    %broadcast_in_dim3A_83 = vector.shape_cast %reduce_sum3A_82 : vector<32xf32> to vector<32x1xf32>
    %get3A_84 = arith.constant 0 : index
    %get3A_85 = arith.constant 0 : index
    %get3A_86 = vector.load %arg1[%get3A_84, %get3A_85] : memref<96x1xf32, #tpu.memory_space<vmem>>, vector<96x1xf32>
    %swap3A = arith.constant 0 : index
    %swap3A_87 = arith.constant 0 : index
    %swap3A_88 = vector.load %arg6[%swap3A, %swap3A_87] : memref<128x1xf32, #tpu.memory_space<vmem>>, vector<96x1xf32>
    tpu.vector_store %arg6[%swap3A, %swap3A_87], %get3A_86 {strides = array<i32>} : memref<128x1xf32, #tpu.memory_space<vmem>>, vector<96x1xf32>,
    %add3A_89 = arith.addf %broadcast_in_dim3A_65, %broadcast_in_dim3A_83 : vector<32x1xf32>
    %log3A = math.log %add3A_89 : vector<32x1xf32>
    %sub3A = arith.subf %broadcast_in_dim3A_15, %log3A : vector<32x1xf32>
    %swap3A_90 = arith.constant 96 : index
    %swap3A_91 = arith.constant 0 : index
    %swap3A_92 = vector.load %arg6[%swap3A_90, %swap3A_91] : memref<128x1xf32, #tpu.memory_space<vmem>>, vector<32x1xf32>
    tpu.vector_store %arg6[%swap3A_90, %swap3A_91], %sub3A {strides = array<i32>} : memref<128x1xf32, #tpu.memory_space<vmem>>, vector<32x1xf32>,
    return
  }
  func.func @transform_0(%arg0: i32) -> (i32, i32) {
    %c0_i32 = arith.constant 0 : i32
    %c0_i32_0 = arith.constant 0 : i32
    %c0_i32_1 = arith.constant 0 : i32
    return %c0_i32, %c0_i32_0 : i32, i32
  }
  func.func @transform_1(%arg0: i32) -> (i32, i32, i32) {
    %c0_i32 = arith.constant 0 : i32
    %c0_i32_0 = arith.constant 0 : i32
    %c0_i32_1 = arith.constant 0 : i32
    %c0_i32_2 = arith.constant 0 : i32
    return %c0_i32, %c0_i32_0, %c0_i32_1 : i32, i32, i32
  }
  func.func @transform_2(%arg0: i32) -> (i32, i32) {
    %c0_i32 = arith.constant 0 : i32
    %c0_i32_0 = arith.constant 0 : i32
    %c0_i32_1 = arith.constant 0 : i32
    return %c0_i32, %c0_i32_0 : i32, i32
  }
  func.func @transform_3(%arg0: i32) -> (i32, i32) {
    %c3_i32 = arith.constant 3 : i32
    %c48_i32 = arith.constant 48 : i32
    %c0_i32 = arith.constant 0 : i32
    return %c3_i32, %c48_i32 : i32, i32
  }
  func.func @transform_4(%arg0: i32) -> (i32, i32) {
    %c3_i32 = arith.constant 3 : i32
    %c0_i32 = arith.constant 0 : i32
    %c0_i32_0 = arith.constant 0 : i32
    return %c3_i32, %c0_i32 : i32, i32
  }
  func.func @transform_5(%arg0: i32) -> (i32, i32) {
    %c0_i32 = arith.constant 0 : i32
    %c0_i32_0 = arith.constant 0 : i32
    %c0_i32_1 = arith.constant 0 : i32
    return %c0_i32, %c0_i32_0 : i32, i32
  }
}

</mosaic_0001>

<sc_bundles>
// kernel: kernel.5.cloned.1.call-start
scs
__scs_entry_jumppad:
0x0: {  	(pc) =	sbr.rel $0x88, $3  }
0x1: {  	(tag) =	ssettag $0x0;
	lr =	simm.s32 $0x1  }
0x2: {  	[smem:$0x3F9F] =	sst lr;
	_ =	strace $0xD0000000  }
0x3: {  	_ = 	snop  }
0x4: {  	_ = 	snop  }
0x5: {  	_ = 	snop  }
0x6: {  	_ = 	snop  }
0x7: {  	_ = 	snop  }
__scs_overlays_trampoline_lowered:
0x8: {  	[smem:$0x3FAE] =	sst s0  }
0x9: {  	[smem:$0x3FAF] =	sst s1  }
0xa: {  	[smem:$0x3FB0] =	sst s2  }
0xb: {  	[smem:$0x3FB1] =	sst s3  }
0xc: {  	[smem:$0x3FB2] =	sst s4  }
0xd: {  	[smem:$0x3FB3] =	sst s5  }
0xe: {  	[smem:$0x3FB4] =	sst s6  }
0xf: {  	[smem:$0x3FB5] =	sst s7  }
0x10: {  	[smem:$0x3FB6] =	sst s8  }
0x11: {  	[smem:$0x3FB7] =	sst s9;
	s0 =	simm.s32 @!p0 $0x0  }
0x12: {  	s1 =	sld [smem:$0x3F9D];
	s0 =	simm.s32 @p0 $0x1  }
0x13: {  	[smem:$0x3FB8] =	sst s0;
	s0 =	simm.s32 @!p1 $0x0  }
0x14: {  	s2 =	sld [smem:$0x3F9C];
	s0 =	simm.s32 @p1 $0x1  }
0x15: {  	[smem:$0x3FB9] =	sst s0;
	s0 =	simm.s32 @!p2 $0x0  }
0x16: {  	s3 =	sld [smem:$0x3FDB];
	s0 =	simm.s32 @p2 $0x1  }
0x17: {  	s4 =	simm.s32 $0x1BF5;
	[smem:$0x3FBB] =	sst s0  }
0x18: {  	s0 =	sld [smem:$0x3F9E];
	_ =	swait.ge [sflag:s4], $0x0  }
0x19: {  	s7 =	sld [smem:$0x3F9F]  }
0x1a: {  	s8 =	sadd.s32 $0xFFFFE003, lr  }
0x1b: {  	s9 =	sadd.s32 $0xFFFFFEF7, lr;
	s5 =	simm.s32 $0xFFFFFFFF;
	p2 =	slt.u32 s8, $0xFFFFF086  }
0x1c: {  	p1 =	slt.u32 s9, $0xF7A;
	s5 =	simm.s32 @!p2 $0x0  }
0x1d: {  	s5 =	simm.s32 @p1 $0x1;
	p0 =	seq.s32 s7, s2  }
0x1e: {  	s7 =	smul.u32 @!p0 $0xF7A, s2;
	p2 =	seq.s32 @!p0 s5, $0x0  }
0x1f: {  	s9 =	smul.u32 $0xF7A, s1;
	s8 =	simm.s32 @!p0 $0x1BF5;
	p2 =	por !p2, p0  }
0x20: {  	[sflag:s8] =	ssyncset.s32 @!p0 $0xFFFFF086;
	s6 =	sadd.s32 @!p0 s3, s7;
	s7 =	simm.s32 @!p0 $0x108  }
0x21: {  	s3 =	sadd.s32 s3, s9;
	s6 =	sadd.s32 @!p0 $0x88, s6;
	s7 =	simm.s32 @p2 $0x1082  }
0x22: {  	[simem:s7], [sflag:s8] =	dma.local @!p0 [hbm:s6], $0xF7A  }
0x23: {  	s9 =	sor.u32 $0xD0000000, s2;
	s6 =	simm.s32 $0x108;
	_ =	swait.ge @!p0 [sflag:s8], $0x0  }
0x24: {  	s3 =	sadd.s32 $0x88, s3;
	s6 =	simm.s32 @!p1 $0x1082;
	[sflag:s4] =	ssyncset.s32 $0xFFFFF086  }
0x25: {  	[simem:s6], [sflag:s4] =	dma.local [hbm:s3], $0xF7A  }
0x26: {  	[smem:$0x3F9F] =	sst s1;
	(tag) =	ssettag s2;
	_ =	strace s9  }
0x27: {  	s1 =	sld [smem:$0x3FAF]  }
0x28: {  	s2 =	sld [smem:$0x3FB0]  }
0x29: {  	s4 =	sld [smem:$0x3FB2]  }
0x2a: {  	p0 =	seq.s32 s5, $0x0;
	s5 =	sld [smem:$0x3FB3]  }
0x2b: {  	s6 =	sld [smem:$0x3FB4]  }
0x2c: {  	s7 =	sld [smem:$0x3FB5]  }
0x2d: {  	s3 =	simm.s32 $0x108;
	s8 =	sld [smem:$0x3FB6]  }
0x2e: {  	s3 =	simm.s32 @!p0 $0x1082;
	s9 =	sld [smem:$0x3FB7]  }
0x2f: {  	lr =	sadd.s32 s0, s3;
	s0 =	sld [smem:$0x3FAE]  }
0x30: {  	s3 =	sld [smem:$0x3FB1]  }
0x31: {  	[smem:$0x3FBA] =	sst s10  }
0x32: {  	s10 =	sld [smem:$0x3FB8];
	_ =	sdelay $0x3  }
0x33: {  	p0 =	seq.s32 s10, $0x1;
	s10 =	sld [smem:$0x3FBA];
	_ =	sdelay $0x3  }
0x34: {  	[smem:$0x3FBA] =	sst s10  }
0x35: {  	s10 =	sld [smem:$0x3FB9];
	_ =	sdelay $0x3  }
0x36: {  	p1 =	seq.s32 s10, $0x1;
	s10 =	sld [smem:$0x3FBA];
	_ =	sdelay $0x3  }
0x37: {  	[smem:$0x3FBA] =	sst s10  }
0x38: {  	s10 =	sld [smem:$0x3FBB]  }
0x39: {  	_ = 	snop;
	(pc) =	sbr.ind lr, $3  }
0x3a: {  	_ = 	snop  }
0x3b: {  	_ = 	snop  }
0x3c: {  	p2 =	seq.s32 s10, $0x1;
	s10 =	sld [smem:$0x3FBA]  }
0x3d: {  	_ =	shalt  }
0x3e: {  	_ =	shalt  }
0x3f: {  	_ =	shalt  }
0x40: {  	_ =	shalt  }
0x41: {  	_ =	shalt  }
0x42: {  	_ =	shalt  }
0x43: {  	_ =	shalt  }
0x44: {  	_ =	shalt  }
0x45: {  	_ =	shalt  }
0x46: {  	_ =	shalt  }
0x47: {  	_ =	shalt  }
0x48: {  	_ =	shalt  }
0x49: {  	_ =	shalt  }
0x4a: {  	_ =	shalt  }
0x4b: {  	_ =	shalt  }
0x4c: {  	_ =	shalt  }
0x4d: {  	_ =	shalt  }
0x4e: {  	_ =	shalt  }
0x4f: {  	_ =	shalt  }
0x50: {  	_ =	shalt  }
0x51: {  	_ =	shalt  }
0x52: {  	_ =	shalt  }
0x53: {  	_ =	shalt  }
0x54: {  	_ =	shalt  }
0x55: {  	_ =	shalt  }
0x56: {  	_ =	shalt  }
0x57: {  	_ =	shalt  }
0x58: {  	_ =	shalt  }
0x59: {  	_ =	shalt  }
0x5a: {  	_ =	shalt  }
0x5b: {  	_ =	shalt  }
0x5c: {  	_ =	shalt  }
0x5d: {  	_ =	shalt  }
0x5e: {  	_ =	shalt  }
0x5f: {  	_ =	shalt  }
0x60: {  	_ =	shalt  }
0x61: {  	_ =	shalt  }
0x62: {  	_ =	shalt  }
0x63: {  	_ =	shalt  }
0x64: {  	_ =	shalt  }
0x65: {  	_ =	shalt  }
0x66: {  	_ =	shalt  }
0x67: {  	_ =	shalt  }
0x68: {  	_ =	shalt  }
0x69: {  	_ =	shalt  }
0x6a: {  	_ =	shalt  }
0x6b: {  	_ =	shalt  }
0x6c: {  	_ =	shalt  }
0x6d: {  	_ =	shalt  }
0x6e: {  	_ =	shalt  }
0x6f: {  	_ =	shalt  }
0x70: {  	_ =	shalt  }
0x71: {  	_ =	shalt  }
0x72: {  	_ =	shalt  }
0x73: {  	_ =	shalt  }
0x74: {  	_ =	shalt  }
0x75: {  	_ =	shalt  }
0x76: {  	_ =	shalt  }
0x77: {  	_ =	shalt  }
0x78: {  	_ =	shalt  }
0x79: {  	_ =	shalt  }
0x7a: {  	_ =	shalt  }
0x7b: {  	_ =	shalt  }
0x7c: {  	_ =	shalt  }
0x7d: {  	_ =	shalt  }
0x7e: {  	_ =	shalt  }
0x7f: {  	_ =	shalt  }
0x80: {  	_ =	shalt  }
0x81: {  	_ =	shalt  }
0x82: {  	_ =	shalt  }
0x83: {  	_ =	shalt  }
0x84: {  	_ =	shalt  }
0x85: {  	_ =	shalt  }
0x86: {  	_ =	shalt  }
0x87: {  	_ =	shalt  }
.Lfunc_end0:
.L_simem_size_0:
called_computation_lowered:
.L_overlay_start_0:
0x88: {  	s2 =	sld [smem:$0x3FD9]  }
0x89: {  	s3 =	sld [smem:$0x3FFE];
	_ =	sdelay $0x1  }
0x8a: {  	s1 =	srdreg.scid  }
0x8b: {  	s0 =	sand.u32 $0x1, s1  }
0x8c: {  	s17 =	sshll.u32 s0, $0xA;
	s2 =	sadd.s32 s3, s2  }
0x8d: {  	s2 =	sadd.s32 s2, s17  }
0x8e: {  	[smem:$0x3FC6] =	sst s2  }
0x8f: {  	_ = 	snop  }
0x90: {  	s2 =	sld [smem:$0x3FD0];
	(tm) =	ssettm $0x1  }
0x91: {  	s18 =	sld [smem:$0x3FFB];
	_ =	sdelay $0x3  }
0x92: {  	_ =	strace s18  }
0x93: {  	s3 =	sld [smem:$0x3FFC];
	_ =	sdelay $0x3  }
0x94: {  	_ =	strace s3  }
0x95: {  	s3 =	sld [smem:$0x3FFD];
	_ =	sdelay $0x3  }
0x96: {  	_ =	strace s3  }
0x97: {  	_ =	strace $0x8FFFFFFF  }
0x98: {  	s19 =	sld [smem:$0x3FDB];
	_ =	sdelay $0x1  }
0x99: {  	s4 =	simm.s32 $_scs_section_size  }
0x9a: {  	s5 =	simm.s32 $_size__tile_overlayer_lowered;
	s6 =	simm.s32 $_tile_overlayer_lowered  }
0x9b: {  	s22 =	simm.s32 $0x1BFF;
	s21 =	sshll.u32 s6, $0x1;
	s3 =	sadd.s32 s4, s19  }
0x9c: {  	s7 =	simm.s32 $0x0;
	s20 =	sshll.u32 s5, $0x1;
	s5 =	sadd.s32 s21, s3  }
0x9d: {  	[timem:s7], [sflag:s22] =	dma.local [hbm:s5], s20  }
0x9e: {  	_ =	swait.ge [sflag:s22], s20  }
0x9f: {  	s4 =	ssub.s32 $0x0, s20;
	[sflag:s22] =	ssyncset.done $0x0  }
0xa0: {  	[sflag:s22] =	ssyncadd.s32 s4;
	_ =	sdelay $0x1  }
0xa1: {  	s23 =	simm.s32 $0x1B8B  }
0xa2: {  	_ =	swait.ge [sflag:s23], $0x1  }
0xa3: {  	[sflag:s23] =	ssyncset.done $0x0  }
0xa4: {  	s25 =	simm.s32 $0x1B8E;
	s24 =	sld [smem:$0x3FFE];
	[sflag:s23] =	ssyncadd.s32 $0xFFFFFFFF  }
0xa5: {  	s26 =	simm.s32 $execute0_lowered;
	[smem:$0x3FD2] =	sst s25  }
0xa6: {  	s5 =	sshll.u32 s26, $0x1;
	_ =	strace $0x80000046;
	[dreg:$0x1] =	wrdreg $0xFFFFFFFF  }
0xa7: {  	s28 =	simm.s32 $_size_execute0_lowered;
	s3 =	sadd.s32 s3, s5;
	[dreg:$0x0] =	wrdreg $0x0  }
0xa8: {  	s5 =	sshll.u32 s28, $0x1;
	[dreg:$0x2] =	wrdreg s3  }
0xa9: {  	[dreg:$0x3] =	wrdreg s5  }
0xaa: {  	[dreg:$0x4] =	wrdreg $0xC0  }
0xab: {  	_ =	task [dreg:s7], $0x5FFFF  }
0xac: {  	[dreg:$0x1] =	wrdreg $0xFFFFFFFF  }
0xad: {  	[dreg:$0x0] =	wrdreg $0x60  }
0xae: {  	[dreg:$0x2] =	wrdreg s24  }
0xaf: {  	[dreg:$0x3] =	wrdreg s2  }
0xb0: {  	[dreg:$0x4] =	wrdreg $0x9  }
0xb1: {  	_ =	task.clear_ibuf [dreg:s7], $0x5FFFF;
	_ =	strace $0x90000046  }
0xb2: {  	s29 =	simm.s32 $0x9;
	_ =	strace $0x80000048  }
0xb3: {  	_ =	swait.ge [sflag:s29], $0x1  }
0xb4: {  	[sflag:s29] =	ssyncadd.s32 $0xFFFFFFFF  }
0xb5: {  	_ =	strace $0x90000048  }
0xb6: {  	_ =	sfence  }
0xb7: {  	s30 =	sld [smem:$0x0];
	_ =	sdelay $0x2  }
0xb8: {  	s31 =	sshll.u32 s1, $0xD;
	s1 =	sshrl.u32 s1, $0x2  }
0xb9: {  	s3 =	sand.u32 $0x4000, s31;
	s1 =	sadd.s32 s1, s30  }
0xba: {  	s0 =	sor.u32 s3, s0;
	s1 =	sshll.u32 s1, $0x11  }
0xbb: {  	s0 =	sor.u32 s1, s0  }
0xbc: {  	s0 =	sadd.s32 $0x8F2B, s0  }
0xbd: {  	[sflag:s0] =	ssyncadd.remote.s32 $0x1  }
0xbe: {  	_ =	sfence.sel $0xFFFF  }
0xbf: {  	[dreg:$0x0] =	wrdreg $0xFFFFFFFF;
	(pc) =	sbr.abs _section_cstart, $3  }
0xc0: {  	[dreg:$0x1] =	wrdreg $0xFFFFFFFF  }
0xc1: {  	_ =	task.clear_ibuf [dreg:s7], $0x2FFFF;
	_ =	strace $0x9FFFFFFF  }
0xc2: {  	(tm) =	ssettm $0x7FFFFFFF  }
0xc3: {  	_ =	shalt  }
tec
execute0_lowered:
.L_overlay_start_1:
0x0: {  	(tag) =	ssettag $0x1  }
0x1: {  	s4 =	rddreg [dreg:$0x0]  }
0x2: {  	s3 =	rddreg [dreg:$0x1]  }
0x3: {  	s0 =	rddreg [dreg:$0x2];
	s1 =	simm.s32 $0x0;
	s10 =	stileid.u32  }
0x4: {  	s2 =	srdreg.scid;
	s14 =	simm.s32 $0x4;
	s15 =	simm.s32 $0x0  }
0x5: {  	[smem:$0x7FF] =	sst s1;
	s5 =	sshll.u32 s10, $0x1;
	s6 =	sshrl.u32 s10, $0x2  }
0x6: {  	s7 =	sand.u32 $0x1, s2;
	s2 =	sadd.s32 $0x187E00, s4;
	p0 =	sne.s32 s10, $0x0  }
0x7: {  	s10 =	simm.s32 $0x1;
	s26 =	sand.u32 $0x6, s5;
	_ =	strace $0x80000047  }
0x8: {  	s28 =	smul.u32 $0xC3800, s6;
	s6 =	sshll.u32 s6, $0x7;
	s29 =	sshll.u32 s7, $0x8  }
0x9: {  	s12 =	ssub.s32 $0x2, s7;
	s8 =	sor.u32 s7, s26;
	s11 =	sadd.s32 s6, s4  }
0xa: {  	s13 =	sshrl.u32 s12, $0x1;
	s7 =	sshll.u32 s7, $0x1;
	s9 =	smul.u32 $0x18000, s8  }
0xb: {  	s6 =	sadd.s32 s29, s4;
	s30 =	ssub.s32 s12, s13;
	s7 =	sadd.s32 s7, s3  }
0xc: {  	s3 =	sadd.s32 $0x30F800, s6;
	s8 =	sshll.u32 s8, $0x9;
	s5 =	sadd.s32 s9, s28  }
0xd: {  	s12 =	simm.s32 $0x2;
	s8 =	sadd.s32 s8, s11;
	s5 =	sshrl.u32 s5, $0x3  }
0xe: {  	s13 =	simm.s32 $0x10000;
	s8 =	sadd.s32 $0x30E800, s8;
	s31 =	sadd.s32 s4, s5  }
0xf: {  	s11 =	simm.s32 $0x8000;
	s4 =	sadd.s32 $0xC, s7;
	s5 =	sadd.s32 $0x126200, s31  }
0x10: {  	s9 =	smax.u32 s30, $0x1;
	s6 =	sadd.s32 $0x127200, s31;
	s7 =	sadd.s32 $0x128200, s31  }
.LBB2_1:
0x11: {  	s16 =	simm.s32 @!p0 $0x0;
	s17 =	simm.s32 @!p0 $0x10400;
	s18 =	simm.s32 @!p0 $0x4  }
0x12: {  	[tilespmem:s17], [sflag:$0x4] =	stream.linear.gather @!p0 [hbm4b:s4+s16], $0x10, $0x38;
	[tilespmem:$0x10C80] =	vst v63  }
0x13: {  	_ =	swait.ge @!p0 [sflag:s18], $0x10  }
0x14: {  	[sflag:s18] =	ssyncset.done @!p0 $0x0  }
0x15: {  	s19 =	simm.s32 @!p0 $0x10;
	s20 =	simm.s32 @!p0 $0x10480;
	[sflag:s18] =	ssyncadd.s32 @!p0 $0xFFFFFFF0  }
0x16: {  	[tilespmem:s20], [sflag:$0x3] =	stream.indirect.gather @!p0 [hbm4b:s2+s19], $0x80, s17, s19, $0xb8;
	[tilespmem:$0x10C80] =	vst v63  }
0x17: {  	s17 =	simm.s32 @!p0 $0x3  }
0x18: {  	_ =	swait.ge @!p0 [sflag:s17], $0x800  }
0x19: {  	[sflag:s17] =	ssyncset.done @!p0 $0x0  }
0x1a: {  	[sflag:s17] =	ssyncadd.s32 @!p0 $0xFFFFF800  }
0x1b: {  	[hbm4b:s3+s16] =	stream.linear.scatter @!p0 [tilespmem:s20], [sflag:$0x4], $0x800, $0x38;
	[tilespmem:$0x10C80] =	vst v63  }
0x1c: {  	_ =	swait.ge @!p0 [sflag:s18], $0x800  }
0x1d: {  	[sflag:s18] =	ssyncset.done @!p0 $0x0  }
0x1e: {  	[sflag:s18] =	ssyncadd.s32 @!p0 $0xFFFFF800  }
0x1f: {  	[tilespmem:s1], [sflag:$0x1] =	stream.linear.gather [hbm4b:s5+s1], $0x8000, $0x38;
	[tilespmem:$0x10C80] =	vst v63  }
0x20: {  	_ =	swait.ge [sflag:s10], $0x8000  }
0x21: {  	[sflag:s10] =	ssyncset.done $0x0  }
0x22: {  	s29 =	simm.s32 $0x0;
	[sflag:s10] =	ssyncadd.s32 $0xFFFF8000  }
0x23: {  	[tilespmem:s11], [sflag:$0x2] =	stream.linear.gather [hbm4b:s6+s1], $0x8000, $0x38;
	[tilespmem:$0x10C80] =	vst v63  }
0x24: {  	v0 =	vld [tilespmem:s29+$0x70]  }
0x25: {  	v1 =	vld [tilespmem:s29+$0x0]  }
0x26: {  	v2 =	vld [tilespmem:s29+$0x10]  }
0x27: {  	v3 =	vld [tilespmem:s29+$0x20]  }
0x28: {  	v4 =	vld [tilespmem:s29+$0x30]  }
0x29: {  	v5 =	vld [tilespmem:s29+$0x40]  }
0x2a: {  	v6 =	vld [tilespmem:s29+$0x50]  }
0x2b: {  	s30 =	simm.s32 $0x400;
	v7 =	vld [tilespmem:s29+$0x60];
	v0 =	vmul.f32 $1.442695020e+00, v0;
	v1 =	vmul.f32 $1.442695020e+00, v1  }
0x2c: {  	v8 =	vld [tilespmem:s30+$0x60];
	v2 =	vmul.f32 $1.442695020e+00, v2;
	v3 =	vmul.f32 $1.442695020e+00, v3  }
0x2d: {  	v4 =	vmul.f32 $1.442695020e+00, v4;
	(erf) = vpow2.f32 v0;
	v0 =	vld [tilespmem:s30+$0x70]  }
0x2e: {  	v5 =	vmul.f32 $1.442695020e+00, v5;
	(erf) = vpow2.f32 v1;
	v1 =	vld [tilespmem:s30+$0x0]  }
0x2f: {  	v6 =	vmul.f32 $1.442695020e+00, v6;
	(erf) = vpow2.f32 v2;
	v2 =	vld [tilespmem:s30+$0x10]  }
0x30: {  	v7 =	vmul.f32 $1.442695020e+00, v7;
	(erf) = vpow2.f32 v3;
	v3 =	vld [tilespmem:s30+$0x20]  }
0x31: {  	v8 =	vmul.f32 $1.442695020e+00, v8;
	(erf) = vpow2.f32 v4;
	v4 =	vld [tilespmem:s30+$0x30]  }
0x32: {  	(erf) = vpow2.f32 v5;
	v5 =	vld [tilespmem:s30+$0x40];
	v0 =	vmul.f32 $1.442695020e+00, v0  }
0x33: {  	s31 =	simm.s32 $0x800;
	(erf) = vpow2.f32 v6;
	v1 =	vmul.f32 $1.442695020e+00, v1;
	v6 =	vld [tilespmem:s30+$0x50]  }
0x34: {  	v11 =	vld [tilespmem:s31+$0x70];
	(erf) = vpow2.f32 v7;
	v7 =	vmul.f32 $1.442695020e+00, v2  }
0x35: {  	v12 =	vld [tilespmem:s31+$0x0];
	(erf) = vpow2.f32 v0;
	v3 =	vmul.f32 $1.442695020e+00, v3  }
0x36: {  	(erf) = vpow2.f32 v1;
	v4 =	vmul.f32 $1.442695020e+00, v4  }
0x37: {  	v0 =	vpop (erf);
	(erf) = vpow2.f32 v7;
	v5 =	vmul.f32 $1.442695020e+00, v5  }
0x38: {  	v1 =	vpop (erf);
	v7 =	vld [tilespmem:s31+$0x10];
	(erf) = vpow2.f32 v3;
	v6 =	vmul.f32 $1.442695020e+00, v6  }
0x39: {  	v14 =	vmul.f32 $1.442695020e+00, v11;
	v3 =	vpop (erf);
	(erf) = vpow2.f32 v4  }
0x3a: {  	v9 =	vld [tilespmem:s31+$0x20];
	v15 =	vmul.f32 $1.442695020e+00, v12;
	v2 =	vimm.f32 $0.0e+00;
	v4 =	vpop (erf);
	(erf) = vpow2.f32 v5  }
0x3b: {  	v10 =	vld [tilespmem:s31+$0x30];
	v0 =	vadd.f32 v0, v2;
	v1 =	vadd.f32 v1, v2;
	v5 =	vpop (erf);
	(erf) = vpow2.f32 v6  }
0x3c: {  	v11 =	vld [tilespmem:s31+$0x40];
	v3 =	vadd.f32 v3, v2;
	v4 =	vadd.f32 v4, v2;
	v6 =	vpop (erf);
	(erf) = vpow2.f32 v8  }
0x3d: {  	v12 =	vld [tilespmem:s31+$0x50];
	v5 =	vadd.f32 v5, v2;
	v16 =	vmul.f32 $1.442695020e+00, v7;
	v8 =	vpop (erf);
	(erf) = vpow2.f32 v14  }
0x3e: {  	s17 =	simm.s32 $0x4000;
	s16 =	simm.s32 $0xC00;
	v13 =	vld [tilespmem:s31+$0x60];
	v6 =	vadd.f32 v6, v2;
	v7 =	vadd.f32 v8, v2;
	v14 =	vpop (erf);
	v8 =	vimm.f32 $0.0e+00  }
.LBB2_2:
0x3f: {  	p1 =	sne.s32 s17, $0x1F000;
	v17 =	vld [tilespmem:s16+$0x70];
	v9 =	vmul.f32 $1.442695020e+00, v9;
	(erf) = vpow2.f32 v15;
	v15 =	vpop (erf);
	v8 =	vadd.f32 v14, v8  }
0x40: {  	v14 =	vld [tilespmem:s16+$0x0];
	v10 =	vmul.f32 $1.442695020e+00, v10;
	(erf) = vpow2.f32 v16;
	v0 =	vadd.f32 v15, v0;
	v15 =	vpop (erf)  }
0x41: {  	v16 =	vld [tilespmem:s16+$0x10];
	v11 =	vmul.f32 $1.442695020e+00, v11;
	(erf) = vpow2.f32 v9;
	v1 =	vadd.f32 v15, v1;
	v15 =	vpop (erf)  }
.Ltmp0:
0x42: {  	v9 =	vld [tilespmem:s16+$0x20];
	v12 =	vmul.f32 $1.442695020e+00, v12;
	(erf) = vpow2.f32 v10;
	v3 =	vadd.f32 v15, v3;
	v15 =	vpop (erf);
	(pc) =	sbr.rel @p1 .LBB2_2-.Ltmp0, $4  }
0x43: {  	v10 =	vld [tilespmem:s16+$0x30];
	v13 =	vmul.f32 $1.442695020e+00, v13;
	(erf) = vpow2.f32 v11;
	v4 =	vadd.f32 v15, v4;
	v15 =	vpop (erf)  }
0x44: {  	v11 =	vld [tilespmem:s16+$0x40];
	v17 =	vmul.f32 $1.442695020e+00, v17;
	(erf) = vpow2.f32 v12;
	v5 =	vadd.f32 v15, v5;
	v18 =	vpop (erf)  }
0x45: {  	v15 =	vmul.f32 $1.442695020e+00, v14;
	v12 =	vld [tilespmem:s16+$0x50];
	(erf) = vpow2.f32 v13;
	v6 =	vadd.f32 v18, v6;
	v14 =	vpop (erf)  }
0x46: {  	v16 =	vmul.f32 $1.442695020e+00, v16;
	v13 =	vld [tilespmem:s16+$0x60];
	s16 =	sshra.s32 s17, $0x2;
	s17 =	sadd.s32 $0x1000, s17;
	(erf) = vpow2.f32 v17;
	v7 =	vadd.f32 v14, v7;
	v14 =	vpop (erf)  }
0x47: {  	v17 =	vld [tilespmem:s16+$0x70];
	v9 =	vmul.f32 $1.442695020e+00, v9  }
0x48: {  	v18 =	vld [tilespmem:s16+$0x0];
	v10 =	vmul.f32 $1.442695020e+00, v10  }
0x49: {  	(erf) = vpow2.f32 v15;
	v15 =	vpop (erf);
	v19 =	vld [tilespmem:s16+$0x10];
	v11 =	vmul.f32 $1.442695020e+00, v11  }
0x4a: {  	v20 =	vld [tilespmem:s16+$0x20];
	(erf) = vpow2.f32 v16;
	v16 =	vpop (erf);
	v12 =	vmul.f32 $1.442695020e+00, v12  }
0x4b: {  	(erf) = vpow2.f32 v9;
	v9 =	vpop (erf);
	v13 =	vmul.f32 $1.442695020e+00, v13  }
0x4c: {  	(erf) = vpow2.f32 v10;
	v10 =	vpop (erf);
	v17 =	vmul.f32 $1.442695020e+00, v17  }
0x4d: {  	v21 =	vld [tilespmem:s16+$0x30];
	(erf) = vpow2.f32 v11;
	v18 =	vmul.f32 $1.442695020e+00, v18;
	v11 =	vpop (erf)  }
0x4e: {  	v22 =	vld [tilespmem:s16+$0x40];
	v19 =	vmul.f32 $1.442695020e+00, v19;
	(erf) = vpow2.f32 v12;
	v12 =	vpop (erf)  }
0x4f: {  	v23 =	vld [tilespmem:s16+$0x50];
	v20 =	vmul.f32 $1.442695020e+00, v20;
	(erf) = vpow2.f32 v13;
	v13 =	vpop (erf)  }
0x50: {  	v24 =	vld [tilespmem:s16+$0x60];
	(erf) = vpow2.f32 v17;
	v17 =	vpop (erf)  }
0x51: {  	(erf) = vpow2.f32 v18;
	v18 =	vpop (erf)  }
0x52: {  	v21 =	vmul.f32 $1.442695020e+00, v21;
	(erf) = vpow2.f32 v19;
	v19 =	vpop (erf)  }
0x53: {  	v8 =	vadd.f32 v14, v8;
	v22 =	vmul.f32 $1.442695020e+00, v22;
	(erf) = vpow2.f32 v20;
	v20 =	vpop (erf)  }
0x54: {  	v0 =	vadd.f32 v15, v0;
	v14 =	vmul.f32 $1.442695020e+00, v23;
	(erf) = vpow2.f32 v21;
	v62 =	vpop (erf)  }
0x55: {  	v1 =	vadd.f32 v16, v1;
	v15 =	vmul.f32 $1.442695020e+00, v24;
	(erf) = vpow2.f32 v22;
	v63 =	vpop (erf)  }
0x56: {  	v3 =	vadd.f32 v9, v3;
	v4 =	vadd.f32 v10, v4;
	(erf) = vpow2.f32 v14;
	v9 =	vpop (erf)  }
0x57: {  	v5 =	vadd.f32 v11, v5;
	v6 =	vadd.f32 v12, v6;
	(erf) = vpow2.f32 v15;
	v10 =	vpop (erf)  }
0x58: {  	v7 =	vadd.f32 v13, v7;
	v8 =	vadd.f32 v17, v8;
	v11 =	vpop (erf)  }
0x59: {  	v0 =	vadd.f32 v18, v0;
	v1 =	vadd.f32 v19, v1;
	v12 =	vpop (erf)  }
0x5a: {  	v3 =	vadd.f32 v20, v3;
	v4 =	vadd.f32 v62, v4;
	v13 =	vpop (erf)  }
0x5b: {  	v5 =	vadd.f32 v63, v5;
	v6 =	vadd.f32 v9, v6;
	v14 =	vpop (erf)  }
0x5c: {  	p2 =	por $0x1, $0x1;
	v15 =	vimm.f32 $0.0e+00;
	v9 =	vadd.f32 v10, v7;
	v11 =	vadd.f32 v11, v8;
	v10 =	vpop (erf)  }
.Ltmp1:
0x5d: {  	v7 =	vadd.f32 v12, v0;
	v54 =	vadd.f32 v13, v1;
	v13 =	vimm.f32 $0.0e+00;
	v0 =	vpop (erf);
	(pc) =	sbr.rel @!p2 .LBB2_10-.Ltmp1, $4  }
0x5e: {  	v28 =	vadd.f32 v14, v3;
	v3 =	vimm.f32 $0.0e+00;
	v51 =	vadd.f32 v10, v4;
	v1 =	vpop (erf)  }
0x5f: {  	v4 =	vimm.f32 $0.0e+00;
	v10 =	vimm.f32 $0.0e+00;
	v44 =	vadd.f32 v0, v5;
	v0 =	vpop (erf)  }
0x60: {  	s16 =	simm.s32 $0x0;
	p3 =	por $0x0, $0x0;
	v5 =	vimm.f32 $0.0e+00;
	v43 =	vadd.f32 v1, v6;
	v42 =	vadd.f32 v0, v9;
	v0 =	vpop (erf)  }
0x61: {  	p1 =	por $0x0, $0x0;
	s17 =	simm.s32 $0x0;
	p4 =	por $0x0, $0x0;
	v6 =	vimm.f32 $0.0e+00;
	v9 =	vimm.f32 $0.0e+00;
	v8 =	vadd.f32 v0, v11  }
0x62: {  	v0 =	vld [tilespmem:s16+$0xF0]  }
0x63: {  	v1 =	vld [tilespmem:s16+$0x80]  }
0x64: {  	v3 =	vld [tilespmem:s16+$0x90]  }
0x65: {  	v4 =	vld [tilespmem:s16+$0xA0];
	p4 =	por $0x1, $0x1  }
.Ltmp2:
0x66: {  	_ = 	snop;
	(pc) =	sbr.rel @!p4 .LBB2_5-.Ltmp2, $4  }
0x67: {  	v11 =	vld [tilespmem:s16+$0xB0];
	v0 =	vmul.f32 $1.442695020e+00, v0  }
0x68: {  	v12 =	vld [tilespmem:s16+$0xC0];
	v1 =	vmul.f32 $1.442695020e+00, v1  }
0x69: {  	v14 =	vld [tilespmem:s16+$0xD0];
	v17 =	vmul.f32 $1.442695020e+00, v3;
	(erf) = vpow2.f32 v0  }
0x6a: {  	v16 =	vld [tilespmem:s16+$0xE0];
	s17 =	simm.s32 $0x400;
	p3 =	por $0x1, $0x1;
	v18 =	vmul.f32 $1.442695020e+00, v4;
	(erf) = vpow2.f32 v1  }
0x6b: {  	v0 =	vld [tilespmem:s17+$0xF0]  }
0x6c: {  	(erf) = vpow2.f32 v17  }
0x6d: {  	v3 =	vld [tilespmem:s17+$0x80];
	v1 =	vmul.f32 $1.442695020e+00, v11;
	(erf) = vpow2.f32 v18  }
0x6e: {  	v5 =	vld [tilespmem:s17+$0x90];
	v4 =	vmul.f32 $1.442695020e+00, v12;
	v6 =	vmul.f32 $1.442695020e+00, v14  }
0x6f: {  	(erf) = vpow2.f32 v1;
	v1 =	vld [tilespmem:s17+$0xA0];
	v9 =	vmul.f32 $1.442695020e+00, v16  }
0x70: {  	p5 =	por $0x1, $0x1;
	(erf) = vpow2.f32 v4;
	v0 =	vmul.f32 $1.442695020e+00, v0  }
.Ltmp3:
0x71: {  	v13 =	vimm.f32 $0.0e+00;
	v15 =	vimm.f32 $0.0e+00;
	v11 =	vld [tilespmem:s17+$0xB0];
	(erf) = vpow2.f32 v6;
	(pc) =	sbr.rel @!p5 .LBB2_7-.Ltmp3, $4  }
0x72: {  	v12 =	vld [tilespmem:s17+$0xC0];
	v4 =	vimm.f32 $0.0e+00;
	v3 =	vmul.f32 $1.442695020e+00, v3;
	(erf) = vpow2.f32 v9  }
0x73: {  	v14 =	vld [tilespmem:s17+$0xD0];
	v17 =	vmul.f32 $1.442695020e+00, v5;
	v5 =	vimm.f32 $0.0e+00;
	v6 =	vimm.f32 $0.0e+00  }
0x74: {  	v16 =	vld [tilespmem:s17+$0xE0];
	v9 =	vimm.f32 $0.0e+00;
	(erf) = vpow2.f32 v0;
	v18 =	vmul.f32 $1.442695020e+00, v1;
	v0 =	vpop (erf)  }
0x75: {  	s18 =	simm.s32 $0x3000;
	p4 =	por $0x1, $0x1;
	s17 =	simm.s32 $0x800;
	(erf) = vpow2.f32 v3;
	v3 =	vimm.f32 $0.0e+00;
	v10 =	vadd.f32 v0, v2;
	v19 =	vpop (erf)  }
.LBB2_8:
0x76: {  	p5 =	sne.s32 s18, $0x1F000;
	v0 =	vld [tilespmem:s17+$0xF0];
	v20 =	vmul.f32 $1.442695020e+00, v11;
	(erf) = vpow2.f32 v17;
	v3 =	vadd.f32 v19, v3;
	v11 =	vpop (erf)  }
0x77: {  	v17 =	vld [tilespmem:s17+$0x80];
	v12 =	vmul.f32 $1.442695020e+00, v12;
	(erf) = vpow2.f32 v18;
	v4 =	vadd.f32 v11, v4;
	v11 =	vpop (erf)  }
0x78: {  	v18 =	vld [tilespmem:s17+$0x90];
	v14 =	vmul.f32 $1.442695020e+00, v14;
	(erf) = vpow2.f32 v20;
	v5 =	vadd.f32 v11, v5;
	v1 =	vpop (erf)  }
0x79: {  	v19 =	vld [tilespmem:s17+$0xA0];
	v16 =	vmul.f32 $1.442695020e+00, v16;
	(erf) = vpow2.f32 v12;
	v6 =	vadd.f32 v1, v6;
	v1 =	vpop (erf)  }
.Ltmp4:
0x7a: {  	v11 =	vld [tilespmem:s17+$0xB0];
	(erf) = vpow2.f32 v14;
	v9 =	vadd.f32 v1, v9;
	v1 =	vpop (erf);
	(pc) =	sbr.rel @p5 .LBB2_8-.Ltmp4, $4  }
0x7b: {  	v12 =	vld [tilespmem:s17+$0xC0];
	v21 =	vmul.f32 $1.442695020e+00, v0;
	(erf) = vpow2.f32 v16;
	v13 =	vadd.f32 v1, v13;
	v1 =	vpop (erf)  }
0x7c: {  	v20 =	vmul.f32 $1.442695020e+00, v17;
	v14 =	vld [tilespmem:s17+$0xD0];
	v15 =	vadd.f32 v1, v15  }
0x7d: {  	v17 =	vmul.f32 $1.442695020e+00, v18;
	v16 =	vld [tilespmem:s17+$0xE0];
	(erf) = vpow2.f32 v21;
	v0 =	vpop (erf)  }
0x7e: {  	s17 =	sshra.s32 s18, $0x2;
	s18 =	sadd.s32 $0x1000, s18;
	v18 =	vmul.f32 $1.442695020e+00, v19;
	(erf) = vpow2.f32 v20;
	v10 =	vadd.f32 v0, v10;
	v19 =	vpop (erf)  }
0x7f: {  	_ = 	snop  }
.LBB2_10:
0x80: {  	v0 =	vld [tilespmem:s17+$0xF0]  }
0x81: {  	v1 =	vmul.f32 @p3 $1.442695020e+00, v11;
	(erf) = vpow2.f32 @p3 v17;
	v11 =	vld [tilespmem:s17+$0x80]  }
0x82: {  	v17 =	vpop @p4 (erf);
	v12 =	vmul.f32 @p3 $1.442695020e+00, v12;
	v62 =	vld [tilespmem:s17+$0x90];
	(erf) = vpow2.f32 @p3 v18  }
0x83: {  	v20 =	vpop @p4 (erf);
	v14 =	vmul.f32 @p3 $1.442695020e+00, v14;
	(erf) = vpow2.f32 @p3 v1  }
0x84: {  	v1 =	vld [tilespmem:s17+$0xA0];
	v21 =	vpop @p4 (erf);
	(erf) = vpow2.f32 @p3 v12  }
0x85: {  	v16 =	vmul.f32 @p3 $1.442695020e+00, v16;
	v12 =	vld [tilespmem:s17+$0xB0];
	v22 =	vpop @p4 (erf);
	(erf) = vpow2.f32 @p3 v14  }
0x86: {  	v14 =	vld [tilespmem:s17+$0xC0];
	v0 =	vmul.f32 $1.442695020e+00, v0;
	v11 =	vmul.f32 $1.442695020e+00, v11  }
0x87: {  	v3 =	vadd.f32 @p4 v19, v3;
	v63 =	vld [tilespmem:s17+$0xD0];
	v19 =	vpop @p4 (erf);
	(erf) = vpow2.f32 @p3 v16;
	v18 =	vmul.f32 $1.442695020e+00, v62  }
0x88: {  	v4 =	vadd.f32 @p4 v17, v4;
	v5 =	vadd.f32 @p4 v20, v5;
	v17 =	vpop @p4 (erf);
	(erf) = vpow2.f32 v0;
	v0 =	vld [tilespmem:s17+$0xE0]  }
0x89: {  	v3 =	vpsel p4, v3, v2;
	v20 =	vpop @p3 (erf);
	v1 =	vmul.f32 $1.442695020e+00, v1;
	(erf) = vpow2.f32 v11  }
0x8a: {  	v6 =	vadd.f32 @p4 v21, v6;
	v12 =	vmul.f32 $1.442695020e+00, v12;
	v11 =	vpop @p3 (erf);
	(erf) = vpow2.f32 v18  }
0x8b: {  	v13 =	vadd.f32 @p4 v19, v13;
	v18 =	vpop @p3 (erf);
	(erf) = vpow2.f32 v1;
	v1 =	vmul.f32 $1.442695020e+00, v14  }
0x8c: {  	v15 =	vadd.f32 @p4 v17, v15;
	v14 =	vpop @p3 (erf);
	(erf) = vpow2.f32 v12;
	v12 =	vmul.f32 $1.442695020e+00, v63  }
0x8d: {  	v4 =	vpsel p4, v4, v2;
	v9 =	vadd.f32 @p4 v22, v9;
	v0 =	vmul.f32 $1.442695020e+00, v0  }
0x8e: {  	v13 =	vpsel p4, v13, v2;
	v15 =	vpsel p4, v15, v2;
	v16 =	vpop @p3 (erf);
	(erf) = vpow2.f32 v1  }
0x8f: {  	v1 =	vadd.f32 @p3 v20, v10;
	v10 =	vpop @p3 (erf);
	(erf) = vpow2.f32 v12;
	v11 =	vpsel p3, v11, v0  }
0x90: {  	v4 =	vadd.f32 @p3 v18, v4;
	v12 =	vpop @p3 (erf);
	(erf) = vpow2.f32 v0;
	v0 =	vpsel p4, v5, v2  }
0x91: {  	v5 =	vpsel p4, v6, v2;
	v6 =	vpsel p4, v9, v2;
	v3 =	vadd.f32 @p3 v11, v3;
	v9 =	vpop @p3 (erf)  }
0x92: {  	v1 =	vpsel p3, v1, v2;
	v0 =	vadd.f32 @p3 v14, v0;
	v5 =	vadd.f32 @p3 v16, v5;
	v11 =	vpop (erf)  }
0x93: {  	[tilespmem:$0x1FF70] =	vst v28;
	v6 =	vadd.f32 @p3 v10, v6;
	v10 =	vadd.f32 @p3 v12, v13;
	v3 =	vpsel p3, v3, v2;
	v14 =	vpop (erf)  }
0x94: {  	[tilespmem:$0x1FFE0] =	vst v51;
	v4 =	vpsel p3, v4, v2;
	v9 =	vadd.f32 @p3 v9, v15;
	v12 =	vpop (erf);
	v15 =	vadd.f32 v14, v3  }
0x95: {  	[tilespmem:$0x1FFF0] =	vst v54;
	v13 =	vadd.f32 v11, v1;
	v0 =	vpsel p3, v0, v2;
	v1 =	vpop (erf);
	v29 =	vadd.f32 v12, v4  }
0x96: {  	v5 =	vpsel p3, v5, v2;
	v11 =	vpop (erf);
	v14 =	vadd.f32 v1, v0;
	[tilespmem:$0x1FFC0] =	vst v15  }
.Ltmp5:
0x97: {  	v6 =	vpsel p3, v6, v2;
	v3 =	vpop (erf);
	v12 =	vadd.f32 v11, v5;
	[tilespmem:$0x1FFD0] =	vst v29;
	(pc) =	sbr.rel @!p2 .LBB2_11-.Ltmp5, $4  }
0x98: {  	v10 =	vpsel p3, v10, v2;
	v0 =	vpop (erf);
	v11 =	vadd.f32 v3, v6;
	[tilespmem:$0x1FFB0] =	vst v14  }
0x99: {  	v10 =	vadd.f32 v0, v10;
	[tilespmem:$0x1FFA0] =	vst v12  }
0x9a: {  	v1 =	vpsel p3, v9, v2;
	v3 =	vpop (erf);
	[tilespmem:$0x1FF90] =	vst v11  }
0x9b: {  	v2 =	vimm.f32 $0.0e+00;
	v9 =	vadd.f32 v3, v1;
	[tilespmem:$0x1FF80] =	vst v10  }
0x9c: {  	v0 =	vld [tilespmem:s16+$0x170]  }
0x9d: {  	v1 =	vld [tilespmem:s16+$0x100]  }
0x9e: {  	v6 =	vld [tilespmem:s16+$0x110];
	p3 =	por $0x1, $0x1  }
.Ltmp6:
0x9f: {  	v3 =	vld [tilespmem:s16+$0x120];
	(pc) =	sbr.rel @!p3 .LBB2_13-.Ltmp6, $4  }
0xa0: {  	v5 =	vld [tilespmem:s16+$0x130]  }
0xa1: {  	v4 =	vld [tilespmem:s16+$0x140];
	v0 =	vmul.f32 $1.442695020e+00, v0  }
0xa2: {  	v16 =	vld [tilespmem:s16+$0x150];
	v22 =	vmul.f32 $1.442695020e+00, v1  }
0xa3: {  	s17 =	simm.s32 $0x400;
	v18 =	vld [tilespmem:s16+$0x160];
	p2 =	por $0x1, $0x1;
	v25 =	vmul.f32 $1.442695020e+00, v6;
	(erf) = vpow2.f32 v0  }
0xa4: {  	v0 =	vld [tilespmem:s17+$0x170];
	v1 =	vmul.f32 $1.442695020e+00, v3;
	(erf) = vpow2.f32 v22  }
0xa5: {  	v5 =	vmul.f32 $1.442695020e+00, v5;
	(erf) = vpow2.f32 v25  }
0xa6: {  	v4 =	vmul.f32 $1.442695020e+00, v4;
	(erf) = vpow2.f32 v1  }
0xa7: {  	v1 =	vmul.f32 $1.442695020e+00, v16;
	(erf) = vpow2.f32 v5  }
0xa8: {  	v18 =	vmul.f32 $1.442695020e+00, v18;
	(erf) = vpow2.f32 v4  }
0xa9: {  	v0 =	vmul.f32 $1.442695020e+00, v0;
	(erf) = vpow2.f32 v1  }
0xaa: {  	(erf) = vpow2.f32 v18  }
0xab: {  	(erf) = vpow2.f32 v0;
	_ =	sdelay $0x1  }
0xac: {  	v6 =	vld [tilespmem:s17+$0x100]  }
0xad: {  	v17 =	vld [tilespmem:s17+$0x110];
	p4 =	por $0x1, $0x1  }
.Ltmp7:
0xae: {  	v3 =	vld [tilespmem:s17+$0x120];
	(pc) =	sbr.rel @!p4 .LBB2_15-.Ltmp7, $4  }
0xaf: {  	v5 =	vld [tilespmem:s17+$0x130]  }
0xb0: {  	v16 =	vld [tilespmem:s17+$0x150]  }
0xb1: {  	v4 =	vld [tilespmem:s17+$0x140]  }
0xb2: {  	s16 =	simm.s32 $0x800;
	p3 =	por $0x1, $0x1;
	v22 =	vmul.f32 $1.442695020e+00, v6;
	v25 =	vmul.f32 $1.442695020e+00, v17;
	v18 =	vld [tilespmem:s17+$0x160]  }
0xb3: {  	v1 =	vmul.f32 $1.442695020e+00, v3  }
0xb4: {  	v0 =	vld [tilespmem:s16+$0x170];
	(erf) = vpow2.f32 v22  }
0xb5: {  	v3 =	vpop (erf);
	v5 =	vmul.f32 $1.442695020e+00, v5;
	(erf) = vpow2.f32 v25  }
0xb6: {  	v22 =	vld [tilespmem:s16+$0x100];
	v6 =	vadd.f32 v3, v2;
	v3 =	vpop (erf);
	v4 =	vmul.f32 $1.442695020e+00, v4;
	(erf) = vpow2.f32 v1  }
0xb7: {  	v23 =	vld [tilespmem:s16+$0x110];
	p4 =	por $0x1, $0x1;
	v17 =	vadd.f32 v3, v2;
	v16 =	vmul.f32 $1.442695020e+00, v16;
	v1 =	vpop (erf);
	(erf) = vpow2.f32 v5  }
.Ltmp8:
0xb8: {  	v3 =	vld [tilespmem:s16+$0x120];
	v18 =	vmul.f32 $1.442695020e+00, v18;
	v19 =	vadd.f32 v1, v2;
	v1 =	vpop (erf);
	(erf) = vpow2.f32 v4;
	(pc) =	sbr.rel @!p4 .LBB2_17-.Ltmp8, $4  }
0xb9: {  	v5 =	vld [tilespmem:s16+$0x130];
	v0 =	vmul.f32 $1.442695020e+00, v0;
	v20 =	vadd.f32 v1, v2;
	v1 =	vpop (erf);
	(erf) = vpow2.f32 v16  }
0xba: {  	v4 =	vld [tilespmem:s16+$0x140];
	v21 =	vadd.f32 v1, v2;
	v1 =	vpop (erf);
	(erf) = vpow2.f32 v18  }
0xbb: {  	v22 =	vmul.f32 $1.442695020e+00, v22;
	v16 =	vld [tilespmem:s16+$0x150];
	v24 =	vadd.f32 v1, v2;
	v1 =	vpop (erf);
	(erf) = vpow2.f32 v0  }
0xbc: {  	s17 =	simm.s32 $0xC00;
	s18 =	simm.s32 $0x4000;
	p1 =	por $0x1, $0x1;
	v25 =	vmul.f32 $1.442695020e+00, v23;
	v23 =	vimm.f32 $0.0e+00;
	v18 =	vld [tilespmem:s16+$0x160];
	v26 =	vadd.f32 v1, v2;
	v27 =	vpop (erf)  }
.LBB2_18:
0xbd: {  	p4 =	sne.s32 s18, $0x1F000;
	v0 =	vld [tilespmem:s17+$0x170];
	v10 =	vmul.f32 $1.442695020e+00, v3;
	(erf) = vpow2.f32 v22;
	v3 =	vpop (erf);
	v23 =	vadd.f32 v27, v23  }
0xbe: {  	v22 =	vld [tilespmem:s17+$0x100];
	v5 =	vmul.f32 $1.442695020e+00, v5;
	(erf) = vpow2.f32 v25;
	v6 =	vadd.f32 v3, v6;
	v3 =	vpop (erf)  }
0xbf: {  	v25 =	vld [tilespmem:s17+$0x110];
	v4 =	vmul.f32 $1.442695020e+00, v4;
	(erf) = vpow2.f32 v10;
	v17 =	vadd.f32 v3, v17;
	v1 =	vpop (erf)  }
.Ltmp9:
0xc0: {  	v3 =	vld [tilespmem:s17+$0x120];
	v16 =	vmul.f32 $1.442695020e+00, v16;
	(erf) = vpow2.f32 v5;
	v19 =	vadd.f32 v1, v19;
	v1 =	vpop (erf);
	(pc) =	sbr.rel @p4 .LBB2_18-.Ltmp9, $4  }
0xc1: {  	v5 =	vld [tilespmem:s17+$0x130];
	v18 =	vmul.f32 $1.442695020e+00, v18;
	(erf) = vpow2.f32 v4;
	v20 =	vadd.f32 v1, v20;
	v1 =	vpop (erf)  }
0xc2: {  	v4 =	vld [tilespmem:s17+$0x140];
	v0 =	vmul.f32 $1.442695020e+00, v0;
	(erf) = vpow2.f32 v16;
	v21 =	vadd.f32 v1, v21;
	v1 =	vpop (erf)  }
0xc3: {  	v22 =	vmul.f32 $1.442695020e+00, v22;
	v16 =	vld [tilespmem:s17+$0x150];
	(erf) = vpow2.f32 v18;
	v24 =	vadd.f32 v1, v24;
	v1 =	vpop (erf)  }
0xc4: {  	v25 =	vmul.f32 $1.442695020e+00, v25;
	v18 =	vld [tilespmem:s17+$0x160];
	s17 =	sshra.s32 s18, $0x2;
	s18 =	sadd.s32 $0x1000, s18;
	(erf) = vpow2.f32 v0;
	v26 =	vadd.f32 v1, v26;
	v27 =	vpop (erf)  }
0xc5: {  	s16 =	smov.u32 s17  }
.LBB2_20:
0xc6: {  	v0 =	vld [tilespmem:s16+$0x170];
	v1 =	vmul.f32 @p2 $1.442695020e+00, v3  }
0xc7: {  	(erf) = vpow2.f32 @p2 v22;
	v3 =	vpop @p3 (erf);
	v22 =	vadd.f32 @p1 v27, v23;
	v23 =	vld [tilespmem:s16+$0x100];
	v5 =	vmul.f32 @p2 $1.442695020e+00, v5  }
0xc8: {  	(erf) = vpow2.f32 @p2 v25;
	v3 =	vadd.f32 @p3 v3, v6;
	v6 =	vpop @p3 (erf);
	v25 =	vld [tilespmem:s16+$0x110];
	v16 =	vmul.f32 @p2 $1.442695020e+00, v16  }
0xc9: {  	v4 =	vmul.f32 @p2 $1.442695020e+00, v4;
	(erf) = vpow2.f32 @p2 v1;
	v1 =	vadd.f32 @p3 v6, v17;
	v6 =	vpop @p3 (erf);
	v17 =	vld [tilespmem:s16+$0x120]  }
0xca: {  	(erf) = vpow2.f32 @p2 v5;
	v5 =	vadd.f32 @p3 v6, v19;
	v6 =	vpop @p3 (erf);
	v19 =	vld [tilespmem:s16+$0x130];
	v18 =	vmul.f32 @p2 $1.442695020e+00, v18  }
0xcb: {  	(erf) = vpow2.f32 @p2 v4;
	v4 =	vadd.f32 @p3 v6, v20;
	v6 =	vpop @p3 (erf);
	v20 =	vld [tilespmem:s16+$0x140]  }
0xcc: {  	(erf) = vpow2.f32 @p2 v16;
	v6 =	vadd.f32 @p3 v6, v21;
	v21 =	vmul.f32 $1.442695020e+00, v23;
	v23 =	vld [tilespmem:s16+$0x150];
	v16 =	vpop @p3 (erf)  }
0xcd: {  	v0 =	vmul.f32 $1.442695020e+00, v0;
	v16 =	vadd.f32 @p3 v16, v24;
	v24 =	vmul.f32 $1.442695020e+00, v25  }
0xce: {  	(erf) = vpow2.f32 @p2 v18;
	v18 =	vpop @p3 (erf);
	v17 =	vmul.f32 $1.442695020e+00, v17  }
0xcf: {  	(erf) = vpow2.f32 v0;
	v0 =	vadd.f32 @p3 v18, v26;
	v18 =	vpop @p3 (erf);
	v19 =	vmul.f32 $1.442695020e+00, v19  }
0xd0: {  	(erf) = vpow2.f32 v21;
	v21 =	vpop @p2 (erf);
	v20 =	vmul.f32 $1.442695020e+00, v20  }
0xd1: {  	(erf) = vpow2.f32 v24;
	v23 =	vmul.f32 $1.442695020e+00, v23;
	v24 =	vpop @p2 (erf)  }
0xd2: {  	v25 =	vld [tilespmem:s16+$0x160];
	(erf) = vpow2.f32 v17;
	v17 =	vpop @p2 (erf)  }
0xd3: {  	v22 =	vpsel p1, v22, v2;
	v3 =	vpsel p3, v3, v2;
	(erf) = vpow2.f32 v19;
	v19 =	vpop @p2 (erf)  }
0xd4: {  	v1 =	vpsel p3, v1, v2;
	v5 =	vpsel p3, v5, v2;
	(erf) = vpow2.f32 v20;
	v20 =	vpop @p2 (erf)  }
0xd5: {  	v4 =	vpsel p3, v4, v2;
	v6 =	vpsel p3, v6, v2;
	(erf) = vpow2.f32 v23;
	v23 =	vpop @p2 (erf)  }
0xd6: {  	v18 =	vpsel p3, v18, v0;
	v3 =	vadd.f32 @p2 v21, v3;
	v0 =	vpsel p3, v0, v2;
	v21 =	vpop @p2 (erf)  }
0xd7: {  	v18 =	vadd.f32 @p3 v18, v22;
	v25 =	vmul.f32 $1.442695020e+00, v25;
	v5 =	vadd.f32 @p2 v17, v5;
	v17 =	vpop @p2 (erf)  }
0xd8: {  	v1 =	vadd.f32 @p2 v24, v1;
	v3 =	vpsel p2, v3, v2;
	v4 =	vadd.f32 @p2 v19, v4;
	v19 =	vpop (erf)  }
0xd9: {  	(erf) = vpow2.f32 v25;
	v6 =	vadd.f32 @p2 v20, v6;
	v0 =	vadd.f32 @p2 v21, v0;
	v20 =	vpop (erf)  }
0xda: {  	v16 =	vpsel p3, v16, v2;
	v18 =	vpsel p3, v18, v2;
	v1 =	vpsel p2, v1, v2;
	v21 =	vpop (erf)  }
0xdb: {  	v5 =	vpsel p2, v5, v2;
	v16 =	vadd.f32 @p2 v23, v16;
	v17 =	vpsel p2, v17, v0;
	v22 =	vpop (erf)  }
0xdc: {  	v4 =	vpsel p2, v4, v2;
	v10 =	vadd.f32 v19, v3;
	v17 =	vadd.f32 @p2 v17, v18;
	v3 =	vpop (erf)  }
0xdd: {  	v6 =	vpsel p2, v6, v2;
	v16 =	vpsel p2, v16, v2;
	v23 =	vadd.f32 v20, v1;
	v1 =	vpop (erf)  }
0xde: {  	v0 =	vpsel p2, v0, v2;
	v12 =	vadd.f32 v1, v16;
	v1 =	vpsel p2, v17, v2;
	p2 =	por $0x1, $0x1  }
.Ltmp10:
0xdf: {  	v28 =	vimm.f32 $0.0e+00;
	(pc) =	sbr.rel @!p2 .LBB2_27-.Ltmp10, $4  }
0xe0: {  	v30 =	vimm.f32 $0.0e+00;
	v25 =	vimm.f32 $0.0e+00;
	v20 =	vimm.f32 $0.0e+00  }
0xe1: {  	v24 =	vadd.f32 v21, v5;
	v5 =	vimm.f32 $0.0e+00;
	v15 =	vadd.f32 v3, v6;
	v3 =	vpop (erf)  }
0xe2: {  	s17 =	simm.s32 $0x0;
	p4 =	por $0x0, $0x0;
	v22 =	vadd.f32 v22, v4;
	v4 =	vimm.f32 $0.0e+00;
	v19 =	vadd.f32 v3, v0;
	v0 =	vpop (erf)  }
0xe3: {  	p1 =	por $0x0, $0x0;
	s16 =	simm.s32 $0x0;
	p3 =	por $0x0, $0x0;
	v6 =	vimm.f32 $0.0e+00;
	v3 =	vimm.f32 $0.0e+00;
	v11 =	vadd.f32 v0, v1  }
0xe4: {  	v0 =	vld [tilespmem:s16+$0x1F0]  }
0xe5: {  	v1 =	vld [tilespmem:s16+$0x180]  }
0xe6: {  	v3 =	vld [tilespmem:s16+$0x190]  }
0xe7: {  	v4 =	vld [tilespmem:s16+$0x1A0];
	p4 =	por $0x1, $0x1  }
.Ltmp11:
0xe8: {  	_ = 	snop;
	(pc) =	sbr.rel @!p4 .LBB2_22-.Ltmp11, $4  }
0xe9: {  	v26 =	vld [tilespmem:s16+$0x1B0];
	v0 =	vmul.f32 $1.442695020e+00, v0  }
0xea: {  	v27 =	vld [tilespmem:s16+$0x1C0];
	v1 =	vmul.f32 $1.442695020e+00, v1  }
0xeb: {  	v29 =	vld [tilespmem:s16+$0x1D0];
	v32 =	vmul.f32 $1.442695020e+00, v3;
	(erf) = vpow2.f32 v0  }
0xec: {  	v31 =	vld [tilespmem:s16+$0x1E0];
	s17 =	simm.s32 $0x400;
	p3 =	por $0x1, $0x1;
	v33 =	vmul.f32 $1.442695020e+00, v4;
	(erf) = vpow2.f32 v1  }
0xed: {  	v0 =	vld [tilespmem:s17+$0x1F0]  }
0xee: {  	(erf) = vpow2.f32 v32  }
0xef: {  	v3 =	vld [tilespmem:s17+$0x180];
	v1 =	vmul.f32 $1.442695020e+00, v26;
	(erf) = vpow2.f32 v33  }
0xf0: {  	v5 =	vld [tilespmem:s17+$0x190];
	v4 =	vmul.f32 $1.442695020e+00, v27;
	v6 =	vmul.f32 $1.442695020e+00, v29  }
0xf1: {  	(erf) = vpow2.f32 v1;
	v1 =	vld [tilespmem:s17+$0x1A0];
	v16 =	vmul.f32 $1.442695020e+00, v31  }
0xf2: {  	p5 =	por $0x1, $0x1;
	(erf) = vpow2.f32 v4;
	v0 =	vmul.f32 $1.442695020e+00, v0  }
.Ltmp12:
0xf3: {  	v20 =	vimm.f32 $0.0e+00;
	v28 =	vimm.f32 $0.0e+00;
	v26 =	vld [tilespmem:s17+$0x1B0];
	(erf) = vpow2.f32 v6;
	(pc) =	sbr.rel @!p5 .LBB2_24-.Ltmp12, $4  }
0xf4: {  	v30 =	vimm.f32 $0.0e+00;
	v27 =	vld [tilespmem:s17+$0x1C0];
	v4 =	vimm.f32 $0.0e+00;
	(erf) = vpow2.f32 v16  }
0xf5: {  	v29 =	vld [tilespmem:s17+$0x1D0];
	v3 =	vmul.f32 $1.442695020e+00, v3;
	v32 =	vmul.f32 $1.442695020e+00, v5;
	v5 =	vimm.f32 $0.0e+00  }
0xf6: {  	v31 =	vld [tilespmem:s17+$0x1E0];
	v6 =	vimm.f32 $0.0e+00;
	(erf) = vpow2.f32 v0;
	v33 =	vmul.f32 $1.442695020e+00, v1;
	v0 =	vpop (erf)  }
0xf7: {  	s18 =	simm.s32 $0x3000;
	p4 =	por $0x1, $0x1;
	s17 =	simm.s32 $0x800;
	(erf) = vpow2.f32 v3;
	v3 =	vimm.f32 $0.0e+00;
	v25 =	vadd.f32 v0, v2;
	v34 =	vpop (erf)  }
.LBB2_25:
0xf8: {  	p5 =	sne.s32 s18, $0x1F000;
	v0 =	vld [tilespmem:s17+$0x1F0];
	v14 =	vmul.f32 $1.442695020e+00, v26;
	(erf) = vpow2.f32 v32;
	v3 =	vadd.f32 v34, v3;
	v16 =	vpop (erf)  }
0xf9: {  	v17 =	vld [tilespmem:s17+$0x180];
	v26 =	vmul.f32 $1.442695020e+00, v27;
	(erf) = vpow2.f32 v33;
	v4 =	vadd.f32 v16, v4;
	v16 =	vpop (erf)  }
0xfa: {  	v32 =	vld [tilespmem:s17+$0x190];
	v27 =	vmul.f32 $1.442695020e+00, v29;
	(erf) = vpow2.f32 v14;
	v5 =	vadd.f32 v16, v5;
	v1 =	vpop (erf)  }
0xfb: {  	v16 =	vld [tilespmem:s17+$0x1A0];
	v29 =	vmul.f32 $1.442695020e+00, v31;
	(erf) = vpow2.f32 v26;
	v6 =	vadd.f32 v1, v6;
	v1 =	vpop (erf)  }
.Ltmp13:
0xfc: {  	v26 =	vld [tilespmem:s17+$0x1B0];
	(erf) = vpow2.f32 v27;
	v20 =	vadd.f32 v1, v20;
	v1 =	vpop (erf);
	(pc) =	sbr.rel @p5 .LBB2_25-.Ltmp13, $4  }
0xfd: {  	v27 =	vld [tilespmem:s17+$0x1C0];
	v14 =	vmul.f32 $1.442695020e+00, v0;
	(erf) = vpow2.f32 v29;
	v28 =	vadd.f32 v1, v28;
	v1 =	vpop (erf)  }
0xfe: {  	v17 =	vmul.f32 $1.442695020e+00, v17;
	v29 =	vld [tilespmem:s17+$0x1D0];
	v30 =	vadd.f32 v1, v30  }
0xff: {  	v32 =	vmul.f32 $1.442695020e+00, v32;
	v31 =	vld [tilespmem:s17+$0x1E0];
	(erf) = vpow2.f32 v14;
	v0 =	vpop (erf)  }
0x100: {  	s17 =	sshra.s32 s18, $0x2;
	s18 =	sadd.s32 $0x1000, s18;
	v33 =	vmul.f32 $1.442695020e+00, v16;
	(erf) = vpow2.f32 v17;
	v25 =	vadd.f32 v0, v25;
	v34 =	vpop (erf)  }
0x101: {  	_ = 	snop  }
.LBB2_27:
0x102: {  	v0 =	vld [tilespmem:s17+$0x1F0]  }
0x103: {  	v1 =	vmul.f32 @p3 $1.442695020e+00, v26;
	(erf) = vpow2.f32 @p3 v32;
	v16 =	vld [tilespmem:s17+$0x180]  }
0x104: {  	v17 =	vpop @p4 (erf);
	v26 =	vmul.f32 @p3 $1.442695020e+00, v27;
	v27 =	vld [tilespmem:s17+$0x190];
	(erf) = vpow2.f32 @p3 v33  }
0x105: {  	v32 =	vpop @p4 (erf);
	v29 =	vmul.f32 @p3 $1.442695020e+00, v29;
	(erf) = vpow2.f32 @p3 v1  }
0x106: {  	v55 =	vld [tilespmem:s17+$0x1A0];
	v33 =	vpop @p4 (erf);
	(erf) = vpow2.f32 @p3 v26  }
0x107: {  	v31 =	vmul.f32 @p3 $1.442695020e+00, v31;
	v26 =	vld [tilespmem:s17+$0x1B0];
	v35 =	vpop @p4 (erf);
	(erf) = vpow2.f32 @p3 v29  }
0x108: {  	v56 =	vld [tilespmem:s17+$0x1C0];
	v0 =	vmul.f32 $1.442695020e+00, v0;
	v16 =	vmul.f32 $1.442695020e+00, v16  }
0x109: {  	v3 =	vadd.f32 @p4 v34, v3;
	v57 =	vld [tilespmem:s17+$0x1D0];
	v34 =	vpop @p4 (erf);
	(erf) = vpow2.f32 @p3 v31;
	v27 =	vmul.f32 $1.442695020e+00, v27  }
0x10a: {  	v58 =	vld [tilespmem:s17+$0x1E0];
	v4 =	vadd.f32 @p4 v17, v4;
	v17 =	vpop @p4 (erf);
	(erf) = vpow2.f32 v0  }
0x10b: {  	v5 =	vadd.f32 @p4 v32, v5;
	v1 =	vmul.f32 $1.442695020e+00, v55;
	v32 =	vpop @p3 (erf);
	(erf) = vpow2.f32 v16  }
0x10c: {  	v3 =	vpsel p4, v3, v2;
	v26 =	vmul.f32 $1.442695020e+00, v26;
	v16 =	vpop @p3 (erf);
	(erf) = vpow2.f32 v27  }
0x10d: {  	v6 =	vadd.f32 @p4 v33, v6;
	v59 =	vmul.f32 $1.442695020e+00, v56;
	v27 =	vpop @p3 (erf);
	(erf) = vpow2.f32 v1  }
0x10e: {  	v28 =	vadd.f32 @p4 v34, v28;
	v29 =	vpop @p3 (erf);
	(erf) = vpow2.f32 v26;
	v26 =	vmul.f32 $1.442695020e+00, v57  }
0x10f: {  	v4 =	vpsel p4, v4, v2;
	v20 =	vadd.f32 @p4 v35, v20;
	v0 =	vmul.f32 $1.442695020e+00, v58  }
0x110: {  	v17 =	vadd.f32 @p4 v17, v30;
	v28 =	vpsel p4, v28, v2;
	v30 =	vpop @p3 (erf);
	(erf) = vpow2.f32 v59  }
0x111: {  	v1 =	vadd.f32 @p3 v32, v25;
	v16 =	vpsel p3, v16, v0;
	v25 =	vpop @p3 (erf);
	(erf) = vpow2.f32 v26  }
0x112: {  	v3 =	vadd.f32 @p3 v16, v3;
	v4 =	vadd.f32 @p3 v27, v4;
	v26 =	vpop @p3 (erf);
	(erf) = vpow2.f32 v0  }
0x113: {  	v0 =	vpsel p4, v5, v2;
	v5 =	vpsel p4, v6, v2;
	v6 =	vpsel p4, v20, v2;
	v20 =	vpop @p3 (erf)  }
0x114: {  	v1 =	vpsel p3, v1, v2;
	v0 =	vadd.f32 @p3 v29, v0;
	v5 =	vadd.f32 @p3 v30, v5;
	v16 =	vpop (erf)  }
0x115: {  	[tilespmem:$0x1FF50] =	vst v10;
	v3 =	vpsel p3, v3, v2;
	v6 =	vadd.f32 @p3 v25, v6;
	v27 =	vpop (erf);
	v14 =	vadd.f32 v16, v1  }
0x116: {  	[tilespmem:$0x1FF60] =	vst v11;
	v4 =	vpsel p3, v4, v2;
	v25 =	vadd.f32 @p3 v26, v28;
	v26 =	vpop (erf);
	v45 =	vadd.f32 v27, v3  }
0x117: {  	v17 =	vpsel p4, v17, v2;
	v0 =	vpsel p3, v0, v2;
	v60 =	vpop (erf);
	v46 =	vadd.f32 v26, v4;
	[tilespmem:$0x1FED0] =	vst v14  }
0x118: {  	v17 =	vadd.f32 @p3 v20, v17;
	v5 =	vpsel p3, v5, v2;
	v16 =	vpop (erf);
	v26 =	vadd.f32 v60, v0;
	[tilespmem:$0x1FF30] =	vst v45  }
0x119: {  	v6 =	vpsel p3, v6, v2;
	v20 =	vpsel p3, v25, v2;
	v3 =	vpop (erf);
	v25 =	vadd.f32 v16, v5;
	[tilespmem:$0x1FF40] =	vst v46  }
.Ltmp14:
0x11a: {  	v61 =	vpop (erf);
	v21 =	vadd.f32 v3, v6;
	[tilespmem:$0x1FF20] =	vst v26;
	(pc) =	sbr.rel @!p2 .LBB2_28-.Ltmp14, $4  }
0x11b: {  	v62 =	vpsel p3, v17, v2;
	v63 =	vpop (erf);
	v20 =	vadd.f32 v61, v20;
	[tilespmem:$0x1FF10] =	vst v25  }
0x11c: {  	v18 =	vadd.f32 v63, v62;
	[tilespmem:$0x1FF00] =	vst v21  }
0x11d: {  	[tilespmem:$0x1FEF0] =	vst v20  }
0x11e: {  	v5 =	vimm.f32 $0.0e+00;
	[tilespmem:$0x1FEE0] =	vst v18  }
0x11f: {  	v0 =	vld [tilespmem:s16+$0x270]  }
0x120: {  	v1 =	vld [tilespmem:s16+$0x200]  }
0x121: {  	v6 =	vld [tilespmem:s16+$0x210];
	p3 =	por $0x1, $0x1  }
.Ltmp15:
0x122: {  	v2 =	vld [tilespmem:s16+$0x220];
	(pc) =	sbr.rel @!p3 .LBB2_30-.Ltmp15, $4  }
0x123: {  	v4 =	vld [tilespmem:s16+$0x230]  }
0x124: {  	v3 =	vld [tilespmem:s16+$0x240];
	v0 =	vmul.f32 $1.442695020e+00, v0  }
0x125: {  	v30 =	vld [tilespmem:s16+$0x250];
	v36 =	vmul.f32 $1.442695020e+00, v1  }
0x126: {  	s17 =	simm.s32 $0x400;
	v32 =	vld [tilespmem:s16+$0x260];
	p2 =	por $0x1, $0x1;
	v39 =	vmul.f32 $1.442695020e+00, v6;
	(erf) = vpow2.f32 v0  }
0x127: {  	v0 =	vld [tilespmem:s17+$0x270];
	v1 =	vmul.f32 $1.442695020e+00, v2;
	(erf) = vpow2.f32 v36  }
0x128: {  	v4 =	vmul.f32 $1.442695020e+00, v4;
	(erf) = vpow2.f32 v39  }
0x129: {  	v3 =	vmul.f32 $1.442695020e+00, v3;
	(erf) = vpow2.f32 v1  }
0x12a: {  	v1 =	vmul.f32 $1.442695020e+00, v30;
	(erf) = vpow2.f32 v4  }
0x12b: {  	v17 =	vmul.f32 $1.442695020e+00, v32;
	(erf) = vpow2.f32 v3  }
0x12c: {  	v0 =	vmul.f32 $1.442695020e+00, v0;
	(erf) = vpow2.f32 v1  }
0x12d: {  	(erf) = vpow2.f32 v17  }
0x12e: {  	(erf) = vpow2.f32 v0;
	_ =	sdelay $0x1  }
0x12f: {  	v6 =	vld [tilespmem:s17+$0x200]  }
0x130: {  	v16 =	vld [tilespmem:s17+$0x210];
	p4 =	por $0x1, $0x1  }
.Ltmp16:
0x131: {  	v2 =	vld [tilespmem:s17+$0x220];
	(pc) =	sbr.rel @!p4 .LBB2_32-.Ltmp16, $4  }
0x132: {  	v4 =	vld [tilespmem:s17+$0x230]  }
0x133: {  	v30 =	vld [tilespmem:s17+$0x250]  }
0x134: {  	v28 =	vmov v15;
	v3 =	vld [tilespmem:s17+$0x240]  }
0x135: {  	s16 =	simm.s32 $0x800;
	p3 =	por $0x1, $0x1;
	v27 =	vmovc v12;
	v29 =	vmovc v19;
	v21 =	vmov v9;
	v32 =	vld [tilespmem:s17+$0x260];
	v36 =	vmul.f32 $1.442695020e+00, v6;
	v39 =	vmul.f32 $1.442695020e+00, v16  }
0x136: {  	v1 =	vmul.f32 $1.442695020e+00, v2  }
0x137: {  	v0 =	vld [tilespmem:s16+$0x270];
	(erf) = vpow2.f32 v36  }
0x138: {  	v2 =	vpop (erf);
	v4 =	vmul.f32 $1.442695020e+00, v4;
	(erf) = vpow2.f32 v39  }
0x139: {  	v16 =	vld [tilespmem:s16+$0x200];
	v6 =	vadd.f32 v2, v5;
	v2 =	vpop (erf);
	v3 =	vmul.f32 $1.442695020e+00, v3;
	(erf) = vpow2.f32 v1  }
0x13a: {  	v17 =	vld [tilespmem:s16+$0x210];
	p4 =	por $0x1, $0x1;
	v31 =	vadd.f32 v2, v5;
	v20 =	vmul.f32 $1.442695020e+00, v30;
	v1 =	vpop (erf);
	(erf) = vpow2.f32 v4  }
.Ltmp17:
0x13b: {  	v2 =	vld [tilespmem:s16+$0x220];
	v25 =	vmul.f32 $1.442695020e+00, v32;
	v33 =	vadd.f32 v1, v5;
	v1 =	vpop (erf);
	(erf) = vpow2.f32 v3;
	(pc) =	sbr.rel @!p4 .LBB2_34-.Ltmp17, $4  }
0x13c: {  	v4 =	vld [tilespmem:s16+$0x230];
	v0 =	vmul.f32 $1.442695020e+00, v0;
	v34 =	vadd.f32 v1, v5;
	v1 =	vpop (erf);
	(erf) = vpow2.f32 v20  }
0x13d: {  	v3 =	vld [tilespmem:s16+$0x240];
	v35 =	vadd.f32 v1, v5;
	v1 =	vpop (erf);
	(erf) = vpow2.f32 v25  }
0x13e: {  	v30 =	vld [tilespmem:s16+$0x250];
	v36 =	vmul.f32 $1.442695020e+00, v16;
	v38 =	vadd.f32 v1, v5;
	v1 =	vpop (erf);
	(erf) = vpow2.f32 v0  }
0x13f: {  	s17 =	simm.s32 $0xC00;
	s18 =	simm.s32 $0x4000;
	p1 =	por $0x1, $0x1;
	v37 =	vimm.f32 $0.0e+00;
	v32 =	vld [tilespmem:s16+$0x260];
	v39 =	vmul.f32 $1.442695020e+00, v17;
	v40 =	vadd.f32 v1, v5;
	v41 =	vpop (erf)  }
.LBB2_35:
0x140: {  	p4 =	sne.s32 s18, $0x1F000;
	v0 =	vld [tilespmem:s17+$0x270];
	v9 =	vmul.f32 $1.442695020e+00, v2;
	(erf) = vpow2.f32 v36;
	v2 =	vpop (erf);
	v37 =	vadd.f32 v41, v37  }
0x141: {  	v16 =	vld [tilespmem:s17+$0x200];
	v4 =	vmul.f32 $1.442695020e+00, v4;
	(erf) = vpow2.f32 v39;
	v6 =	vadd.f32 v2, v6;
	v2 =	vpop (erf)  }
0x142: {  	v17 =	vld [tilespmem:s17+$0x210];
	v3 =	vmul.f32 $1.442695020e+00, v3;
	(erf) = vpow2.f32 v9;
	v31 =	vadd.f32 v2, v31;
	v1 =	vpop (erf)  }
.Ltmp18:
0x143: {  	v2 =	vld [tilespmem:s17+$0x220];
	v20 =	vmul.f32 $1.442695020e+00, v30;
	(erf) = vpow2.f32 v4;
	v33 =	vadd.f32 v1, v33;
	v1 =	vpop (erf);
	(pc) =	sbr.rel @p4 .LBB2_35-.Ltmp18, $4  }
0x144: {  	v4 =	vld [tilespmem:s17+$0x230];
	v25 =	vmul.f32 $1.442695020e+00, v32;
	(erf) = vpow2.f32 v3;
	v34 =	vadd.f32 v1, v34;
	v1 =	vpop (erf)  }
0x145: {  	v3 =	vld [tilespmem:s17+$0x240];
	v0 =	vmul.f32 $1.442695020e+00, v0;
	(erf) = vpow2.f32 v20;
	v35 =	vadd.f32 v1, v35;
	v1 =	vpop (erf)  }
0x146: {  	v36 =	vmul.f32 $1.442695020e+00, v16;
	v30 =	vld [tilespmem:s17+$0x250];
	(erf) = vpow2.f32 v25;
	v38 =	vadd.f32 v1, v38;
	v1 =	vpop (erf)  }
0x147: {  	v39 =	vmul.f32 $1.442695020e+00, v17;
	v32 =	vld [tilespmem:s17+$0x260];
	s17 =	sshra.s32 s18, $0x2;
	s18 =	sadd.s32 $0x1000, s18;
	(erf) = vpow2.f32 v0;
	v40 =	vadd.f32 v1, v40;
	v41 =	vpop (erf)  }
0x148: {  	v9 =	vmov v44;
	v26 =	vmov v43;
	v18 =	vmov v42;
	s16 =	smov.u32 s17  }
.LBB2_37:
0x149: {  	v0 =	vld [tilespmem:s16+$0x270];
	v1 =	vmul.f32 @p2 $1.442695020e+00, v2  }
0x14a: {  	(erf) = vpow2.f32 @p2 v36;
	v17 =	vld [tilespmem:s16+$0x200];
	v4 =	vmul.f32 @p2 $1.442695020e+00, v4  }
0x14b: {  	v2 =	vpop @p3 (erf);
	v20 =	vld [tilespmem:s16+$0x210];
	(erf) = vpow2.f32 @p2 v39;
	v3 =	vmul.f32 @p2 $1.442695020e+00, v3  }
0x14c: {  	v25 =	vld [tilespmem:s16+$0x220];
	v2 =	vadd.f32 @p3 v2, v6;
	v6 =	vpop @p3 (erf);
	(erf) = vpow2.f32 @p2 v1;
	v30 =	vmul.f32 @p2 $1.442695020e+00, v30  }
0x14d: {  	v1 =	vadd.f32 @p3 v6, v31;
	v6 =	vpop @p3 (erf);
	v31 =	vld [tilespmem:s16+$0x230];
	(erf) = vpow2.f32 @p2 v4;
	v32 =	vmul.f32 @p2 $1.442695020e+00, v32  }
0x14e: {  	v16 =	vadd.f32 @p1 v41, v37;
	v55 =	vld [tilespmem:s16+$0x240];
	v4 =	vadd.f32 @p3 v6, v33;
	v6 =	vpop @p3 (erf);
	(erf) = vpow2.f32 @p2 v3  }
0x14f: {  	v56 =	vld [tilespmem:s16+$0x250];
	v3 =	vadd.f32 @p3 v6, v34;
	v6 =	vpop @p3 (erf);
	v0 =	vmul.f32 $1.442695020e+00, v0;
	v17 =	vmul.f32 $1.442695020e+00, v17  }
0x150: {  	v42 =	vimm.f32 $0.0e+00;
	(erf) = vpow2.f32 @p2 v30;
	v20 =	vmul.f32 $1.442695020e+00, v20;
	v30 =	vpop @p3 (erf)  }
0x151: {  	v57 =	vld [tilespmem:s16+$0x260];
	v16 =	vpsel p1, v16, v5;
	v25 =	vmul.f32 $1.442695020e+00, v25;
	(erf) = vpow2.f32 @p2 v32;
	v32 =	vpop @p3 (erf)  }
0x152: {  	(erf) = vpow2.f32 v0;
	v31 =	vmul.f32 $1.442695020e+00, v31;
	v0 =	vadd.f32 @p3 v32, v40;
	v32 =	vpop @p3 (erf)  }
0x153: {  	v2 =	vpsel p3, v2, v5;
	v33 =	vmul.f32 $1.442695020e+00, v55;
	(erf) = vpow2.f32 v17;
	v17 =	vpop @p2 (erf)  }
0x154: {  	v1 =	vpsel p3, v1, v5;
	v34 =	vmul.f32 $1.442695020e+00, v56;
	(erf) = vpow2.f32 v20;
	v20 =	vpop @p2 (erf)  }
0x155: {  	v6 =	vadd.f32 @p3 v6, v35;
	v4 =	vpsel p3, v4, v5;
	(erf) = vpow2.f32 v25;
	v25 =	vpop @p2 (erf)  }
0x156: {  	v35 =	vmul.f32 $1.442695020e+00, v57;
	v30 =	vadd.f32 @p3 v30, v38;
	(erf) = vpow2.f32 v31;
	v31 =	vpop @p2 (erf)  }
0x157: {  	v3 =	vpsel p3, v3, v5;
	v6 =	vpsel p3, v6, v5;
	(erf) = vpow2.f32 v33;
	v33 =	vpop @p2 (erf)  }
0x158: {  	v30 =	vpsel p3, v30, v5;
	v32 =	vpsel p3, v32, v0;
	(erf) = vpow2.f32 v34;
	v34 =	vpop @p2 (erf)  }
0x159: {  	v2 =	vadd.f32 @p2 v17, v2;
	v0 =	vpsel p3, v0, v5;
	v16 =	vadd.f32 @p3 v32, v16;
	v17 =	vpop @p2 (erf)  }
0x15a: {  	v1 =	vadd.f32 @p2 v20, v1;
	(erf) = vpow2.f32 v35;
	v0 =	vadd.f32 @p2 v17, v0  }
0x15b: {  	v4 =	vadd.f32 @p2 v25, v4;
	v2 =	vpsel p2, v2, v5;
	v3 =	vadd.f32 @p2 v31, v3;
	v20 =	vpop @p2 (erf)  }
0x15c: {  	v16 =	vpsel p3, v16, v5;
	v6 =	vadd.f32 @p2 v33, v6;
	v25 =	vpop (erf);
	v20 =	vpsel p2, v20, v0  }
0x15d: {  	v1 =	vpsel p2, v1, v5;
	v30 =	vadd.f32 @p2 v34, v30;
	v17 =	vpop (erf);
	v16 =	vadd.f32 @p2 v20, v16  }
0x15e: {  	v4 =	vpsel p2, v4, v5;
	v3 =	vpsel p2, v3, v5;
	v6 =	vpsel p2, v6, v5;
	v31 =	vpop (erf)  }
0x15f: {  	v0 =	vpsel p2, v0, v5;
	v20 =	vpsel p2, v30, v5;
	v58 =	vpop (erf);
	v63 =	vpsel p2, v16, v5;
	p2 =	por $0x1, $0x1  }
.Ltmp19:
0x160: {  	v44 =	vimm.f32 $0.0e+00;
	v32 =	vimm.f32 $0.0e+00;
	v35 =	vimm.f32 $0.0e+00;
	v59 =	vpop (erf);
	(pc) =	sbr.rel @!p2 .LBB2_44-.Ltmp19, $4  }
0x161: {  	v34 =	vimm.f32 $0.0e+00;
	v10 =	vadd.f32 v25, v2;
	v12 =	vadd.f32 v17, v1;
	v60 =	vpop (erf)  }
0x162: {  	v30 =	vimm.f32 $0.0e+00;
	v51 =	vadd.f32 v31, v4;
	v11 =	vadd.f32 v58, v3;
	v61 =	vpop (erf)  }
0x163: {  	s17 =	simm.s32 $0x0;
	p4 =	por $0x0, $0x0;
	v31 =	vimm.f32 $0.0e+00;
	v38 =	vadd.f32 v59, v6;
	v40 =	vadd.f32 v60, v20;
	v62 =	vpop (erf)  }
0x164: {  	s16 =	simm.s32 $0x0;
	p1 =	por $0x0, $0x0;
	p3 =	por $0x0, $0x0;
	v6 =	vimm.f32 $0.0e+00;
	v39 =	vadd.f32 v61, v0;
	v37 =	vadd.f32 v62, v63  }
0x165: {  	v0 =	vld [tilespmem:s16+$0x2F0]  }
0x166: {  	v1 =	vld [tilespmem:s16+$0x280]  }
0x167: {  	v4 =	vld [tilespmem:s16+$0x290]  }
0x168: {  	v6 =	vld [tilespmem:s16+$0x2A0];
	p4 =	por $0x1, $0x1  }
.Ltmp20:
0x169: {  	_ = 	snop;
	(pc) =	sbr.rel @!p4 .LBB2_39-.Ltmp20, $4  }
0x16a: {  	v36 =	vld [tilespmem:s16+$0x2B0];
	v0 =	vmul.f32 $1.442695020e+00, v0  }
0x16b: {  	v41 =	vld [tilespmem:s16+$0x2C0];
	v1 =	vmul.f32 $1.442695020e+00, v1  }
0x16c: {  	v43 =	vld [tilespmem:s16+$0x2D0];
	v46 =	vmul.f32 $1.442695020e+00, v4;
	(erf) = vpow2.f32 v0  }
0x16d: {  	v45 =	vld [tilespmem:s16+$0x2E0];
	s17 =	simm.s32 $0x400;
	p3 =	por $0x1, $0x1;
	v47 =	vmul.f32 $1.442695020e+00, v6;
	(erf) = vpow2.f32 v1  }
0x16e: {  	_ = 	snop  }
0x16f: {  	v0 =	vld [tilespmem:s17+$0x2F0];
	(erf) = vpow2.f32 v46;
	v1 =	vmul.f32 $1.442695020e+00, v36  }
0x170: {  	v4 =	vld [tilespmem:s17+$0x280];
	(erf) = vpow2.f32 v47;
	v6 =	vmul.f32 $1.442695020e+00, v41  }
0x171: {  	v16 =	vld [tilespmem:s17+$0x290];
	v17 =	vmul.f32 $1.442695020e+00, v43;
	(erf) = vpow2.f32 v1  }
0x172: {  	v62 =	vld [tilespmem:s17+$0x2A0];
	p5 =	por $0x1, $0x1;
	v30 =	vimm.f32 $0.0e+00;
	v20 =	vmul.f32 $1.442695020e+00, v45;
	(erf) = vpow2.f32 v6  }
.Ltmp21:
0x173: {  	v31 =	vimm.f32 $0.0e+00;
	v32 =	vimm.f32 $0.0e+00;
	v36 =	vld [tilespmem:s17+$0x2B0];
	(erf) = vpow2.f32 v17;
	(pc) =	sbr.rel @!p5 .LBB2_41-.Ltmp21, $4  }
0x174: {  	v34 =	vimm.f32 $0.0e+00;
	v41 =	vld [tilespmem:s17+$0x2C0];
	v0 =	vmul.f32 $1.442695020e+00, v0;
	(erf) = vpow2.f32 v20  }
0x175: {  	v42 =	vimm.f32 $0.0e+00;
	v44 =	vimm.f32 $0.0e+00;
	v43 =	vld [tilespmem:s17+$0x2D0];
	v4 =	vmul.f32 $1.442695020e+00, v4  }
0x176: {  	v6 =	vimm.f32 $0.0e+00;
	v45 =	vld [tilespmem:s17+$0x2E0];
	v46 =	vmul.f32 $1.442695020e+00, v16;
	(erf) = vpow2.f32 v0;
	v63 =	vpop (erf)  }
0x177: {  	s18 =	simm.s32 $0x3000;
	p4 =	por $0x1, $0x1;
	s17 =	simm.s32 $0x800;
	v47 =	vmul.f32 $1.442695020e+00, v62;
	(erf) = vpow2.f32 v4;
	v35 =	vadd.f32 v63, v5;
	v48 =	vpop (erf)  }
.LBB2_42:
0x178: {  	p5 =	sne.s32 s18, $0x1F000;
	v0 =	vld [tilespmem:s17+$0x2F0];
	v2 =	vmul.f32 $1.442695020e+00, v36;
	(erf) = vpow2.f32 v46;
	v6 =	vadd.f32 v48, v6;
	v4 =	vpop (erf)  }
0x179: {  	v16 =	vld [tilespmem:s17+$0x280];
	v17 =	vmul.f32 $1.442695020e+00, v41;
	(erf) = vpow2.f32 v47;
	v30 =	vadd.f32 v4, v30;
	v4 =	vpop (erf)  }
0x17a: {  	v20 =	vld [tilespmem:s17+$0x290];
	v25 =	vmul.f32 $1.442695020e+00, v43;
	(erf) = vpow2.f32 v2;
	v31 =	vadd.f32 v4, v31;
	v1 =	vpop (erf)  }
0x17b: {  	v4 =	vld [tilespmem:s17+$0x2A0];
	v33 =	vmul.f32 $1.442695020e+00, v45;
	(erf) = vpow2.f32 v17;
	v32 =	vadd.f32 v1, v32;
	v1 =	vpop (erf)  }
.Ltmp22:
0x17c: {  	v36 =	vld [tilespmem:s17+$0x2B0];
	(erf) = vpow2.f32 v25;
	v34 =	vadd.f32 v1, v34;
	v1 =	vpop (erf);
	(pc) =	sbr.rel @p5 .LBB2_42-.Ltmp22, $4  }
0x17d: {  	v41 =	vld [tilespmem:s17+$0x2C0];
	v2 =	vmul.f32 $1.442695020e+00, v0;
	(erf) = vpow2.f32 v33;
	v42 =	vadd.f32 v1, v42;
	v1 =	vpop (erf)  }
0x17e: {  	v16 =	vmul.f32 $1.442695020e+00, v16;
	v43 =	vld [tilespmem:s17+$0x2D0];
	v44 =	vadd.f32 v1, v44  }
0x17f: {  	v46 =	vmul.f32 $1.442695020e+00, v20;
	v45 =	vld [tilespmem:s17+$0x2E0];
	(erf) = vpow2.f32 v2;
	v0 =	vpop (erf)  }
0x180: {  	s17 =	sshra.s32 s18, $0x2;
	s18 =	sadd.s32 $0x1000, s18;
	v47 =	vmul.f32 $1.442695020e+00, v4;
	(erf) = vpow2.f32 v16;
	v35 =	vadd.f32 v0, v35;
	v48 =	vpop (erf)  }
0x181: {  	_ = 	snop  }
.LBB2_44:
0x182: {  	v0 =	vld [tilespmem:s17+$0x2F0]  }
0x183: {  	v1 =	vmul.f32 @p3 $1.442695020e+00, v36;
	(erf) = vpow2.f32 @p3 v46;
	v4 =	vld [tilespmem:s17+$0x280]  }
0x184: {  	v16 =	vpop @p4 (erf);
	v17 =	vmul.f32 @p3 $1.442695020e+00, v41;
	v20 =	vld [tilespmem:s17+$0x290];
	(erf) = vpow2.f32 @p3 v47  }
0x185: {  	v52 =	vld [tilespmem:s17+$0x2A0];
	v25 =	vpop @p4 (erf);
	v33 =	vmul.f32 @p3 $1.442695020e+00, v43;
	(erf) = vpow2.f32 @p3 v1  }
0x186: {  	v53 =	vld [tilespmem:s17+$0x2C0];
	v36 =	vpop @p4 (erf);
	v41 =	vmul.f32 @p3 $1.442695020e+00, v45;
	(erf) = vpow2.f32 @p3 v17  }
0x187: {  	v17 =	vld [tilespmem:s17+$0x2B0];
	v43 =	vpop @p4 (erf);
	(erf) = vpow2.f32 @p3 v33  }
0x188: {  	v55 =	vld [tilespmem:s17+$0x2E0];
	v45 =	vpop @p4 (erf);
	v0 =	vmul.f32 $1.442695020e+00, v0;
	(erf) = vpow2.f32 @p3 v41  }
0x189: {  	v54 =	vld [tilespmem:s17+$0x2D0];
	v4 =	vmul.f32 $1.442695020e+00, v4;
	v20 =	vmul.f32 $1.442695020e+00, v20  }
0x18a: {  	v16 =	vadd.f32 @p4 v16, v30;
	v30 =	vpop @p4 (erf);
	v1 =	vmul.f32 $1.442695020e+00, v52;
	(erf) = vpow2.f32 v0  }
0x18b: {  	v25 =	vadd.f32 @p4 v25, v31;
	v56 =	vmul.f32 $1.442695020e+00, v53;
	v31 =	vpop @p3 (erf);
	(erf) = vpow2.f32 v4  }
0x18c: {  	v4 =	vadd.f32 @p4 v36, v32;
	v32 =	vpop @p3 (erf);
	v17 =	vmul.f32 $1.442695020e+00, v17;
	(erf) = vpow2.f32 v20  }
0x18d: {  	v0 =	vmul.f32 $1.442695020e+00, v55;
	v20 =	vadd.f32 @p4 v43, v34;
	v34 =	vpop @p3 (erf);
	(erf) = vpow2.f32 v1  }
0x18e: {  	v36 =	vpop @p3 (erf);
	(erf) = vpow2.f32 v17;
	v17 =	vmul.f32 $1.442695020e+00, v54  }
0x18f: {  	v6 =	vadd.f32 @p4 v48, v6;
	v41 =	vpop @p3 (erf);
	(erf) = vpow2.f32 v56  }
0x190: {  	v1 =	vadd.f32 @p3 v31, v35;
	v31 =	vpop @p3 (erf);
	(erf) = vpow2.f32 v17;
	v17 =	vpsel p3, v32, v0  }
0x191: {  	v33 =	vadd.f32 @p4 v45, v42;
	v30 =	vadd.f32 @p4 v30, v44;
	v32 =	vpop @p3 (erf);
	(erf) = vpow2.f32 v0  }
0x192: {  	v6 =	vpsel p4, v6, v5;
	v16 =	vpsel p4, v16, v5;
	v0 =	vpsel p4, v25, v5;
	v25 =	vpop @p3 (erf)  }
0x193: {  	v33 =	vpsel p4, v33, v5;
	v30 =	vpsel p4, v30, v5;
	v6 =	vadd.f32 @p3 v17, v6;
	v17 =	vpop (erf)  }
0x194: {  	v4 =	vpsel p4, v4, v5;
	v16 =	vadd.f32 @p3 v34, v16;
	v20 =	vpsel p4, v20, v5;
	v57 =	vpop (erf)  }
0x195: {  	v4 =	vadd.f32 @p3 v41, v4;
	v1 =	vpsel p3, v1, v5;
	v6 =	vpsel p3, v6, v5;
	v58 =	vpop (erf)  }
0x196: {  	v16 =	vpsel p3, v16, v5;
	v20 =	vadd.f32 @p3 v31, v20;
	v31 =	vadd.f32 @p3 v32, v33;
	v59 =	vpop (erf)  }
0x197: {  	v4 =	vpsel p3, v4, v5;
	v45 =	vadd.f32 v17, v1;
	v60 =	vadd.f32 v57, v6;
	v17 =	vpop (erf)  }
0x198: {  	v25 =	vadd.f32 @p3 v25, v30;
	v20 =	vpsel p3, v20, v5;
	v61 =	vadd.f32 v58, v16;
	v6 =	vpop (erf)  }
.Ltmp23:
0x199: {  	v0 =	vadd.f32 @p3 v36, v0;
	v30 =	vpsel p3, v31, v5;
	[tilespmem:$0x1FEB0] =	vst v60;
	v62 =	vpop (erf);
	v20 =	vadd.f32 v6, v20;
	(pc) =	sbr.rel @!p2 .LBB2_45-.Ltmp23, $4  }
0x19a: {  	v63 =	vpsel p3, v25, v5;
	v54 =	vadd.f32 v17, v4;
	[tilespmem:$0x1FEC0] =	vst v61;
	v4 =	vpop (erf);
	v15 =	vadd.f32 v62, v30  }
0x19b: {  	v14 =	vadd.f32 v4, v63;
	[tilespmem:$0x1FEA0] =	vst v20  }
0x19c: {  	v0 =	vpsel p3, v0, v5;
	[tilespmem:$0x1FE90] =	vst v15  }
0x19d: {  	v34 =	vimm.f32 $0.0e+00;
	v19 =	vadd.f32 v59, v0;
	[tilespmem:$0x1FE80] =	vst v14  }
0x19e: {  	v0 =	vld [tilespmem:s16+$0x370]  }
0x19f: {  	v1 =	vld [tilespmem:s16+$0x300]  }
0x1a0: {  	v4 =	vld [tilespmem:s16+$0x310];
	p3 =	por $0x1, $0x1  }
.Ltmp24:
0x1a1: {  	v5 =	vld [tilespmem:s16+$0x320];
	(pc) =	sbr.rel @!p3 .LBB2_47-.Ltmp24, $4  }
0x1a2: {  	v30 =	vld [tilespmem:s16+$0x330]  }
0x1a3: {  	v6 =	vld [tilespmem:s16+$0x340];
	v0 =	vmul.f32 $1.442695020e+00, v0  }
0x1a4: {  	v32 =	vld [tilespmem:s16+$0x350];
	v2 =	vmov v7;
	v59 =	vmul.f32 $1.442695020e+00, v1  }
0x1a5: {  	s17 =	simm.s32 $0x400;
	v48 =	vld [tilespmem:s16+$0x360];
	p2 =	por $0x1, $0x1;
	v3 =	vmovc v8;
	v42 =	vmovc v13;
	v43 =	vmov v9;
	v62 =	vmul.f32 $1.442695020e+00, v4;
	(erf) = vpow2.f32 v0  }
0x1a6: {  	v0 =	vld [tilespmem:s17+$0x370];
	v1 =	vmul.f32 $1.442695020e+00, v5;
	(erf) = vpow2.f32 v59  }
0x1a7: {  	v16 =	vmul.f32 $1.442695020e+00, v30;
	(erf) = vpow2.f32 v62  }
0x1a8: {  	v6 =	vmul.f32 $1.442695020e+00, v6;
	(erf) = vpow2.f32 v1  }
0x1a9: {  	v1 =	vmul.f32 $1.442695020e+00, v32;
	(erf) = vpow2.f32 v16  }
0x1aa: {  	v16 =	vmul.f32 $1.442695020e+00, v48;
	(erf) = vpow2.f32 v6  }
0x1ab: {  	v0 =	vmul.f32 $1.442695020e+00, v0;
	(erf) = vpow2.f32 v1  }
0x1ac: {  	(erf) = vpow2.f32 v16  }
0x1ad: {  	(erf) = vpow2.f32 v0;
	_ =	sdelay $0x1  }
0x1ae: {  	v4 =	vld [tilespmem:s17+$0x300]  }
0x1af: {  	v17 =	vld [tilespmem:s17+$0x310];
	p4 =	por $0x1, $0x1  }
.Ltmp25:
0x1b0: {  	v5 =	vld [tilespmem:s17+$0x320];
	(pc) =	sbr.rel @!p4 .LBB2_49-.Ltmp25, $4  }
0x1b1: {  	v30 =	vld [tilespmem:s17+$0x330]  }
0x1b2: {  	v32 =	vld [tilespmem:s17+$0x350]  }
0x1b3: {  	v6 =	vld [tilespmem:s17+$0x340]  }
0x1b4: {  	s16 =	simm.s32 $0x800;
	p3 =	por $0x1, $0x1;
	v48 =	vld [tilespmem:s17+$0x360];
	v59 =	vmul.f32 $1.442695020e+00, v4;
	v62 =	vmul.f32 $1.442695020e+00, v17  }
0x1b5: {  	v0 =	vld [tilespmem:s16+$0x370];
	v1 =	vmul.f32 $1.442695020e+00, v5;
	v4 =	vpop (erf)  }
0x1b6: {  	(erf) = vpow2.f32 v59;
	v17 =	vmul.f32 $1.442695020e+00, v30;
	v31 =	vadd.f32 v4, v34;
	v4 =	vpop (erf)  }
0x1b7: {  	(erf) = vpow2.f32 v62;
	v35 =	vadd.f32 v4, v34;
	v4 =	vmul.f32 $1.442695020e+00, v32  }
0x1b8: {  	v16 =	vld [tilespmem:s16+$0x300];
	v6 =	vmul.f32 $1.442695020e+00, v6;
	(erf) = vpow2.f32 v1  }
0x1b9: {  	v20 =	vld [tilespmem:s16+$0x310];
	p4 =	por $0x1, $0x1;
	v1 =	vpop (erf);
	(erf) = vpow2.f32 v17;
	v17 =	vmul.f32 $1.442695020e+00, v48  }
.Ltmp26:
0x1ba: {  	v5 =	vld [tilespmem:s16+$0x320];
	v56 =	vadd.f32 v1, v34;
	v1 =	vpop (erf);
	(erf) = vpow2.f32 v6;
	v0 =	vmul.f32 $1.442695020e+00, v0;
	(pc) =	sbr.rel @!p4 .LBB2_51-.Ltmp26, $4  }
0x1bb: {  	v30 =	vld [tilespmem:s16+$0x330];
	v57 =	vadd.f32 v1, v34;
	v1 =	vpop (erf);
	(erf) = vpow2.f32 v4  }
0x1bc: {  	v6 =	vld [tilespmem:s16+$0x340];
	v58 =	vadd.f32 v1, v34;
	v1 =	vpop (erf);
	(erf) = vpow2.f32 v17  }
0x1bd: {  	v32 =	vld [tilespmem:s16+$0x350];
	v59 =	vmul.f32 $1.442695020e+00, v16;
	v61 =	vadd.f32 v1, v34;
	v1 =	vpop (erf);
	(erf) = vpow2.f32 v0  }
0x1be: {  	s17 =	simm.s32 $0xC00;
	s18 =	simm.s32 $0x4000;
	p1 =	por $0x1, $0x1;
	v60 =	vimm.f32 $0.0e+00;
	v48 =	vld [tilespmem:s16+$0x360];
	v62 =	vmul.f32 $1.442695020e+00, v20;
	v63 =	vadd.f32 v1, v34;
	v0 =	vpop (erf)  }
.LBB2_52:
0x1bf: {  	p4 =	sne.s32 s18, $0x1F000;
	v1 =	vld [tilespmem:s17+$0x370];
	v7 =	vmul.f32 $1.442695020e+00, v5;
	(erf) = vpow2.f32 v59;
	v5 =	vpop (erf);
	v60 =	vadd.f32 v0, v60  }
0x1c0: {  	v0 =	vld [tilespmem:s17+$0x300];
	v16 =	vmul.f32 $1.442695020e+00, v30;
	(erf) = vpow2.f32 v62;
	v31 =	vadd.f32 v5, v31;
	v5 =	vpop (erf)  }
0x1c1: {  	v17 =	vld [tilespmem:s17+$0x310];
	v6 =	vmul.f32 $1.442695020e+00, v6;
	(erf) = vpow2.f32 v7;
	v35 =	vadd.f32 v5, v35;
	v4 =	vpop (erf)  }
.Ltmp27:
0x1c2: {  	v5 =	vld [tilespmem:s17+$0x320];
	v20 =	vmul.f32 $1.442695020e+00, v32;
	(erf) = vpow2.f32 v16;
	v56 =	vadd.f32 v4, v56;
	v4 =	vpop (erf);
	(pc) =	sbr.rel @p4 .LBB2_52-.Ltmp27, $4  }
0x1c3: {  	v30 =	vld [tilespmem:s17+$0x330];
	v16 =	vmul.f32 $1.442695020e+00, v48;
	(erf) = vpow2.f32 v6;
	v57 =	vadd.f32 v4, v57;
	v4 =	vpop (erf)  }
0x1c4: {  	v6 =	vld [tilespmem:s17+$0x340];
	v1 =	vmul.f32 $1.442695020e+00, v1;
	(erf) = vpow2.f32 v20;
	v58 =	vadd.f32 v4, v58;
	v4 =	vpop (erf)  }
0x1c5: {  	v59 =	vmul.f32 $1.442695020e+00, v0;
	v32 =	vld [tilespmem:s17+$0x350];
	(erf) = vpow2.f32 v16;
	v61 =	vadd.f32 v4, v61;
	v0 =	vpop (erf)  }
0x1c6: {  	v62 =	vmul.f32 $1.442695020e+00, v17;
	v48 =	vld [tilespmem:s17+$0x360];
	s17 =	sshra.s32 s18, $0x2;
	s18 =	sadd.s32 $0x1000, s18;
	(erf) = vpow2.f32 v1;
	v63 =	vadd.f32 v0, v63;
	v0 =	vpop (erf)  }
0x1c7: {  	v47 =	vmov v12;
	v46 =	vmov v11;
	v44 =	vmov v10;
	s16 =	smov.u32 s17  }
.LBB2_54:
0x1c8: {  	v4 =	vmul.f32 @p2 $1.442695020e+00, v5;
	(erf) = vpow2.f32 @p2 v59;
	v5 =	vpop @p3 (erf);
	v0 =	vadd.f32 @p1 v0, v60  }
0x1c9: {  	v1 =	vld [tilespmem:s16+$0x370];
	v17 =	vmul.f32 @p2 $1.442695020e+00, v30;
	(erf) = vpow2.f32 @p2 v62;
	v5 =	vadd.f32 @p3 v5, v31;
	v20 =	vpop @p3 (erf)  }
0x1ca: {  	v16 =	vld [tilespmem:s16+$0x300];
	v6 =	vmul.f32 @p2 $1.442695020e+00, v6;
	(erf) = vpow2.f32 @p2 v4;
	v4 =	vadd.f32 @p3 v20, v35;
	v20 =	vpop @p3 (erf)  }
0x1cb: {  	v25 =	vld [tilespmem:s16+$0x310];
	v30 =	vmul.f32 @p2 $1.442695020e+00, v32;
	(erf) = vpow2.f32 @p2 v17;
	v17 =	vadd.f32 @p3 v20, v56;
	v20 =	vpop @p3 (erf)  }
0x1cc: {  	v31 =	vmul.f32 @p2 $1.442695020e+00, v48;
	(erf) = vpow2.f32 @p2 v6;
	v6 =	vadd.f32 @p3 v20, v57;
	v57 =	vld [tilespmem:s16+$0x320]  }
0x1cd: {  	v33 =	vld [tilespmem:s16+$0x330];
	v20 =	vpop @p3 (erf)  }
0x1ce: {  	v0 =	vpsel p1, v0, v34;
	v1 =	vmul.f32 $1.442695020e+00, v1;
	v20 =	vadd.f32 @p3 v20, v58;
	v58 =	vld [tilespmem:s16+$0x340]  }
0x1cf: {  	v36 =	vld [tilespmem:s16+$0x350];
	s31 =	simm.s32 $0x0;
	v5 =	vpsel p3, v5, v34;
	(erf) = vpow2.f32 @p2 v30;
	v16 =	vmul.f32 $1.442695020e+00, v16;
	v30 =	vpop @p3 (erf)  }
0x1d0: {  	v60 =	vld [tilespmem:s31+$0x3F0];
	v4 =	vpsel p3, v4, v34;
	v25 =	vmul.f32 $1.442695020e+00, v25;
	(erf) = vpow2.f32 @p2 v31;
	v31 =	vpop @p3 (erf)  }
0x1d1: {  	v55 =	vld [tilespmem:s31+$0x3E0];
	(erf) = vpow2.f32 v1;
	v1 =	vadd.f32 @p3 v31, v63;
	v31 =	vpop @p3 (erf);
	v32 =	vmul.f32 $1.442695020e+00, v57  }
0x1d2: {  	v41 =	vld [tilespmem:s16+$0x360];
	v17 =	vpsel p3, v17, v34;
	v33 =	vmul.f32 $1.442695020e+00, v33;
	v31 =	vpsel p3, v31, v0;
	v48 =	vpop @p2 (erf)  }
0x1d3: {  	(erf) = vpow2.f32 v16;
	v16 =	vpop @p2 (erf);
	v0 =	vadd.f32 @p3 v31, v0;
	v31 =	vmul.f32 $1.442695020e+00, v58  }
0x1d4: {  	v59 =	vmul.f32 $1.442695020e+00, v36;
	v30 =	vadd.f32 @p3 v30, v61;
	(erf) = vpow2.f32 v25;
	v25 =	vpop @p2 (erf)  }
0x1d5: {  	v6 =	vpsel p3, v6, v34;
	v36 =	vmul.f32 $1.442695020e+00, v60;
	(erf) = vpow2.f32 v32;
	v32 =	vpop @p2 (erf)  }
0x1d6: {  	v14 =	vmul.f32 $1.442695020e+00, v55;
	v30 =	vpsel p3, v30, v34;
	(erf) = vpow2.f32 v33;
	v33 =	vpop @p2 (erf)  }
0x1d7: {  	v9 =	vld [tilespmem:s31+$0x3D0];
	v4 =	vadd.f32 @p2 v16, v4;
	v16 =	vmul.f32 $1.442695020e+00, v41;
	(erf) = vpow2.f32 v31;
	v31 =	vpop @p2 (erf)  }
0x1d8: {  	v61 =	vld [tilespmem:s31+$0x380];
	v5 =	vadd.f32 @p2 v48, v5;
	v17 =	vadd.f32 @p2 v25, v17;
	(erf) = vpow2.f32 v59;
	v25 =	vpop @p2 (erf)  }
0x1d9: {  	v62 =	vld [tilespmem:s31+$0x3B0];
	v20 =	vpsel p3, v20, v34;
	(erf) = vpow2.f32 v16;
	v16 =	vadd.f32 @p2 v31, v30;
	v30 =	vpop @p2 (erf)  }
0x1da: {  	v1 =	vpsel p3, v1, v34;
	v0 =	vpsel p3, v0, v34;
	v5 =	vpsel p2, v5, v34;
	v31 =	vld [tilespmem:s31+$0x390];
	v10 =	vpop (erf)  }
0x1db: {  	v1 =	vadd.f32 @p2 v25, v1;
	v25 =	vpsel p2, v30, v0;
	v30 =	vld [tilespmem:s31+$0x3A0];
	v5 =	vadd.f32 v10, v5  }
0x1dc: {  	v41 =	vmul.f32 $1.442695020e+00, v9;
	v4 =	vpsel p2, v4, v34;
	v6 =	vadd.f32 @p2 v32, v6  }
0x1dd: {  	v63 =	vld [tilespmem:s31+$0x3C0];
	v17 =	vpsel p2, v17, v34;
	v32 =	vmul.f32 $1.442695020e+00, v61;
	v20 =	vadd.f32 @p2 v33, v20  }
0x1de: {  	s17 =	simm.s32 $0x400;
	v33 =	vmul.f32 $1.442695020e+00, v62;
	v6 =	vpsel p2, v6, v34;
	(erf) = vpow2.f32 v36  }
0x1df: {  	v11 =	vld [tilespmem:s17+$0x3F0];
	v20 =	vpsel p2, v20, v34;
	v0 =	vadd.f32 @p2 v25, v0;
	v25 =	vmul.f32 $1.442695020e+00, v31;
	[tilespmem:$0x1FE70] =	vst v5;
	v5 =	vpop (erf)  }
0x1e0: {  	v12 =	vld [tilespmem:s17+$0x380];
	(erf) = vpow2.f32 v32;
	v30 =	vmul.f32 $1.442695020e+00, v30;
	v5 =	vadd.f32 v5, v4;
	v4 =	vpop (erf)  }
0x1e1: {  	v16 =	vpsel p2, v16, v34;
	(erf) = vpow2.f32 v25;
	v32 =	vadd.f32 v4, v17;
	v4 =	vpop (erf);
	v17 =	vld [tilespmem:s17+$0x390]  }
0x1e2: {  	v13 =	vld [tilespmem:s17+$0x3A0];
	v25 =	vmul.f32 $1.442695020e+00, v63;
	(erf) = vpow2.f32 v30;
	v31 =	vadd.f32 v4, v6;
	v4 =	vpop (erf)  }
0x1e3: {  	v1 =	vpsel p2, v1, v34;
	(erf) = vpow2.f32 v33;
	v30 =	vadd.f32 v4, v20;
	v4 =	vpop (erf);
	v20 =	vld [tilespmem:s17+$0x3B0]  }
0x1e4: {  	v50 =	vld [tilespmem:s17+$0x3E0];
	(erf) = vpow2.f32 v25;
	v25 =	vmul.f32 $1.442695020e+00, v11;
	v6 =	vadd.f32 v4, v16;
	v4 =	vpop (erf)  }
0x1e5: {  	v16 =	vld [tilespmem:s17+$0x3C0];
	(erf) = vpow2.f32 v41;
	v58 =	vadd.f32 v4, v1;
	v1 =	vmul.f32 $1.442695020e+00, v12  }
0x1e6: {  	s18 =	simm.s32 $0x800;
	v0 =	vpsel p2, v0, v34;
	v4 =	vld [tilespmem:s17+$0x3D0];
	(erf) = vpow2.f32 v14;
	v49 =	vpop (erf);
	v17 =	vmul.f32 $1.442695020e+00, v17  }
0x1e7: {  	(erf) = vpow2.f32 v25;
	v59 =	vadd.f32 v49, v0;
	v0 =	vld [tilespmem:s18+$0x3F0];
	v25 =	vmul.f32 $1.442695020e+00, v13  }
0x1e8: {  	(erf) = vpow2.f32 v1;
	v20 =	vmul.f32 $1.442695020e+00, v20  }
0x1e9: {  	v36 =	vmul.f32 $1.442695020e+00, v50;
	(erf) = vpow2.f32 v17;
	v1 =	vpop (erf)  }
0x1ea: {  	v52 =	vld [tilespmem:s18+$0x380];
	v17 =	vmul.f32 $1.442695020e+00, v16;
	(erf) = vpow2.f32 v25;
	v35 =	vadd.f32 v1, v34;
	v1 =	vpop (erf)  }
0x1eb: {  	v53 =	vld [tilespmem:s18+$0x390];
	v4 =	vmul.f32 $1.442695020e+00, v4;
	(erf) = vpow2.f32 v20;
	v16 =	vpop (erf)  }
0x1ec: {  	v56 =	vadd.f32 v1, v34;
	v1 =	vld [tilespmem:s18+$0x3A0];
	v0 =	vmul.f32 $1.442695020e+00, v0;
	v20 =	vpop (erf);
	(erf) = vpow2.f32 v17  }
0x1ed: {  	v57 =	vadd.f32 v16, v34;
	v16 =	vld [tilespmem:s18+$0x3B0];
	v60 =	vadd.f32 v20, v34;
	v20 =	vpop (erf);
	(erf) = vpow2.f32 v4  }
0x1ee: {  	v17 =	vld [tilespmem:s18+$0x3C0];
	v61 =	vadd.f32 v20, v34;
	v20 =	vpop (erf);
	(erf) = vpow2.f32 v36  }
0x1ef: {  	v25 =	vmul.f32 $1.442695020e+00, v52;
	v4 =	vld [tilespmem:s18+$0x3D0];
	v63 =	vpop (erf);
	(erf) = vpow2.f32 v0  }
0x1f0: {  	s16 =	simm.s32 $0xC00;
	v33 =	vmul.f32 $1.442695020e+00, v53;
	s17 =	simm.s32 $0x4000;
	v62 =	vadd.f32 v20, v34;
	v20 =	vld [tilespmem:s18+$0x3E0];
	v63 =	vadd.f32 v63, v34;
	v0 =	vpop (erf)  }
.LBB2_55:
0x1f1: {  	p1 =	sne.s32 s17, $0x1F000;
	v36 =	vld [tilespmem:s16+$0x3F0];
	v1 =	vmul.f32 $1.442695020e+00, v1;
	(erf) = vpow2.f32 v25;
	v25 =	vpop (erf);
	v34 =	vadd.f32 v0, v34  }
0x1f2: {  	v0 =	vld [tilespmem:s16+$0x380];
	v16 =	vmul.f32 $1.442695020e+00, v16;
	(erf) = vpow2.f32 v33;
	v35 =	vadd.f32 v25, v35;
	v25 =	vpop (erf)  }
0x1f3: {  	v33 =	vld [tilespmem:s16+$0x390];
	v17 =	vmul.f32 $1.442695020e+00, v17;
	(erf) = vpow2.f32 v1;
	v56 =	vadd.f32 v25, v56;
	v25 =	vpop (erf)  }
.Ltmp28:
0x1f4: {  	v1 =	vld [tilespmem:s16+$0x3A0];
	v4 =	vmul.f32 $1.442695020e+00, v4;
	(erf) = vpow2.f32 v16;
	v57 =	vadd.f32 v25, v57;
	v25 =	vpop (erf);
	(pc) =	sbr.rel @p1 .LBB2_55-.Ltmp28, $4  }
0x1f5: {  	v16 =	vld [tilespmem:s16+$0x3B0];
	v20 =	vmul.f32 $1.442695020e+00, v20;
	(erf) = vpow2.f32 v17;
	v60 =	vadd.f32 v25, v60;
	v25 =	vpop (erf)  }
0x1f6: {  	v17 =	vld [tilespmem:s16+$0x3C0];
	v36 =	vmul.f32 $1.442695020e+00, v36;
	(erf) = vpow2.f32 v4;
	v61 =	vadd.f32 v25, v61;
	v41 =	vpop (erf)  }
0x1f7: {  	v25 =	vmul.f32 $1.442695020e+00, v0;
	v4 =	vld [tilespmem:s16+$0x3D0];
	(erf) = vpow2.f32 v20;
	v62 =	vadd.f32 v41, v62;
	v0 =	vpop (erf)  }
0x1f8: {  	v33 =	vmul.f32 $1.442695020e+00, v33;
	v20 =	vld [tilespmem:s16+$0x3E0];
	s16 =	sshra.s32 s17, $0x2;
	s17 =	sadd.s32 $0x1000, s17;
	(erf) = vpow2.f32 v36;
	v63 =	vadd.f32 v0, v63;
	v0 =	vpop (erf)  }
0x1f9: {  	v36 =	vld [tilespmem:s16+$0x3F0];
	v1 =	vmul.f32 $1.442695020e+00, v1  }
0x1fa: {  	v41 =	vld [tilespmem:s16+$0x380];
	v16 =	vmul.f32 $1.442695020e+00, v16  }
0x1fb: {  	(erf) = vpow2.f32 v25;
	v25 =	vpop (erf);
	v48 =	vld [tilespmem:s16+$0x390];
	v17 =	vmul.f32 $1.442695020e+00, v17  }
0x1fc: {  	v55 =	vld [tilespmem:s16+$0x3A0];
	(erf) = vpow2.f32 v33;
	v33 =	vpop (erf);
	v4 =	vmul.f32 $1.442695020e+00, v4  }
0x1fd: {  	v50 =	vld [tilespmem:s16+$0x3B0];
	(erf) = vpow2.f32 v1;
	v1 =	vpop (erf);
	v20 =	vmul.f32 $1.442695020e+00, v20  }
0x1fe: {  	v52 =	vld [tilespmem:s16+$0x3C0];
	(erf) = vpow2.f32 v16;
	v16 =	vpop (erf);
	v36 =	vmul.f32 $1.442695020e+00, v36  }
0x1ff: {  	v53 =	vld [tilespmem:s16+$0x3D0];
	(erf) = vpow2.f32 v17;
	v41 =	vmul.f32 $1.442695020e+00, v41;
	v17 =	vpop (erf)  }
0x200: {  	v49 =	vld [tilespmem:s16+$0x3E0];
	v48 =	vmul.f32 $1.442695020e+00, v48;
	(erf) = vpow2.f32 v4;
	v4 =	vpop (erf)  }
0x201: {  	v55 =	vmul.f32 $1.442695020e+00, v55;
	(erf) = vpow2.f32 v20;
	v20 =	vpop (erf)  }
0x202: {  	v50 =	vmul.f32 $1.442695020e+00, v50;
	(erf) = vpow2.f32 v36;
	v36 =	vpop (erf)  }
0x203: {  	v52 =	vmul.f32 $1.442695020e+00, v52;
	(erf) = vpow2.f32 v41;
	v41 =	vpop (erf)  }
0x204: {  	v53 =	vmul.f32 $1.442695020e+00, v53;
	(erf) = vpow2.f32 v48;
	v48 =	vpop (erf)  }
0x205: {  	v49 =	vmul.f32 $1.442695020e+00, v49;
	(erf) = vpow2.f32 v55;
	v55 =	vpop (erf)  }
0x206: {  	(erf) = vpow2.f32 v50;
	v50 =	vpop (erf)  }
0x207: {  	(erf) = vpow2.f32 v52;
	v52 =	vpop (erf)  }
0x208: {  	(erf) = vpow2.f32 v53;
	v53 =	vpop (erf)  }
0x209: {  	(erf) = vpow2.f32 v49;
	v49 =	vpop (erf)  }
0x20a: {  	v7 =	vpop (erf)  }
0x20b: {  	v8 =	vpop (erf)  }
0x20c: {  	v9 =	vpop (erf)  }
0x20d: {  	v10 =	vpop (erf)  }
0x20e: {  	v11 =	vpop (erf)  }
0x20f: {  	v12 =	vpop (erf)  }
0x210: {  	v13 =	vpop (erf)  }
0x211: {  	v0 =	vadd.f32 v0, v34;
	v14 =	vpop (erf)  }
0x212: {  	v25 =	vadd.f32 v25, v35;
	v1 =	vadd.f32 v1, v57;
	v15 =	vpop (erf)  }
0x213: {  	v0 =	vadd.f32 v36, v0;
	_ =	swait.ge [sflag:s12], $0x8000  }
0x214: {  	v25 =	vadd.f32 v41, v25;
	v1 =	vadd.f32 v55, v1;
	[sflag:s12] =	ssyncset.done $0x0;
	v55 =	vld [tilespmem:$0x1FF70]  }
0x215: {  	s30 =	simm.s32 $0x0;
	s31 =	simm.s32 $0x0;
	v33 =	vadd.f32 v33, v56;
	v56 =	vld [tilespmem:$0x1FFF0];
	[sflag:s12] =	ssyncadd.s32 $0xFFFF8000  }
0x216: {  	v0 =	vadd.f32 v7, v0;
	v7 =	vadd.f32 v8, v25;
	v8 =	vld [tilespmem:$0x1FFE0];
	[tilespmem:s30], [sflag:$0x1] =	stream.linear.gather [hbm4b:s7+s30], $0x8000, $0x38  }
0x217: {  	v4 =	vadd.f32 v4, v62;
	v20 =	vadd.f32 v20, v63;
	v63 =	vld [tilespmem:s31+$0x8070]  }
0x218: {  	v16 =	vadd.f32 v16, v60;
	v36 =	vld [tilespmem:s31+$0x8000]  }
0x219: {  	v17 =	vadd.f32 v17, v61;
	v4 =	vadd.f32 v53, v4;
	v53 =	vld [tilespmem:s31+$0x8010]  }
0x21a: {  	v33 =	vadd.f32 v48, v33;
	v57 =	vld [tilespmem:s31+$0x8020];
	v48 =	vadd.f32 v55, v56  }
0x21b: {  	v16 =	vadd.f32 v50, v16;
	v17 =	vadd.f32 v52, v17;
	[tilespmem:$0x1FE60] =	vst v7;
	v7 =	vld [tilespmem:s31+$0x8030]  }
0x21c: {  	v34 =	vadd.f32 v9, v33;
	v9 =	vld [tilespmem:s31+$0x8040];
	v8 =	vadd.f32 v8, v48  }
0x21d: {  	v35 =	vadd.f32 v10, v1;
	v60 =	vadd.f32 v11, v16;
	v10 =	vld [tilespmem:s31+$0x8050];
	v25 =	vmul.f32 $1.442695020e+00, v63  }
0x21e: {  	s17 =	simm.s32 $0x400;
	v16 =	vld [tilespmem:s31+$0x8060];
	v1 =	vmul.f32 $1.442695020e+00, v36;
	v11 =	vmul.f32 $1.442695020e+00, v53;
	v8 =	vadd.f32 v43, v8  }
0x21f: {  	v61 =	vadd.f32 v12, v17;
	v48 =	vld [tilespmem:s17+$0x8070];
	v17 =	vmul.f32 $1.442695020e+00, v57;
	(erf) = vpow2.f32 v25  }
0x220: {  	v7 =	vmul.f32 $1.442695020e+00, v7;
	(erf) = vpow2.f32 v1;
	v1 =	vadd.f32 v26, v8;
	v8 =	vld [tilespmem:s17+$0x8000]  }
0x221: {  	v57 =	vadd.f32 v13, v4;
	v4 =	vld [tilespmem:s17+$0x8010];
	v9 =	vmul.f32 $1.442695020e+00, v9;
	(erf) = vpow2.f32 v11  }
0x222: {  	v10 =	vmul.f32 $1.442695020e+00, v10;
	v11 =	vld [tilespmem:s17+$0x8020];
	(erf) = vpow2.f32 v17;
	v1 =	vadd.f32 v18, v1  }
0x223: {  	v50 =	vmul.f32 $1.442695020e+00, v16;
	(erf) = vpow2.f32 v7;
	v7 =	vld [tilespmem:s17+$0x8030]  }
0x224: {  	v12 =	vmul.f32 $1.442695020e+00, v48;
	(erf) = vpow2.f32 v9;
	v1 =	vadd.f32 v3, v1;
	v9 =	vld [tilespmem:s17+$0x8040]  }
0x225: {  	(erf) = vpow2.f32 v10;
	v8 =	vmul.f32 $1.442695020e+00, v8;
	v10 =	vld [tilespmem:s17+$0x8050]  }
0x226: {  	(erf) = vpow2.f32 v50;
	v55 =	vadd.f32 v2, v1;
	v1 =	vmul.f32 $1.442695020e+00, v4  }
0x227: {  	s18 =	simm.s32 $0x800;
	v4 =	vld [tilespmem:s17+$0x8060];
	v11 =	vmul.f32 $1.442695020e+00, v11;
	(erf) = vpow2.f32 v12  }
0x228: {  	v52 =	vadd.f32 v15, v0;
	v62 =	vld [tilespmem:s18+$0x8070];
	(erf) = vpow2.f32 v8;
	v7 =	vmul.f32 $1.442695020e+00, v7  }
0x229: {  	v0 =	vimm.f32 $0.0e+00;
	v63 =	vld [tilespmem:s18+$0x8000];
	v8 =	vpop (erf);
	(erf) = vpow2.f32 v1;
	v9 =	vmul.f32 $1.442695020e+00, v9  }
0x22a: {  	v1 =	vadd.f32 v8, v0;
	v8 =	vpop (erf);
	(erf) = vpow2.f32 v11;
	v10 =	vmul.f32 $1.442695020e+00, v10  }
0x22b: {  	v20 =	vadd.f32 v49, v20;
	v15 =	vld [tilespmem:s18+$0x8010];
	v8 =	vadd.f32 v8, v55;
	v11 =	vpop (erf);
	(erf) = vpow2.f32 v7  }
0x22c: {  	v55 =	vld [tilespmem:s18+$0x8020];
	v49 =	vadd.f32 v11, v0;
	v7 =	vpop (erf);
	v11 =	vmul.f32 $1.442695020e+00, v4;
	(erf) = vpow2.f32 v9  }
0x22d: {  	v16 =	vld [tilespmem:s18+$0x8030];
	v9 =	vmul.f32 $1.442695020e+00, v62;
	v4 =	vpop (erf);
	(erf) = vpow2.f32 v10  }
0x22e: {  	v17 =	vld [tilespmem:s18+$0x8040];
	v50 =	vadd.f32 v7, v0;
	v7 =	vmul.f32 $1.442695020e+00, v63;
	v10 =	vpop (erf);
	(erf) = vpow2.f32 v11  }
0x22f: {  	v53 =	vadd.f32 v4, v0;
	v4 =	vld [tilespmem:s18+$0x8050];
	v62 =	vadd.f32 v10, v0;
	v10 =	vpop (erf);
	(erf) = vpow2.f32 v9  }
0x230: {  	s16 =	simm.s32 $0xC00;
	v56 =	vadd.f32 v14, v20;
	v20 =	vld [tilespmem:s18+$0x8060];
	v33 =	vmul.f32 $1.442695020e+00, v15;
	s17 =	simm.s32 $0x4000;
	v63 =	vadd.f32 v10, v0;
	v25 =	vpop (erf)  }
.LBB2_57:
0x231: {  	p1 =	sne.s32 s17, $0x1F000;
	v9 =	vld [tilespmem:s16+$0x8070];
	v10 =	vmul.f32 $1.442695020e+00, v55;
	(erf) = vpow2.f32 v7;
	v7 =	vpop (erf);
	v0 =	vadd.f32 v25, v0  }
0x232: {  	v11 =	vld [tilespmem:s16+$0x8000];
	v12 =	vmul.f32 $1.442695020e+00, v16;
	(erf) = vpow2.f32 v33;
	v1 =	vadd.f32 v7, v1;
	v7 =	vpop (erf)  }
0x233: {  	v13 =	vld [tilespmem:s16+$0x8010];
	v14 =	vmul.f32 $1.442695020e+00, v17;
	(erf) = vpow2.f32 v10;
	v8 =	vadd.f32 v7, v8;
	v7 =	vpop (erf)  }
.Ltmp29:
0x234: {  	v55 =	vld [tilespmem:s16+$0x8020];
	v4 =	vmul.f32 $1.442695020e+00, v4;
	(erf) = vpow2.f32 v12;
	v49 =	vadd.f32 v7, v49;
	v7 =	vpop (erf);
	(pc) =	sbr.rel @p1 .LBB2_57-.Ltmp29, $4  }
0x235: {  	v16 =	vld [tilespmem:s16+$0x8030];
	v2 =	vmul.f32 $1.442695020e+00, v20;
	(erf) = vpow2.f32 v14;
	v50 =	vadd.f32 v7, v50;
	v7 =	vpop (erf)  }
0x236: {  	v17 =	vld [tilespmem:s16+$0x8040];
	v9 =	vmul.f32 $1.442695020e+00, v9;
	(erf) = vpow2.f32 v4;
	v53 =	vadd.f32 v7, v53;
	v12 =	vpop (erf)  }
0x237: {  	v7 =	vmul.f32 $1.442695020e+00, v11;
	v4 =	vld [tilespmem:s16+$0x8050];
	(erf) = vpow2.f32 v2;
	v62 =	vadd.f32 v12, v62;
	v10 =	vpop (erf)  }
0x238: {  	v33 =	vmul.f32 $1.442695020e+00, v13;
	v20 =	vld [tilespmem:s16+$0x8060];
	s16 =	sshra.s32 s17, $0x2;
	s17 =	sadd.s32 $0x1000, s17;
	(erf) = vpow2.f32 v9;
	v63 =	vadd.f32 v10, v63;
	v25 =	vpop (erf)  }
0x239: {  	v9 =	vld [tilespmem:s16+$0x8070];
	v10 =	vmul.f32 $1.442695020e+00, v55  }
0x23a: {  	(erf) = vpow2.f32 v7;
	v11 =	vld [tilespmem:s16+$0x8000];
	v12 =	vmul.f32 $1.442695020e+00, v16  }
0x23b: {  	v7 =	vpop (erf);
	v14 =	vld [tilespmem:s16+$0x8010];
	(erf) = vpow2.f32 v33;
	v15 =	vmul.f32 $1.442695020e+00, v17  }
0x23c: {  	v13 =	vpop (erf);
	v16 =	vld [tilespmem:s16+$0x8020];
	(erf) = vpow2.f32 v10;
	v4 =	vmul.f32 $1.442695020e+00, v4  }
0x23d: {  	v43 =	vpop (erf);
	(erf) = vpow2.f32 v12;
	v17 =	vmul.f32 $1.442695020e+00, v20  }
0x23e: {  	v20 =	vld [tilespmem:s16+$0x8030];
	v12 =	vpop (erf);
	(erf) = vpow2.f32 v15  }
0x23f: {  	v9 =	vmul.f32 $1.442695020e+00, v9;
	v11 =	vmul.f32 $1.442695020e+00, v11;
	v15 =	vpop (erf)  }
0x240: {  	v14 =	vmul.f32 $1.442695020e+00, v14;
	(erf) = vpow2.f32 v4;
	v4 =	vpop (erf)  }
0x241: {  	v1 =	vadd.f32 v7, v1;
	v7 =	vmul.f32 $1.442695020e+00, v16;
	(erf) = vpow2.f32 v17;
	v17 =	vpop (erf)  }
0x242: {  	(erf) = vpow2.f32 v9;
	v48 =	vpop (erf)  }
0x243: {  	(erf) = vpow2.f32 v11;
	v20 =	vmul.f32 $1.442695020e+00, v20;
	v55 =	vpop (erf)  }
0x244: {  	v8 =	vadd.f32 v13, v8;
	v13 =	vld [tilespmem:s16+$0x8050];
	(erf) = vpow2.f32 v14;
	v14 =	vpop (erf)  }
0x245: {  	v16 =	vld [tilespmem:s16+$0x8060];
	(erf) = vpow2.f32 v7;
	v7 =	vpop (erf)  }
0x246: {  	v4 =	vadd.f32 v4, v62;
	v62 =	vpop (erf)  }
0x247: {  	v2 =	vld [tilespmem:$0x1FFC0];
	(erf) = vpow2.f32 v20;
	v20 =	vpop (erf)  }
0x248: {  	v3 =	vld [tilespmem:$0x1FFD0];
	v17 =	vadd.f32 v17, v63;
	v63 =	vpop (erf)  }
0x249: {  	v36 =	vmul.f32 $1.442695020e+00, v13;
	v13 =	vpop (erf)  }
0x24a: {  	v10 =	vadd.f32 v43, v49;
	v15 =	vadd.f32 v15, v53;
	v41 =	vmul.f32 $1.442695020e+00, v16;
	v16 =	vpop (erf)  }
0x24b: {  	v12 =	vadd.f32 v12, v50;
	v8 =	vadd.f32 v14, v8;
	v50 =	vpop (erf)  }
0x24c: {  	v43 =	vadd.f32 v20, v15;
	v17 =	vadd.f32 v13, v17;
	v13 =	vpop (erf)  }
0x24d: {  	v20 =	vadd.f32 v3, v2;
	v2 =	vadd.f32 v13, v8  }
0x24e: {  	v0 =	vadd.f32 v25, v0;
	v25 =	vld [tilespmem:s16+$0x8040]  }
0x24f: {  	[tilespmem:$0x1FE00] =	vst v2;
	v2 =	vld [tilespmem:$0x1FFB0]  }
0x250: {  	v1 =	vadd.f32 v55, v1;
	_ =	sdelay $0x1  }
0x251: {  	v1 =	vadd.f32 v50, v1;
	_ =	sdelay $0x1  }
0x252: {  	v25 =	vmul.f32 $1.442695020e+00, v25;
	v12 =	vadd.f32 v62, v12;
	v62 =	vadd.f32 v2, v20;
	v2 =	vld [tilespmem:$0x1FFA0]  }
0x253: {  	s31 =	simm.s32 $0x0  }
0x254: {  	v7 =	vadd.f32 v7, v10;
	(erf) = vpow2.f32 v25;
	v25 =	vld [tilespmem:s31+$0x8080];
	[tilespmem:$0x1FDF0] =	vst v1;
	v1 =	vpop (erf)  }
0x255: {  	v0 =	vadd.f32 v48, v0;
	v14 =	vld [tilespmem:s31+$0x80F0];
	v8 =	vpop (erf)  }
0x256: {  	v53 =	vld [tilespmem:s31+$0x80A0];
	v49 =	vadd.f32 v1, v7;
	v1 =	vadd.f32 v8, v12;
	v8 =	vpop (erf)  }
0x257: {  	v15 =	vld [tilespmem:s31+$0x8090];
	v10 =	vadd.f32 v2, v62;
	v2 =	vadd.f32 v8, v43  }
0x258: {  	(erf) = vpow2.f32 v36;
	v0 =	vadd.f32 v16, v0;
	v16 =	vld [tilespmem:s31+$0x80C0];
	[tilespmem:$0x1FE10] =	vst v1  }
0x259: {  	(erf) = vpow2.f32 v41;
	v1 =	vmul.f32 $1.442695020e+00, v25;
	[tilespmem:$0x1FE20] =	vst v2;
	v2 =	vld [tilespmem:$0x1FF90]  }
0x25a: {  	v55 =	vld [tilespmem:s31+$0x80B0];
	v14 =	vmul.f32 $1.442695020e+00, v14;
	_ =	sdelay $0x1  }
0x25b: {  	v4 =	vadd.f32 v63, v4;
	v15 =	vmul.f32 $1.442695020e+00, v15;
	(erf) = vpow2.f32 v14;
	v7 =	vld [tilespmem:s31+$0x80D0]  }
0x25c: {  	v14 =	vmul.f32 $1.442695020e+00, v53;
	v20 =	vld [tilespmem:s31+$0x80E0];
	(erf) = vpow2.f32 v1;
	v1 =	vpop (erf)  }
0x25d: {  	s17 =	simm.s32 $0x400;
	v1 =	vadd.f32 v1, v4;
	v4 =	vmul.f32 $1.442695020e+00, v16;
	v10 =	vadd.f32 v2, v10;
	v2 =	vld [tilespmem:$0x1FF80]  }
0x25e: {  	v9 =	vmul.f32 $1.442695020e+00, v55;
	v25 =	vld [tilespmem:s17+$0x8080];
	(erf) = vpow2.f32 v15  }
0x25f: {  	(erf) = vpow2.f32 v14;
	v8 =	vld [tilespmem:s17+$0x80F0]  }
0x260: {  	v14 =	vpop (erf);
	(erf) = vpow2.f32 v9  }
0x261: {  	v7 =	vmul.f32 $1.442695020e+00, v7;
	[tilespmem:$0x1FE30] =	vst v1;
	v1 =	vld [tilespmem:s17+$0x8090];
	(erf) = vpow2.f32 v4;
	v4 =	vpop (erf)  }
0x262: {  	v16 =	vld [tilespmem:s17+$0x80A0];
	v0 =	vadd.f32 v4, v0;
	v15 =	vadd.f32 v2, v10  }
0x263: {  	(erf) = vpow2.f32 v7;
	v2 =	vadd.f32 v14, v17;
	v14 =	vld [tilespmem:s17+$0x80B0];
	v17 =	vmul.f32 $1.442695020e+00, v20  }
0x264: {  	v8 =	vmul.f32 $1.442695020e+00, v8;
	[tilespmem:$0x1FE50] =	vst v0;
	v0 =	vmul.f32 $1.442695020e+00, v25;
	v20 =	vld [tilespmem:s17+$0x80C0];
	v15 =	vadd.f32 v21, v15  }
0x265: {  	v4 =	vld [tilespmem:s17+$0x80D0];
	(erf) = vpow2.f32 v17  }
0x266: {  	s18 =	simm.s32 $0x800;
	v25 =	vld [tilespmem:s17+$0x80E0];
	(erf) = vpow2.f32 v8;
	v7 =	vadd.f32 v42, v15;
	v15 =	vmul.f32 $1.442695020e+00, v1  }
0x267: {  	v16 =	vmul.f32 $1.442695020e+00, v16;
	v8 =	vld [tilespmem:s18+$0x80F0];
	(erf) = vpow2.f32 v0  }
0x268: {  	v1 =	vimm.f32 $0.0e+00;
	v0 =	vpop (erf);
	v17 =	vmul.f32 $1.442695020e+00, v14;
	(erf) = vpow2.f32 v15  }
0x269: {  	v63 =	vld [tilespmem:s18+$0x8080];
	v14 =	vadd.f32 v0, v1;
	v0 =	vpop (erf);
	v20 =	vmul.f32 $1.442695020e+00, v20;
	(erf) = vpow2.f32 v16  }
0x26a: {  	v36 =	vld [tilespmem:s18+$0x8090];
	v4 =	vmul.f32 $1.442695020e+00, v4;
	v15 =	vadd.f32 v0, v7;
	v0 =	vpop (erf);
	(erf) = vpow2.f32 v17  }
0x26b: {  	v25 =	vmul.f32 $1.442695020e+00, v25;
	v16 =	vld [tilespmem:s18+$0x80A0];
	v50 =	vadd.f32 v0, v1;
	v0 =	vpop (erf);
	(erf) = vpow2.f32 v20  }
0x26c: {  	v17 =	vld [tilespmem:s18+$0x80B0];
	v53 =	vadd.f32 v0, v1;
	v0 =	vpop (erf);
	v8 =	vmul.f32 $1.442695020e+00, v8;
	(erf) = vpow2.f32 v4  }
0x26d: {  	v20 =	vld [tilespmem:s18+$0x80C0];
	v55 =	vadd.f32 v0, v1;
	v0 =	vpop (erf);
	(erf) = vpow2.f32 v25  }
0x26e: {  	v7 =	vmul.f32 $1.442695020e+00, v63;
	v4 =	vld [tilespmem:s18+$0x80D0];
	v62 =	vadd.f32 v0, v1;
	v0 =	vpop (erf);
	(erf) = vpow2.f32 v8  }
0x26f: {  	s16 =	simm.s32 $0xC00;
	v33 =	vmul.f32 $1.442695020e+00, v36;
	s17 =	simm.s32 $0x4000;
	[tilespmem:$0x1FE40] =	vst v2;
	v25 =	vld [tilespmem:s18+$0x80E0];
	v63 =	vadd.f32 v0, v1;
	v0 =	vpop (erf)  }
.LBB2_59:
0x270: {  	p1 =	sne.s32 s17, $0x1F000;
	v8 =	vld [tilespmem:s16+$0x80F0];
	v16 =	vmul.f32 $1.442695020e+00, v16;
	(erf) = vpow2.f32 v7;
	v7 =	vpop (erf);
	v1 =	vadd.f32 v0, v1  }
0x271: {  	v0 =	vld [tilespmem:s16+$0x8080];
	v17 =	vmul.f32 $1.442695020e+00, v17;
	(erf) = vpow2.f32 v33;
	v14 =	vadd.f32 v7, v14;
	v7 =	vpop (erf)  }
0x272: {  	v33 =	vld [tilespmem:s16+$0x8090];
	v20 =	vmul.f32 $1.442695020e+00, v20;
	(erf) = vpow2.f32 v16;
	v15 =	vadd.f32 v7, v15;
	v7 =	vpop (erf)  }
.Ltmp30:
0x273: {  	v16 =	vld [tilespmem:s16+$0x80A0];
	v4 =	vmul.f32 $1.442695020e+00, v4;
	(erf) = vpow2.f32 v17;
	v50 =	vadd.f32 v7, v50;
	v7 =	vpop (erf);
	(pc) =	sbr.rel @p1 .LBB2_59-.Ltmp30, $4  }
0x274: {  	v17 =	vld [tilespmem:s16+$0x80B0];
	v25 =	vmul.f32 $1.442695020e+00, v25;
	(erf) = vpow2.f32 v20;
	v53 =	vadd.f32 v7, v53;
	v7 =	vpop (erf)  }
0x275: {  	v20 =	vld [tilespmem:s16+$0x80C0];
	v8 =	vmul.f32 $1.442695020e+00, v8;
	(erf) = vpow2.f32 v4;
	v55 =	vadd.f32 v7, v55;
	v36 =	vpop (erf)  }
0x276: {  	v7 =	vmul.f32 $1.442695020e+00, v0;
	v4 =	vld [tilespmem:s16+$0x80D0];
	(erf) = vpow2.f32 v25;
	v62 =	vadd.f32 v36, v62;
	v0 =	vpop (erf)  }
0x277: {  	v33 =	vmul.f32 $1.442695020e+00, v33;
	v25 =	vld [tilespmem:s16+$0x80E0];
	s16 =	sshra.s32 s17, $0x2;
	s17 =	sadd.s32 $0x1000, s17;
	(erf) = vpow2.f32 v8;
	v63 =	vadd.f32 v0, v63;
	v0 =	vpop (erf)  }
0x278: {  	v8 =	vld [tilespmem:s16+$0x80F0];
	v16 =	vmul.f32 $1.442695020e+00, v16  }
0x279: {  	v17 =	vmul.f32 $1.442695020e+00, v17  }
0x27a: {  	(erf) = vpow2.f32 v7;
	v7 =	vpop (erf);
	v41 =	vld [tilespmem:s16+$0x8090];
	v20 =	vmul.f32 $1.442695020e+00, v20  }
0x27b: {  	v36 =	vld [tilespmem:s16+$0x8080];
	(erf) = vpow2.f32 v33;
	v33 =	vpop (erf);
	v4 =	vmul.f32 $1.442695020e+00, v4  }
0x27c: {  	v48 =	vld [tilespmem:s16+$0x80A0];
	(erf) = vpow2.f32 v16;
	v16 =	vpop (erf);
	v25 =	vmul.f32 $1.442695020e+00, v25  }
0x27d: {  	v18 =	vld [tilespmem:s16+$0x80B0];
	(erf) = vpow2.f32 v17;
	v17 =	vpop (erf);
	v8 =	vmul.f32 $1.442695020e+00, v8  }
0x27e: {  	(erf) = vpow2.f32 v20;
	v20 =	vpop (erf)  }
0x27f: {  	v0 =	vadd.f32 v0, v1;
	v1 =	vld [tilespmem:s16+$0x80C0];
	v41 =	vmul.f32 $1.442695020e+00, v41;
	(erf) = vpow2.f32 v4;
	v4 =	vpop (erf)  }
0x280: {  	v36 =	vmul.f32 $1.442695020e+00, v36;
	(erf) = vpow2.f32 v25;
	v25 =	vpop (erf)  }
0x281: {  	v10 =	vmul.f32 $1.442695020e+00, v48;
	(erf) = vpow2.f32 v8;
	v8 =	vpop (erf)  }
0x282: {  	v15 =	vadd.f32 v33, v15;
	v33 =	vld [tilespmem:s16+$0x80D0];
	v18 =	vmul.f32 $1.442695020e+00, v18;
	(erf) = vpow2.f32 v36;
	v11 =	vpop (erf)  }
0x283: {  	v43 =	vld [tilespmem:s16+$0x80E0];
	v23 =	vadd.f32 v24, v23;
	(erf) = vpow2.f32 v41;
	v41 =	vpop (erf)  }
0x284: {  	v1 =	vmul.f32 $1.442695020e+00, v1;
	v17 =	vadd.f32 v17, v53;
	(erf) = vpow2.f32 v10;
	v53 =	vpop (erf)  }
0x285: {  	v7 =	vadd.f32 v7, v14;
	v4 =	vadd.f32 v4, v62;
	v62 =	vpop (erf);
	(erf) = vpow2.f32 v18  }
0x286: {  	v16 =	vadd.f32 v16, v50;
	v25 =	vadd.f32 v25, v63;
	v18 =	vpop (erf)  }
0x287: {  	s31 =	simm.s32 $0x0;
	v33 =	vmul.f32 $1.442695020e+00, v33;
	v0 =	vadd.f32 v8, v0;
	v7 =	vadd.f32 v11, v7;
	v8 =	vpop (erf)  }
0x288: {  	v14 =	vadd.f32 v53, v16;
	v16 =	vmul.f32 $1.442695020e+00, v43;
	v43 =	vld [tilespmem:s31+$0x8100];
	(erf) = vpow2.f32 v1;
	v1 =	vpop (erf)  }
0x289: {  	v20 =	vadd.f32 v20, v55;
	v63 =	vld [tilespmem:s31+$0x8170];
	v15 =	vadd.f32 v41, v15;
	v13 =	vpop (erf)  }
0x28a: {  	v24 =	vld [tilespmem:s31+$0x8120];
	v17 =	vadd.f32 v62, v17;
	v4 =	vadd.f32 v8, v4;
	(erf) = vpow2.f32 v33;
	v8 =	vpop (erf)  }
0x28b: {  	v18 =	vadd.f32 v18, v20;
	v20 =	vld [tilespmem:s31+$0x8110];
	v1 =	vadd.f32 v1, v25;
	v25 =	vpop (erf)  }
0x28c: {  	(erf) = vpow2.f32 v16;
	v2 =	vadd.f32 v8, v7;
	v16 =	vadd.f32 v22, v23;
	v7 =	vpop (erf)  }
0x28d: {  	v22 =	vld [tilespmem:s31+$0x8140];
	v53 =	vadd.f32 v25, v15;
	v15 =	vpop (erf);
	v62 =	vadd.f32 v7, v14;
	v7 =	vmul.f32 $1.442695020e+00, v43  }
0x28e: {  	v8 =	vld [tilespmem:s31+$0x8130];
	v23 =	vmul.f32 $1.442695020e+00, v63;
	[tilespmem:$0x1FDA0] =	vst v2;
	v2 =	vadd.f32 v15, v17;
	v17 =	vpop (erf)  }
0x28f: {  	v50 =	vadd.f32 v17, v18;
	v18 =	vmul.f32 $1.442695020e+00, v24  }
0x290: {  	v42 =	vld [tilespmem:s31+$0x8150];
	v20 =	vmul.f32 $1.442695020e+00, v20;
	(erf) = vpow2.f32 v23  }
0x291: {  	s17 =	simm.s32 $0x400;
	v21 =	vld [tilespmem:s31+$0x8160];
	(erf) = vpow2.f32 v7;
	v7 =	vpop (erf)  }
0x292: {  	v23 =	vld [tilespmem:s17+$0x8100];
	[tilespmem:$0x1FDB0] =	vst v2;
	(erf) = vpow2.f32 v20;
	v2 =	vadd.f32 v7, v4;
	v7 =	vmul.f32 $1.442695020e+00, v22  }
0x293: {  	v17 =	vld [tilespmem:s17+$0x8170];
	v8 =	vmul.f32 $1.442695020e+00, v8;
	(erf) = vpow2.f32 v18;
	v18 =	vpop (erf)  }
0x294: {  	v0 =	vadd.f32 v13, v0;
	v4 =	vld [tilespmem:s17+$0x8110];
	v1 =	vadd.f32 v18, v1  }
0x295: {  	v16 =	vadd.f32 v28, v16;
	v14 =	vmul.f32 $1.442695020e+00, v42;
	(erf) = vpow2.f32 v8;
	v8 =	vld [tilespmem:s17+$0x8130];
	[tilespmem:$0x1FDC0] =	vst v2  }
0x296: {  	(erf) = vpow2.f32 v7;
	v2 =	vld [tilespmem:$0x1FF60];
	[tilespmem:$0x1FDD0] =	vst v1;
	v1 =	vmul.f32 $1.442695020e+00, v21;
	v7 =	vpop (erf)  }
0x297: {  	v16 =	vadd.f32 v27, v16;
	v20 =	vld [tilespmem:s17+$0x8120];
	(erf) = vpow2.f32 v14;
	v0 =	vadd.f32 v7, v0  }
0x298: {  	(erf) = vpow2.f32 v1;
	v1 =	vld [tilespmem:$0x1FF50]  }
0x299: {  	v16 =	vadd.f32 v29, v16;
	v17 =	vmul.f32 $1.442695020e+00, v17;
	v21 =	vld [tilespmem:s17+$0x8140];
	[tilespmem:$0x1FDE0] =	vst v0;
	v0 =	vmul.f32 $1.442695020e+00, v23  }
0x29a: {  	v7 =	vld [tilespmem:s17+$0x8150];
	v4 =	vmul.f32 $1.442695020e+00, v4  }
0x29b: {  	s18 =	simm.s32 $0x800;
	v22 =	vld [tilespmem:s17+$0x8160];
	v8 =	vmul.f32 $1.442695020e+00, v8;
	v16 =	vadd.f32 v2, v16;
	(erf) = vpow2.f32 v17  }
0x29c: {  	v23 =	vld [tilespmem:s18+$0x8170];
	v17 =	vmul.f32 $1.442695020e+00, v20;
	(erf) = vpow2.f32 v0  }
0x29d: {  	(erf) = vpow2.f32 v4;
	v43 =	vadd.f32 v1, v16;
	v1 =	vimm.f32 $0.0e+00;
	v0 =	vpop (erf)  }
0x29e: {  	v24 =	vld [tilespmem:s18+$0x8100];
	v4 =	vmul.f32 $1.442695020e+00, v21;
	(erf) = vpow2.f32 v17;
	v16 =	vadd.f32 v0, v1;
	v0 =	vpop (erf)  }
0x29f: {  	v48 =	vld [tilespmem:s18+$0x8110];
	v7 =	vmul.f32 $1.442695020e+00, v7;
	(erf) = vpow2.f32 v8;
	v17 =	vadd.f32 v0, v43;
	v0 =	vpop (erf)  }
0x2a0: {  	v63 =	vld [tilespmem:s18+$0x8120];
	v8 =	vmul.f32 $1.442695020e+00, v22;
	(erf) = vpow2.f32 v4;
	v21 =	vadd.f32 v0, v1;
	v0 =	vpop (erf)  }
0x2a1: {  	v20 =	vld [tilespmem:s18+$0x8130];
	v55 =	vmul.f32 $1.442695020e+00, v23;
	(erf) = vpow2.f32 v7;
	v22 =	vadd.f32 v0, v1;
	v0 =	vpop (erf)  }
0x2a2: {  	v25 =	vld [tilespmem:s18+$0x8140];
	(erf) = vpow2.f32 v8;
	v23 =	vadd.f32 v0, v1;
	v0 =	vpop (erf)  }
0x2a3: {  	v4 =	vld [tilespmem:s18+$0x8150];
	v7 =	vmul.f32 $1.442695020e+00, v24;
	(erf) = vpow2.f32 v55;
	v24 =	vadd.f32 v0, v1;
	v0 =	vpop (erf)  }
0x2a4: {  	s16 =	simm.s32 $0xC00;
	v36 =	vmul.f32 $1.442695020e+00, v48;
	v33 =	vld [tilespmem:s18+$0x8160];
	s17 =	simm.s32 $0x4000;
	v55 =	vadd.f32 v0, v1;
	v0 =	vpop (erf)  }
.LBB2_61:
0x2a5: {  	p1 =	sne.s32 s17, $0x1F000;
	v8 =	vld [tilespmem:s16+$0x8170];
	v14 =	vmul.f32 $1.442695020e+00, v63;
	(erf) = vpow2.f32 v7;
	v7 =	vpop (erf);
	v1 =	vadd.f32 v0, v1  }
0x2a6: {  	v0 =	vld [tilespmem:s16+$0x8100];
	v20 =	vmul.f32 $1.442695020e+00, v20;
	(erf) = vpow2.f32 v36;
	v16 =	vadd.f32 v7, v16;
	v7 =	vpop (erf)  }
0x2a7: {  	v36 =	vld [tilespmem:s16+$0x8110];
	v25 =	vmul.f32 $1.442695020e+00, v25;
	(erf) = vpow2.f32 v14;
	v17 =	vadd.f32 v7, v17;
	v7 =	vpop (erf)  }
.Ltmp31:
0x2a8: {  	v63 =	vld [tilespmem:s16+$0x8120];
	v4 =	vmul.f32 $1.442695020e+00, v4;
	(erf) = vpow2.f32 v20;
	v21 =	vadd.f32 v7, v21;
	v7 =	vpop (erf);
	(pc) =	sbr.rel @p1 .LBB2_61-.Ltmp31, $4  }
0x2a9: {  	v20 =	vld [tilespmem:s16+$0x8130];
	v14 =	vmul.f32 $1.442695020e+00, v33;
	(erf) = vpow2.f32 v25;
	v22 =	vadd.f32 v7, v22;
	v7 =	vpop (erf)  }
0x2aa: {  	v25 =	vld [tilespmem:s16+$0x8140];
	v8 =	vmul.f32 $1.442695020e+00, v8;
	(erf) = vpow2.f32 v4;
	v23 =	vadd.f32 v7, v23;
	v33 =	vpop (erf)  }
0x2ab: {  	v7 =	vmul.f32 $1.442695020e+00, v0;
	v4 =	vld [tilespmem:s16+$0x8150];
	(erf) = vpow2.f32 v14;
	v24 =	vadd.f32 v33, v24;
	v0 =	vpop (erf)  }
0x2ac: {  	v36 =	vmul.f32 $1.442695020e+00, v36;
	v33 =	vld [tilespmem:s16+$0x8160];
	s16 =	sshra.s32 s17, $0x2;
	s17 =	sadd.s32 $0x1000, s17;
	(erf) = vpow2.f32 v8;
	v55 =	vadd.f32 v0, v55;
	v0 =	vpop (erf)  }
0x2ad: {  	v8 =	vld [tilespmem:s16+$0x8170];
	v14 =	vmul.f32 $1.442695020e+00, v63  }
0x2ae: {  	v20 =	vmul.f32 $1.442695020e+00, v20  }
0x2af: {  	(erf) = vpow2.f32 v7;
	v7 =	vpop (erf);
	v41 =	vld [tilespmem:s16+$0x8100];
	v25 =	vmul.f32 $1.442695020e+00, v25  }
0x2b0: {  	v15 =	vld [tilespmem:s16+$0x8120];
	(erf) = vpow2.f32 v36;
	v36 =	vpop (erf);
	v4 =	vmul.f32 $1.442695020e+00, v4  }
0x2b1: {  	v48 =	vld [tilespmem:s16+$0x8110];
	(erf) = vpow2.f32 v14;
	v14 =	vpop (erf);
	v33 =	vmul.f32 $1.442695020e+00, v33  }
0x2b2: {  	v26 =	vld [tilespmem:s16+$0x8130];
	(erf) = vpow2.f32 v20;
	v20 =	vpop (erf);
	v8 =	vmul.f32 $1.442695020e+00, v8  }
0x2b3: {  	(erf) = vpow2.f32 v25;
	v25 =	vpop (erf)  }
0x2b4: {  	v0 =	vadd.f32 v0, v1;
	v1 =	vld [tilespmem:s16+$0x8140];
	v41 =	vmul.f32 $1.442695020e+00, v41;
	(erf) = vpow2.f32 v4;
	v4 =	vpop (erf)  }
0x2b5: {  	v7 =	vadd.f32 v7, v16;
	v16 =	vmul.f32 $1.442695020e+00, v15;
	(erf) = vpow2.f32 v33;
	v33 =	vpop (erf)  }
0x2b6: {  	v48 =	vmul.f32 $1.442695020e+00, v48;
	(erf) = vpow2.f32 v8;
	v8 =	vpop (erf)  }
0x2b7: {  	v26 =	vmul.f32 $1.442695020e+00, v26;
	(erf) = vpow2.f32 v41;
	v11 =	vpop (erf)  }
0x2b8: {  	v14 =	vadd.f32 v14, v21;
	v21 =	vld [tilespmem:s16+$0x8150];
	(erf) = vpow2.f32 v48;
	v43 =	vpop (erf)  }
0x2b9: {  	v1 =	vmul.f32 $1.442695020e+00, v1;
	v20 =	vadd.f32 v20, v22;
	v22 =	vld [tilespmem:s16+$0x8160];
	(erf) = vpow2.f32 v16;
	v16 =	vpop (erf)  }
0x2ba: {  	v2 =	vld [tilespmem:$0x1FF30];
	v4 =	vadd.f32 v4, v24;
	v24 =	vpop (erf)  }
0x2bb: {  	v3 =	vld [tilespmem:$0x1FF40];
	v17 =	vadd.f32 v36, v17;
	v23 =	vadd.f32 v25, v23;
	(erf) = vpow2.f32 v26;
	v26 =	vpop (erf)  }
0x2bc: {  	v25 =	vadd.f32 v33, v55;
	v0 =	vadd.f32 v8, v0;
	v8 =	vpop (erf)  }
0x2bd: {  	v21 =	vmul.f32 $1.442695020e+00, v21;
	v7 =	vadd.f32 v11, v7;
	(erf) = vpow2.f32 v1;
	v1 =	vpop (erf)  }
0x2be: {  	v17 =	vadd.f32 v43, v17;
	v14 =	vadd.f32 v16, v14;
	v16 =	vmul.f32 $1.442695020e+00, v22;
	v22 =	vpop (erf)  }
0x2bf: {  	v4 =	vadd.f32 v8, v4;
	(erf) = vpow2.f32 v21;
	v21 =	vadd.f32 v26, v23;
	v8 =	vpop (erf)  }
0x2c0: {  	v26 =	vadd.f32 v3, v2;
	v2 =	vadd.f32 v8, v7  }
0x2c1: {  	v1 =	vadd.f32 v1, v25;
	v25 =	vpop (erf)  }
0x2c2: {  	[tilespmem:$0x1FD30] =	vst v2;
	v2 =	vadd.f32 v25, v17;
	_ =	sdelay $0x1  }
0x2c3: {  	[tilespmem:$0x1FD40] =	vst v2;
	v2 =	vld [tilespmem:$0x1FF20];
	_ =	sdelay $0x2  }
0x2c4: {  	v20 =	vadd.f32 v24, v20;
	v7 =	vpop (erf)  }
0x2c5: {  	v0 =	vadd.f32 v22, v0;
	(erf) = vpow2.f32 v16;
	v16 =	vpop (erf)  }
0x2c6: {  	v22 =	vadd.f32 v2, v26;
	v2 =	vadd.f32 v16, v20;
	_ =	sdelay $0x1  }
0x2c7: {  	[tilespmem:$0x1FD50] =	vst v2;
	v2 =	vld [tilespmem:$0x1FF10]  }
0x2c8: {  	s31 =	simm.s32 $0x0  }
0x2c9: {  	v24 =	vld [tilespmem:s31+$0x8180]  }
0x2ca: {  	v48 =	vld [tilespmem:s31+$0x81F0]  }
0x2cb: {  	v16 =	vpop (erf)  }
0x2cc: {  	v20 =	vadd.f32 v2, v22;
	v2 =	vadd.f32 v16, v21  }
0x2cd: {  	v23 =	vld [tilespmem:s31+$0x8190]  }
0x2ce: {  	v63 =	vadd.f32 v7, v14;
	v7 =	vmul.f32 $1.442695020e+00, v24;
	[tilespmem:$0x1FD60] =	vst v2;
	v2 =	vld [tilespmem:$0x1FF00]  }
0x2cf: {  	v26 =	vmul.f32 $1.442695020e+00, v48  }
0x2d0: {  	v55 =	vld [tilespmem:s31+$0x81A0]  }
0x2d1: {  	v25 =	vld [tilespmem:s31+$0x81C0];
	(erf) = vpow2.f32 v26  }
0x2d2: {  	v8 =	vld [tilespmem:s31+$0x81B0];
	(erf) = vpow2.f32 v7;
	v7 =	vpop (erf)  }
0x2d3: {  	v41 =	vld [tilespmem:s31+$0x81D0];
	v22 =	vmul.f32 $1.442695020e+00, v23;
	v20 =	vadd.f32 v2, v20;
	v2 =	vadd.f32 v7, v4  }
0x2d4: {  	v23 =	vld [tilespmem:s31+$0x81E0]  }
0x2d5: {  	s17 =	simm.s32 $0x400;
	[tilespmem:$0x1FD70] =	vst v2;
	v2 =	vld [tilespmem:$0x1FEF0]  }
0x2d6: {  	v24 =	vmul.f32 $1.442695020e+00, v55;
	v26 =	vld [tilespmem:s17+$0x8180];
	v7 =	vmul.f32 $1.442695020e+00, v25  }
0x2d7: {  	v8 =	vmul.f32 $1.442695020e+00, v8;
	v16 =	vld [tilespmem:s17+$0x81F0];
	(erf) = vpow2.f32 v22;
	v22 =	vpop (erf)  }
0x2d8: {  	(erf) = vpow2.f32 v24;
	v24 =	vld [tilespmem:s17+$0x81A0];
	v1 =	vadd.f32 v22, v1  }
0x2d9: {  	v14 =	vmul.f32 $1.442695020e+00, v41;
	(erf) = vpow2.f32 v8;
	v4 =	vld [tilespmem:s17+$0x8190]  }
0x2da: {  	[tilespmem:$0x1FD80] =	vst v1;
	v1 =	vmul.f32 $1.442695020e+00, v23;
	(erf) = vpow2.f32 v7;
	v7 =	vpop (erf);
	v20 =	vadd.f32 v2, v20;
	v2 =	vld [tilespmem:$0x1FEE0]  }
0x2db: {  	v8 =	vld [tilespmem:s17+$0x81B0];
	(erf) = vpow2.f32 v14;
	v0 =	vadd.f32 v7, v0  }
0x2dc: {  	(erf) = vpow2.f32 v1;
	v1 =	vld [tilespmem:$0x1FED0]  }
0x2dd: {  	v23 =	vld [tilespmem:s17+$0x81C0];
	v25 =	vmul.f32 $1.442695020e+00, v16;
	[tilespmem:$0x1FD90] =	vst v0;
	v0 =	vmul.f32 $1.442695020e+00, v26  }
0x2de: {  	v24 =	vmul.f32 $1.442695020e+00, v24;
	v7 =	vld [tilespmem:s17+$0x81D0]  }
0x2df: {  	s18 =	simm.s32 $0x800;
	v4 =	vmul.f32 $1.442695020e+00, v4;
	(erf) = vpow2.f32 v25;
	v26 =	vld [tilespmem:s17+$0x81E0];
	v20 =	vadd.f32 v2, v20  }
0x2e0: {  	v27 =	vld [tilespmem:s18+$0x81F0];
	v8 =	vmul.f32 $1.442695020e+00, v8;
	(erf) = vpow2.f32 v0  }
0x2e1: {  	(erf) = vpow2.f32 v4;
	v0 =	vpop (erf);
	v42 =	vadd.f32 v1, v20;
	v1 =	vimm.f32 $0.0e+00  }
0x2e2: {  	v28 =	vld [tilespmem:s18+$0x8180];
	v4 =	vmul.f32 $1.442695020e+00, v23;
	(erf) = vpow2.f32 v24;
	v20 =	vadd.f32 v0, v1;
	v0 =	vpop (erf)  }
0x2e3: {  	v43 =	vld [tilespmem:s18+$0x8190];
	v7 =	vmul.f32 $1.442695020e+00, v7;
	(erf) = vpow2.f32 v8;
	v23 =	vadd.f32 v0, v42;
	v0 =	vpop (erf)  }
0x2e4: {  	v29 =	vld [tilespmem:s18+$0x81A0];
	v8 =	vmul.f32 $1.442695020e+00, v26;
	(erf) = vpow2.f32 v4;
	v24 =	vadd.f32 v0, v1;
	v0 =	vpop (erf)  }
0x2e5: {  	v55 =	vld [tilespmem:s18+$0x81B0];
	v48 =	vmul.f32 $1.442695020e+00, v27;
	(erf) = vpow2.f32 v7;
	v25 =	vadd.f32 v0, v1;
	v0 =	vpop (erf)  }
0x2e6: {  	v4 =	vld [tilespmem:s18+$0x81C0];
	(erf) = vpow2.f32 v8;
	v26 =	vadd.f32 v0, v1;
	v0 =	vpop (erf)  }
0x2e7: {  	v33 =	vld [tilespmem:s18+$0x81D0];
	v7 =	vmul.f32 $1.442695020e+00, v28;
	(erf) = vpow2.f32 v48;
	v27 =	vadd.f32 v0, v1;
	v0 =	vpop (erf)  }
0x2e8: {  	v36 =	vld [tilespmem:s18+$0x81E0];
	s16 =	simm.s32 $0xC00;
	v41 =	vmul.f32 $1.442695020e+00, v43;
	s17 =	simm.s32 $0x4000;
	v28 =	vadd.f32 v0, v1;
	v0 =	vpop (erf)  }
.LBB2_63:
0x2e9: {  	p1 =	sne.s32 s17, $0x1F000;
	v8 =	vld [tilespmem:s16+$0x81F0];
	v14 =	vmul.f32 $1.442695020e+00, v29;
	(erf) = vpow2.f32 v7;
	v7 =	vpop (erf);
	v1 =	vadd.f32 v0, v1  }
0x2ea: {  	v0 =	vld [tilespmem:s16+$0x8180];
	v48 =	vmul.f32 $1.442695020e+00, v55;
	(erf) = vpow2.f32 v41;
	v20 =	vadd.f32 v7, v20;
	v7 =	vpop (erf)  }
0x2eb: {  	v41 =	vld [tilespmem:s16+$0x8190];
	v4 =	vmul.f32 $1.442695020e+00, v4;
	(erf) = vpow2.f32 v14;
	v23 =	vadd.f32 v7, v23;
	v7 =	vpop (erf)  }
.Ltmp32:
0x2ec: {  	v29 =	vld [tilespmem:s16+$0x81A0];
	v2 =	vmul.f32 $1.442695020e+00, v33;
	(erf) = vpow2.f32 v48;
	v24 =	vadd.f32 v7, v24;
	v7 =	vpop (erf);
	(pc) =	sbr.rel @p1 .LBB2_63-.Ltmp32, $4  }
0x2ed: {  	v55 =	vld [tilespmem:s16+$0x81B0];
	v36 =	vmul.f32 $1.442695020e+00, v36;
	(erf) = vpow2.f32 v4;
	v25 =	vadd.f32 v7, v25;
	v7 =	vpop (erf)  }
0x2ee: {  	v4 =	vld [tilespmem:s16+$0x81C0];
	v8 =	vmul.f32 $1.442695020e+00, v8;
	(erf) = vpow2.f32 v2;
	v26 =	vadd.f32 v7, v26;
	v14 =	vpop (erf)  }
0x2ef: {  	v7 =	vmul.f32 $1.442695020e+00, v0;
	v33 =	vld [tilespmem:s16+$0x81D0];
	(erf) = vpow2.f32 v36;
	v27 =	vadd.f32 v14, v27;
	v0 =	vpop (erf)  }
0x2f0: {  	v41 =	vmul.f32 $1.442695020e+00, v41;
	v36 =	vld [tilespmem:s16+$0x81E0];
	s16 =	sshra.s32 s17, $0x2;
	s17 =	sadd.s32 $0x1000, s17;
	(erf) = vpow2.f32 v8;
	v28 =	vadd.f32 v0, v28;
	v0 =	vpop (erf)  }
0x2f1: {  	v8 =	vld [tilespmem:s16+$0x81F0]  }
0x2f2: {  	v14 =	vmul.f32 $1.442695020e+00, v29;
	(erf) = vpow2.f32 v7  }
0x2f3: {  	v7 =	vpop (erf);
	v29 =	vld [tilespmem:s16+$0x8180];
	v48 =	vmul.f32 $1.442695020e+00, v55;
	v4 =	vmul.f32 $1.442695020e+00, v4  }
0x2f4: {  	v2 =	vld [tilespmem:s16+$0x81A0];
	(erf) = vpow2.f32 v41;
	v41 =	vpop (erf);
	v33 =	vmul.f32 $1.442695020e+00, v33  }
0x2f5: {  	v22 =	vld [tilespmem:s16+$0x8190];
	(erf) = vpow2.f32 v14;
	v42 =	vpop (erf);
	v36 =	vmul.f32 $1.442695020e+00, v36  }
0x2f6: {  	v3 =	vld [tilespmem:s16+$0x81B0];
	(erf) = vpow2.f32 v48;
	v43 =	vpop (erf);
	v8 =	vmul.f32 $1.442695020e+00, v8  }
0x2f7: {  	(erf) = vpow2.f32 v4;
	v4 =	vpop (erf)  }
0x2f8: {  	v0 =	vadd.f32 v0, v1;
	v1 =	vld [tilespmem:s16+$0x81C0];
	v29 =	vmul.f32 $1.442695020e+00, v29;
	(erf) = vpow2.f32 v33;
	v33 =	vpop (erf)  }
0x2f9: {  	v2 =	vmul.f32 $1.442695020e+00, v2;
	(erf) = vpow2.f32 v36;
	v36 =	vpop (erf)  }
0x2fa: {  	v55 =	vmul.f32 $1.442695020e+00, v22;
	(erf) = vpow2.f32 v8;
	v8 =	vpop (erf)  }
0x2fb: {  	v7 =	vadd.f32 v7, v20;
	v3 =	vmul.f32 $1.442695020e+00, v3;
	(erf) = vpow2.f32 v29;
	v20 =	vpop (erf)  }
0x2fc: {  	(erf) = vpow2.f32 v55;
	v29 =	vpop (erf)  }
0x2fd: {  	v1 =	vmul.f32 $1.442695020e+00, v1;
	(erf) = vpow2.f32 v2;
	v2 =	vpop (erf)  }
0x2fe: {  	v4 =	vadd.f32 v4, v26;
	v26 =	vadd.f32 v33, v27;
	v27 =	vpop (erf)  }
0x2ff: {  	v23 =	vadd.f32 v41, v23;
	v14 =	vadd.f32 v42, v24;
	(erf) = vpow2.f32 v3;
	v3 =	vpop (erf)  }
0x300: {  	v24 =	vld [tilespmem:s16+$0x81D0];
	v25 =	vadd.f32 v43, v25;
	v0 =	vadd.f32 v8, v0;
	v8 =	vpop (erf)  }
0x301: {  	v43 =	vadd.f32 v51, v47;
	v7 =	vadd.f32 v20, v7;
	(erf) = vpow2.f32 v1;
	v1 =	vpop (erf)  }
0x302: {  	v15 =	vld [tilespmem:s16+$0x81E0];
	v28 =	vadd.f32 v36, v28;
	v25 =	vadd.f32 v27, v25;
	v27 =	vpop (erf)  }
0x303: {  	s31 =	simm.s32 $0x0;
	v3 =	vadd.f32 v3, v4;
	v4 =	vadd.f32 v8, v26;
	v8 =	vpop (erf)  }
0x304: {  	v20 =	vadd.f32 v29, v23;
	v29 =	vld [tilespmem:s31+$0x8200];
	v28 =	vadd.f32 v1, v28;
	v1 =	vpop (erf)  }
0x305: {  	v36 =	vmul.f32 $1.442695020e+00, v24;
	v24 =	vld [tilespmem:s31+$0x8270];
	v2 =	vadd.f32 v2, v14;
	v51 =	vadd.f32 v8, v7;
	v7 =	vpop (erf)  }
0x306: {  	v55 =	vadd.f32 v1, v20;
	v11 =	vpop (erf)  }
0x307: {  	v47 =	vld [tilespmem:s31+$0x8220];
	v42 =	vmul.f32 $1.442695020e+00, v15;
	v1 =	vadd.f32 v7, v2;
	v2 =	vadd.f32 v11, v25  }
0x308: {  	v26 =	vld [tilespmem:s31+$0x8210];
	(erf) = vpow2.f32 v36  }
0x309: {  	v0 =	vadd.f32 v27, v0;
	v27 =	vld [tilespmem:s31+$0x8240];
	(erf) = vpow2.f32 v42;
	[tilespmem:$0x1FD00] =	vst v2;
	v2 =	vmul.f32 $1.442695020e+00, v29  }
0x30a: {  	v24 =	vmul.f32 $1.442695020e+00, v24;
	v8 =	vld [tilespmem:s31+$0x8230];
	_ =	sdelay $0x1  }
0x30b: {  	v41 =	vmul.f32 $1.442695020e+00, v47;
	v20 =	vadd.f32 v46, v43;
	(erf) = vpow2.f32 v24;
	v36 =	vpop (erf)  }
0x30c: {  	v7 =	vld [tilespmem:s31+$0x8250];
	v25 =	vmul.f32 $1.442695020e+00, v26;
	(erf) = vpow2.f32 v2;
	v2 =	vpop (erf)  }
0x30d: {  	s17 =	simm.s32 $0x400;
	v20 =	vadd.f32 v38, v20;
	v26 =	vld [tilespmem:s31+$0x8260];
	v2 =	vadd.f32 v2, v4;
	v4 =	vmul.f32 $1.442695020e+00, v27  }
0x30e: {  	v38 =	vadd.f32 v36, v3;
	v3 =	vld [tilespmem:s17+$0x8270];
	v8 =	vmul.f32 $1.442695020e+00, v8;
	(erf) = vpow2.f32 v25  }
0x30f: {  	v20 =	vadd.f32 v40, v20;
	v29 =	vld [tilespmem:s17+$0x8200];
	(erf) = vpow2.f32 v41  }
0x310: {  	v42 =	vpop (erf);
	(erf) = vpow2.f32 v8  }
0x311: {  	v20 =	vadd.f32 v39, v20;
	[tilespmem:$0x1FD10] =	vst v2;
	v2 =	vld [tilespmem:s17+$0x8210];
	(erf) = vpow2.f32 v4;
	v4 =	vpop (erf)  }
0x312: {  	v7 =	vmul.f32 $1.442695020e+00, v7;
	v27 =	vld [tilespmem:s17+$0x8220];
	v0 =	vadd.f32 v4, v0  }
0x313: {  	v43 =	vmul.f32 $1.442695020e+00, v26;
	v26 =	vadd.f32 v37, v20;
	v3 =	vmul.f32 $1.442695020e+00, v3;
	v8 =	vld [tilespmem:s17+$0x8230]  }
0x314: {  	v25 =	vadd.f32 v42, v28;
	v28 =	vld [tilespmem:s17+$0x8240];
	(erf) = vpow2.f32 v7;
	[tilespmem:$0x1FD20] =	vst v0;
	v0 =	vmul.f32 $1.442695020e+00, v29  }
0x315: {  	v7 =	vld [tilespmem:s17+$0x8250];
	(erf) = vpow2.f32 v43  }
0x316: {  	s18 =	simm.s32 $0x800;
	v4 =	vadd.f32 v44, v26;
	(erf) = vpow2.f32 v3;
	v44 =	vmul.f32 $1.442695020e+00, v2;
	v29 =	vld [tilespmem:s17+$0x8260]  }
0x317: {  	v46 =	vld [tilespmem:s18+$0x8270];
	v26 =	vmul.f32 $1.442695020e+00, v27;
	(erf) = vpow2.f32 v0  }
0x318: {  	v8 =	vmul.f32 $1.442695020e+00, v8;
	v2 =	vimm.f32 $0.0e+00;
	(erf) = vpow2.f32 v44;
	v0 =	vpop (erf)  }
0x319: {  	v47 =	vld [tilespmem:s18+$0x8200];
	v27 =	vmul.f32 $1.442695020e+00, v28;
	(erf) = vpow2.f32 v26;
	v3 =	vadd.f32 v0, v2;
	v0 =	vpop (erf)  }
0x31a: {  	v48 =	vld [tilespmem:s18+$0x8210];
	v7 =	vmul.f32 $1.442695020e+00, v7;
	(erf) = vpow2.f32 v8;
	v4 =	vadd.f32 v0, v4;
	v0 =	vpop (erf)  }
0x31b: {  	v37 =	vld [tilespmem:s18+$0x8220];
	v8 =	vmul.f32 $1.442695020e+00, v29;
	(erf) = vpow2.f32 v27;
	v26 =	vadd.f32 v0, v2;
	v0 =	vpop (erf)  }
0x31c: {  	v33 =	vmul.f32 $1.442695020e+00, v46;
	v39 =	vld [tilespmem:s18+$0x8230];
	(erf) = vpow2.f32 v7;
	v27 =	vadd.f32 v0, v2;
	v0 =	vpop (erf)  }
0x31d: {  	v40 =	vld [tilespmem:s18+$0x8240];
	(erf) = vpow2.f32 v8;
	v28 =	vadd.f32 v0, v2;
	v0 =	vpop (erf)  }
0x31e: {  	v36 =	vld [tilespmem:s18+$0x8250];
	v7 =	vmul.f32 $1.442695020e+00, v47;
	(erf) = vpow2.f32 v33;
	v29 =	vadd.f32 v0, v2;
	v0 =	vpop (erf)  }
0x31f: {  	s16 =	simm.s32 $0xC00;
	v48 =	vmul.f32 $1.442695020e+00, v48;
	v41 =	vld [tilespmem:s18+$0x8260];
	s17 =	simm.s32 $0x4000;
	v33 =	vadd.f32 v0, v2;
	v0 =	vpop (erf)  }
.LBB2_65:
0x320: {  	p1 =	sne.s32 s17, $0x1F000;
	v8 =	vld [tilespmem:s16+$0x8270];
	v14 =	vmul.f32 $1.442695020e+00, v37;
	(erf) = vpow2.f32 v7;
	v7 =	vpop (erf);
	v2 =	vadd.f32 v0, v2  }
0x321: {  	v0 =	vld [tilespmem:s16+$0x8200];
	v39 =	vmul.f32 $1.442695020e+00, v39;
	(erf) = vpow2.f32 v48;
	v3 =	vadd.f32 v7, v3;
	v7 =	vpop (erf)  }
0x322: {  	v48 =	vld [tilespmem:s16+$0x8210];
	v40 =	vmul.f32 $1.442695020e+00, v40;
	(erf) = vpow2.f32 v14;
	v4 =	vadd.f32 v7, v4;
	v7 =	vpop (erf)  }
.Ltmp33:
0x323: {  	v37 =	vld [tilespmem:s16+$0x8220];
	v9 =	vmul.f32 $1.442695020e+00, v36;
	(erf) = vpow2.f32 v39;
	v26 =	vadd.f32 v7, v26;
	v7 =	vpop (erf);
	(pc) =	sbr.rel @p1 .LBB2_65-.Ltmp33, $4  }
0x324: {  	v39 =	vld [tilespmem:s16+$0x8230];
	v41 =	vmul.f32 $1.442695020e+00, v41;
	(erf) = vpow2.f32 v40;
	v27 =	vadd.f32 v7, v27;
	v7 =	vpop (erf)  }
0x325: {  	v40 =	vld [tilespmem:s16+$0x8240];
	v8 =	vmul.f32 $1.442695020e+00, v8;
	(erf) = vpow2.f32 v9;
	v28 =	vadd.f32 v7, v28;
	v14 =	vpop (erf)  }
0x326: {  	v7 =	vmul.f32 $1.442695020e+00, v0;
	v36 =	vld [tilespmem:s16+$0x8250];
	(erf) = vpow2.f32 v41;
	v29 =	vadd.f32 v14, v29;
	v0 =	vpop (erf)  }
0x327: {  	v48 =	vmul.f32 $1.442695020e+00, v48;
	v41 =	vld [tilespmem:s16+$0x8260];
	s16 =	sshra.s32 s17, $0x2;
	s17 =	sadd.s32 $0x1000, s17;
	(erf) = vpow2.f32 v8;
	v33 =	vadd.f32 v0, v33;
	v0 =	vpop (erf)  }
0x328: {  	v8 =	vld [tilespmem:s16+$0x8270]  }
0x329: {  	v14 =	vmul.f32 $1.442695020e+00, v37  }
0x32a: {  	(erf) = vpow2.f32 v7;
	v7 =	vpop (erf);
	v18 =	vld [tilespmem:s16+$0x8200];
	v39 =	vmul.f32 $1.442695020e+00, v39  }
0x32b: {  	v43 =	vld [tilespmem:s16+$0x8220];
	(erf) = vpow2.f32 v48;
	v20 =	vpop (erf);
	v40 =	vmul.f32 $1.442695020e+00, v40  }
0x32c: {  	v42 =	vld [tilespmem:s16+$0x8210];
	(erf) = vpow2.f32 v14;
	v21 =	vpop (erf);
	v36 =	vmul.f32 $1.442695020e+00, v36  }
0x32d: {  	(erf) = vpow2.f32 v39;
	v22 =	vpop (erf);
	v8 =	vmul.f32 $1.442695020e+00, v8  }
0x32e: {  	v41 =	vmul.f32 $1.442695020e+00, v41;
	(erf) = vpow2.f32 v40;
	v23 =	vpop (erf)  }
0x32f: {  	v0 =	vadd.f32 v0, v2;
	v2 =	vld [tilespmem:s16+$0x8240];
	(erf) = vpow2.f32 v36;
	v46 =	vpop (erf);
	v37 =	vmul.f32 $1.442695020e+00, v18  }
0x330: {  	v44 =	vld [tilespmem:s16+$0x8230];
	v3 =	vadd.f32 v7, v3;
	v7 =	vmul.f32 $1.442695020e+00, v43;
	(erf) = vpow2.f32 v41;
	v47 =	vpop (erf)  }
0x331: {  	v42 =	vmul.f32 $1.442695020e+00, v42;
	(erf) = vpow2.f32 v8;
	v8 =	vpop (erf)  }
0x332: {  	(erf) = vpow2.f32 v37;
	v16 =	vpop (erf)  }
0x333: {  	v14 =	vadd.f32 v21, v26;
	v26 =	vld [tilespmem:s16+$0x8250];
	(erf) = vpow2.f32 v42;
	v17 =	vpop (erf)  }
0x334: {  	v2 =	vmul.f32 $1.442695020e+00, v2;
	(erf) = vpow2.f32 v7;
	v7 =	vpop (erf)  }
0x335: {  	v4 =	vadd.f32 v20, v4;
	v20 =	vmul.f32 $1.442695020e+00, v44;
	v21 =	vpop (erf)  }
0x336: {  	v9 =	vld [tilespmem:$0x1FEB0];
	v27 =	vadd.f32 v22, v27;
	v28 =	vadd.f32 v23, v28;
	v22 =	vpop (erf)  }
0x337: {  	v18 =	vld [tilespmem:s16+$0x8260];
	v0 =	vadd.f32 v8, v0;
	(erf) = vpow2.f32 v20;
	v8 =	vpop (erf)  }
0x338: {  	s31 =	simm.s32 $0x0;
	v10 =	vld [tilespmem:$0x1FEC0];
	v26 =	vmul.f32 $1.442695020e+00, v26;
	(erf) = vpow2.f32 v2;
	v2 =	vpop (erf)  }
0x339: {  	s17 =	simm.s32 $0x400;
	v23 =	vld [tilespmem:s31+$0x82F0];
	v3 =	vadd.f32 v16, v3;
	v15 =	vpop (erf)  }
0x33a: {  	v44 =	vld [tilespmem:s17+$0x8280];
	(erf) = vpow2.f32 v26;
	v26 =	vadd.f32 v22, v28;
	v28 =	vpop (erf)  }
0x33b: {  	v29 =	vadd.f32 v46, v29;
	v16 =	vld [tilespmem:s31+$0x8280];
	v3 =	vadd.f32 v28, v3  }
0x33c: {  	v33 =	vadd.f32 v47, v33;
	v48 =	vmul.f32 $1.442695020e+00, v18;
	v18 =	vld [tilespmem:s31+$0x82A0];
	v4 =	vadd.f32 v17, v4  }
0x33d: {  	v17 =	vadd.f32 v10, v9;
	v9 =	vld [tilespmem:$0x1FEA0];
	v7 =	vadd.f32 v7, v14  }
0x33e: {  	v8 =	vadd.f32 v8, v29;
	v29 =	vld [tilespmem:s31+$0x8290];
	v33 =	vadd.f32 v2, v33;
	v2 =	vpop (erf)  }
0x33f: {  	v20 =	vld [tilespmem:s31+$0x82B0];
	v27 =	vadd.f32 v21, v27;
	(erf) = vpow2.f32 v48;
	v28 =	vadd.f32 v19, v17;
	[tilespmem:$0x1FCE0] =	vst v3;
	v3 =	vpop (erf)  }
0x340: {  	v21 =	vld [tilespmem:s31+$0x82C0];
	v46 =	vadd.f32 v2, v4;
	v2 =	vadd.f32 v3, v7;
	v3 =	vmul.f32 $1.442695020e+00, v16  }
0x341: {  	v37 =	vmul.f32 $1.442695020e+00, v23;
	v22 =	vld [tilespmem:s31+$0x82E0];
	v28 =	vadd.f32 v54, v28  }
0x342: {  	v48 =	vld [tilespmem:s17+$0x82A0];
	v4 =	vpop (erf)  }
0x343: {  	(erf) = vpow2.f32 v37;
	v29 =	vmul.f32 $1.442695020e+00, v29;
	v23 =	vadd.f32 v9, v28;
	v9 =	vld [tilespmem:$0x1FE90];
	v7 =	vpop (erf)  }
0x344: {  	v17 =	vld [tilespmem:s17+$0x82C0];
	v39 =	vadd.f32 v7, v26;
	v26 =	vmul.f32 $1.442695020e+00, v18;
	(erf) = vpow2.f32 v3;
	v3 =	vpop (erf)  }
0x345: {  	v27 =	vadd.f32 v4, v27;
	v4 =	vld [tilespmem:s31+$0x82D0];
	v28 =	vadd.f32 v3, v8;
	v8 =	vmul.f32 $1.442695020e+00, v21  }
0x346: {  	v14 =	vmul.f32 $1.442695020e+00, v20;
	v7 =	vld [tilespmem:s17+$0x82F0];
	(erf) = vpow2.f32 v29  }
0x347: {  	v19 =	vld [tilespmem:s17+$0x82E0];
	(erf) = vpow2.f32 v26  }
0x348: {  	v0 =	vadd.f32 v15, v0;
	v47 =	vadd.f32 v9, v23;
	v9 =	vld [tilespmem:$0x1FE80];
	(erf) = vpow2.f32 v14;
	v26 =	vpop (erf)  }
0x349: {  	v16 =	vmul.f32 $1.442695020e+00, v22;
	v3 =	vld [tilespmem:s17+$0x8290];
	(erf) = vpow2.f32 v8;
	v8 =	vpop (erf)  }
0x34a: {  	v54 =	vld [tilespmem:s17+$0x82B0];
	v20 =	vmul.f32 $1.442695020e+00, v48;
	v4 =	vmul.f32 $1.442695020e+00, v4;
	v0 =	vadd.f32 v8, v0  }
0x34b: {  	v40 =	vmul.f32 $1.442695020e+00, v17;
	v7 =	vmul.f32 $1.442695020e+00, v7  }
0x34c: {  	(erf) = vpow2.f32 v4;
	[tilespmem:$0x1FCF0] =	vst v0;
	v0 =	vmul.f32 $1.442695020e+00, v44  }
0x34d: {  	s18 =	simm.s32 $0x800;
	v23 =	vmul.f32 $1.442695020e+00, v19;
	v4 =	vld [tilespmem:s17+$0x82D0];
	(erf) = vpow2.f32 v16  }
0x34e: {  	v36 =	vadd.f32 v9, v47;
	v18 =	vmul.f32 $1.442695020e+00, v3;
	(erf) = vpow2.f32 v7;
	v7 =	vld [tilespmem:s18+$0x82F0]  }
0x34f: {  	v14 =	vmul.f32 $1.442695020e+00, v54;
	(erf) = vpow2.f32 v0  }
0x350: {  	v3 =	vimm.f32 $0.0e+00;
	v8 =	vadd.f32 v45, v36;
	(erf) = vpow2.f32 v18;
	v0 =	vpop (erf)  }
0x351: {  	v21 =	vld [tilespmem:s18+$0x8280];
	v29 =	vadd.f32 v26, v33;
	(erf) = vpow2.f32 v20;
	v33 =	vadd.f32 v0, v3;
	v0 =	vpop (erf)  }
0x352: {  	v22 =	vld [tilespmem:s18+$0x8290];
	(erf) = vpow2.f32 v14;
	v36 =	vadd.f32 v0, v8;
	v0 =	vpop (erf);
	v8 =	vmul.f32 $1.442695020e+00, v4  }
0x353: {  	v44 =	vld [tilespmem:s18+$0x82A0];
	v7 =	vmul.f32 $1.442695020e+00, v7;
	(erf) = vpow2.f32 v40;
	v37 =	vadd.f32 v0, v3;
	v0 =	vpop (erf)  }
0x354: {  	v4 =	vld [tilespmem:s18+$0x82B0];
	v40 =	vadd.f32 v0, v3;
	v0 =	vpop (erf);
	(erf) = vpow2.f32 v8  }
0x355: {  	v45 =	vld [tilespmem:s18+$0x82C0];
	v41 =	vadd.f32 v0, v3;
	v0 =	vpop (erf);
	(erf) = vpow2.f32 v23  }
0x356: {  	v47 =	vld [tilespmem:s18+$0x82D0];
	v48 =	vmul.f32 $1.442695020e+00, v21;
	v54 =	vpop (erf);
	(erf) = vpow2.f32 v7  }
0x357: {  	s16 =	simm.s32 $0xC00;
	s17 =	simm.s32 $0x4000;
	v8 =	vmul.f32 $1.442695020e+00, v22;
	v42 =	vadd.f32 v0, v3;
	v0 =	vld [tilespmem:s18+$0x82E0];
	v43 =	vadd.f32 v54, v3;
	v7 =	vpop (erf)  }
.LBB2_67:
0x358: {  	p1 =	sne.s32 s17, $0x1F000;
	v14 =	vld [tilespmem:s16+$0x82F0];
	v44 =	vmul.f32 $1.442695020e+00, v44;
	(erf) = vpow2.f32 v48;
	v48 =	vpop (erf);
	v3 =	vadd.f32 v7, v3  }
0x359: {  	v7 =	vld [tilespmem:s16+$0x8280];
	v4 =	vmul.f32 $1.442695020e+00, v4;
	(erf) = vpow2.f32 v8;
	v33 =	vadd.f32 v48, v33;
	v8 =	vpop (erf)  }
0x35a: {  	v13 =	vld [tilespmem:s16+$0x8290];
	v45 =	vmul.f32 $1.442695020e+00, v45;
	(erf) = vpow2.f32 v44;
	v36 =	vadd.f32 v8, v36;
	v8 =	vpop (erf)  }
.Ltmp34:
0x35b: {  	v44 =	vld [tilespmem:s16+$0x82A0];
	v47 =	vmul.f32 $1.442695020e+00, v47;
	(erf) = vpow2.f32 v4;
	v37 =	vadd.f32 v8, v37;
	v8 =	vpop (erf);
	(pc) =	sbr.rel @p1 .LBB2_67-.Ltmp34, $4  }
0x35c: {  	v4 =	vld [tilespmem:s16+$0x82B0];
	v0 =	vmul.f32 $1.442695020e+00, v0;
	(erf) = vpow2.f32 v45;
	v40 =	vadd.f32 v8, v40;
	v8 =	vpop (erf)  }
0x35d: {  	v45 =	vld [tilespmem:s16+$0x82C0];
	v14 =	vmul.f32 $1.442695020e+00, v14;
	(erf) = vpow2.f32 v47;
	v41 =	vadd.f32 v8, v41;
	v8 =	vpop (erf)  }
0x35e: {  	v48 =	vmul.f32 $1.442695020e+00, v7;
	v47 =	vld [tilespmem:s16+$0x82D0];
	(erf) = vpow2.f32 v0;
	v42 =	vadd.f32 v8, v42;
	v7 =	vpop (erf)  }
0x35f: {  	v8 =	vmul.f32 $1.442695020e+00, v13;
	v0 =	vld [tilespmem:s16+$0x82E0];
	s16 =	sshra.s32 s17, $0x2;
	s17 =	sadd.s32 $0x1000, s17;
	(erf) = vpow2.f32 v14;
	v43 =	vadd.f32 v7, v43;
	v7 =	vpop (erf)  }
0x360: {  	_ = 	snop  }
0x361: {  	v13 =	vld [tilespmem:s16+$0x82F0];
	v4 =	vmul.f32 $1.442695020e+00, v4  }
0x362: {  	v14 =	vmul.f32 $1.442695020e+00, v44;
	(erf) = vpow2.f32 v48;
	v21 =	vpop (erf);
	v11 =	vld [tilespmem:s16+$0x8290]  }
0x363: {  	v22 =	vld [tilespmem:s16+$0x8280];
	(erf) = vpow2.f32 v8;
	v8 =	vpop (erf);
	v45 =	vmul.f32 $1.442695020e+00, v45  }
0x364: {  	(erf) = vpow2.f32 v14;
	v23 =	vpop (erf);
	v0 =	vmul.f32 $1.442695020e+00, v0  }
0x365: {  	v10 =	vld [tilespmem:s16+$0x82B0];
	v47 =	vmul.f32 $1.442695020e+00, v47;
	(erf) = vpow2.f32 v4;
	v4 =	vpop (erf)  }
0x366: {  	v12 =	vld [tilespmem:s16+$0x82A0];
	(erf) = vpow2.f32 v45;
	v13 =	vmul.f32 $1.442695020e+00, v13;
	v54 =	vpop (erf)  }
0x367: {  	v3 =	vadd.f32 v7, v3;
	v7 =	vld [tilespmem:s16+$0x82C0];
	v11 =	vmul.f32 $1.442695020e+00, v11;
	(erf) = vpow2.f32 v47;
	v16 =	vpop (erf)  }
0x368: {  	v48 =	vmul.f32 $1.442695020e+00, v22;
	(erf) = vpow2.f32 v0;
	v0 =	vpop (erf)  }
0x369: {  	(erf) = vpow2.f32 v13;
	v17 =	vpop (erf)  }
0x36a: {  	v10 =	vmul.f32 $1.442695020e+00, v10;
	(erf) = vpow2.f32 v48;
	v18 =	vpop (erf)  }
0x36b: {  	v12 =	vmul.f32 $1.442695020e+00, v12;
	(erf) = vpow2.f32 v11;
	v11 =	vpop (erf)  }
0x36c: {  	v33 =	vadd.f32 v21, v33;
	v7 =	vmul.f32 $1.442695020e+00, v7;
	v21 =	vpop (erf)  }
0x36d: {  	v19 =	vld [tilespmem:s16+$0x82D0];
	(erf) = vpow2.f32 v12;
	v45 =	vpop (erf)  }
0x36e: {  	(erf) = vpow2.f32 v10;
	v10 =	vpop (erf)  }
0x36f: {  	v5 =	vadd.f32 v32, v5;
	v48 =	vpop (erf)  }
0x370: {  	v20 =	vld [tilespmem:s16+$0x82E0];
	v8 =	vadd.f32 v8, v36;
	v22 =	vadd.f32 v54, v41;
	(erf) = vpow2.f32 v7;
	v7 =	vpop (erf)  }
0x371: {  	v3 =	vadd.f32 v17, v3;
	v47 =	vadd.f32 v18, v33;
	v17 =	vpop (erf)  }
0x372: {  	v8 =	vadd.f32 v11, v8;
	v11 =	vmul.f32 $1.442695020e+00, v19;
	v10 =	vadd.f32 v10, v22;
	v19 =	vpop (erf)  }
0x373: {  	s31 =	simm.s32 $0x0;
	v22 =	vadd.f32 v17, v3;
	v3 =	vadd.f32 v19, v47  }
0x374: {  	v14 =	vadd.f32 v23, v37;
	v54 =	vld [tilespmem:s31+$0x8370];
	v0 =	vadd.f32 v0, v43  }
0x375: {  	v4 =	vadd.f32 v4, v40;
	v23 =	vadd.f32 v16, v42;
	v16 =	vmul.f32 $1.442695020e+00, v20;
	v20 =	vld [tilespmem:s31+$0x8310]  }
0x376: {  	v5 =	vadd.f32 v31, v5;
	v18 =	vld [tilespmem:s31+$0x8300];
	v0 =	vadd.f32 v7, v0;
	v7 =	vpop (erf)  }
0x377: {  	v12 =	vadd.f32 v21, v14;
	v21 =	vld [tilespmem:s31+$0x8320];
	v4 =	vadd.f32 v45, v4;
	(erf) = vpow2.f32 v11;
	[tilespmem:$0x1FCB0] =	vst v3;
	v3 =	vpop (erf)  }
0x378: {  	v5 =	vadd.f32 v30, v5;
	(erf) = vpow2.f32 v16;
	v42 =	vadd.f32 v7, v8;
	v8 =	vld [tilespmem:s31+$0x8340];
	v7 =	vpop (erf)  }
0x379: {  	v11 =	vadd.f32 v48, v23;
	v23 =	vld [tilespmem:s31+$0x8330];
	v4 =	vadd.f32 v7, v4  }
0x37a: {  	v44 =	vmul.f32 $1.442695020e+00, v54  }
0x37b: {  	s17 =	simm.s32 $0x400;
	v5 =	vadd.f32 v6, v5;
	v30 =	vmul.f32 $1.442695020e+00, v20;
	v7 =	vld [tilespmem:s31+$0x8350];
	[tilespmem:$0x1FCC0] =	vst v4;
	v4 =	vmul.f32 $1.442695020e+00, v18  }
0x37c: {  	v6 =	vld [tilespmem:s17+$0x8300];
	v48 =	vmul.f32 $1.442695020e+00, v21;
	(erf) = vpow2.f32 v44  }
0x37d: {  	v5 =	vadd.f32 v58, v5;
	v58 =	vld [tilespmem:s17+$0x8340];
	v8 =	vmul.f32 $1.442695020e+00, v8;
	(erf) = vpow2.f32 v4  }
0x37e: {  	v47 =	vld [tilespmem:s31+$0x8360];
	v13 =	vmul.f32 $1.442695020e+00, v23;
	v45 =	vpop (erf);
	(erf) = vpow2.f32 v30  }
0x37f: {  	v54 =	vld [tilespmem:s17+$0x8320];
	v40 =	vadd.f32 v45, v10;
	v4 =	vpop (erf);
	(erf) = vpow2.f32 v48  }
0x380: {  	v10 =	vld [tilespmem:s17+$0x8370];
	v7 =	vmul.f32 $1.442695020e+00, v7;
	v32 =	vadd.f32 v4, v11;
	v11 =	vpop (erf);
	(erf) = vpow2.f32 v13  }
0x381: {  	v4 =	vld [tilespmem:s17+$0x8310];
	(erf) = vpow2.f32 v8;
	v8 =	vpop (erf)  }
0x382: {  	v33 =	vadd.f32 v11, v0;
	v0 =	vld [tilespmem:s17+$0x8330];
	(erf) = vpow2.f32 v7;
	v7 =	vadd.f32 v8, v22  }
0x383: {  	v11 =	vmul.f32 $1.442695020e+00, v47;
	v8 =	vld [tilespmem:s17+$0x8350]  }
0x384: {  	[tilespmem:$0x1FCD0] =	vst v7;
	v7 =	vmul.f32 $1.442695020e+00, v6;
	v6 =	vld [tilespmem:$0x1FE70]  }
0x385: {  	v10 =	vmul.f32 $1.442695020e+00, v10;
	(erf) = vpow2.f32 v11;
	v11 =	vld [tilespmem:s17+$0x8360]  }
0x386: {  	s18 =	simm.s32 $0x800;
	v3 =	vadd.f32 v3, v12;
	v12 =	vmul.f32 $1.442695020e+00, v54;
	v4 =	vmul.f32 $1.442695020e+00, v4  }
0x387: {  	v5 =	vadd.f32 v59, v5;
	v13 =	vmul.f32 $1.442695020e+00, v58;
	(erf) = vpow2.f32 v10;
	v10 =	vld [tilespmem:s18+$0x8370]  }
0x388: {  	(erf) = vpow2.f32 v7;
	v0 =	vmul.f32 $1.442695020e+00, v0  }
0x389: {  	(erf) = vpow2.f32 v4;
	v8 =	vmul.f32 $1.442695020e+00, v8;
	v7 =	vpop (erf);
	v5 =	vadd.f32 v6, v5  }
0x38a: {  	v59 =	vld [tilespmem:s18+$0x8300];
	(erf) = vpow2.f32 v12;
	v11 =	vmul.f32 $1.442695020e+00, v11;
	v6 =	vimm.f32 $0.0e+00;
	v4 =	vpop (erf)  }
0x38b: {  	(erf) = vpow2.f32 v0;
	v36 =	vadd.f32 v7, v6;
	v7 =	vld [tilespmem:s18+$0x8310];
	v37 =	vadd.f32 v4, v5;
	v4 =	vpop (erf)  }
0x38c: {  	v48 =	vld [tilespmem:s18+$0x8320];
	v10 =	vmul.f32 $1.442695020e+00, v10;
	(erf) = vpow2.f32 v13;
	v0 =	vpop (erf)  }
0x38d: {  	(erf) = vpow2.f32 v8;
	v41 =	vadd.f32 v4, v6;
	v4 =	vld [tilespmem:s18+$0x8330];
	v43 =	vadd.f32 v0, v6;
	v0 =	vpop (erf)  }
0x38e: {  	v5 =	vld [tilespmem:s18+$0x8340];
	(erf) = vpow2.f32 v11;
	v44 =	vadd.f32 v0, v6;
	v0 =	vpop (erf)  }
0x38f: {  	v59 =	vmul.f32 $1.442695020e+00, v59;
	v58 =	vld [tilespmem:s18+$0x8350];
	(erf) = vpow2.f32 v10;
	v11 =	vpop (erf)  }
0x390: {  	s16 =	simm.s32 $0xC00;
	s17 =	simm.s32 $0x4000;
	v45 =	vadd.f32 v0, v6;
	v8 =	vmul.f32 $1.442695020e+00, v7;
	v0 =	vld [tilespmem:s18+$0x8360];
	v47 =	vadd.f32 v11, v6;
	v7 =	vpop (erf)  }
.LBB2_69:
0x391: {  	p1 =	sne.s32 s17, $0x1F000;
	v10 =	vld [tilespmem:s16+$0x8370];
	v11 =	vmul.f32 $1.442695020e+00, v48;
	(erf) = vpow2.f32 v59;
	v12 =	vpop (erf);
	v6 =	vadd.f32 v7, v6  }
0x392: {  	v7 =	vld [tilespmem:s16+$0x8300];
	v4 =	vmul.f32 $1.442695020e+00, v4;
	(erf) = vpow2.f32 v8;
	v36 =	vadd.f32 v12, v36;
	v8 =	vpop (erf)  }
0x393: {  	v12 =	vld [tilespmem:s16+$0x8310];
	v5 =	vmul.f32 $1.442695020e+00, v5;
	(erf) = vpow2.f32 v11;
	v37 =	vadd.f32 v8, v37;
	v8 =	vpop (erf)  }
.Ltmp35:
0x394: {  	v48 =	vld [tilespmem:s16+$0x8320];
	v11 =	vmul.f32 $1.442695020e+00, v58;
	(erf) = vpow2.f32 v4;
	v41 =	vadd.f32 v8, v41;
	v8 =	vpop (erf);
	(pc) =	sbr.rel @p1 .LBB2_69-.Ltmp35, $4  }
0x395: {  	v4 =	vld [tilespmem:s16+$0x8330];
	v0 =	vmul.f32 $1.442695020e+00, v0;
	(erf) = vpow2.f32 v5;
	v43 =	vadd.f32 v8, v43;
	v8 =	vpop (erf)  }
0x396: {  	v5 =	vld [tilespmem:s16+$0x8340];
	v10 =	vmul.f32 $1.442695020e+00, v10;
	(erf) = vpow2.f32 v11;
	v44 =	vadd.f32 v8, v44;
	v8 =	vpop (erf)  }
0x397: {  	v59 =	vmul.f32 $1.442695020e+00, v7;
	v58 =	vld [tilespmem:s16+$0x8350];
	(erf) = vpow2.f32 v0;
	v45 =	vadd.f32 v8, v45;
	v7 =	vpop (erf)  }
0x398: {  	v8 =	vmul.f32 $1.442695020e+00, v12;
	v0 =	vld [tilespmem:s16+$0x8360];
	s16 =	sshra.s32 s17, $0x2;
	s17 =	sadd.s32 $0x1000, s17;
	(erf) = vpow2.f32 v10;
	v47 =	vadd.f32 v7, v47;
	v7 =	vpop (erf)  }
0x399: {  	v10 =	vld [tilespmem:s16+$0x8370];
	v11 =	vmul.f32 $1.442695020e+00, v48  }
0x39a: {  	(erf) = vpow2.f32 v59;
	v4 =	vmul.f32 $1.442695020e+00, v4  }
0x39b: {  	v12 =	vpop (erf);
	(erf) = vpow2.f32 v8;
	v5 =	vmul.f32 $1.442695020e+00, v5  }
0x39c: {  	v13 =	vld [tilespmem:s16+$0x8300];
	v8 =	vpop (erf);
	(erf) = vpow2.f32 v11  }
0x39d: {  	v14 =	vld [tilespmem:s16+$0x8310];
	v58 =	vmul.f32 $1.442695020e+00, v58;
	v11 =	vpop (erf);
	v0 =	vmul.f32 $1.442695020e+00, v0  }
0x39e: {  	v18 =	vld [tilespmem:s16+$0x8320];
	(erf) = vpow2.f32 v4;
	v4 =	vpop (erf);
	v10 =	vmul.f32 $1.442695020e+00, v10  }
0x39f: {  	(erf) = vpow2.f32 v5;
	v5 =	vpop (erf)  }
0x3a0: {  	v6 =	vadd.f32 v7, v6;
	v7 =	vld [tilespmem:s16+$0x8340];
	(erf) = vpow2.f32 v58;
	v20 =	vpop (erf)  }
0x3a1: {  	v19 =	vld [tilespmem:s16+$0x8330];
	v13 =	vmul.f32 $1.442695020e+00, v13;
	(erf) = vpow2.f32 v0;
	v0 =	vpop (erf)  }
0x3a2: {  	v14 =	vmul.f32 $1.442695020e+00, v14;
	(erf) = vpow2.f32 v10;
	v10 =	vpop (erf)  }
0x3a3: {  	v21 =	vmul.f32 $1.442695020e+00, v18;
	(erf) = vpow2.f32 v13;
	v22 =	vpop (erf)  }
0x3a4: {  	(erf) = vpow2.f32 v14;
	v48 =	vpop (erf)  }
0x3a5: {  	v54 =	vld [tilespmem:s16+$0x8360];
	v7 =	vmul.f32 $1.442695020e+00, v7;
	(erf) = vpow2.f32 v21;
	v17 =	vpop (erf)  }
0x3a6: {  	v16 =	vmul.f32 $1.442695020e+00, v19;
	v19 =	vpop (erf)  }
0x3a7: {  	v23 =	vld [tilespmem:s16+$0x8350];
	v12 =	vadd.f32 v12, v36;
	v18 =	vadd.f32 v20, v45;
	v20 =	vpop (erf)  }
0x3a8: {  	v8 =	vadd.f32 v8, v37;
	(erf) = vpow2.f32 v16;
	v21 =	vpop (erf)  }
0x3a9: {  	v6 =	vadd.f32 v10, v6;
	v10 =	vadd.f32 v22, v12;
	(erf) = vpow2.f32 v7;
	v7 =	vpop (erf)  }
0x3aa: {  	s31 =	simm.s32 $0x0;
	v0 =	vadd.f32 v0, v47;
	v8 =	vadd.f32 v48, v8;
	v48 =	vmul.f32 $1.442695020e+00, v54;
	v54 =	vpop (erf)  }
0x3ab: {  	v4 =	vadd.f32 v4, v43;
	v58 =	vld [tilespmem:s31+$0x8380];
	v59 =	vpop (erf)  }
0x3ac: {  	v11 =	vadd.f32 v11, v41;
	v22 =	vmul.f32 $1.442695020e+00, v23;
	v23 =	vld [tilespmem:s31+$0x83F0];
	v0 =	vadd.f32 v7, v0;
	v7 =	vpop (erf)  }
0x3ad: {  	v4 =	vadd.f32 v19, v4;
	v9 =	vadd.f32 v59, v10;
	v10 =	vpop (erf)  }
0x3ae: {  	v16 =	vld [tilespmem:s31+$0x8390];
	v43 =	vadd.f32 v7, v8;
	v7 =	vpop (erf)  }
0x3af: {  	v11 =	vadd.f32 v17, v11;
	v17 =	vld [tilespmem:s31+$0x83A0];
	(erf) = vpow2.f32 v22;
	v4 =	vadd.f32 v7, v4  }
0x3b0: {  	v5 =	vadd.f32 v5, v44;
	v19 =	vld [tilespmem:s31+$0x83C0];
	(erf) = vpow2.f32 v48  }
0x3b1: {  	v12 =	vadd.f32 v21, v18;
	v18 =	vld [tilespmem:s31+$0x83B0];
	v14 =	vmul.f32 $1.442695020e+00, v23;
	[tilespmem:$0x1FC80] =	vst v4;
	v4 =	vmul.f32 $1.442695020e+00, v58  }
0x3b2: {  	v34 =	vadd.f32 v35, v34;
	v5 =	vadd.f32 v20, v5  }
0x3b3: {  	(erf) = vpow2.f32 v14;
	v48 =	vadd.f32 v10, v11;
	v11 =	vmul.f32 $1.442695020e+00, v16;
	v10 =	vpop (erf)  }
0x3b4: {  	v7 =	vld [tilespmem:s31+$0x83D0];
	v41 =	vadd.f32 v10, v5;
	v10 =	vmul.f32 $1.442695020e+00, v17;
	(erf) = vpow2.f32 v4  }
0x3b5: {  	s17 =	simm.s32 $0x400;
	v20 =	vld [tilespmem:s31+$0x83E0];
	v8 =	vadd.f32 v60, v34;
	(erf) = vpow2.f32 v11;
	v11 =	vmul.f32 $1.442695020e+00, v19;
	v4 =	vpop (erf)  }
0x3b6: {  	v21 =	vld [tilespmem:s17+$0x8380];
	v13 =	vmul.f32 $1.442695020e+00, v18;
	v4 =	vadd.f32 v4, v12  }
0x3b7: {  	v8 =	vadd.f32 v61, v8;
	v5 =	vld [tilespmem:s17+$0x83F0];
	(erf) = vpow2.f32 v10  }
0x3b8: {  	v6 =	vadd.f32 v54, v6;
	v10 =	vpop (erf);
	(erf) = vpow2.f32 v13;
	[tilespmem:$0x1FC90] =	vst v4;
	v4 =	vld [tilespmem:s17+$0x8390]  }
0x3b9: {  	v22 =	vld [tilespmem:s17+$0x83A0];
	v8 =	vadd.f32 v57, v8;
	v7 =	vmul.f32 $1.442695020e+00, v7;
	(erf) = vpow2.f32 v11;
	v11 =	vpop (erf)  }
0x3ba: {  	v37 =	vadd.f32 v10, v0;
	v0 =	vld [tilespmem:s17+$0x83B0];
	v6 =	vadd.f32 v11, v6  }
0x3bb: {  	v10 =	vmul.f32 $1.442695020e+00, v20;
	(erf) = vpow2.f32 v7;
	v7 =	vld [tilespmem:$0x1FE60]  }
0x3bc: {  	v23 =	vld [tilespmem:s17+$0x83C0];
	v8 =	vadd.f32 v56, v8;
	v5 =	vmul.f32 $1.442695020e+00, v5;
	[tilespmem:$0x1FCA0] =	vst v6;
	v6 =	vmul.f32 $1.442695020e+00, v21  }
0x3bd: {  	v11 =	vld [tilespmem:s17+$0x83D0];
	(erf) = vpow2.f32 v10;
	v4 =	vmul.f32 $1.442695020e+00, v4  }
0x3be: {  	s18 =	simm.s32 $0x800;
	v8 =	vadd.f32 v52, v8;
	v10 =	vld [tilespmem:s17+$0x83E0];
	(erf) = vpow2.f32 v5  }
0x3bf: {  	v34 =	vld [tilespmem:s18+$0x83F0];
	v5 =	vmul.f32 $1.442695020e+00, v22;
	v0 =	vmul.f32 $1.442695020e+00, v0  }
0x3c0: {  	v8 =	vadd.f32 v7, v8;
	v7 =	vimm.f32 $0.0e+00;
	(erf) = vpow2.f32 v6;
	v6 =	vpop (erf)  }
0x3c1: {  	(erf) = vpow2.f32 v4;
	v44 =	vadd.f32 v6, v7;
	v6 =	vmul.f32 $1.442695020e+00, v23;
	v4 =	vpop (erf)  }
0x3c2: {  	v35 =	vld [tilespmem:s18+$0x8380];
	(erf) = vpow2.f32 v5;
	v45 =	vadd.f32 v4, v8;
	v8 =	vmul.f32 $1.442695020e+00, v11  }
0x3c3: {  	v36 =	vld [tilespmem:s18+$0x8390];
	v10 =	vmul.f32 $1.442695020e+00, v10;
	(erf) = vpow2.f32 v0;
	v4 =	vpop (erf)  }
0x3c4: {  	v60 =	vld [tilespmem:s18+$0x83A0];
	(erf) = vpow2.f32 v6;
	v11 =	vmul.f32 $1.442695020e+00, v34;
	v0 =	vpop (erf)  }
0x3c5: {  	v47 =	vadd.f32 v4, v7;
	v4 =	vld [tilespmem:s18+$0x83B0];
	v52 =	vadd.f32 v0, v7;
	v0 =	vpop (erf);
	(erf) = vpow2.f32 v8  }
0x3c6: {  	v5 =	vld [tilespmem:s18+$0x83C0];
	(erf) = vpow2.f32 v10;
	v8 =	vpop (erf)  }
0x3c7: {  	v6 =	vld [tilespmem:s18+$0x83D0];
	v56 =	vadd.f32 v0, v7;
	v0 =	vmul.f32 $1.442695020e+00, v35;
	(erf) = vpow2.f32 v11;
	v10 =	vpop (erf)  }
0x3c8: {  	s16 =	simm.s32 $0xC00;
	[tilespmem:$0x1FC70] =	vst v9;
	v61 =	vld [tilespmem:s18+$0x83E0];
	s17 =	simm.s32 $0x4000;
	v57 =	vadd.f32 v8, v7;
	v8 =	vmul.f32 $1.442695020e+00, v36;
	v58 =	vadd.f32 v10, v7;
	v59 =	vpop (erf)  }
.LBB2_71:
0x3c9: {  	p1 =	sne.s32 s17, $0x1F000;
	v10 =	vld [tilespmem:s16+$0x83F0];
	v11 =	vmul.f32 $1.442695020e+00, v60;
	(erf) = vpow2.f32 v0;
	v0 =	vpop (erf);
	v7 =	vadd.f32 v59, v7  }
0x3ca: {  	v12 =	vld [tilespmem:s16+$0x8380];
	v4 =	vmul.f32 $1.442695020e+00, v4;
	(erf) = vpow2.f32 v8;
	v44 =	vadd.f32 v0, v44;
	v0 =	vpop (erf)  }
0x3cb: {  	v8 =	vld [tilespmem:s16+$0x8390];
	v5 =	vmul.f32 $1.442695020e+00, v5;
	(erf) = vpow2.f32 v11;
	v45 =	vadd.f32 v0, v45;
	v0 =	vpop (erf)  }
.Ltmp36:
0x3cc: {  	v60 =	vld [tilespmem:s16+$0x83A0];
	v6 =	vmul.f32 $1.442695020e+00, v6;
	(erf) = vpow2.f32 v4;
	v47 =	vadd.f32 v0, v47;
	v0 =	vpop (erf);
	(pc) =	sbr.rel @p1 .LBB2_71-.Ltmp36, $4  }
0x3cd: {  	v4 =	vld [tilespmem:s16+$0x83B0];
	v9 =	vmul.f32 $1.442695020e+00, v61;
	(erf) = vpow2.f32 v5;
	v52 =	vadd.f32 v0, v52;
	v0 =	vpop (erf)  }
0x3ce: {  	v5 =	vld [tilespmem:s16+$0x83C0];
	v10 =	vmul.f32 $1.442695020e+00, v10;
	(erf) = vpow2.f32 v6;
	v56 =	vadd.f32 v0, v56;
	v13 =	vpop (erf)  }
0x3cf: {  	v0 =	vmul.f32 $1.442695020e+00, v12;
	v6 =	vld [tilespmem:s16+$0x83D0];
	(erf) = vpow2.f32 v9;
	v57 =	vadd.f32 v13, v57;
	v11 =	vpop (erf)  }
0x3d0: {  	v8 =	vmul.f32 $1.442695020e+00, v8;
	v61 =	vld [tilespmem:s16+$0x83E0];
	s16 =	sshra.s32 s17, $0x2;
	s17 =	sadd.s32 $0x1000, s17;
	(erf) = vpow2.f32 v10;
	v58 =	vadd.f32 v11, v58;
	v59 =	vpop (erf)  }
0x3d1: {  	v10 =	vld [tilespmem:s16+$0x83F0];
	v11 =	vmul.f32 $1.442695020e+00, v60  }
0x3d2: {  	(erf) = vpow2.f32 v0;
	v12 =	vld [tilespmem:s16+$0x8380];
	v4 =	vmul.f32 $1.442695020e+00, v4  }
0x3d3: {  	v0 =	vpop (erf);
	v13 =	vld [tilespmem:s16+$0x8390];
	(erf) = vpow2.f32 v8;
	v5 =	vmul.f32 $1.442695020e+00, v5  }
0x3d4: {  	v14 =	vld [tilespmem:s16+$0x83A0];
	v8 =	vpop (erf);
	(erf) = vpow2.f32 v11;
	v6 =	vmul.f32 $1.442695020e+00, v6  }
0x3d5: {  	v36 =	vld [tilespmem:s16+$0x83B0];
	v11 =	vpop (erf);
	(erf) = vpow2.f32 v4  }
0x3d6: {  	v9 =	vld [tilespmem:s16+$0x83C0];
	v61 =	vmul.f32 $1.442695020e+00, v61;
	v4 =	vpop (erf);
	v10 =	vmul.f32 $1.442695020e+00, v10  }
0x3d7: {  	v15 =	vld [tilespmem:s16+$0x83D0];
	(erf) = vpow2.f32 v5;
	v12 =	vmul.f32 $1.442695020e+00, v12;
	v5 =	vpop (erf)  }
0x3d8: {  	v13 =	vmul.f32 $1.442695020e+00, v13;
	(erf) = vpow2.f32 v6;
	v6 =	vpop (erf)  }
0x3d9: {  	v14 =	vmul.f32 $1.442695020e+00, v14;
	(erf) = vpow2.f32 v61;
	v54 =	vpop (erf)  }
0x3da: {  	v16 =	vld [tilespmem:s16+$0x83E0];
	v60 =	vmul.f32 $1.442695020e+00, v36;
	(erf) = vpow2.f32 v10;
	v10 =	vpop (erf)  }
0x3db: {  	v9 =	vmul.f32 $1.442695020e+00, v9;
	(erf) = vpow2.f32 v12;
	v12 =	vpop (erf)  }
0x3dc: {  	v15 =	vmul.f32 $1.442695020e+00, v15;
	(erf) = vpow2.f32 v13;
	v13 =	vpop (erf)  }
0x3dd: {  	(erf) = vpow2.f32 v14;
	v14 =	vpop (erf)  }
0x3de: {  	(erf) = vpow2.f32 v60;
	v34 =	vpop (erf)  }
0x3df: {  	v16 =	vmul.f32 $1.442695020e+00, v16;
	(erf) = vpow2.f32 v9;
	v9 =	vpop (erf)  }
0x3e0: {  	(erf) = vpow2.f32 v15;
	v15 =	vpop (erf)  }
0x3e1: {  	(erf) = vpow2.f32 v16;
	v35 =	vpop (erf)  }
0x3e2: {  	v17 =	vpop (erf)  }
0x3e3: {  	v18 =	vpop (erf)  }
0x3e4: {  	v19 =	vpop (erf)  }
0x3e5: {  	v20 =	vpop (erf)  }
0x3e6: {  	v21 =	vpop (erf)  }
0x3e7: {  	v22 =	vpop (erf)  }
0x3e8: {  	v23 =	vpop (erf)  }
0x3e9: {  	v36 =	vpop (erf)  }
0x3ea: {  	v11 =	vadd.f32 v11, v47;
	v24 =	vpop (erf)  }
0x3eb: {  	v7 =	vadd.f32 v59, v7;
	_ =	swait.ge [sflag:s10], $0x8000  }
0x3ec: {  	v0 =	vadd.f32 v0, v44;
	v11 =	vadd.f32 v14, v11;
	v14 =	vld [tilespmem:$0x1FE00]  }
0x3ed: {  	v8 =	vadd.f32 v8, v45;
	v4 =	vadd.f32 v4, v52;
	[sflag:s10] =	ssyncset.done $0x0  }
0x3ee: {  	s31 =	simm.s32 $0x0;
	v5 =	vadd.f32 v5, v56;
	v6 =	vadd.f32 v6, v57;
	[sflag:s10] =	ssyncadd.s32 $0xFFFF8000  }
0x3ef: {  	v0 =	vadd.f32 v12, v0;
	v8 =	vadd.f32 v13, v8;
	v12 =	vld [tilespmem:s31+$0x0]  }
0x3f0: {  	v7 =	vadd.f32 v10, v7;
	v4 =	vadd.f32 v34, v4;
	v10 =	vld [tilespmem:s31+$0x70]  }
0x3f1: {  	v14 =	vadd.f32 v49, v14;
	v49 =	vadd.f32 v19, v8;
	v8 =	vld [tilespmem:$0x1FE10]  }
0x3f2: {  	v5 =	vadd.f32 v9, v5;
	v4 =	vadd.f32 v21, v4;
	v9 =	vld [tilespmem:s31+$0x10]  }
0x3f3: {  	v6 =	vadd.f32 v15, v6;
	v0 =	vadd.f32 v18, v0;
	v15 =	vld [tilespmem:s31+$0x20]  }
0x3f4: {  	[tilespmem:$0x1FC30] =	vst v4;
	v4 =	vmul.f32 $1.442695020e+00, v12;
	v12 =	vld [tilespmem:$0x1FE20]  }
0x3f5: {  	[tilespmem:$0x1FC20] =	vst v0;
	v0 =	vld [tilespmem:s31+$0x30];
	v10 =	vmul.f32 $1.442695020e+00, v10  }
0x3f6: {  	v58 =	vadd.f32 v54, v58;
	v8 =	vadd.f32 v8, v14;
	v14 =	vld [tilespmem:s31+$0x40]  }
0x3f7: {  	v52 =	vadd.f32 v20, v11;
	v11 =	vld [tilespmem:s31+$0x50];
	v9 =	vmul.f32 $1.442695020e+00, v9;
	(erf) = vpow2.f32 v10  }
0x3f8: {  	v10 =	vmul.f32 $1.442695020e+00, v15;
	(erf) = vpow2.f32 v4;
	v4 =	vld [tilespmem:$0x1FE30]  }
0x3f9: {  	v13 =	vadd.f32 v35, v58;
	(erf) = vpow2.f32 v9;
	v8 =	vadd.f32 v12, v8;
	v12 =	vld [tilespmem:s31+$0x60]  }
0x3fa: {  	s17 =	simm.s32 $0x400;
	v6 =	vadd.f32 v23, v6;
	v0 =	vmul.f32 $1.442695020e+00, v0;
	(erf) = vpow2.f32 v10;
	v10 =	vld [tilespmem:$0x1FE40]  }
0x3fb: {  	v47 =	vadd.f32 v22, v5;
	v5 =	vld [tilespmem:s17+$0x70];
	v9 =	vmul.f32 $1.442695020e+00, v14  }
0x3fc: {  	[tilespmem:$0x1FC40] =	vst v6;
	v6 =	vld [tilespmem:s17+$0x10];
	(erf) = vpow2.f32 v0;
	v0 =	vadd.f32 v36, v13  }
0x3fd: {  	v11 =	vmul.f32 $1.442695020e+00, v11;
	v4 =	vadd.f32 v4, v8;
	(erf) = vpow2.f32 v9;
	v9 =	vld [tilespmem:$0x1FE50]  }
0x3fe: {  	v8 =	vld [tilespmem:s17+$0x0];
	[tilespmem:$0x1FC50] =	vst v0;
	v0 =	vmul.f32 $1.442695020e+00, v12  }
0x3ff: {  	v7 =	vadd.f32 v17, v7;
	v4 =	vadd.f32 v10, v4;
	v10 =	vld [tilespmem:s17+$0x20];
	(erf) = vpow2.f32 v11  }
0x400: {  	(erf) = vpow2.f32 v0;
	v0 =	vld [tilespmem:$0x1FDF0]  }
0x401: {  	v7 =	vadd.f32 v24, v7;
	v14 =	vld [tilespmem:s17+$0x30]  }
0x402: {  	v4 =	vadd.f32 v9, v4;
	v9 =	vld [tilespmem:s17+$0x40]  }
0x403: {  	[tilespmem:$0x1FC60] =	vst v7;
	v5 =	vmul.f32 $1.442695020e+00, v5;
	v15 =	vld [tilespmem:s17+$0x60];
	v7 =	vmul.f32 $1.442695020e+00, v8  }
0x404: {  	v6 =	vmul.f32 $1.442695020e+00, v6;
	v12 =	vld [tilespmem:s17+$0x50]  }
0x405: {  	s18 =	simm.s32 $0x800;
	(erf) = vpow2.f32 v5;
	v5 =	vmul.f32 $1.442695020e+00, v10;
	v4 =	vadd.f32 v0, v4  }
0x406: {  	v60 =	vld [tilespmem:s18+$0x70];
	(erf) = vpow2.f32 v7;
	v10 =	vmul.f32 $1.442695020e+00, v14  }
0x407: {  	(erf) = vpow2.f32 v6;
	v0 =	vimm.f32 $0.0e+00;
	v7 =	vpop (erf);
	v14 =	vmul.f32 $1.442695020e+00, v9  }
0x408: {  	v61 =	vld [tilespmem:s18+$0x0];
	v15 =	vmul.f32 $1.442695020e+00, v15;
	(erf) = vpow2.f32 v5;
	v8 =	vadd.f32 v7, v0;
	v6 =	vpop (erf)  }
0x409: {  	v7 =	vld [tilespmem:s18+$0x10];
	(erf) = vpow2.f32 v10;
	v9 =	vadd.f32 v6, v4;
	v6 =	vmul.f32 $1.442695020e+00, v12;
	v4 =	vpop (erf)  }
0x40a: {  	v59 =	vld [tilespmem:s18+$0x20];
	v5 =	vpop (erf);
	(erf) = vpow2.f32 v14  }
0x40b: {  	v16 =	vmul.f32 $1.442695020e+00, v60;
	v10 =	vadd.f32 v4, v0;
	v4 =	vld [tilespmem:s18+$0x30];
	(erf) = vpow2.f32 v6;
	v14 =	vpop (erf)  }
0x40c: {  	v12 =	vadd.f32 v5, v0;
	v5 =	vld [tilespmem:s18+$0x40];
	(erf) = vpow2.f32 v15;
	v56 =	vadd.f32 v14, v0;
	v14 =	vpop (erf)  }
0x40d: {  	v61 =	vmul.f32 $1.442695020e+00, v61;
	v6 =	vld [tilespmem:s18+$0x50];
	v15 =	vpop (erf);
	(erf) = vpow2.f32 v16  }
0x40e: {  	s16 =	simm.s32 $0xC00;
	s17 =	simm.s32 $0x4000;
	v57 =	vadd.f32 v14, v0;
	v14 =	vmul.f32 $1.442695020e+00, v7;
	v7 =	vld [tilespmem:s18+$0x60];
	v58 =	vadd.f32 v15, v0;
	v60 =	vpop (erf)  }
.LBB2_73:
0x40f: {  	p1 =	sne.s32 s17, $0x1F000;
	v15 =	vld [tilespmem:s16+$0x70];
	v16 =	vmul.f32 $1.442695020e+00, v59;
	(erf) = vpow2.f32 v61;
	v17 =	vpop (erf);
	v0 =	vadd.f32 v60, v0  }
0x410: {  	v18 =	vld [tilespmem:s16+$0x0];
	v4 =	vmul.f32 $1.442695020e+00, v4;
	(erf) = vpow2.f32 v14;
	v8 =	vadd.f32 v17, v8;
	v14 =	vpop (erf)  }
0x411: {  	v17 =	vld [tilespmem:s16+$0x10];
	v5 =	vmul.f32 $1.442695020e+00, v5;
	(erf) = vpow2.f32 v16;
	v9 =	vadd.f32 v14, v9;
	v14 =	vpop (erf)  }
.Ltmp37:
0x412: {  	v59 =	vld [tilespmem:s16+$0x20];
	v6 =	vmul.f32 $1.442695020e+00, v6;
	(erf) = vpow2.f32 v4;
	v10 =	vadd.f32 v14, v10;
	v14 =	vpop (erf);
	(pc) =	sbr.rel @p1 .LBB2_73-.Ltmp37, $4  }
0x413: {  	v4 =	vld [tilespmem:s16+$0x30];
	v7 =	vmul.f32 $1.442695020e+00, v7;
	(erf) = vpow2.f32 v5;
	v12 =	vadd.f32 v14, v12;
	v14 =	vpop (erf)  }
0x414: {  	v5 =	vld [tilespmem:s16+$0x40];
	v15 =	vmul.f32 $1.442695020e+00, v15;
	(erf) = vpow2.f32 v6;
	v56 =	vadd.f32 v14, v56;
	v14 =	vpop (erf)  }
0x415: {  	v61 =	vmul.f32 $1.442695020e+00, v18;
	v6 =	vld [tilespmem:s16+$0x50];
	(erf) = vpow2.f32 v7;
	v57 =	vadd.f32 v14, v57;
	v16 =	vpop (erf)  }
0x416: {  	v14 =	vmul.f32 $1.442695020e+00, v17;
	v7 =	vld [tilespmem:s16+$0x60];
	s16 =	sshra.s32 s17, $0x2;
	s17 =	sadd.s32 $0x1000, s17;
	(erf) = vpow2.f32 v15;
	v58 =	vadd.f32 v16, v58;
	v60 =	vpop (erf)  }
0x417: {  	v15 =	vld [tilespmem:s16+$0x70];
	v16 =	vmul.f32 $1.442695020e+00, v59  }
0x418: {  	(erf) = vpow2.f32 v61;
	v18 =	vld [tilespmem:s16+$0x0];
	v4 =	vmul.f32 $1.442695020e+00, v4  }
0x419: {  	v17 =	vpop (erf);
	v19 =	vld [tilespmem:s16+$0x10];
	(erf) = vpow2.f32 v14;
	v5 =	vmul.f32 $1.442695020e+00, v5  }
0x41a: {  	v20 =	vld [tilespmem:s16+$0x20];
	v36 =	vpop (erf);
	(erf) = vpow2.f32 v16;
	v6 =	vmul.f32 $1.442695020e+00, v6  }
0x41b: {  	v16 =	vpop (erf);
	(erf) = vpow2.f32 v4;
	v7 =	vmul.f32 $1.442695020e+00, v7  }
0x41c: {  	v21 =	vld [tilespmem:s16+$0x30];
	v4 =	vpop (erf);
	(erf) = vpow2.f32 v5;
	v15 =	vmul.f32 $1.442695020e+00, v15  }
0x41d: {  	v18 =	vmul.f32 $1.442695020e+00, v18;
	v5 =	vpop (erf);
	(erf) = vpow2.f32 v6  }
0x41e: {  	v19 =	vmul.f32 $1.442695020e+00, v19;
	v6 =	vpop (erf);
	(erf) = vpow2.f32 v7  }
0x41f: {  	v8 =	vadd.f32 v17, v8;
	v17 =	vmul.f32 $1.442695020e+00, v20;
	v7 =	vpop (erf);
	(erf) = vpow2.f32 v15  }
0x420: {  	v44 =	vpop (erf);
	(erf) = vpow2.f32 v18  }
0x421: {  	v18 =	vpop (erf);
	(erf) = vpow2.f32 v19;
	v19 =	vmul.f32 $1.442695020e+00, v21  }
0x422: {  	v10 =	vadd.f32 v16, v10;
	v16 =	vpop (erf)  }
0x423: {  	(erf) = vpow2.f32 v17;
	v17 =	vpop (erf)  }
0x424: {  	v20 =	vpop (erf)  }
0x425: {  	v9 =	vadd.f32 v36, v9;
	(erf) = vpow2.f32 v19;
	v19 =	vpop (erf)  }
0x426: {  	v22 =	vld [tilespmem:s16+$0x40];
	v7 =	vadd.f32 v7, v58;
	v58 =	vpop (erf)  }
0x427: {  	v9 =	vadd.f32 v16, v9;
	v16 =	vpop (erf)  }
0x428: {  	v8 =	vadd.f32 v18, v8;
	v10 =	vadd.f32 v17, v10;
	v17 =	vpop (erf)  }
0x429: {  	v45 =	vld [tilespmem:s16+$0x50];
	v4 =	vadd.f32 v4, v12;
	v5 =	vadd.f32 v5, v56;
	v59 =	vpop (erf)  }
0x42a: {  	v11 =	vld [tilespmem:$0x1FDB0];
	v7 =	vadd.f32 v16, v7;
	v16 =	vpop (erf);
	v8 =	vadd.f32 v59, v8  }
0x42b: {  	v54 =	vld [tilespmem:s16+$0x60];
	s31 =	simm.s32 $0x0;
	v6 =	vadd.f32 v6, v57;
	v57 =	vmul.f32 $1.442695020e+00, v22;
	v9 =	vadd.f32 v16, v9  }
0x42c: {  	v0 =	vadd.f32 v60, v0;
	v60 =	vld [tilespmem:s31+$0x90];
	v4 =	vadd.f32 v20, v4  }
0x42d: {  	v20 =	vld [tilespmem:s31+$0x80];
	(erf) = vpow2.f32 v57;
	v5 =	vadd.f32 v19, v5;
	v19 =	vadd.f32 v62, v53  }
0x42e: {  	v14 =	vmul.f32 $1.442695020e+00, v45;
	v18 =	vld [tilespmem:s31+$0xF0];
	[tilespmem:$0x1FBA0] =	vst v8;
	v8 =	vpop (erf)  }
0x42f: {  	v22 =	vadd.f32 v11, v19;
	v11 =	vld [tilespmem:$0x1FDC0];
	[tilespmem:$0x1FBB0] =	vst v9;
	v9 =	vpop (erf)  }
0x430: {  	v61 =	vld [tilespmem:s31+$0xA0];
	v12 =	vmul.f32 $1.442695020e+00, v54;
	(erf) = vpow2.f32 v14;
	v4 =	vadd.f32 v9, v4  }
0x431: {  	v0 =	vadd.f32 v44, v0;
	v62 =	vld [tilespmem:s31+$0xB0];
	v8 =	vadd.f32 v8, v10  }
0x432: {  	(erf) = vpow2.f32 v12;
	v16 =	vld [tilespmem:s31+$0xC0];
	v10 =	vadd.f32 v50, v22;
	[tilespmem:$0x1FBD0] =	vst v4;
	v4 =	vmul.f32 $1.442695020e+00, v20  }
0x433: {  	v0 =	vadd.f32 v17, v0;
	v17 =	vmul.f32 $1.442695020e+00, v18;
	[tilespmem:$0x1FBC0] =	vst v8;
	v8 =	vld [tilespmem:s31+$0xD0]  }
0x434: {  	v23 =	vmul.f32 $1.442695020e+00, v60;
	v6 =	vadd.f32 v58, v6;
	v9 =	vpop (erf);
	v10 =	vadd.f32 v11, v10;
	v11 =	vld [tilespmem:$0x1FDD0]  }
0x435: {  	s17 =	simm.s32 $0x400;
	v34 =	vld [tilespmem:s31+$0xE0];
	(erf) = vpow2.f32 v17;
	v5 =	vadd.f32 v9, v5;
	v9 =	vmul.f32 $1.442695020e+00, v61  }
0x436: {  	v35 =	vld [tilespmem:s17+$0xA0];
	v12 =	vmul.f32 $1.442695020e+00, v62;
	(erf) = vpow2.f32 v4;
	v4 =	vpop (erf)  }
0x437: {  	v17 =	vld [tilespmem:s17+$0x80];
	(erf) = vpow2.f32 v23;
	v4 =	vadd.f32 v4, v6;
	v6 =	vmul.f32 $1.442695020e+00, v16  }
0x438: {  	[tilespmem:$0x1FBE0] =	vst v5;
	v5 =	vld [tilespmem:s17+$0xF0];
	(erf) = vpow2.f32 v9  }
0x439: {  	v10 =	vadd.f32 v11, v10;
	v8 =	vmul.f32 $1.442695020e+00, v8;
	v11 =	vld [tilespmem:$0x1FDE0];
	v9 =	vpop (erf);
	(erf) = vpow2.f32 v12  }
0x43a: {  	v7 =	vadd.f32 v9, v7;
	[tilespmem:$0x1FBF0] =	vst v4;
	v4 =	vld [tilespmem:s17+$0x90];
	(erf) = vpow2.f32 v6  }
0x43b: {  	(erf) = vpow2.f32 v8;
	v8 =	vld [tilespmem:$0x1FDA0];
	v6 =	vpop (erf)  }
0x43c: {  	v9 =	vmul.f32 $1.442695020e+00, v34;
	[tilespmem:$0x1FC00] =	vst v7;
	v7 =	vld [tilespmem:s17+$0xB0];
	v0 =	vadd.f32 v6, v0  }
0x43d: {  	v36 =	vld [tilespmem:s17+$0xC0];
	v5 =	vmul.f32 $1.442695020e+00, v5  }
0x43e: {  	v10 =	vadd.f32 v11, v10;
	(erf) = vpow2.f32 v9;
	v6 =	vld [tilespmem:s17+$0xD0];
	[tilespmem:$0x1FC10] =	vst v0;
	v0 =	vmul.f32 $1.442695020e+00, v17  }
0x43f: {  	s18 =	simm.s32 $0x800;
	v9 =	vld [tilespmem:s17+$0xE0];
	(erf) = vpow2.f32 v5  }
0x440: {  	v5 =	vld [tilespmem:s18+$0xF0];
	v4 =	vmul.f32 $1.442695020e+00, v4;
	v8 =	vadd.f32 v8, v10;
	v10 =	vmul.f32 $1.442695020e+00, v35  }
0x441: {  	v7 =	vmul.f32 $1.442695020e+00, v7;
	(erf) = vpow2.f32 v0  }
0x442: {  	v19 =	vimm.f32 $0.0e+00;
	(erf) = vpow2.f32 v4;
	v4 =	vmul.f32 $1.442695020e+00, v36;
	v0 =	vpop (erf)  }
0x443: {  	v44 =	vld [tilespmem:s18+$0x80];
	v6 =	vmul.f32 $1.442695020e+00, v6;
	(erf) = vpow2.f32 v10;
	v50 =	vadd.f32 v0, v19;
	v0 =	vpop (erf)  }
0x444: {  	v45 =	vld [tilespmem:s18+$0x90];
	v9 =	vmul.f32 $1.442695020e+00, v9;
	(erf) = vpow2.f32 v7;
	v53 =	vadd.f32 v0, v8;
	v0 =	vpop (erf)  }
0x445: {  	v61 =	vld [tilespmem:s18+$0xA0];
	v10 =	vmul.f32 $1.442695020e+00, v5;
	(erf) = vpow2.f32 v4;
	v7 =	vpop (erf)  }
0x446: {  	v56 =	vadd.f32 v0, v19;
	v0 =	vld [tilespmem:s18+$0xB0];
	(erf) = vpow2.f32 v6;
	v57 =	vadd.f32 v7, v19;
	v7 =	vpop (erf)  }
0x447: {  	v4 =	vld [tilespmem:s18+$0xC0];
	(erf) = vpow2.f32 v9;
	v6 =	vpop (erf)  }
0x448: {  	v5 =	vld [tilespmem:s18+$0xD0];
	v8 =	vmul.f32 $1.442695020e+00, v44;
	v58 =	vadd.f32 v7, v19;
	(erf) = vpow2.f32 v10;
	v7 =	vpop (erf)  }
0x449: {  	s16 =	simm.s32 $0xC00;
	s17 =	simm.s32 $0x4000;
	v9 =	vmul.f32 $1.442695020e+00, v45;
	v59 =	vadd.f32 v6, v19;
	v6 =	vld [tilespmem:s18+$0xE0];
	v60 =	vadd.f32 v7, v19;
	v7 =	vpop (erf)  }
.LBB2_75:
0x44a: {  	p1 =	sne.s32 s17, $0x1F000;
	v10 =	vld [tilespmem:s16+$0xF0];
	v12 =	vmul.f32 $1.442695020e+00, v61;
	(erf) = vpow2.f32 v8;
	v8 =	vpop (erf);
	v19 =	vadd.f32 v7, v19  }
0x44b: {  	v7 =	vld [tilespmem:s16+$0x80];
	v0 =	vmul.f32 $1.442695020e+00, v0;
	(erf) = vpow2.f32 v9;
	v50 =	vadd.f32 v8, v50;
	v8 =	vpop (erf)  }
0x44c: {  	v9 =	vld [tilespmem:s16+$0x90];
	v4 =	vmul.f32 $1.442695020e+00, v4;
	(erf) = vpow2.f32 v12;
	v53 =	vadd.f32 v8, v53;
	v8 =	vpop (erf)  }
.Ltmp38:
0x44d: {  	v61 =	vld [tilespmem:s16+$0xA0];
	v5 =	vmul.f32 $1.442695020e+00, v5;
	(erf) = vpow2.f32 v0;
	v56 =	vadd.f32 v8, v56;
	v8 =	vpop (erf);
	(pc) =	sbr.rel @p1 .LBB2_75-.Ltmp38, $4  }
0x44e: {  	v0 =	vld [tilespmem:s16+$0xB0];
	v6 =	vmul.f32 $1.442695020e+00, v6;
	(erf) = vpow2.f32 v4;
	v57 =	vadd.f32 v8, v57;
	v8 =	vpop (erf)  }
0x44f: {  	v4 =	vld [tilespmem:s16+$0xC0];
	v10 =	vmul.f32 $1.442695020e+00, v10;
	(erf) = vpow2.f32 v5;
	v58 =	vadd.f32 v8, v58;
	v12 =	vpop (erf)  }
0x450: {  	v8 =	vmul.f32 $1.442695020e+00, v7;
	v5 =	vld [tilespmem:s16+$0xD0];
	(erf) = vpow2.f32 v6;
	v59 =	vadd.f32 v12, v59;
	v7 =	vpop (erf)  }
0x451: {  	v9 =	vmul.f32 $1.442695020e+00, v9;
	v6 =	vld [tilespmem:s16+$0xE0];
	s16 =	sshra.s32 s17, $0x2;
	s17 =	sadd.s32 $0x1000, s17;
	(erf) = vpow2.f32 v10;
	v60 =	vadd.f32 v7, v60;
	v7 =	vpop (erf)  }
0x452: {  	v10 =	vld [tilespmem:s16+$0xF0]  }
0x453: {  	v12 =	vmul.f32 $1.442695020e+00, v61;
	v0 =	vmul.f32 $1.442695020e+00, v0  }
0x454: {  	(erf) = vpow2.f32 v8;
	v8 =	vpop (erf);
	v4 =	vmul.f32 $1.442695020e+00, v4  }
0x455: {  	v14 =	vld [tilespmem:s16+$0x80];
	(erf) = vpow2.f32 v9;
	v9 =	vpop (erf);
	v5 =	vmul.f32 $1.442695020e+00, v5  }
0x456: {  	(erf) = vpow2.f32 v12;
	v34 =	vpop (erf);
	v6 =	vmul.f32 $1.442695020e+00, v6  }
0x457: {  	(erf) = vpow2.f32 v0;
	v0 =	vpop (erf);
	v10 =	vmul.f32 $1.442695020e+00, v10  }
0x458: {  	(erf) = vpow2.f32 v4;
	v4 =	vpop (erf)  }
0x459: {  	v15 =	vld [tilespmem:s16+$0x90];
	(erf) = vpow2.f32 v5;
	v5 =	vpop (erf)  }
0x45a: {  	v16 =	vld [tilespmem:s16+$0xA0];
	v14 =	vmul.f32 $1.442695020e+00, v14;
	(erf) = vpow2.f32 v6;
	v6 =	vpop (erf)  }
0x45b: {  	(erf) = vpow2.f32 v10;
	v10 =	vpop (erf)  }
0x45c: {  	(erf) = vpow2.f32 v14;
	v35 =	vpop (erf)  }
0x45d: {  	v11 =	vld [tilespmem:$0x1FD40];
	v44 =	vpop (erf)  }
0x45e: {  	v15 =	vmul.f32 $1.442695020e+00, v15;
	v45 =	vpop (erf)  }
0x45f: {  	v17 =	vld [tilespmem:s16+$0xB0];
	v7 =	vadd.f32 v7, v19;
	v16 =	vmul.f32 $1.442695020e+00, v16;
	v21 =	vpop (erf)  }
0x460: {  	v8 =	vadd.f32 v8, v50;
	(erf) = vpow2.f32 v15;
	v50 =	vpop (erf)  }
0x461: {  	v18 =	vld [tilespmem:s16+$0xC0];
	v9 =	vadd.f32 v9, v53;
	v7 =	vadd.f32 v10, v7;
	(erf) = vpow2.f32 v16;
	v10 =	vpop (erf)  }
0x462: {  	v62 =	vadd.f32 v63, v11;
	v5 =	vadd.f32 v5, v59;
	v54 =	vpop (erf)  }
0x463: {  	v11 =	vld [tilespmem:$0x1FD50];
	v4 =	vadd.f32 v4, v58;
	v8 =	vadd.f32 v35, v8;
	v58 =	vpop (erf)  }
0x464: {  	v36 =	vld [tilespmem:s16+$0xD0];
	v17 =	vmul.f32 $1.442695020e+00, v17;
	v9 =	vadd.f32 v44, v9;
	v5 =	vadd.f32 v10, v5;
	v10 =	vpop (erf)  }
0x465: {  	v61 =	vpop (erf);
	v8 =	vadd.f32 v10, v8  }
0x466: {  	v20 =	vld [tilespmem:s16+$0xE0];
	s31 =	simm.s32 $0x0;
	v18 =	vmul.f32 $1.442695020e+00, v18;
	(erf) = vpow2.f32 v17;
	v9 =	vadd.f32 v61, v9  }
0x467: {  	v0 =	vadd.f32 v0, v57;
	v59 =	vld [tilespmem:s31+$0x100]  }
0x468: {  	v22 =	vadd.f32 v11, v62;
	v11 =	vld [tilespmem:$0x1FD60];
	(erf) = vpow2.f32 v18  }
0x469: {  	v12 =	vadd.f32 v34, v56;
	v56 =	vld [tilespmem:s31+$0x170];
	v53 =	vmul.f32 $1.442695020e+00, v36;
	v0 =	vadd.f32 v21, v0;
	[tilespmem:$0x1FB20] =	vst v8;
	v8 =	vpop (erf)  }
0x46a: {  	v23 =	vld [tilespmem:s31+$0x140];
	[tilespmem:$0x1FB30] =	vst v9;
	v9 =	vpop (erf)  }
0x46b: {  	v63 =	vld [tilespmem:s31+$0x120];
	v57 =	vmul.f32 $1.442695020e+00, v20;
	(erf) = vpow2.f32 v53;
	v0 =	vadd.f32 v9, v0  }
0x46c: {  	v6 =	vadd.f32 v6, v60;
	v60 =	vld [tilespmem:s31+$0x110];
	v12 =	vadd.f32 v45, v12  }
0x46d: {  	v34 =	vadd.f32 v11, v22;
	v11 =	vld [tilespmem:$0x1FD70];
	(erf) = vpow2.f32 v57;
	[tilespmem:$0x1FB50] =	vst v0;
	v0 =	vmul.f32 $1.442695020e+00, v59  }
0x46e: {  	s17 =	simm.s32 $0x400;
	v4 =	vadd.f32 v50, v4;
	v18 =	vmul.f32 $1.442695020e+00, v56;
	v10 =	vld [tilespmem:s31+$0x130]  }
0x46f: {  	v36 =	vld [tilespmem:s17+$0x100];
	v8 =	vadd.f32 v8, v12;
	v9 =	vpop (erf)  }
0x470: {  	v35 =	vld [tilespmem:s31+$0x160];
	(erf) = vpow2.f32 v18;
	v4 =	vadd.f32 v9, v4;
	v9 =	vmul.f32 $1.442695020e+00, v63  }
0x471: {  	v14 =	vmul.f32 $1.442695020e+00, v60;
	[tilespmem:$0x1FB40] =	vst v8;
	v8 =	vld [tilespmem:s31+$0x150];
	(erf) = vpow2.f32 v0;
	v0 =	vpop (erf)  }
0x472: {  	v44 =	vld [tilespmem:s17+$0x120];
	v6 =	vadd.f32 v54, v6;
	v0 =	vadd.f32 v0, v5;
	v5 =	vmul.f32 $1.442695020e+00, v23  }
0x473: {  	v12 =	vadd.f32 v11, v34;
	v10 =	vmul.f32 $1.442695020e+00, v10;
	v11 =	vld [tilespmem:$0x1FD80];
	(erf) = vpow2.f32 v14  }
0x474: {  	[tilespmem:$0x1FB60] =	vst v4;
	v4 =	vld [tilespmem:s17+$0x170];
	(erf) = vpow2.f32 v9;
	v9 =	vpop (erf)  }
0x475: {  	v7 =	vadd.f32 v58, v7;
	(erf) = vpow2.f32 v10;
	v10 =	vld [tilespmem:$0x1FD90];
	v6 =	vadd.f32 v9, v6  }
0x476: {  	v8 =	vmul.f32 $1.442695020e+00, v8;
	[tilespmem:$0x1FB70] =	vst v0;
	v0 =	vld [tilespmem:s17+$0x110];
	(erf) = vpow2.f32 v5;
	v5 =	vpop (erf)  }
0x477: {  	[tilespmem:$0x1FB80] =	vst v6;
	v6 =	vld [tilespmem:s17+$0x130];
	v5 =	vadd.f32 v5, v7  }
0x478: {  	(erf) = vpow2.f32 v8;
	v8 =	vld [tilespmem:$0x1FD30]  }
0x479: {  	v45 =	vld [tilespmem:s17+$0x140];
	v12 =	vadd.f32 v11, v12;
	v9 =	vmul.f32 $1.442695020e+00, v35;
	[tilespmem:$0x1FB90] =	vst v5;
	v5 =	vmul.f32 $1.442695020e+00, v36  }
0x47a: {  	v4 =	vmul.f32 $1.442695020e+00, v4;
	v7 =	vld [tilespmem:s17+$0x150]  }
0x47b: {  	(erf) = vpow2.f32 v9;
	v10 =	vadd.f32 v10, v12;
	v0 =	vmul.f32 $1.442695020e+00, v0  }
0x47c: {  	s18 =	simm.s32 $0x800;
	v54 =	vimm.f32 $0.0e+00;
	v9 =	vld [tilespmem:s17+$0x160];
	(erf) = vpow2.f32 v4;
	v4 =	vmul.f32 $1.442695020e+00, v44  }
0x47d: {  	v8 =	vadd.f32 v8, v10;
	v10 =	vld [tilespmem:s18+$0x170];
	v6 =	vmul.f32 $1.442695020e+00, v6;
	(erf) = vpow2.f32 v5;
	v5 =	vpop (erf)  }
0x47e: {  	v50 =	vld [tilespmem:s18+$0x100];
	(erf) = vpow2.f32 v0;
	v56 =	vadd.f32 v5, v54;
	v5 =	vmul.f32 $1.442695020e+00, v45  }
0x47f: {  	v7 =	vmul.f32 $1.442695020e+00, v7;
	(erf) = vpow2.f32 v4;
	v0 =	vpop (erf)  }
0x480: {  	v53 =	vld [tilespmem:s18+$0x110];
	(erf) = vpow2.f32 v6;
	v57 =	vadd.f32 v0, v8;
	v0 =	vpop (erf)  }
0x481: {  	v63 =	vld [tilespmem:s18+$0x120];
	v6 =	vmul.f32 $1.442695020e+00, v9;
	v4 =	vpop (erf);
	(erf) = vpow2.f32 v5  }
0x482: {  	v10 =	vmul.f32 $1.442695020e+00, v10;
	v58 =	vadd.f32 v0, v54;
	v0 =	vld [tilespmem:s18+$0x130];
	(erf) = vpow2.f32 v7;
	v5 =	vpop (erf)  }
0x483: {  	v8 =	vmul.f32 $1.442695020e+00, v50;
	v59 =	vadd.f32 v4, v54;
	v4 =	vld [tilespmem:s18+$0x140];
	(erf) = vpow2.f32 v6;
	v7 =	vpop (erf)  }
0x484: {  	v60 =	vadd.f32 v5, v54;
	v5 =	vld [tilespmem:s18+$0x150];
	(erf) = vpow2.f32 v10;
	v61 =	vadd.f32 v7, v54;
	v7 =	vpop (erf)  }
0x485: {  	s16 =	simm.s32 $0xC00;
	s17 =	simm.s32 $0x4000;
	v9 =	vmul.f32 $1.442695020e+00, v53;
	v6 =	vld [tilespmem:s18+$0x160];
	v62 =	vadd.f32 v7, v54;
	v7 =	vpop (erf)  }
.LBB2_77:
0x486: {  	p1 =	sne.s32 s17, $0x1F000;
	v10 =	vld [tilespmem:s16+$0x170];
	v12 =	vmul.f32 $1.442695020e+00, v63;
	(erf) = vpow2.f32 v8;
	v8 =	vpop (erf);
	v54 =	vadd.f32 v7, v54  }
0x487: {  	v7 =	vld [tilespmem:s16+$0x100];
	v0 =	vmul.f32 $1.442695020e+00, v0;
	(erf) = vpow2.f32 v9;
	v56 =	vadd.f32 v8, v56;
	v8 =	vpop (erf)  }
0x488: {  	v9 =	vld [tilespmem:s16+$0x110];
	v4 =	vmul.f32 $1.442695020e+00, v4;
	(erf) = vpow2.f32 v12;
	v57 =	vadd.f32 v8, v57;
	v8 =	vpop (erf)  }
.Ltmp39:
0x489: {  	v63 =	vld [tilespmem:s16+$0x120];
	v5 =	vmul.f32 $1.442695020e+00, v5;
	(erf) = vpow2.f32 v0;
	v58 =	vadd.f32 v8, v58;
	v8 =	vpop (erf);
	(pc) =	sbr.rel @p1 .LBB2_77-.Ltmp39, $4  }
0x48a: {  	v0 =	vld [tilespmem:s16+$0x130];
	v6 =	vmul.f32 $1.442695020e+00, v6;
	(erf) = vpow2.f32 v4;
	v59 =	vadd.f32 v8, v59;
	v8 =	vpop (erf)  }
0x48b: {  	v4 =	vld [tilespmem:s16+$0x140];
	v10 =	vmul.f32 $1.442695020e+00, v10;
	(erf) = vpow2.f32 v5;
	v60 =	vadd.f32 v8, v60;
	v12 =	vpop (erf)  }
0x48c: {  	v8 =	vmul.f32 $1.442695020e+00, v7;
	v5 =	vld [tilespmem:s16+$0x150];
	(erf) = vpow2.f32 v6;
	v61 =	vadd.f32 v12, v61;
	v7 =	vpop (erf)  }
0x48d: {  	v9 =	vmul.f32 $1.442695020e+00, v9;
	v6 =	vld [tilespmem:s16+$0x160];
	s16 =	sshra.s32 s17, $0x2;
	s17 =	sadd.s32 $0x1000, s17;
	(erf) = vpow2.f32 v10;
	v62 =	vadd.f32 v7, v62;
	v7 =	vpop (erf)  }
0x48e: {  	v10 =	vld [tilespmem:s16+$0x170]  }
0x48f: {  	v12 =	vmul.f32 $1.442695020e+00, v63;
	v0 =	vmul.f32 $1.442695020e+00, v0  }
0x490: {  	(erf) = vpow2.f32 v8;
	v8 =	vpop (erf);
	v14 =	vld [tilespmem:s16+$0x100];
	v4 =	vmul.f32 $1.442695020e+00, v4  }
0x491: {  	v18 =	vld [tilespmem:s16+$0x120];
	(erf) = vpow2.f32 v9;
	v9 =	vpop (erf);
	v5 =	vmul.f32 $1.442695020e+00, v5  }
0x492: {  	v15 =	vld [tilespmem:s16+$0x110];
	(erf) = vpow2.f32 v12;
	v53 =	vpop (erf);
	v6 =	vmul.f32 $1.442695020e+00, v6  }
0x493: {  	v20 =	vld [tilespmem:s16+$0x130];
	(erf) = vpow2.f32 v0;
	v0 =	vpop (erf);
	v10 =	vmul.f32 $1.442695020e+00, v10  }
0x494: {  	(erf) = vpow2.f32 v4;
	v4 =	vpop (erf)  }
0x495: {  	v14 =	vmul.f32 $1.442695020e+00, v14;
	(erf) = vpow2.f32 v5;
	v5 =	vpop (erf)  }
0x496: {  	v18 =	vmul.f32 $1.442695020e+00, v18;
	(erf) = vpow2.f32 v6;
	v6 =	vpop (erf)  }
0x497: {  	v15 =	vmul.f32 $1.442695020e+00, v15;
	(erf) = vpow2.f32 v10;
	v10 =	vpop (erf)  }
0x498: {  	v23 =	vld [tilespmem:s16+$0x140];
	v20 =	vmul.f32 $1.442695020e+00, v20;
	(erf) = vpow2.f32 v14;
	v63 =	vpop (erf)  }
0x499: {  	v24 =	vld [tilespmem:s16+$0x150];
	(erf) = vpow2.f32 v15;
	v34 =	vpop (erf)  }
0x49a: {  	v7 =	vadd.f32 v7, v54;
	v8 =	vadd.f32 v8, v56;
	(erf) = vpow2.f32 v18;
	v18 =	vpop (erf)  }
0x49b: {  	v9 =	vadd.f32 v9, v57;
	v12 =	vadd.f32 v53, v58;
	v36 =	vpop (erf)  }
0x49c: {  	v35 =	vld [tilespmem:s16+$0x160];
	v0 =	vadd.f32 v0, v59;
	v4 =	vadd.f32 v4, v60;
	(erf) = vpow2.f32 v20;
	v20 =	vpop (erf)  }
0x49d: {  	s31 =	simm.s32 $0x0;
	v11 =	vld [tilespmem:$0x1FD00];
	v23 =	vmul.f32 $1.442695020e+00, v23;
	v5 =	vadd.f32 v5, v61;
	v7 =	vadd.f32 v10, v7;
	v10 =	vpop (erf)  }
0x49e: {  	v50 =	vld [tilespmem:s31+$0x180];
	v44 =	vmul.f32 $1.442695020e+00, v24;
	v6 =	vadd.f32 v6, v62;
	v8 =	vadd.f32 v63, v8;
	v45 =	vpop (erf)  }
0x49f: {  	v9 =	vadd.f32 v34, v9;
	(erf) = vpow2.f32 v23;
	v23 =	vld [tilespmem:s31+$0x1F0];
	v4 =	vadd.f32 v20, v4;
	v24 =	vpop (erf)  }
0x4a0: {  	v60 =	vld [tilespmem:s31+$0x190];
	v20 =	vadd.f32 v1, v55;
	v5 =	vadd.f32 v10, v5;
	v10 =	vpop (erf)  }
0x4a1: {  	v62 =	vld [tilespmem:s31+$0x1A0];
	v12 =	vadd.f32 v18, v12;
	v18 =	vmul.f32 $1.442695020e+00, v35;
	v0 =	vadd.f32 v36, v0;
	v61 =	vpop (erf)  }
0x4a2: {  	(erf) = vpow2.f32 v44;
	v63 =	vadd.f32 v11, v20;
	v11 =	vld [tilespmem:$0x1FD10];
	v1 =	vadd.f32 v10, v8;
	v8 =	vpop (erf)  }
0x4a3: {  	(erf) = vpow2.f32 v18;
	v10 =	vld [tilespmem:s31+$0x1B0];
	v54 =	vadd.f32 v61, v9;
	v9 =	vpop (erf)  }
0x4a4: {  	v18 =	vld [tilespmem:s31+$0x1C0];
	v20 =	vmul.f32 $1.442695020e+00, v23;
	v23 =	vadd.f32 v9, v0;
	v0 =	vmul.f32 $1.442695020e+00, v50  }
0x4a5: {  	v14 =	vmul.f32 $1.442695020e+00, v60;
	v35 =	vld [tilespmem:s31+$0x1E0];
	v7 =	vadd.f32 v24, v7  }
0x4a6: {  	s17 =	simm.s32 $0x400;
	v34 =	vadd.f32 v38, v63;
	v55 =	vadd.f32 v8, v12;
	v8 =	vld [tilespmem:s31+$0x1D0];
	v9 =	vpop (erf);
	(erf) = vpow2.f32 v20  }
0x4a7: {  	v36 =	vld [tilespmem:s17+$0x180];
	v38 =	vadd.f32 v9, v4;
	v9 =	vmul.f32 $1.442695020e+00, v62;
	(erf) = vpow2.f32 v0  }
0x4a8: {  	v12 =	vadd.f32 v11, v34;
	v4 =	vld [tilespmem:s17+$0x1F0];
	v10 =	vmul.f32 $1.442695020e+00, v10;
	(erf) = vpow2.f32 v14;
	v0 =	vpop (erf)  }
0x4a9: {  	(erf) = vpow2.f32 v9;
	v24 =	vadd.f32 v0, v5;
	v0 =	vld [tilespmem:s17+$0x190];
	v5 =	vmul.f32 $1.442695020e+00, v18  }
0x4aa: {  	v6 =	vadd.f32 v45, v6;
	(erf) = vpow2.f32 v10;
	v10 =	vld [tilespmem:$0x1FD20]  }
0x4ab: {  	v44 =	vld [tilespmem:s17+$0x1A0];
	v12 =	vadd.f32 v25, v12;
	v8 =	vmul.f32 $1.442695020e+00, v8;
	v9 =	vpop (erf)  }
0x4ac: {  	v25 =	vadd.f32 v9, v6;
	v6 =	vld [tilespmem:s17+$0x1B0];
	v9 =	vmul.f32 $1.442695020e+00, v35;
	(erf) = vpow2.f32 v5  }
0x4ad: {  	v45 =	vld [tilespmem:s17+$0x1C0];
	v4 =	vmul.f32 $1.442695020e+00, v4;
	(erf) = vpow2.f32 v8;
	v5 =	vpop (erf)  }
0x4ae: {  	(erf) = vpow2.f32 v9;
	v20 =	vadd.f32 v5, v7;
	v5 =	vmul.f32 $1.442695020e+00, v36;
	v7 =	vld [tilespmem:s17+$0x1D0]  }
0x4af: {  	v9 =	vld [tilespmem:s17+$0x1E0];
	v10 =	vadd.f32 v10, v12;
	v0 =	vmul.f32 $1.442695020e+00, v0;
	(erf) = vpow2.f32 v4  }
0x4b0: {  	s18 =	simm.s32 $0x800;
	v4 =	vmul.f32 $1.442695020e+00, v44;
	(erf) = vpow2.f32 v5  }
0x4b1: {  	v6 =	vmul.f32 $1.442695020e+00, v6;
	v8 =	vadd.f32 v51, v10;
	v10 =	vld [tilespmem:s18+$0x1F0];
	(erf) = vpow2.f32 v0  }
0x4b2: {  	v56 =	vimm.f32 $0.0e+00;
	v5 =	vpop (erf);
	(erf) = vpow2.f32 v4  }
0x4b3: {  	v50 =	vld [tilespmem:s18+$0x180];
	v57 =	vadd.f32 v5, v56;
	v0 =	vpop (erf);
	v5 =	vmul.f32 $1.442695020e+00, v45;
	v7 =	vmul.f32 $1.442695020e+00, v7  }
0x4b4: {  	v51 =	vld [tilespmem:s18+$0x190];
	(erf) = vpow2.f32 v6;
	v58 =	vadd.f32 v0, v8;
	v0 =	vpop (erf);
	v8 =	vmul.f32 $1.442695020e+00, v9  }
0x4b5: {  	v4 =	vld [tilespmem:s18+$0x1A0];
	v59 =	vadd.f32 v0, v56;
	v6 =	vpop (erf);
	(erf) = vpow2.f32 v5  }
0x4b6: {  	v0 =	vld [tilespmem:s18+$0x1B0];
	v53 =	vmul.f32 $1.442695020e+00, v10;
	v60 =	vadd.f32 v6, v56;
	v6 =	vpop (erf);
	(erf) = vpow2.f32 v7  }
0x4b7: {  	v5 =	vld [tilespmem:s18+$0x1C0];
	v7 =	vpop (erf);
	(erf) = vpow2.f32 v8  }
0x4b8: {  	v9 =	vmul.f32 $1.442695020e+00, v50;
	v61 =	vadd.f32 v6, v56;
	v6 =	vld [tilespmem:s18+$0x1D0];
	v8 =	vpop (erf);
	(erf) = vpow2.f32 v53  }
0x4b9: {  	s16 =	simm.s32 $0xC00;
	s17 =	simm.s32 $0x4000;
	v10 =	vmul.f32 $1.442695020e+00, v51;
	v62 =	vadd.f32 v7, v56;
	v7 =	vld [tilespmem:s18+$0x1E0];
	v63 =	vadd.f32 v8, v56;
	v8 =	vpop (erf)  }
.LBB2_79:
0x4ba: {  	p1 =	sne.s32 s17, $0x1F000;
	v12 =	vld [tilespmem:s16+$0x1F0];
	v4 =	vmul.f32 $1.442695020e+00, v4;
	(erf) = vpow2.f32 v9;
	v9 =	vpop (erf);
	v56 =	vadd.f32 v8, v56  }
0x4bb: {  	v8 =	vld [tilespmem:s16+$0x180];
	v0 =	vmul.f32 $1.442695020e+00, v0;
	(erf) = vpow2.f32 v10;
	v57 =	vadd.f32 v9, v57;
	v9 =	vpop (erf)  }
0x4bc: {  	v10 =	vld [tilespmem:s16+$0x190];
	v5 =	vmul.f32 $1.442695020e+00, v5;
	(erf) = vpow2.f32 v4;
	v58 =	vadd.f32 v9, v58;
	v9 =	vpop (erf)  }
.Ltmp40:
0x4bd: {  	v4 =	vld [tilespmem:s16+$0x1A0];
	v6 =	vmul.f32 $1.442695020e+00, v6;
	(erf) = vpow2.f32 v0;
	v59 =	vadd.f32 v9, v59;
	v9 =	vpop (erf);
	(pc) =	sbr.rel @p1 .LBB2_79-.Ltmp40, $4  }
0x4be: {  	v0 =	vld [tilespmem:s16+$0x1B0];
	v7 =	vmul.f32 $1.442695020e+00, v7;
	(erf) = vpow2.f32 v5;
	v60 =	vadd.f32 v9, v60;
	v9 =	vpop (erf)  }
0x4bf: {  	v5 =	vld [tilespmem:s16+$0x1C0];
	v12 =	vmul.f32 $1.442695020e+00, v12;
	(erf) = vpow2.f32 v6;
	v61 =	vadd.f32 v9, v61;
	v14 =	vpop (erf)  }
0x4c0: {  	v9 =	vmul.f32 $1.442695020e+00, v8;
	v6 =	vld [tilespmem:s16+$0x1D0];
	(erf) = vpow2.f32 v7;
	v62 =	vadd.f32 v14, v62;
	v8 =	vpop (erf)  }
0x4c1: {  	v10 =	vmul.f32 $1.442695020e+00, v10;
	v7 =	vld [tilespmem:s16+$0x1E0];
	s16 =	sshra.s32 s17, $0x2;
	s17 =	sadd.s32 $0x1000, s17;
	(erf) = vpow2.f32 v12;
	v63 =	vadd.f32 v8, v63;
	v8 =	vpop (erf)  }
0x4c2: {  	v12 =	vld [tilespmem:s16+$0x1F0];
	v4 =	vmul.f32 $1.442695020e+00, v4  }
0x4c3: {  	v14 =	vld [tilespmem:s16+$0x180];
	v0 =	vmul.f32 $1.442695020e+00, v0  }
0x4c4: {  	(erf) = vpow2.f32 v9;
	v9 =	vpop (erf);
	v15 =	vld [tilespmem:s16+$0x190];
	v5 =	vmul.f32 $1.442695020e+00, v5  }
0x4c5: {  	v18 =	vld [tilespmem:s16+$0x1A0];
	(erf) = vpow2.f32 v10;
	v10 =	vpop (erf);
	v6 =	vmul.f32 $1.442695020e+00, v6  }
0x4c6: {  	(erf) = vpow2.f32 v4;
	v4 =	vpop (erf);
	v7 =	vmul.f32 $1.442695020e+00, v7  }
0x4c7: {  	v26 =	vld [tilespmem:s16+$0x1B0];
	(erf) = vpow2.f32 v0;
	v0 =	vpop (erf);
	v12 =	vmul.f32 $1.442695020e+00, v12  }
0x4c8: {  	(erf) = vpow2.f32 v5;
	v14 =	vmul.f32 $1.442695020e+00, v14;
	v5 =	vpop (erf)  }
0x4c9: {  	v15 =	vmul.f32 $1.442695020e+00, v15;
	(erf) = vpow2.f32 v6;
	v6 =	vpop (erf)  }
0x4ca: {  	v18 =	vmul.f32 $1.442695020e+00, v18;
	(erf) = vpow2.f32 v7;
	v7 =	vpop (erf)  }
0x4cb: {  	(erf) = vpow2.f32 v12;
	v12 =	vpop (erf)  }
0x4cc: {  	v44 =	vld [tilespmem:s16+$0x1C0];
	v26 =	vmul.f32 $1.442695020e+00, v26;
	(erf) = vpow2.f32 v14;
	v14 =	vpop (erf)  }
0x4cd: {  	v8 =	vadd.f32 v8, v56;
	(erf) = vpow2.f32 v15;
	v15 =	vpop (erf)  }
0x4ce: {  	v45 =	vld [tilespmem:s16+$0x1D0];
	v9 =	vadd.f32 v9, v57;
	v10 =	vadd.f32 v10, v58;
	(erf) = vpow2.f32 v18;
	v18 =	vpop (erf)  }
0x4cf: {  	v50 =	vld [tilespmem:s16+$0x1E0];
	v4 =	vadd.f32 v4, v59;
	v0 =	vadd.f32 v0, v60;
	v51 =	vpop (erf)  }
0x4d0: {  	v5 =	vadd.f32 v5, v61;
	v6 =	vadd.f32 v6, v62;
	(erf) = vpow2.f32 v26;
	v26 =	vpop (erf)  }
0x4d1: {  	s31 =	simm.s32 $0x0;
	v56 =	vmul.f32 $1.442695020e+00, v44;
	v7 =	vadd.f32 v7, v63;
	v8 =	vadd.f32 v12, v8;
	v12 =	vpop (erf)  }
0x4d2: {  	v53 =	vld [tilespmem:s31+$0x270];
	v9 =	vadd.f32 v14, v9;
	v10 =	vadd.f32 v15, v10;
	v15 =	vpop (erf)  }
0x4d3: {  	v61 =	vld [tilespmem:s31+$0x200];
	v14 =	vmul.f32 $1.442695020e+00, v45;
	v4 =	vadd.f32 v18, v4;
	(erf) = vpow2.f32 v56;
	v60 =	vpop (erf)  }
0x4d4: {  	v18 =	vmul.f32 $1.442695020e+00, v50;
	v5 =	vadd.f32 v26, v5;
	v6 =	vadd.f32 v12, v6;
	v12 =	vpop (erf)  }
0x4d5: {  	v26 =	vadd.f32 v2, v46;
	(erf) = vpow2.f32 v14;
	v14 =	vld [tilespmem:s31+$0x210];
	v7 =	vadd.f32 v15, v7;
	v15 =	vpop (erf)  }
0x4d6: {  	v62 =	vld [tilespmem:s31+$0x220];
	v0 =	vadd.f32 v51, v0;
	v2 =	vadd.f32 v12, v9;
	v9 =	vpop (erf)  }
0x4d7: {  	(erf) = vpow2.f32 v18;
	v12 =	vld [tilespmem:s31+$0x230];
	v46 =	vadd.f32 v15, v10;
	v15 =	vadd.f32 v27, v26;
	v10 =	vpop (erf)  }
0x4d8: {  	v18 =	vld [tilespmem:s31+$0x240];
	v26 =	vmul.f32 $1.442695020e+00, v53;
	v27 =	vadd.f32 v10, v0;
	v0 =	vmul.f32 $1.442695020e+00, v61  }
0x4d9: {  	v56 =	vadd.f32 v9, v4;
	v4 =	vld [tilespmem:s31+$0x250]  }
0x4da: {  	v9 =	vpop (erf);
	v10 =	vadd.f32 v39, v15;
	v14 =	vmul.f32 $1.442695020e+00, v14;
	(erf) = vpow2.f32 v26  }
0x4db: {  	s17 =	simm.s32 $0x400;
	v11 =	vld [tilespmem:$0x1FCF0];
	v39 =	vadd.f32 v9, v5;
	v9 =	vmul.f32 $1.442695020e+00, v62;
	(erf) = vpow2.f32 v0  }
0x4dc: {  	v63 =	vld [tilespmem:s17+$0x200];
	v10 =	vadd.f32 v28, v10;
	v12 =	vmul.f32 $1.442695020e+00, v12;
	(erf) = vpow2.f32 v14;
	v0 =	vpop (erf)  }
0x4dd: {  	v15 =	vld [tilespmem:s31+$0x260];
	(erf) = vpow2.f32 v9;
	v28 =	vadd.f32 v0, v6;
	v6 =	vmul.f32 $1.442695020e+00, v18  }
0x4de: {  	v5 =	vld [tilespmem:s17+$0x270];
	v4 =	vmul.f32 $1.442695020e+00, v4;
	(erf) = vpow2.f32 v12  }
0x4df: {  	v0 =	vld [tilespmem:s17+$0x210];
	(erf) = vpow2.f32 v6  }
0x4e0: {  	v9 =	vpop (erf);
	(erf) = vpow2.f32 v4;
	v4 =	vld [tilespmem:$0x1FCE0]  }
0x4e1: {  	v14 =	vld [tilespmem:s17+$0x220];
	v10 =	vadd.f32 v29, v10  }
0x4e2: {  	v8 =	vadd.f32 v60, v8;
	v29 =	vadd.f32 v9, v7;
	v7 =	vld [tilespmem:s17+$0x230];
	v9 =	vmul.f32 $1.442695020e+00, v15  }
0x4e3: {  	v12 =	vld [tilespmem:s17+$0x240];
	v10 =	vadd.f32 v11, v10;
	v5 =	vmul.f32 $1.442695020e+00, v5;
	v6 =	vpop (erf)  }
0x4e4: {  	(erf) = vpow2.f32 v9;
	v26 =	vadd.f32 v6, v8;
	v6 =	vmul.f32 $1.442695020e+00, v63;
	v8 =	vld [tilespmem:s17+$0x250]  }
0x4e5: {  	s18 =	simm.s32 $0x800;
	v0 =	vmul.f32 $1.442695020e+00, v0;
	(erf) = vpow2.f32 v5;
	v9 =	vadd.f32 v4, v10;
	v10 =	vld [tilespmem:s17+$0x260]  }
0x4e6: {  	v15 =	vld [tilespmem:s18+$0x270];
	v5 =	vmul.f32 $1.442695020e+00, v14;
	(erf) = vpow2.f32 v6  }
0x4e7: {  	v7 =	vmul.f32 $1.442695020e+00, v7;
	(erf) = vpow2.f32 v0  }
0x4e8: {  	v4 =	vimm.f32 $0.0e+00;
	v6 =	vpop (erf);
	(erf) = vpow2.f32 v5  }
0x4e9: {  	v14 =	vld [tilespmem:s18+$0x200];
	v57 =	vadd.f32 v6, v4;
	v0 =	vpop (erf);
	v6 =	vmul.f32 $1.442695020e+00, v12;
	v8 =	vmul.f32 $1.442695020e+00, v8  }
0x4ea: {  	v18 =	vld [tilespmem:s18+$0x210];
	(erf) = vpow2.f32 v7;
	v58 =	vadd.f32 v0, v9;
	v0 =	vpop (erf);
	v9 =	vmul.f32 $1.442695020e+00, v10  }
0x4eb: {  	v15 =	vmul.f32 $1.442695020e+00, v15;
	v5 =	vld [tilespmem:s18+$0x220];
	v7 =	vpop (erf);
	(erf) = vpow2.f32 v6  }
0x4ec: {  	v59 =	vadd.f32 v0, v4;
	v0 =	vld [tilespmem:s18+$0x230];
	v60 =	vadd.f32 v7, v4;
	v7 =	vpop (erf);
	(erf) = vpow2.f32 v8  }
0x4ed: {  	v6 =	vld [tilespmem:s18+$0x240];
	v8 =	vpop (erf);
	(erf) = vpow2.f32 v9  }
0x4ee: {  	v10 =	vmul.f32 $1.442695020e+00, v14;
	v61 =	vadd.f32 v7, v4;
	v7 =	vld [tilespmem:s18+$0x250];
	(erf) = vpow2.f32 v15;
	v9 =	vpop (erf)  }
0x4ef: {  	s16 =	simm.s32 $0xC00;
	s17 =	simm.s32 $0x4000;
	v12 =	vmul.f32 $1.442695020e+00, v18;
	v62 =	vadd.f32 v8, v4;
	v8 =	vld [tilespmem:s18+$0x260];
	v63 =	vadd.f32 v9, v4;
	v9 =	vpop (erf)  }
.LBB2_81:
0x4f0: {  	p1 =	sne.s32 s17, $0x1F000;
	v14 =	vld [tilespmem:s16+$0x270];
	v5 =	vmul.f32 $1.442695020e+00, v5;
	(erf) = vpow2.f32 v10;
	v10 =	vpop (erf);
	v4 =	vadd.f32 v9, v4  }
0x4f1: {  	v9 =	vld [tilespmem:s16+$0x200];
	v0 =	vmul.f32 $1.442695020e+00, v0;
	(erf) = vpow2.f32 v12;
	v57 =	vadd.f32 v10, v57;
	v10 =	vpop (erf)  }
0x4f2: {  	v12 =	vld [tilespmem:s16+$0x210];
	v6 =	vmul.f32 $1.442695020e+00, v6;
	(erf) = vpow2.f32 v5;
	v58 =	vadd.f32 v10, v58;
	v10 =	vpop (erf)  }
.Ltmp41:
0x4f3: {  	v5 =	vld [tilespmem:s16+$0x220];
	v7 =	vmul.f32 $1.442695020e+00, v7;
	(erf) = vpow2.f32 v0;
	v59 =	vadd.f32 v10, v59;
	v10 =	vpop (erf);
	(pc) =	sbr.rel @p1 .LBB2_81-.Ltmp41, $4  }
0x4f4: {  	v0 =	vld [tilespmem:s16+$0x230];
	v8 =	vmul.f32 $1.442695020e+00, v8;
	(erf) = vpow2.f32 v6;
	v60 =	vadd.f32 v10, v60;
	v10 =	vpop (erf)  }
0x4f5: {  	v6 =	vld [tilespmem:s16+$0x240];
	v14 =	vmul.f32 $1.442695020e+00, v14;
	(erf) = vpow2.f32 v7;
	v61 =	vadd.f32 v10, v61;
	v15 =	vpop (erf)  }
0x4f6: {  	v10 =	vmul.f32 $1.442695020e+00, v9;
	v7 =	vld [tilespmem:s16+$0x250];
	(erf) = vpow2.f32 v8;
	v62 =	vadd.f32 v15, v62;
	v9 =	vpop (erf)  }
0x4f7: {  	v12 =	vmul.f32 $1.442695020e+00, v12;
	v8 =	vld [tilespmem:s16+$0x260];
	s16 =	sshra.s32 s17, $0x2;
	s17 =	sadd.s32 $0x1000, s17;
	(erf) = vpow2.f32 v14;
	v63 =	vadd.f32 v9, v63;
	v9 =	vpop (erf)  }
0x4f8: {  	v14 =	vld [tilespmem:s16+$0x270];
	v5 =	vmul.f32 $1.442695020e+00, v5  }
0x4f9: {  	v15 =	vld [tilespmem:s16+$0x200];
	v0 =	vmul.f32 $1.442695020e+00, v0  }
0x4fa: {  	(erf) = vpow2.f32 v10;
	v10 =	vpop (erf);
	v18 =	vld [tilespmem:s16+$0x210];
	v6 =	vmul.f32 $1.442695020e+00, v6  }
0x4fb: {  	v30 =	vld [tilespmem:s16+$0x220];
	(erf) = vpow2.f32 v12;
	v12 =	vpop (erf);
	v7 =	vmul.f32 $1.442695020e+00, v7  }
0x4fc: {  	(erf) = vpow2.f32 v5;
	v5 =	vpop (erf);
	v8 =	vmul.f32 $1.442695020e+00, v8  }
0x4fd: {  	v31 =	vld [tilespmem:s16+$0x230];
	(erf) = vpow2.f32 v0;
	v0 =	vpop (erf);
	v14 =	vmul.f32 $1.442695020e+00, v14  }
0x4fe: {  	(erf) = vpow2.f32 v6;
	v15 =	vmul.f32 $1.442695020e+00, v15;
	v6 =	vpop (erf)  }
0x4ff: {  	v4 =	vadd.f32 v9, v4;
	v9 =	vld [tilespmem:s16+$0x240];
	v18 =	vmul.f32 $1.442695020e+00, v18;
	(erf) = vpow2.f32 v7;
	v7 =	vpop (erf)  }
0x500: {  	v30 =	vmul.f32 $1.442695020e+00, v30;
	(erf) = vpow2.f32 v8;
	v8 =	vpop (erf)  }
0x501: {  	(erf) = vpow2.f32 v14;
	v14 =	vpop (erf)  }
0x502: {  	v31 =	vmul.f32 $1.442695020e+00, v31;
	(erf) = vpow2.f32 v15;
	v15 =	vpop (erf)  }
0x503: {  	(erf) = vpow2.f32 v18;
	v18 =	vpop (erf)  }
0x504: {  	v34 =	vld [tilespmem:s16+$0x250];
	v10 =	vadd.f32 v10, v57;
	v9 =	vmul.f32 $1.442695020e+00, v9;
	(erf) = vpow2.f32 v30;
	v30 =	vpop (erf)  }
0x505: {  	v35 =	vld [tilespmem:s16+$0x260];
	v12 =	vadd.f32 v12, v58;
	v5 =	vadd.f32 v5, v59;
	v36 =	vpop (erf)  }
0x506: {  	s31 =	simm.s32 $0x0;
	v0 =	vadd.f32 v0, v60;
	v6 =	vadd.f32 v6, v61;
	(erf) = vpow2.f32 v31;
	v31 =	vpop (erf)  }
0x507: {  	v4 =	vadd.f32 v14, v4;
	v12 =	vadd.f32 v18, v12;
	v18 =	vld [tilespmem:s31+$0x2F0];
	v14 =	vpop (erf)  }
0x508: {  	v11 =	vld [tilespmem:$0x1FCC0];
	v7 =	vadd.f32 v7, v62;
	v10 =	vadd.f32 v15, v10;
	(erf) = vpow2.f32 v9;
	v9 =	vpop (erf)  }
0x509: {  	v45 =	vld [tilespmem:s31+$0x280];
	v8 =	vadd.f32 v8, v63;
	v15 =	vmul.f32 $1.442695020e+00, v34;
	v5 =	vadd.f32 v30, v5;
	v44 =	vpop (erf)  }
0x50a: {  	v30 =	vmul.f32 $1.442695020e+00, v35;
	v0 =	vadd.f32 v36, v0;
	v7 =	vadd.f32 v14, v7;
	v14 =	vpop (erf)  }
0x50b: {  	v6 =	vadd.f32 v31, v6;
	(erf) = vpow2.f32 v15;
	v15 =	vld [tilespmem:s31+$0x290];
	v8 =	vadd.f32 v9, v8;
	v9 =	vpop (erf)  }
0x50c: {  	v50 =	vld [tilespmem:s31+$0x2A0];
	v31 =	vadd.f32 v3, v42;
	v18 =	vmul.f32 $1.442695020e+00, v18;
	v3 =	vadd.f32 v14, v10;
	v10 =	vpop (erf)  }
0x50d: {  	(erf) = vpow2.f32 v30;
	v30 =	vadd.f32 v44, v4;
	v14 =	vld [tilespmem:s31+$0x2B0];
	v4 =	vadd.f32 v9, v12;
	v9 =	vpop (erf)  }
0x50e: {  	v51 =	vld [tilespmem:s31+$0x2C0];
	v12 =	vadd.f32 v11, v31;
	v31 =	vadd.f32 v9, v0;
	v0 =	vmul.f32 $1.442695020e+00, v45  }
0x50f: {  	v42 =	vadd.f32 v10, v5;
	v5 =	vld [tilespmem:s31+$0x2D0]  }
0x510: {  	s17 =	simm.s32 $0x400;
	(erf) = vpow2.f32 v18;
	v9 =	vpop (erf);
	v10 =	vadd.f32 v40, v12;
	v12 =	vmul.f32 $1.442695020e+00, v15  }
0x511: {  	v18 =	vld [tilespmem:s17+$0x280];
	v40 =	vadd.f32 v9, v6;
	v9 =	vmul.f32 $1.442695020e+00, v50;
	(erf) = vpow2.f32 v0  }
0x512: {  	v11 =	vld [tilespmem:$0x1FCD0];
	v10 =	vadd.f32 v32, v10;
	v14 =	vmul.f32 $1.442695020e+00, v14;
	(erf) = vpow2.f32 v12;
	v0 =	vpop (erf)  }
0x513: {  	v15 =	vld [tilespmem:s31+$0x2E0];
	(erf) = vpow2.f32 v9;
	v32 =	vadd.f32 v0, v7;
	v7 =	vmul.f32 $1.442695020e+00, v51  }
0x514: {  	v6 =	vld [tilespmem:s17+$0x2F0];
	v5 =	vmul.f32 $1.442695020e+00, v5;
	(erf) = vpow2.f32 v14  }
0x515: {  	v0 =	vld [tilespmem:s17+$0x290];
	(erf) = vpow2.f32 v7  }
0x516: {  	v10 =	vadd.f32 v33, v10;
	v9 =	vpop (erf);
	(erf) = vpow2.f32 v5;
	v5 =	vld [tilespmem:$0x1FCB0]  }
0x517: {  	v12 =	vld [tilespmem:s17+$0x2A0]  }
0x518: {  	v33 =	vadd.f32 v9, v8;
	v8 =	vld [tilespmem:s17+$0x2B0];
	v9 =	vmul.f32 $1.442695020e+00, v15;
	v10 =	vadd.f32 v11, v10;
	v7 =	vpop (erf)  }
0x519: {  	v14 =	vld [tilespmem:s17+$0x2C0];
	v6 =	vmul.f32 $1.442695020e+00, v6;
	v30 =	vadd.f32 v7, v30;
	v7 =	vmul.f32 $1.442695020e+00, v18  }
0x51a: {  	v15 =	vld [tilespmem:s17+$0x2D0];
	(erf) = vpow2.f32 v9;
	v0 =	vmul.f32 $1.442695020e+00, v0  }
0x51b: {  	s18 =	simm.s32 $0x800;
	(erf) = vpow2.f32 v6;
	v9 =	vadd.f32 v5, v10;
	v10 =	vld [tilespmem:s17+$0x2E0]  }
0x51c: {  	v18 =	vld [tilespmem:s18+$0x2F0];
	v6 =	vmul.f32 $1.442695020e+00, v12;
	(erf) = vpow2.f32 v7  }
0x51d: {  	v8 =	vmul.f32 $1.442695020e+00, v8;
	v5 =	vimm.f32 $0.0e+00;
	(erf) = vpow2.f32 v0;
	v7 =	vpop (erf)  }
0x51e: {  	(erf) = vpow2.f32 v6;
	v57 =	vadd.f32 v7, v5;
	v0 =	vpop (erf)  }
0x51f: {  	v12 =	vld [tilespmem:s18+$0x280];
	v7 =	vmul.f32 $1.442695020e+00, v14;
	v58 =	vadd.f32 v0, v9;
	v9 =	vmul.f32 $1.442695020e+00, v15  }
0x520: {  	v53 =	vld [tilespmem:s18+$0x290];
	(erf) = vpow2.f32 v8;
	v0 =	vpop (erf);
	v10 =	vmul.f32 $1.442695020e+00, v10  }
0x521: {  	v6 =	vld [tilespmem:s18+$0x2A0];
	v14 =	vmul.f32 $1.442695020e+00, v18;
	v8 =	vpop (erf);
	(erf) = vpow2.f32 v7  }
0x522: {  	v59 =	vadd.f32 v0, v5;
	v0 =	vld [tilespmem:s18+$0x2B0];
	v60 =	vadd.f32 v8, v5;
	v8 =	vpop (erf);
	(erf) = vpow2.f32 v9  }
0x523: {  	v7 =	vld [tilespmem:s18+$0x2C0];
	v9 =	vpop (erf);
	(erf) = vpow2.f32 v10  }
0x524: {  	v12 =	vmul.f32 $1.442695020e+00, v12;
	v61 =	vadd.f32 v8, v5;
	v8 =	vld [tilespmem:s18+$0x2D0];
	(erf) = vpow2.f32 v14;
	v10 =	vpop (erf)  }
0x525: {  	s16 =	simm.s32 $0xC00;
	s17 =	simm.s32 $0x4000;
	v15 =	vmul.f32 $1.442695020e+00, v53;
	v62 =	vadd.f32 v9, v5;
	v9 =	vld [tilespmem:s18+$0x2E0];
	v63 =	vadd.f32 v10, v5;
	v10 =	vpop (erf)  }
.LBB2_83:
0x526: {  	p1 =	sne.s32 s17, $0x1F000;
	v14 =	vld [tilespmem:s16+$0x2F0];
	v6 =	vmul.f32 $1.442695020e+00, v6;
	(erf) = vpow2.f32 v12;
	v12 =	vpop (erf);
	v5 =	vadd.f32 v10, v5  }
0x527: {  	v10 =	vld [tilespmem:s16+$0x280];
	v0 =	vmul.f32 $1.442695020e+00, v0;
	(erf) = vpow2.f32 v15;
	v57 =	vadd.f32 v12, v57;
	v12 =	vpop (erf)  }
0x528: {  	v15 =	vld [tilespmem:s16+$0x290];
	v7 =	vmul.f32 $1.442695020e+00, v7;
	(erf) = vpow2.f32 v6;
	v58 =	vadd.f32 v12, v58;
	v12 =	vpop (erf)  }
.Ltmp42:
0x529: {  	v6 =	vld [tilespmem:s16+$0x2A0];
	v8 =	vmul.f32 $1.442695020e+00, v8;
	(erf) = vpow2.f32 v0;
	v59 =	vadd.f32 v12, v59;
	v12 =	vpop (erf);
	(pc) =	sbr.rel @p1 .LBB2_83-.Ltmp42, $4  }
0x52a: {  	v0 =	vld [tilespmem:s16+$0x2B0];
	v9 =	vmul.f32 $1.442695020e+00, v9;
	(erf) = vpow2.f32 v7;
	v60 =	vadd.f32 v12, v60;
	v12 =	vpop (erf)  }
0x52b: {  	v7 =	vld [tilespmem:s16+$0x2C0];
	v14 =	vmul.f32 $1.442695020e+00, v14;
	(erf) = vpow2.f32 v8;
	v61 =	vadd.f32 v12, v61;
	v18 =	vpop (erf)  }
0x52c: {  	v12 =	vmul.f32 $1.442695020e+00, v10;
	v8 =	vld [tilespmem:s16+$0x2D0];
	(erf) = vpow2.f32 v9;
	v62 =	vadd.f32 v18, v62;
	v10 =	vpop (erf)  }
0x52d: {  	v15 =	vmul.f32 $1.442695020e+00, v15;
	v9 =	vld [tilespmem:s16+$0x2E0];
	s16 =	sshra.s32 s17, $0x2;
	s17 =	sadd.s32 $0x1000, s17;
	(erf) = vpow2.f32 v14;
	v63 =	vadd.f32 v10, v63;
	v10 =	vpop (erf)  }
0x52e: {  	v14 =	vld [tilespmem:s16+$0x2F0];
	v6 =	vmul.f32 $1.442695020e+00, v6  }
0x52f: {  	v18 =	vld [tilespmem:s16+$0x280];
	v0 =	vmul.f32 $1.442695020e+00, v0  }
0x530: {  	(erf) = vpow2.f32 v12;
	v12 =	vpop (erf);
	v7 =	vmul.f32 $1.442695020e+00, v7  }
0x531: {  	(erf) = vpow2.f32 v15;
	v15 =	vpop (erf);
	v8 =	vmul.f32 $1.442695020e+00, v8  }
0x532: {  	v34 =	vld [tilespmem:s16+$0x290];
	(erf) = vpow2.f32 v6;
	v6 =	vpop (erf);
	v9 =	vmul.f32 $1.442695020e+00, v9  }
0x533: {  	v35 =	vld [tilespmem:s16+$0x2A0];
	(erf) = vpow2.f32 v0;
	v0 =	vpop (erf);
	v14 =	vmul.f32 $1.442695020e+00, v14  }
0x534: {  	(erf) = vpow2.f32 v7;
	v18 =	vmul.f32 $1.442695020e+00, v18;
	v7 =	vpop (erf)  }
0x535: {  	v5 =	vadd.f32 v10, v5;
	v10 =	vld [tilespmem:s16+$0x2C0];
	(erf) = vpow2.f32 v8;
	v8 =	vpop (erf)  }
0x536: {  	v36 =	vld [tilespmem:s16+$0x2B0];
	(erf) = vpow2.f32 v9;
	v9 =	vpop (erf)  }
0x537: {  	v34 =	vmul.f32 $1.442695020e+00, v34;
	(erf) = vpow2.f32 v14;
	v14 =	vpop (erf)  }
0x538: {  	v35 =	vmul.f32 $1.442695020e+00, v35;
	(erf) = vpow2.f32 v18;
	v18 =	vpop (erf)  }
0x539: {  	(erf) = vpow2.f32 v34;
	v51 =	vpop (erf)  }
0x53a: {  	v50 =	vld [tilespmem:s16+$0x2D0];
	v10 =	vmul.f32 $1.442695020e+00, v10;
	v0 =	vadd.f32 v0, v60;
	(erf) = vpow2.f32 v35;
	v60 =	vpop (erf)  }
0x53b: {  	v53 =	vld [tilespmem:s16+$0x2E0];
	v12 =	vadd.f32 v12, v57;
	v36 =	vmul.f32 $1.442695020e+00, v36;
	v8 =	vadd.f32 v8, v62;
	v62 =	vpop (erf)  }
0x53c: {  	v15 =	vadd.f32 v15, v58;
	v6 =	vadd.f32 v6, v59;
	v44 =	vpop (erf)  }
0x53d: {  	s31 =	simm.s32 $0x0;
	v11 =	vld [tilespmem:$0x1FC80];
	v7 =	vadd.f32 v7, v61;
	v5 =	vadd.f32 v14, v5;
	(erf) = vpow2.f32 v36;
	v14 =	vpop (erf)  }
0x53e: {  	v9 =	vadd.f32 v9, v63;
	v34 =	vld [tilespmem:s31+$0x370];
	v12 =	vadd.f32 v18, v12;
	(erf) = vpow2.f32 v10;
	v10 =	vpop (erf)  }
0x53f: {  	v58 =	vld [tilespmem:s31+$0x300];
	v18 =	vmul.f32 $1.442695020e+00, v50;
	v15 =	vadd.f32 v51, v15;
	v51 =	vadd.f32 v48, v43;
	v50 =	vpop (erf)  }
0x540: {  	v45 =	vmul.f32 $1.442695020e+00, v53;
	v53 =	vld [tilespmem:s31+$0x320];
	v6 =	vadd.f32 v60, v6;
	v8 =	vadd.f32 v14, v8;
	v14 =	vpop (erf)  }
0x541: {  	v0 =	vadd.f32 v62, v0;
	(erf) = vpow2.f32 v18;
	v18 =	vld [tilespmem:s31+$0x310];
	v9 =	vadd.f32 v10, v9;
	v10 =	vpop (erf)  }
0x542: {  	v57 =	vadd.f32 v50, v5;
	v5 =	vadd.f32 v14, v12;
	v14 =	vld [tilespmem:s31+$0x330];
	v12 =	vpop (erf)  }
0x543: {  	v34 =	vmul.f32 $1.442695020e+00, v34;
	(erf) = vpow2.f32 v45;
	v45 =	vld [tilespmem:s31+$0x340];
	v43 =	vadd.f32 v10, v15;
	v10 =	vpop (erf)  }
0x544: {  	v15 =	vadd.f32 v11, v51;
	v11 =	vld [tilespmem:$0x1FC90];
	v35 =	vadd.f32 v10, v0;
	v0 =	vmul.f32 $1.442695020e+00, v58  }
0x545: {  	v7 =	vadd.f32 v44, v7;
	v48 =	vadd.f32 v12, v6;
	v6 =	vld [tilespmem:s31+$0x350]  }
0x546: {  	s17 =	simm.s32 $0x400;
	(erf) = vpow2.f32 v34;
	v10 =	vpop (erf);
	v12 =	vadd.f32 v41, v15;
	v15 =	vmul.f32 $1.442695020e+00, v18  }
0x547: {  	v50 =	vld [tilespmem:s17+$0x300];
	v41 =	vadd.f32 v10, v7;
	v10 =	vmul.f32 $1.442695020e+00, v53;
	(erf) = vpow2.f32 v0  }
0x548: {  	v18 =	vld [tilespmem:s31+$0x360];
	v14 =	vmul.f32 $1.442695020e+00, v14;
	(erf) = vpow2.f32 v15;
	v0 =	vpop (erf)  }
0x549: {  	v7 =	vld [tilespmem:s17+$0x370];
	(erf) = vpow2.f32 v10;
	v36 =	vadd.f32 v0, v8;
	v8 =	vmul.f32 $1.442695020e+00, v45  }
0x54a: {  	v12 =	vadd.f32 v11, v12;
	v11 =	vld [tilespmem:$0x1FCA0];
	v6 =	vmul.f32 $1.442695020e+00, v6;
	(erf) = vpow2.f32 v14  }
0x54b: {  	v0 =	vld [tilespmem:s17+$0x310];
	(erf) = vpow2.f32 v8  }
0x54c: {  	v10 =	vpop (erf);
	(erf) = vpow2.f32 v6;
	v6 =	vld [tilespmem:$0x1FC70]  }
0x54d: {  	v15 =	vld [tilespmem:s17+$0x320];
	v12 =	vadd.f32 v37, v12  }
0x54e: {  	v37 =	vadd.f32 v10, v9;
	v9 =	vld [tilespmem:s17+$0x330];
	v10 =	vmul.f32 $1.442695020e+00, v18;
	v7 =	vmul.f32 $1.442695020e+00, v7;
	v8 =	vpop (erf)  }
0x54f: {  	v14 =	vld [tilespmem:s17+$0x340];
	v12 =	vadd.f32 v11, v12;
	v34 =	vadd.f32 v8, v57;
	v8 =	vmul.f32 $1.442695020e+00, v50  }
0x550: {  	v18 =	vld [tilespmem:s17+$0x350];
	(erf) = vpow2.f32 v10;
	v0 =	vmul.f32 $1.442695020e+00, v0  }
0x551: {  	s18 =	simm.s32 $0x800;
	(erf) = vpow2.f32 v7;
	v10 =	vadd.f32 v6, v12;
	v12 =	vld [tilespmem:s17+$0x360]  }
0x552: {  	v51 =	vld [tilespmem:s18+$0x370];
	v7 =	vmul.f32 $1.442695020e+00, v15;
	(erf) = vpow2.f32 v8  }
0x553: {  	v9 =	vmul.f32 $1.442695020e+00, v9;
	v6 =	vimm.f32 $0.0e+00;
	(erf) = vpow2.f32 v0;
	v8 =	vpop (erf)  }
0x554: {  	(erf) = vpow2.f32 v7;
	v57 =	vadd.f32 v8, v6;
	v0 =	vpop (erf)  }
0x555: {  	v15 =	vld [tilespmem:s18+$0x300];
	v8 =	vmul.f32 $1.442695020e+00, v14;
	v58 =	vadd.f32 v0, v10;
	v10 =	vmul.f32 $1.442695020e+00, v18  }
0x556: {  	v53 =	vld [tilespmem:s18+$0x310];
	(erf) = vpow2.f32 v9;
	v0 =	vpop (erf);
	v12 =	vmul.f32 $1.442695020e+00, v12  }
0x557: {  	v7 =	vld [tilespmem:s18+$0x320];
	v14 =	vmul.f32 $1.442695020e+00, v51;
	v9 =	vpop (erf);
	(erf) = vpow2.f32 v8  }
0x558: {  	v59 =	vadd.f32 v0, v6;
	v0 =	vld [tilespmem:s18+$0x330];
	v60 =	vadd.f32 v9, v6;
	v9 =	vpop (erf);
	(erf) = vpow2.f32 v10  }
0x559: {  	v8 =	vld [tilespmem:s18+$0x340];
	v10 =	vpop (erf);
	(erf) = vpow2.f32 v12  }
0x55a: {  	v15 =	vmul.f32 $1.442695020e+00, v15;
	v61 =	vadd.f32 v9, v6;
	v9 =	vld [tilespmem:s18+$0x350];
	(erf) = vpow2.f32 v14;
	v12 =	vpop (erf)  }
0x55b: {  	s16 =	simm.s32 $0xC00;
	s17 =	simm.s32 $0x4000;
	v18 =	vmul.f32 $1.442695020e+00, v53;
	v62 =	vadd.f32 v10, v6;
	v10 =	vld [tilespmem:s18+$0x360];
	v63 =	vadd.f32 v12, v6;
	v12 =	vpop (erf)  }
.LBB2_85:
0x55c: {  	p1 =	sne.s32 s17, $0x1F000;
	v14 =	vld [tilespmem:s16+$0x370];
	v7 =	vmul.f32 $1.442695020e+00, v7;
	(erf) = vpow2.f32 v15;
	v15 =	vpop (erf);
	v6 =	vadd.f32 v12, v6  }
0x55d: {  	v12 =	vld [tilespmem:s16+$0x300];
	v0 =	vmul.f32 $1.442695020e+00, v0;
	(erf) = vpow2.f32 v18;
	v57 =	vadd.f32 v15, v57;
	v15 =	vpop (erf)  }
0x55e: {  	v18 =	vld [tilespmem:s16+$0x310];
	v8 =	vmul.f32 $1.442695020e+00, v8;
	(erf) = vpow2.f32 v7;
	v58 =	vadd.f32 v15, v58;
	v15 =	vpop (erf)  }
.Ltmp43:
0x55f: {  	v7 =	vld [tilespmem:s16+$0x320];
	v9 =	vmul.f32 $1.442695020e+00, v9;
	(erf) = vpow2.f32 v0;
	v59 =	vadd.f32 v15, v59;
	v15 =	vpop (erf);
	(pc) =	sbr.rel @p1 .LBB2_85-.Ltmp43, $4  }
0x560: {  	v0 =	vld [tilespmem:s16+$0x330];
	v10 =	vmul.f32 $1.442695020e+00, v10;
	(erf) = vpow2.f32 v8;
	v60 =	vadd.f32 v15, v60;
	v15 =	vpop (erf)  }
0x561: {  	v8 =	vld [tilespmem:s16+$0x340];
	v14 =	vmul.f32 $1.442695020e+00, v14;
	(erf) = vpow2.f32 v9;
	v61 =	vadd.f32 v15, v61;
	v11 =	vpop (erf)  }
0x562: {  	v15 =	vmul.f32 $1.442695020e+00, v12;
	v9 =	vld [tilespmem:s16+$0x350];
	(erf) = vpow2.f32 v10;
	v62 =	vadd.f32 v11, v62;
	v11 =	vpop (erf)  }
0x563: {  	v18 =	vmul.f32 $1.442695020e+00, v18;
	v10 =	vld [tilespmem:s16+$0x360];
	s16 =	sshra.s32 s17, $0x2;
	s17 =	sadd.s32 $0x1000, s17;
	(erf) = vpow2.f32 v14;
	v63 =	vadd.f32 v11, v63;
	v12 =	vpop (erf)  }
0x564: {  	v11 =	vld [tilespmem:s16+$0x370];
	v7 =	vmul.f32 $1.442695020e+00, v7  }
0x565: {  	(erf) = vpow2.f32 v15;
	v15 =	vld [tilespmem:s16+$0x300];
	v0 =	vmul.f32 $1.442695020e+00, v0  }
0x566: {  	v14 =	vpop (erf);
	v13 =	vld [tilespmem:s16+$0x310];
	v8 =	vmul.f32 $1.442695020e+00, v8  }
0x567: {  	(erf) = vpow2.f32 v18;
	v18 =	vpop (erf);
	v9 =	vmul.f32 $1.442695020e+00, v9  }
0x568: {  	(erf) = vpow2.f32 v7;
	v7 =	vpop (erf);
	v10 =	vmul.f32 $1.442695020e+00, v10  }
0x569: {  	(erf) = vpow2.f32 v0;
	v0 =	vpop (erf);
	v11 =	vmul.f32 $1.442695020e+00, v11  }
0x56a: {  	v44 =	vld [tilespmem:s16+$0x320];
	(erf) = vpow2.f32 v8;
	v15 =	vmul.f32 $1.442695020e+00, v15;
	v8 =	vpop (erf)  }
0x56b: {  	v6 =	vadd.f32 v12, v6;
	v12 =	vld [tilespmem:s16+$0x340];
	v13 =	vmul.f32 $1.442695020e+00, v13;
	(erf) = vpow2.f32 v9;
	v9 =	vpop (erf)  }
0x56c: {  	v45 =	vld [tilespmem:s16+$0x330];
	(erf) = vpow2.f32 v10;
	v10 =	vpop (erf)  }
0x56d: {  	(erf) = vpow2.f32 v11;
	v11 =	vpop (erf)  }
0x56e: {  	(erf) = vpow2.f32 v15;
	v15 =	vpop (erf)  }
0x56f: {  	v14 =	vadd.f32 v14, v57;
	(erf) = vpow2.f32 v13;
	v13 =	vpop (erf)  }
0x570: {  	v44 =	vmul.f32 $1.442695020e+00, v44;
	v12 =	vmul.f32 $1.442695020e+00, v12;
	v51 =	vpop (erf)  }
0x571: {  	v45 =	vmul.f32 $1.442695020e+00, v45;
	v53 =	vpop (erf)  }
0x572: {  	v0 =	vadd.f32 v0, v60;
	(erf) = vpow2.f32 v44;
	v60 =	vpop (erf)  }
0x573: {  	v57 =	vld [tilespmem:s16+$0x350];
	v6 =	vadd.f32 v11, v6;
	v11 =	vadd.f32 v15, v14;
	(erf) = vpow2.f32 v45;
	v14 =	vpop (erf)  }
0x574: {  	v18 =	vadd.f32 v18, v58;
	v9 =	vadd.f32 v9, v62;
	(erf) = vpow2.f32 v12;
	v12 =	vpop (erf)  }
0x575: {  	v10 =	vadd.f32 v10, v63;
	v62 =	vpop (erf)  }
0x576: {  	v50 =	vld [tilespmem:s16+$0x360];
	s31 =	simm.s32 $0x0;
	v13 =	vadd.f32 v13, v18;
	v9 =	vadd.f32 v14, v9;
	v14 =	vpop (erf)  }
0x577: {  	v18 =	vld [tilespmem:s31+$0x3F0];
	v10 =	vadd.f32 v12, v10;
	v12 =	vpop (erf)  }
0x578: {  	v63 =	vadd.f32 v52, v49;
	v15 =	vmul.f32 $1.442695020e+00, v57;
	v49 =	vadd.f32 v12, v13;
	v13 =	vld [tilespmem:$0x1FC30]  }
0x579: {  	v58 =	vld [tilespmem:s31+$0x380];
	v7 =	vadd.f32 v7, v59  }
0x57a: {  	v8 =	vadd.f32 v8, v61;
	(erf) = vpow2.f32 v15;
	v15 =	vld [tilespmem:s31+$0x390]  }
0x57b: {  	v7 =	vadd.f32 v51, v7;
	v0 =	vadd.f32 v53, v0  }
0x57c: {  	v59 =	vld [tilespmem:s31+$0x3A0];
	v61 =	vmul.f32 $1.442695020e+00, v50;
	v57 =	vadd.f32 v62, v6;
	v6 =	vadd.f32 v14, v11;
	v11 =	vpop (erf)  }
0x57d: {  	v8 =	vadd.f32 v60, v8;
	v18 =	vmul.f32 $1.442695020e+00, v18;
	v12 =	vpop (erf);
	v13 =	vadd.f32 v13, v63  }
0x57e: {  	v16 =	vld [tilespmem:$0x1FC40];
	(erf) = vpow2.f32 v61;
	v45 =	vadd.f32 v12, v0;
	v0 =	vmul.f32 $1.442695020e+00, v58  }
0x57f: {  	v50 =	vld [tilespmem:s31+$0x3C0];
	(erf) = vpow2.f32 v18;
	v12 =	vadd.f32 v47, v13;
	v13 =	vmul.f32 $1.442695020e+00, v15  }
0x580: {  	v14 =	vld [tilespmem:s31+$0x3B0];
	v52 =	vadd.f32 v11, v7;
	v11 =	vpop (erf);
	(erf) = vpow2.f32 v0  }
0x581: {  	s17 =	simm.s32 $0x400;
	v47 =	vadd.f32 v11, v8;
	v11 =	vmul.f32 $1.442695020e+00, v59;
	(erf) = vpow2.f32 v13;
	v13 =	vld [tilespmem:$0x1FC50]  }
0x582: {  	v18 =	vld [tilespmem:s17+$0x380]  }
0x583: {  	v7 =	vld [tilespmem:s31+$0x3D0]  }
0x584: {  	v0 =	vpop (erf);
	v15 =	vld [tilespmem:s31+$0x3E0];
	v12 =	vadd.f32 v16, v12  }
0x585: {  	v14 =	vmul.f32 $1.442695020e+00, v14;
	v8 =	vld [tilespmem:s17+$0x3F0];
	v44 =	vadd.f32 v0, v9;
	(erf) = vpow2.f32 v11;
	v11 =	vpop (erf)  }
0x586: {  	v9 =	vmul.f32 $1.442695020e+00, v50;
	v12 =	vadd.f32 v13, v12;
	v13 =	vadd.f32 v11, v10;
	v11 =	vld [tilespmem:$0x1FC60]  }
0x587: {  	v0 =	vld [tilespmem:s17+$0x390]  }
0x588: {  	v53 =	vld [tilespmem:s17+$0x3A0];
	v7 =	vmul.f32 $1.442695020e+00, v7;
	(erf) = vpow2.f32 v14  }
0x589: {  	v14 =	vmul.f32 $1.442695020e+00, v15;
	(erf) = vpow2.f32 v9;
	v10 =	vld [tilespmem:s17+$0x3B0]  }
0x58a: {  	v9 =	vpop (erf);
	v8 =	vmul.f32 $1.442695020e+00, v8;
	(erf) = vpow2.f32 v7;
	v7 =	vld [tilespmem:$0x1FC20]  }
0x58b: {  	v15 =	vld [tilespmem:s17+$0x3C0];
	v12 =	vadd.f32 v11, v12;
	v11 =	vadd.f32 v9, v57;
	v9 =	vmul.f32 $1.442695020e+00, v18  }
0x58c: {  	v0 =	vmul.f32 $1.442695020e+00, v0;
	(erf) = vpow2.f32 v14;
	v18 =	vld [tilespmem:s17+$0x3D0]  }
0x58d: {  	s18 =	simm.s32 $0x800;
	v14 =	vld [tilespmem:s17+$0x3E0];
	(erf) = vpow2.f32 v8;
	v8 =	vmul.f32 $1.442695020e+00, v53  }
0x58e: {  	v50 =	vld [tilespmem:s18+$0x3F0];
	v10 =	vmul.f32 $1.442695020e+00, v10;
	(erf) = vpow2.f32 v9  }
0x58f: {  	v12 =	vadd.f32 v7, v12;
	v7 =	vimm.f32 $0.0e+00;
	(erf) = vpow2.f32 v0;
	v9 =	vpop (erf)  }
0x590: {  	(erf) = vpow2.f32 v8;
	v57 =	vadd.f32 v9, v7;
	v0 =	vpop (erf)  }
0x591: {  	v51 =	vld [tilespmem:s18+$0x380];
	v9 =	vmul.f32 $1.442695020e+00, v15;
	v58 =	vadd.f32 v0, v12;
	v12 =	vmul.f32 $1.442695020e+00, v18  }
0x592: {  	v53 =	vld [tilespmem:s18+$0x390];
	v14 =	vmul.f32 $1.442695020e+00, v14;
	(erf) = vpow2.f32 v10;
	v8 =	vpop (erf)  }
0x593: {  	v15 =	vmul.f32 $1.442695020e+00, v50;
	v0 =	vld [tilespmem:s18+$0x3A0];
	v10 =	vpop (erf);
	(erf) = vpow2.f32 v9  }
0x594: {  	v59 =	vadd.f32 v8, v7;
	v8 =	vld [tilespmem:s18+$0x3B0];
	v60 =	vadd.f32 v10, v7;
	v10 =	vpop (erf);
	(erf) = vpow2.f32 v12  }
0x595: {  	v9 =	vld [tilespmem:s18+$0x3C0];
	(erf) = vpow2.f32 v14;
	v12 =	vpop (erf)  }
0x596: {  	v18 =	vmul.f32 $1.442695020e+00, v51;
	v61 =	vadd.f32 v10, v7;
	v10 =	vld [tilespmem:s18+$0x3D0];
	(erf) = vpow2.f32 v15;
	v19 =	vpop (erf)  }
0x597: {  	s16 =	simm.s32 $0xC00;
	s17 =	simm.s32 $0x4000;
	v14 =	vmul.f32 $1.442695020e+00, v53;
	v62 =	vadd.f32 v12, v7;
	v12 =	vld [tilespmem:s18+$0x3E0];
	v63 =	vadd.f32 v19, v7;
	v15 =	vpop (erf)  }
.LBB2_87:
0x598: {  	p1 =	sne.s32 s17, $0x1F000;
	v19 =	vld [tilespmem:s16+$0x3F0];
	v0 =	vmul.f32 $1.442695020e+00, v0;
	(erf) = vpow2.f32 v18;
	v18 =	vpop (erf);
	v7 =	vadd.f32 v15, v7  }
0x599: {  	v15 =	vld [tilespmem:s16+$0x380];
	v8 =	vmul.f32 $1.442695020e+00, v8;
	(erf) = vpow2.f32 v14;
	v57 =	vadd.f32 v18, v57;
	v14 =	vpop (erf)  }
0x59a: {  	v50 =	vld [tilespmem:s16+$0x390];
	v9 =	vmul.f32 $1.442695020e+00, v9;
	(erf) = vpow2.f32 v0;
	v58 =	vadd.f32 v14, v58;
	v14 =	vpop (erf)  }
.Ltmp44:
0x59b: {  	v0 =	vld [tilespmem:s16+$0x3A0];
	v10 =	vmul.f32 $1.442695020e+00, v10;
	(erf) = vpow2.f32 v8;
	v59 =	vadd.f32 v14, v59;
	v14 =	vpop (erf);
	(pc) =	sbr.rel @p1 .LBB2_87-.Ltmp44, $4  }
0x59c: {  	v8 =	vld [tilespmem:s16+$0x3B0];
	v12 =	vmul.f32 $1.442695020e+00, v12;
	(erf) = vpow2.f32 v9;
	v60 =	vadd.f32 v14, v60;
	v14 =	vpop (erf)  }
0x59d: {  	v9 =	vld [tilespmem:s16+$0x3C0];
	v19 =	vmul.f32 $1.442695020e+00, v19;
	(erf) = vpow2.f32 v10;
	v61 =	vadd.f32 v14, v61;
	v14 =	vpop (erf)  }
0x59e: {  	v18 =	vmul.f32 $1.442695020e+00, v15;
	v10 =	vld [tilespmem:s16+$0x3D0];
	(erf) = vpow2.f32 v12;
	v62 =	vadd.f32 v14, v62;
	v15 =	vpop (erf)  }
0x59f: {  	v14 =	vmul.f32 $1.442695020e+00, v50;
	v12 =	vld [tilespmem:s16+$0x3E0];
	s16 =	sshra.s32 s17, $0x2;
	s17 =	sadd.s32 $0x1000, s17;
	(erf) = vpow2.f32 v19;
	v63 =	vadd.f32 v15, v63;
	v15 =	vpop (erf)  }
0x5a0: {  	(erf) = vpow2.f32 v18;
	v0 =	vmul.f32 $1.442695020e+00, v0;
	v18 =	vld [tilespmem:s16+$0x3F0];
	v7 =	vadd.f32 v15, v7  }
0x5a1: {  	v19 =	vpop (erf);
	v4 =	vadd.f32 v42, v4;
	(erf) = vpow2.f32 v14;
	v8 =	vmul.f32 $1.442695020e+00, v8;
	v14 =	vld [tilespmem:s16+$0x380]  }
0x5a2: {  	v55 =	vadd.f32 v55, v54;
	v50 =	vpop (erf);
	(erf) = vpow2.f32 v0;
	v21 =	vmul.f32 $1.442695020e+00, v9  }
0x5a3: {  	v9 =	vld [tilespmem:s16+$0x390];
	v17 =	vpop (erf);
	v4 =	vadd.f32 v31, v4;
	(erf) = vpow2.f32 v8;
	v22 =	vmul.f32 $1.442695020e+00, v10  }
0x5a4: {  	v10 =	vld [tilespmem:s16+$0x3A0];
	v53 =	vpop (erf);
	v17 =	vadd.f32 v17, v59;
	(erf) = vpow2.f32 v21;
	v0 =	vmul.f32 $1.442695020e+00, v12  }
0x5a5: {  	v12 =	vld [tilespmem:s16+$0x3B0];
	v51 =	vpop (erf);
	v4 =	vadd.f32 v40, v4;
	(erf) = vpow2.f32 v22;
	v8 =	vmul.f32 $1.442695020e+00, v18  }
0x5a6: {  	v59 =	vadd.f32 v53, v60;
	v18 =	vld [tilespmem:s16+$0x3C0];
	v21 =	vpop (erf);
	(erf) = vpow2.f32 v0;
	v0 =	vmul.f32 $1.442695020e+00, v14  }
0x5a7: {  	v51 =	vadd.f32 v51, v61;
	v4 =	vadd.f32 v32, v4;
	v22 =	vpop (erf);
	(erf) = vpow2.f32 v8  }
0x5a8: {  	v14 =	vld [tilespmem:s16+$0x3D0];
	v8 =	vmul.f32 $1.442695020e+00, v9;
	v21 =	vadd.f32 v21, v62;
	v16 =	vpop (erf);
	(erf) = vpow2.f32 v0  }
0x5a9: {  	v0 =	vmul.f32 $1.442695020e+00, v10;
	v22 =	vadd.f32 v22, v63;
	v4 =	vadd.f32 v33, v4  }
0x5aa: {  	v9 =	vld [tilespmem:s16+$0x3E0];
	v10 =	vpop (erf);
	(erf) = vpow2.f32 v8;
	v8 =	vmul.f32 $1.442695020e+00, v12;
	v7 =	vadd.f32 v16, v7  }
0x5ab: {  	v12 =	vpop (erf);
	(erf) = vpow2.f32 v0;
	v0 =	vmul.f32 $1.442695020e+00, v18;
	v18 =	vadd.f32 v19, v57  }
0x5ac: {  	v19 =	vadd.f32 v50, v58;
	v4 =	vadd.f32 v30, v4;
	v15 =	vpop (erf)  }
0x5ad: {  	(erf) = vpow2.f32 v8;
	v8 =	vmul.f32 $1.442695020e+00, v14;
	v14 =	vpop (erf);
	v10 =	vadd.f32 v10, v18  }
0x5ae: {  	v12 =	vadd.f32 v12, v19;
	v18 =	vadd.f32 v23, v55;
	v58 =	vpop (erf)  }
0x5af: {  	v50 =	vld [tilespmem:$0x1FB30];
	v57 =	vmul.f32 $1.442695020e+00, v9;
	v15 =	vadd.f32 v15, v17;
	v3 =	vadd.f32 v3, v4;
	v60 =	vpop (erf)  }
0x5b0: {  	(erf) = vpow2.f32 v0;
	v9 =	vadd.f32 v58, v51;
	v51 =	vld [tilespmem:$0x1FB40];
	v18 =	vadd.f32 v38, v18;
	v62 =	vpop (erf)  }
0x5b1: {  	(erf) = vpow2.f32 v8;
	v14 =	vadd.f32 v14, v59;
	v8 =	vadd.f32 v60, v21;
	v63 =	vpop (erf)  }
0x5b2: {  	v21 =	vld [tilespmem:$0x1FBC0];
	v0 =	vadd.f32 v62, v22;
	v18 =	vadd.f32 v24, v18;
	v53 =	vpop (erf)  }
0x5b3: {  	(erf) = vpow2.f32 v57;
	v7 =	vadd.f32 v63, v7;
	v63 =	vld [tilespmem:$0x1FBB0];
	v57 =	vpop (erf);
	v10 =	vadd.f32 v53, v10  }
0x5b4: {  	v18 =	vadd.f32 v25, v18;
	v12 =	vadd.f32 v57, v12  }
0x5b5: {  	v58 =	vpop (erf);
	v17 =	vadd.f32 v51, v50;
	v51 =	vadd.f32 v48, v43  }
0x5b6: {  	v53 =	vld [tilespmem:$0x1FBD0];
	v59 =	vpop (erf);
	v15 =	vadd.f32 v58, v15;
	v58 =	vadd.f32 v56, v46  }
0x5b7: {  	v57 =	vld [tilespmem:$0x1FB50];
	v18 =	vadd.f32 v20, v18;
	v60 =	vpop (erf);
	v14 =	vadd.f32 v59, v14  }
0x5b8: {  	v9 =	vadd.f32 v60, v9;
	v16 =	vadd.f32 v21, v63  }
0x5b9: {  	v61 =	vpop (erf);
	v19 =	vadd.f32 v27, v58;
	v1 =	vadd.f32 v1, v18  }
0x5ba: {  	v59 =	vld [tilespmem:$0x1FBE0];
	v18 =	vadd.f32 v35, v51;
	v12 =	vadd.f32 v15, v12;
	v62 =	vpop (erf)  }
0x5bb: {  	v8 =	vadd.f32 v61, v8;
	v0 =	vadd.f32 v62, v0  }
0x5bc: {  	v60 =	vld [tilespmem:$0x1FB60];
	v16 =	vadd.f32 v53, v16;
	v17 =	vadd.f32 v57, v17  }
0x5bd: {  	v61 =	vld [tilespmem:$0x1FBF0];
	v19 =	vadd.f32 v39, v19;
	v53 =	vadd.f32 v52, v49  }
0x5be: {  	v22 =	vpop (erf);
	v18 =	vadd.f32 v41, v18;
	v12 =	vadd.f32 v14, v12  }
0x5bf: {  	v63 =	vld [tilespmem:$0x1FC00];
	v7 =	vadd.f32 v22, v7;
	v16 =	vadd.f32 v59, v16  }
0x5c0: {  	v62 =	vld [tilespmem:$0x1FB70];
	v19 =	vadd.f32 v28, v19;
	v54 =	vadd.f32 v45, v53  }
0x5c1: {  	v56 =	vadd.f32 v36, v18;
	v9 =	vadd.f32 v9, v12  }
0x5c2: {  	v38 =	vld [tilespmem:$0x1FC10];
	v17 =	vadd.f32 v60, v17;
	v16 =	vadd.f32 v61, v16  }
0x5c3: {  	v27 =	vld [tilespmem:$0x1FB80];
	v19 =	vadd.f32 v29, v19;
	v55 =	vadd.f32 v47, v54  }
0x5c4: {  	v58 =	vadd.f32 v37, v56;
	v8 =	vadd.f32 v8, v9  }
0x5c5: {  	v46 =	vld [tilespmem:$0x1FBA0];
	v17 =	vadd.f32 v62, v17;
	v16 =	vadd.f32 v63, v16  }
0x5c6: {  	v39 =	vld [tilespmem:$0x1FB90];
	v19 =	vadd.f32 v26, v19;
	v57 =	vadd.f32 v44, v55  }
0x5c7: {  	v60 =	vadd.f32 v34, v58;
	v0 =	vadd.f32 v0, v8  }
0x5c8: {  	v50 =	vld [tilespmem:$0x1FB20];
	v17 =	vadd.f32 v27, v17;
	v16 =	vadd.f32 v38, v16  }
0x5c9: {  	[tilespmem:$0x10200] =	vst v3;
	v2 =	vadd.f32 v2, v19;
	v59 =	vadd.f32 v13, v57  }
0x5ca: {  	[tilespmem:$0x10100] =	vst v1;
	v62 =	vadd.f32 v5, v60;
	v0 =	vadd.f32 v7, v0  }
0x5cb: {  	v17 =	vadd.f32 v39, v17;
	v16 =	vadd.f32 v46, v16;
	[tilespmem:$0x10180] =	vst v2  }
0x5cc: {  	v61 =	vadd.f32 v11, v59;
	v0 =	vadd.f32 v10, v0;
	[tilespmem:$0x10280] =	vst v62  }
0x5cd: {  	v17 =	vadd.f32 v50, v17;
	[tilespmem:$0x10000] =	vst v16  }
0x5ce: {  	v63 =	vadd.f32 v6, v61;
	[tilespmem:$0x10380] =	vst v0  }
0x5cf: {  	s15 =	sadd.s32 $0x1, s15;
	[tilespmem:$0x10080] =	vst v17  }
0x5d0: {  	p1 =	sne.s32 s15, s9;
	[tilespmem:$0x10300] =	vst v63  }
0x5d1: {  	[hbm4b:s8+s1] =	stream.linear.scatter [tilespmem:s13], [sflag:$0x4], $0x400, $0x38;
	[tilespmem:$0x10C80] =	vst v63  }
.Ltmp45:
0x5d2: {  	_ = 	snop;
	(pc) =	sbr.rel @p1 .LBB2_1-.Ltmp45, $4  }
.Ltmp46:
0x5d3: {  	_ = 	snop;
	(pc) =	sbr.rel @!p1 .LBB2_89-.Ltmp46, $4  }
0x5d4: {  	_ =	swait.ge [sflag:s14], $0x400  }
0x5d5: {  	[sflag:s14] =	ssyncset.done $0x0  }
0x5d6: {  	[sflag:s14] =	ssyncadd.s32 $0xFFFFFC00  }
0x5d7: {  	_ = 	snop  }
.LBB2_11:
.Ltmp47:
0x5d8: {  	(pc) =	sbr.rel .LBB2_20-.Ltmp47, $4  }
0x5d9: {  	_ = 	snop  }
0x5da: {  	v23 =	vimm.f32 $0.0e+00;
	v6 =	vimm.f32 $0.0e+00  }
0x5db: {  	v17 =	vimm.f32 $0.0e+00;
	v19 =	vimm.f32 $0.0e+00;
	v20 =	vimm.f32 $0.0e+00  }
0x5dc: {  	v21 =	vimm.f32 $0.0e+00;
	v24 =	vimm.f32 $0.0e+00;
	v26 =	vimm.f32 $0.0e+00;
	p2 =	por $0x0, $0x0;
	p3 =	por $0x0, $0x0  }
.LBB2_28:
.Ltmp48:
0x5dd: {  	(pc) =	sbr.rel .LBB2_37-.Ltmp48, $4  }
0x5de: {  	_ = 	snop  }
0x5df: {  	v28 =	vmovc v15;
	v27 =	vmovc v12;
	v29 =	vmov v19;
	v37 =	vimm.f32 $0.0e+00;
	v6 =	vimm.f32 $0.0e+00  }
0x5e0: {  	v21 =	vmovc v9;
	v9 =	vmovc v44;
	v31 =	vimm.f32 $0.0e+00;
	v33 =	vimm.f32 $0.0e+00;
	v34 =	vimm.f32 $0.0e+00  }
0x5e1: {  	v26 =	vmovc v43;
	v18 =	vmovc v42;
	v35 =	vimm.f32 $0.0e+00;
	v38 =	vimm.f32 $0.0e+00;
	v40 =	vimm.f32 $0.0e+00;
	p2 =	por $0x0, $0x0;
	p3 =	por $0x0, $0x0  }
.LBB2_45:
.Ltmp49:
0x5e2: {  	(pc) =	sbr.rel .LBB2_54-.Ltmp49, $4  }
0x5e3: {  	v60 =	vimm.f32 $0.0e+00  }
0x5e4: {  	v47 =	vmovc v12;
	v31 =	vimm.f32 $0.0e+00;
	v35 =	vimm.f32 $0.0e+00;
	v56 =	vimm.f32 $0.0e+00  }
0x5e5: {  	v46 =	vmovc v11;
	v44 =	vmovc v10;
	v57 =	vimm.f32 $0.0e+00;
	v58 =	vimm.f32 $0.0e+00;
	v61 =	vimm.f32 $0.0e+00  }
0x5e6: {  	v63 =	vimm.f32 $0.0e+00;
	p2 =	por $0x0, $0x0;
	p3 =	por $0x0, $0x0;
	v2 =	vmovc v7;
	v3 =	vmovc v8;
	v42 =	vmov v13;
	v43 =	vmov v9  }
.LBB2_5:
.Ltmp50:
0x5e7: {  	(pc) =	sbr.rel .LBB2_10-.Ltmp50, $4  }
0x5e8: {  	_ = 	snop  }
0x5e9: {  	v3 =	vimm.f32 $0.0e+00;
	v4 =	vimm.f32 $0.0e+00  }
0x5ea: {  	v5 =	vimm.f32 $0.0e+00;
	v6 =	vimm.f32 $0.0e+00;
	v9 =	vimm.f32 $0.0e+00  }
0x5eb: {  	v13 =	vimm.f32 $0.0e+00;
	v15 =	vimm.f32 $0.0e+00;
	v10 =	vimm.f32 $0.0e+00;
	p4 =	por $0x0, $0x0  }
.LBB2_13:
.Ltmp51:
0x5ec: {  	(pc) =	sbr.rel .LBB2_20-.Ltmp51, $4  }
0x5ed: {  	_ = 	snop  }
0x5ee: {  	v23 =	vimm.f32 $0.0e+00;
	v6 =	vimm.f32 $0.0e+00  }
0x5ef: {  	v17 =	vimm.f32 $0.0e+00;
	v19 =	vimm.f32 $0.0e+00;
	v20 =	vimm.f32 $0.0e+00  }
0x5f0: {  	s16 =	simm.s32 $0x400;
	v21 =	vimm.f32 $0.0e+00;
	v24 =	vimm.f32 $0.0e+00;
	v26 =	vimm.f32 $0.0e+00;
	p3 =	por $0x0, $0x0  }
.LBB2_22:
.Ltmp52:
0x5f1: {  	(pc) =	sbr.rel .LBB2_27-.Ltmp52, $4  }
0x5f2: {  	_ = 	snop  }
0x5f3: {  	v3 =	vimm.f32 $0.0e+00;
	v4 =	vimm.f32 $0.0e+00  }
0x5f4: {  	v5 =	vimm.f32 $0.0e+00;
	v6 =	vimm.f32 $0.0e+00;
	v20 =	vimm.f32 $0.0e+00  }
0x5f5: {  	v28 =	vimm.f32 $0.0e+00;
	v30 =	vimm.f32 $0.0e+00;
	v25 =	vimm.f32 $0.0e+00;
	p4 =	por $0x0, $0x0  }
.LBB2_30:
.Ltmp53:
0x5f6: {  	(pc) =	sbr.rel .LBB2_37-.Ltmp53, $4  }
0x5f7: {  	_ = 	snop  }
0x5f8: {  	v28 =	vmovc v15;
	v27 =	vmovc v12;
	v29 =	vmov v19;
	v37 =	vimm.f32 $0.0e+00;
	v6 =	vimm.f32 $0.0e+00  }
0x5f9: {  	v21 =	vmovc v9;
	v9 =	vmovc v44;
	v31 =	vimm.f32 $0.0e+00;
	v33 =	vimm.f32 $0.0e+00;
	v34 =	vimm.f32 $0.0e+00  }
0x5fa: {  	v26 =	vmovc v43;
	v18 =	vmovc v42;
	s16 =	simm.s32 $0x400;
	v35 =	vimm.f32 $0.0e+00;
	v38 =	vimm.f32 $0.0e+00;
	v40 =	vimm.f32 $0.0e+00;
	p3 =	por $0x0, $0x0  }
.LBB2_39:
.Ltmp54:
0x5fb: {  	(pc) =	sbr.rel .LBB2_44-.Ltmp54, $4  }
0x5fc: {  	_ = 	snop  }
0x5fd: {  	v6 =	vimm.f32 $0.0e+00;
	v30 =	vimm.f32 $0.0e+00  }
0x5fe: {  	v31 =	vimm.f32 $0.0e+00;
	v32 =	vimm.f32 $0.0e+00;
	v34 =	vimm.f32 $0.0e+00  }
0x5ff: {  	v42 =	vimm.f32 $0.0e+00;
	v44 =	vimm.f32 $0.0e+00;
	v35 =	vimm.f32 $0.0e+00;
	p4 =	por $0x0, $0x0  }
.LBB2_47:
.Ltmp55:
0x600: {  	(pc) =	sbr.rel .LBB2_54-.Ltmp55, $4  }
0x601: {  	_ = 	snop  }
0x602: {  	v60 =	vimm.f32 $0.0e+00;
	v31 =	vimm.f32 $0.0e+00  }
0x603: {  	v47 =	vmovc v12;
	v35 =	vimm.f32 $0.0e+00;
	v56 =	vimm.f32 $0.0e+00;
	v57 =	vimm.f32 $0.0e+00  }
0x604: {  	v46 =	vmovc v11;
	v44 =	vmovc v10;
	s16 =	simm.s32 $0x400;
	v58 =	vimm.f32 $0.0e+00;
	v61 =	vimm.f32 $0.0e+00;
	v63 =	vimm.f32 $0.0e+00;
	p3 =	por $0x0, $0x0  }
.LBB2_7:
.Ltmp56:
0x605: {  	(pc) =	sbr.rel .LBB2_10-.Ltmp56, $4  }
0x606: {  	_ = 	snop  }
0x607: {  	v3 =	vimm.f32 $0.0e+00  }
0x608: {  	v4 =	vimm.f32 $0.0e+00;
	v5 =	vimm.f32 $0.0e+00;
	v6 =	vimm.f32 $0.0e+00  }
0x609: {  	v9 =	vimm.f32 $0.0e+00;
	v13 =	vimm.f32 $0.0e+00;
	v15 =	vimm.f32 $0.0e+00  }
.LBB2_15:
.Ltmp57:
0x60a: {  	(pc) =	sbr.rel .LBB2_20-.Ltmp57, $4  }
0x60b: {  	_ = 	snop  }
0x60c: {  	v23 =	vimm.f32 $0.0e+00;
	v6 =	vimm.f32 $0.0e+00  }
0x60d: {  	v17 =	vimm.f32 $0.0e+00;
	v19 =	vimm.f32 $0.0e+00;
	v20 =	vimm.f32 $0.0e+00  }
0x60e: {  	v21 =	vimm.f32 $0.0e+00;
	v24 =	vimm.f32 $0.0e+00;
	v26 =	vimm.f32 $0.0e+00  }
.LBB2_24:
.Ltmp58:
0x60f: {  	(pc) =	sbr.rel .LBB2_27-.Ltmp58, $4  }
0x610: {  	_ = 	snop  }
0x611: {  	v3 =	vimm.f32 $0.0e+00  }
0x612: {  	v4 =	vimm.f32 $0.0e+00;
	v5 =	vimm.f32 $0.0e+00;
	v6 =	vimm.f32 $0.0e+00  }
0x613: {  	v20 =	vimm.f32 $0.0e+00;
	v28 =	vimm.f32 $0.0e+00;
	v30 =	vimm.f32 $0.0e+00  }
.LBB2_32:
.Ltmp59:
0x614: {  	(pc) =	sbr.rel .LBB2_37-.Ltmp59, $4  }
0x615: {  	_ = 	snop  }
0x616: {  	v37 =	vimm.f32 $0.0e+00;
	v6 =	vimm.f32 $0.0e+00  }
0x617: {  	v9 =	vmovc v44;
	v31 =	vimm.f32 $0.0e+00;
	v33 =	vimm.f32 $0.0e+00;
	v34 =	vimm.f32 $0.0e+00  }
0x618: {  	v26 =	vmovc v43;
	v18 =	vmovc v42;
	v35 =	vimm.f32 $0.0e+00;
	v38 =	vimm.f32 $0.0e+00;
	v40 =	vimm.f32 $0.0e+00  }
.LBB2_41:
.Ltmp60:
0x619: {  	(pc) =	sbr.rel .LBB2_44-.Ltmp60, $4  }
0x61a: {  	_ = 	snop  }
0x61b: {  	v6 =	vimm.f32 $0.0e+00  }
0x61c: {  	v30 =	vimm.f32 $0.0e+00;
	v31 =	vimm.f32 $0.0e+00;
	v32 =	vimm.f32 $0.0e+00  }
0x61d: {  	v34 =	vimm.f32 $0.0e+00;
	v42 =	vimm.f32 $0.0e+00;
	v44 =	vimm.f32 $0.0e+00  }
.LBB2_49:
.Ltmp61:
0x61e: {  	(pc) =	sbr.rel .LBB2_54-.Ltmp61, $4  }
0x61f: {  	_ = 	snop  }
0x620: {  	v60 =	vimm.f32 $0.0e+00;
	v31 =	vimm.f32 $0.0e+00  }
0x621: {  	v47 =	vmovc v12;
	v35 =	vimm.f32 $0.0e+00;
	v56 =	vimm.f32 $0.0e+00;
	v57 =	vimm.f32 $0.0e+00  }
0x622: {  	v46 =	vmovc v11;
	v44 =	vmovc v10;
	v58 =	vimm.f32 $0.0e+00;
	v61 =	vimm.f32 $0.0e+00;
	v63 =	vimm.f32 $0.0e+00  }
.LBB2_17:
.Ltmp62:
0x623: {  	(pc) =	sbr.rel .LBB2_20-.Ltmp62, $2  }
0x624: {  	_ =	sdelay $0x2  }
0x625: {  	s16 =	simm.s32 $0xC00;
	v23 =	vimm.f32 $0.0e+00  }
.LBB2_34:
.Ltmp63:
0x626: {  	(pc) =	sbr.rel .LBB2_37-.Ltmp63, $2  }
0x627: {  	_ =	sdelay $0x2  }
0x628: {  	v9 =	vmovc v44;
	v26 =	vmov v43;
	v18 =	vmov v42;
	s16 =	simm.s32 $0xC00;
	v37 =	vimm.f32 $0.0e+00  }
.LBB2_51:
.Ltmp64:
0x629: {  	(pc) =	sbr.rel .LBB2_54-.Ltmp64, $2  }
0x62a: {  	_ =	sdelay $0x2  }
0x62b: {  	v47 =	vmovc v12;
	v46 =	vmov v11;
	v44 =	vmov v10;
	s16 =	simm.s32 $0xC00;
	v60 =	vimm.f32 $0.0e+00  }
.LBB2_89:
0x62c: {  	_ =	sfence.sel $0x180000  }
0x62d: {  	[bflag:$0x0] =	sbarrier.arrive $0xFFFF  }
0x62e: {  	_ =	strace $0x90000047  }
0x62f: {  	s0 =	sadd.s32 @!p0 $0x100000, s0;
	[bflag:$0x2] =	sbarrier.arrive $0xFFFF  }
0x630: {  	[sflag:s0] =	ssyncadd.tile.s32 @!p0 $0x1;
	_ =	shalt  }
.Lfunc_end2:
_tile_overlayer_lowered:
.L_overlay_start_2:
0x631: {  	(tag) =	ssettag $0x2  }
0x632: {  	s0 =	rddreg [dreg:$0x0];
	s2 =	stileid.u32  }
0x633: {  	s1 =	rddreg [dreg:$0x1];
	p0 =	sne.s32 s2, $0x0  }
0x634: {  	s3 =	rddreg [dreg:$0x2];
	[bflag:$0x3] =	sbarrier.arrive $0xFFFF;
	s2 =	simm.s32 @!p0 $0x1C04  }
0x635: {  	[timem:s3], [sflag:s2] =	dma.local @!p0 [hbm:s0], s1  }
0x636: {  	s0 =	simm.s32 @!p0 $0x4  }
0x637: {  	_ =	swait.ge @!p0 [sflag:s0], s1  }
0x638: {  	s1 =	ssub.s32 @!p0 $0x0, s1;
	[sflag:s0] =	ssyncset.done @!p0 $0x0  }
0x639: {  	[sflag:s0] =	ssyncadd.s32 @!p0 s1  }
0x63a: {  	[bflag:$0x3] =	sbarrier.arrive $0xFFFF  }
0x63b: {  	_ =	shalt  }

</sc_bundles>
